<compile_context>
chip_gen: v7x
topology: tpu7x:2x2x1
jax: 0.10.2.dev20260603
libtpu: 0.0.44.dev20260713+nightly
codegen_flags: <defaults>
</compile_context>

<pallas_src>
import jax
import jax.numpy as jnp
from jax import lax
from jax.experimental import pallas as pl
from jax.experimental.pallas import tpu as pltpu
from jax.experimental.pallas import tpu_sc as plsc

VOCAB = 100000
D = 64
BATCH = 4096
SEQ = 200
NC, NS = 2, 16
NW = NC * NS
BW = BATCH // NW
SCALE = 8.0


def _sc_body(idxT_hbm, pos_hbm, table_hbm, out_hbm,
             idx_v, buf_g, buf_o, pos_v,
             sem_i0, sem_i1, sem_i2, sem_i3,
             sem_g0, sem_g1, sem_g2, sem_g3, sem_o0, sem_o1):
    wid = lax.axis_index("s") * NC + lax.axis_index("c")
    b0 = wid * BW
    sem_i = (sem_i0, sem_i1, sem_i2, sem_i3)
    sem_g = (sem_g0, sem_g1, sem_g2, sem_g3)
    sem_o = (sem_o0, sem_o1)

    pltpu.sync_copy(pos_hbm, pos_v)

    lanes = lax.iota(jnp.int32, 16)
    bvecs = [lanes + 16 * q for q in range(BW // 16)]

    def idx_fetch(s, u):
        return pltpu.make_async_copy(
            idxT_hbm.at[s, pl.ds(b0, BW)], idx_v.at[u], sem_i[u])

    def gather(u):
        return pltpu.make_async_copy(
            table_hbm.at[idx_v.at[u]], buf_g.at[u], sem_g[u])

    def writebacks(s, u):
        return [
            pltpu.make_async_copy(
                buf_o.at[u, pl.ds(8 * ct, 8)],
                out_hbm.at[s, ct, wid],
                sem_o[u],
            )
            for ct in range(8)
        ]

    def compute(s, u, uo):
        s_vec = jnp.zeros((16,), jnp.int32) + s

        @plsc.parallel_loop(0, 4 * 16, unroll=2)
        def _j(j):
            cvec = ((lanes + j) & 15) + (j & 48)
            pvr = plsc.load_gather(pos_v, [s_vec, cvec])
            for q in range(BW // 16):
                x = plsc.load_gather(buf_g.at[u], [bvecs[q], cvec])
                plsc.store_scatter(
                    buf_o.at[uo], [cvec, bvecs[q]], x * SCALE + pvr)

    for u in range(4):
        idx_fetch(u, u).start()
    for u in range(4):
        idx_fetch(u, u).wait()
        gather(u).start()

    @pl.loop(0, SEQ, step=4)
    def _s(g):
        for u in range(4):
            s = g + u
            uo = u % 2
            gather(u).wait()

            @pl.when(s + 4 < SEQ)
            def _prefetch_idx():
                idx_fetch(s + 4, u).start()

            @pl.when(s >= 2)
            def _wait_prev_writeback():
                for wb in writebacks(s, uo):
                    wb.wait()

            compute(s, u, uo)
            for wb in writebacks(s, uo):
                wb.start()

            @pl.when(s + 4 < SEQ)
            def _next_gather():
                idx_fetch(s + 4, u).wait()
                gather(u).start()

    for u in range(2):
        for wb in writebacks(SEQ - 2 + u, u):
            wb.wait()


@jax.jit
def _embed(idxT, pos200, table):
    mesh = plsc.VectorSubcoreMesh(core_axis_name="c", subcore_axis_name="s")
    kfn = pl.kernel(
        _sc_body,
        out_type=jax.ShapeDtypeStruct((SEQ, 8, NW, 8, BW), jnp.float32),
        mesh=mesh,
        scratch_types=[
            pltpu.VMEM((4, BW), jnp.int32),
            pltpu.VMEM((4, BW, D), jnp.float32),
            pltpu.VMEM((2, D, BW), jnp.float32),
            pltpu.VMEM((SEQ, D), jnp.float32),
        ] + [pltpu.SemaphoreType.DMA] * 10,
        compiler_params=pltpu.CompilerParams(
            needs_layout_passes=False,
            use_tc_tiling_on_sc=False,
        ),
    )
    return kfn(idxT, pos200, table)


def kernel(inputs, table, pos_encoding):
    idxT = inputs.T
    pos200 = pos_encoding[:SEQ]
    out5 = _embed(idxT, pos200, table)
    return out5.transpose(2, 4, 0, 1, 3).reshape(BATCH, SEQ, D)

# --- scband reference (transcript-rebuilt; emitter-appended) ---
"""Pipeline reference for scband-token-and-position-embedding-9517647528041 (READ-ONLY COPY).

The authoritative reference and input builder live on the scoring server;
editing this copy changes nothing except your own understanding.
"""

import jax, jax.numpy as jnp
import numpy as np

VOCAB = 100000
EMBED_DIM = 64
BATCH = 4096
SEQ = 200

def positional_encoding(length, depth):
    half = depth // 2
    positions = np.arange(length)[:, np.newaxis].astype(np.float32)
    depths = (np.arange(half)[np.newaxis, :] / float(half)).astype(np.float32)
    angle_rates = 1.0 / (10000.0 ** depths)
    angle_rads = positions * angle_rates
    pe = np.concatenate([np.sin(angle_rads), np.cos(angle_rads)], axis=-1)
    return pe.astype(np.float32)

def setup_inputs(seed: int = 0) -> dict:
    key = jax.random.key(seed)
    k1, k2 = jax.random.split(key)
    inputs = jax.random.randint(k1, (BATCH, SEQ), 0, VOCAB, dtype=jnp.int32)
    table = jax.random.normal(k2, (VOCAB, EMBED_DIM), dtype=jnp.float32) * 0.02
    pos_enc = jnp.asarray(positional_encoding(VOCAB, EMBED_DIM))
    return {"inputs": inputs, "table": table, "pos_encoding": pos_enc}

def reference(inputs, table, pos_encoding):
    length = inputs.shape[1]
    x = jnp.take(table, inputs, axis=0)
    x = x * jnp.sqrt(jnp.asarray(EMBED_DIM, jnp.float32))
    x = x + pos_encoding[jnp.newaxis, :length, :]
    return x

if __name__ == "__main__":
    import jax
    _d = setup_inputs()
    print(jax.jit(kernel)(*tuple(_d.values())))

</pallas_src>

<mosaic_0001>
#map = affine_map<(d0, d1) -> (0, 0)>
#map1 = affine_map<(d0, d1) -> (0, 0, 0, 0, 0)>
module attributes {stable_mosaic.version = 14 : i64} {
  func.func @_sc_body(%arg0: i32, %arg1: i32, %arg2: memref<200x4096xi32, #tpu.memory_space<hbm>>, %arg3: memref<200x64xf32, #tpu.memory_space<hbm>>, %arg4: memref<100000x64xf32, #tpu.memory_space<hbm>>, %arg5: memref<200x8x32x8x128xf32, #tpu.memory_space<hbm>>, %arg6: memref<4x128xi32, #tpu.memory_space<vmem>>, %arg7: memref<4x128x64xf32, #tpu.memory_space<vmem>>, %arg8: memref<2x64x128xf32, #tpu.memory_space<vmem>>, %arg9: memref<200x64xf32, #tpu.memory_space<vmem>>, %arg10: memref<!tpu.dma_semaphore, #tpu.memory_space<semaphore_mem>>, %arg11: memref<!tpu.dma_semaphore, #tpu.memory_space<semaphore_mem>>, %arg12: memref<!tpu.dma_semaphore, #tpu.memory_space<semaphore_mem>>, %arg13: memref<!tpu.dma_semaphore, #tpu.memory_space<semaphore_mem>>, %arg14: memref<!tpu.dma_semaphore, #tpu.memory_space<semaphore_mem>>, %arg15: memref<!tpu.dma_semaphore, #tpu.memory_space<semaphore_mem>>, %arg16: memref<!tpu.dma_semaphore, #tpu.memory_space<semaphore_mem>>, %arg17: memref<!tpu.dma_semaphore, #tpu.memory_space<semaphore_mem>>, %arg18: memref<!tpu.dma_semaphore, #tpu.memory_space<semaphore_mem>>, %arg19: memref<!tpu.dma_semaphore, #tpu.memory_space<semaphore_mem>>) attributes {dimension_semantics = [#tpu.dimension_semantics<core_parallel>, #tpu.dimension_semantics<subcore_parallel>], iteration_bounds = array<i64: 2, 16>, scalar_prefetch = 0 : i64, scratch_operands = 14 : i64, tpu.core_type = #tpu.core_type<sc_vector_subcore>, window_params = [{transform_indices = #map}, {transform_indices = #map}, {transform_indices = #map}, {transform_indices = #map1}]} {
    %mul3A = arith.constant 2 : i32
    %mul3A_0 = arith.muli %arg1, %mul3A : i32
    %add3A = arith.addi %mul3A_0, %arg0 : i32
    %mul3A_1 = arith.constant 128 : i32
    %mul3A_2 = arith.muli %add3A, %mul3A_1 : i32
    "tpu.region"() ({
      %run_scoped3A = tpu.sem_alloc : memref<!tpu.dma_semaphore, #tpu.memory_space<semaphore_mem>>
      tpu.enqueue_dma source(%arg3 : memref<200x64xf32, #tpu.memory_space<hbm>>) target(%arg9 : memref<200x64xf32, #tpu.memory_space<vmem>>) target_semaphore(%run_scoped3A : memref<!tpu.dma_semaphore, #tpu.memory_space<semaphore_mem>>)
      tpu.wait_dma2 semaphore(%run_scoped3A : memref<!tpu.dma_semaphore, #tpu.memory_space<semaphore_mem>>) src(%arg3 : memref<200x64xf32, #tpu.memory_space<hbm>>) dst(%arg9 : memref<200x64xf32, #tpu.memory_space<vmem>>)
      tpu.yield
    }) : () -> ()
    %iota3A = tpu.iota {dimensions = array<i32: 0>} : vector<16xi32>
    %add3A_3 = arith.constant 0 : i32
    %add3A_4 = vector.broadcast %add3A_3 : i32 to vector<16xi32>
    %add3A_5 = arith.addi %iota3A, %add3A_4 : vector<16xi32>
    %add3A_6 = arith.constant 16 : i32
    %add3A_7 = vector.broadcast %add3A_6 : i32 to vector<16xi32>
    %add3A_8 = arith.addi %iota3A, %add3A_7 : vector<16xi32>
    %add3A_9 = arith.constant 32 : i32
    %add3A_10 = vector.broadcast %add3A_9 : i32 to vector<16xi32>
    %add3A_11 = arith.addi %iota3A, %add3A_10 : vector<16xi32>
    %add3A_12 = arith.constant 48 : i32
    %add3A_13 = vector.broadcast %add3A_12 : i32 to vector<16xi32>
    %add3A_14 = arith.addi %iota3A, %add3A_13 : vector<16xi32>
    %add3A_15 = arith.constant 64 : i32
    %add3A_16 = vector.broadcast %add3A_15 : i32 to vector<16xi32>
    %add3A_17 = arith.addi %iota3A, %add3A_16 : vector<16xi32>
    %add3A_18 = arith.constant 80 : i32
    %add3A_19 = vector.broadcast %add3A_18 : i32 to vector<16xi32>
    %add3A_20 = arith.addi %iota3A, %add3A_19 : vector<16xi32>
    %add3A_21 = arith.constant 96 : i32
    %add3A_22 = vector.broadcast %add3A_21 : i32 to vector<16xi32>
    %add3A_23 = arith.addi %iota3A, %add3A_22 : vector<16xi32>
    %add3A_24 = arith.constant 112 : i32
    %add3A_25 = vector.broadcast %add3A_24 : i32 to vector<16xi32>
    %add3A_26 = arith.addi %iota3A, %add3A_25 : vector<16xi32>
    %dma_start3A = arith.constant 0 : i32
    %dma_start3A_27 = arith.constant 0 : i32
    %dma_start3A_28 = arith.constant 0 : i32
    %dma_start3A_29 = tpu.memref_slice %arg6[%dma_start3A_27, %dma_start3A_28] : memref<4x128xi32, #tpu.memory_space<vmem>> -> memref<1x128xi32, #tpu.memory_space<vmem>>
    %dma_start3A_30 = tpu.memref_squeeze %dma_start3A_29 : memref<1x128xi32, #tpu.memory_space<vmem>> -> memref<128xi32, #tpu.memory_space<vmem>>
    %dma_start3A_31 = tpu.memref_slice %arg2[%dma_start3A, %mul3A_2] : memref<200x4096xi32, #tpu.memory_space<hbm>> -> memref<1x128xi32, #tpu.memory_space<hbm>>
    %dma_start3A_32 = tpu.memref_squeeze %dma_start3A_31 : memref<1x128xi32, #tpu.memory_space<hbm>> -> memref<128xi32, #tpu.memory_space<hbm>>
    %dma_start3A_33 = arith.constant 0 : i32
    %dma_start3A_34 = tpu.memref_slice %arg6[%dma_start3A_27, %dma_start3A_33] : memref<4x128xi32, #tpu.memory_space<vmem>> -> memref<1x128xi32, #tpu.memory_space<vmem>>
    %dma_start3A_35 = tpu.memref_squeeze %dma_start3A_34 : memref<1x128xi32, #tpu.memory_space<vmem>> -> memref<128xi32, #tpu.memory_space<vmem>>
    %dma_start3A_36 = tpu.memref_slice %arg2[%dma_start3A, %mul3A_2] : memref<200x4096xi32, #tpu.memory_space<hbm>> -> memref<1x128xi32, #tpu.memory_space<hbm>>
    %dma_start3A_37 = tpu.memref_squeeze %dma_start3A_36 : memref<1x128xi32, #tpu.memory_space<hbm>> -> memref<128xi32, #tpu.memory_space<hbm>>
    tpu.enqueue_dma source(%dma_start3A_37 : memref<128xi32, #tpu.memory_space<hbm>>) target(%dma_start3A_35 : memref<128xi32, #tpu.memory_space<vmem>>) target_semaphore(%arg10 : memref<!tpu.dma_semaphore, #tpu.memory_space<semaphore_mem>>)
    %dma_start3A_38 = arith.constant 1 : i32
    %dma_start3A_39 = arith.constant 1 : i32
    %dma_start3A_40 = arith.constant 0 : i32
    %dma_start3A_41 = tpu.memref_slice %arg6[%dma_start3A_39, %dma_start3A_40] : memref<4x128xi32, #tpu.memory_space<vmem>> -> memref<1x128xi32, #tpu.memory_space<vmem>>
    %dma_start3A_42 = tpu.memref_squeeze %dma_start3A_41 : memref<1x128xi32, #tpu.memory_space<vmem>> -> memref<128xi32, #tpu.memory_space<vmem>>
    %dma_start3A_43 = tpu.memref_slice %arg2[%dma_start3A_38, %mul3A_2] : memref<200x4096xi32, #tpu.memory_space<hbm>> -> memref<1x128xi32, #tpu.memory_space<hbm>>
    %dma_start3A_44 = tpu.memref_squeeze %dma_start3A_43 : memref<1x128xi32, #tpu.memory_space<hbm>> -> memref<128xi32, #tpu.memory_space<hbm>>
    %dma_start3A_45 = arith.constant 0 : i32
    %dma_start3A_46 = tpu.memref_slice %arg6[%dma_start3A_39, %dma_start3A_45] : memref<4x128xi32, #tpu.memory_space<vmem>> -> memref<1x128xi32, #tpu.memory_space<vmem>>
    %dma_start3A_47 = tpu.memref_squeeze %dma_start3A_46 : memref<1x128xi32, #tpu.memory_space<vmem>> -> memref<128xi32, #tpu.memory_space<vmem>>
    %dma_start3A_48 = tpu.memref_slice %arg2[%dma_start3A_38, %mul3A_2] : memref<200x4096xi32, #tpu.memory_space<hbm>> -> memref<1x128xi32, #tpu.memory_space<hbm>>
    %dma_start3A_49 = tpu.memref_squeeze %dma_start3A_48 : memref<1x128xi32, #tpu.memory_space<hbm>> -> memref<128xi32, #tpu.memory_space<hbm>>
    tpu.enqueue_dma source(%dma_start3A_49 : memref<128xi32, #tpu.memory_space<hbm>>) target(%dma_start3A_47 : memref<128xi32, #tpu.memory_space<vmem>>) target_semaphore(%arg11 : memref<!tpu.dma_semaphore, #tpu.memory_space<semaphore_mem>>)
    %dma_start3A_50 = arith.constant 2 : i32
    %dma_start3A_51 = arith.constant 2 : i32
    %dma_start3A_52 = arith.constant 0 : i32
    %dma_start3A_53 = tpu.memref_slice %arg6[%dma_start3A_51, %dma_start3A_52] : memref<4x128xi32, #tpu.memory_space<vmem>> -> memref<1x128xi32, #tpu.memory_space<vmem>>
    %dma_start3A_54 = tpu.memref_squeeze %dma_start3A_53 : memref<1x128xi32, #tpu.memory_space<vmem>> -> memref<128xi32, #tpu.memory_space<vmem>>
    %dma_start3A_55 = tpu.memref_slice %arg2[%dma_start3A_50, %mul3A_2] : memref<200x4096xi32, #tpu.memory_space<hbm>> -> memref<1x128xi32, #tpu.memory_space<hbm>>
    %dma_start3A_56 = tpu.memref_squeeze %dma_start3A_55 : memref<1x128xi32, #tpu.memory_space<hbm>> -> memref<128xi32, #tpu.memory_space<hbm>>
    %dma_start3A_57 = arith.constant 0 : i32
    %dma_start3A_58 = tpu.memref_slice %arg6[%dma_start3A_51, %dma_start3A_57] : memref<4x128xi32, #tpu.memory_space<vmem>> -> memref<1x128xi32, #tpu.memory_space<vmem>>
    %dma_start3A_59 = tpu.memref_squeeze %dma_start3A_58 : memref<1x128xi32, #tpu.memory_space<vmem>> -> memref<128xi32, #tpu.memory_space<vmem>>
    %dma_start3A_60 = tpu.memref_slice %arg2[%dma_start3A_50, %mul3A_2] : memref<200x4096xi32, #tpu.memory_space<hbm>> -> memref<1x128xi32, #tpu.memory_space<hbm>>
    %dma_start3A_61 = tpu.memref_squeeze %dma_start3A_60 : memref<1x128xi32, #tpu.memory_space<hbm>> -> memref<128xi32, #tpu.memory_space<hbm>>
    tpu.enqueue_dma source(%dma_start3A_61 : memref<128xi32, #tpu.memory_space<hbm>>) target(%dma_start3A_59 : memref<128xi32, #tpu.memory_space<vmem>>) target_semaphore(%arg12 : memref<!tpu.dma_semaphore, #tpu.memory_space<semaphore_mem>>)
    %dma_start3A_62 = arith.constant 3 : i32
    %dma_start3A_63 = arith.constant 3 : i32
    %dma_start3A_64 = arith.constant 0 : i32
    %dma_start3A_65 = tpu.memref_slice %arg6[%dma_start3A_63, %dma_start3A_64] : memref<4x128xi32, #tpu.memory_space<vmem>> -> memref<1x128xi32, #tpu.memory_space<vmem>>
    %dma_start3A_66 = tpu.memref_squeeze %dma_start3A_65 : memref<1x128xi32, #tpu.memory_space<vmem>> -> memref<128xi32, #tpu.memory_space<vmem>>
    %dma_start3A_67 = tpu.memref_slice %arg2[%dma_start3A_62, %mul3A_2] : memref<200x4096xi32, #tpu.memory_space<hbm>> -> memref<1x128xi32, #tpu.memory_space<hbm>>
    %dma_start3A_68 = tpu.memref_squeeze %dma_start3A_67 : memref<1x128xi32, #tpu.memory_space<hbm>> -> memref<128xi32, #tpu.memory_space<hbm>>
    %dma_start3A_69 = arith.constant 0 : i32
    %dma_start3A_70 = tpu.memref_slice %arg6[%dma_start3A_63, %dma_start3A_69] : memref<4x128xi32, #tpu.memory_space<vmem>> -> memref<1x128xi32, #tpu.memory_space<vmem>>
    %dma_start3A_71 = tpu.memref_squeeze %dma_start3A_70 : memref<1x128xi32, #tpu.memory_space<vmem>> -> memref<128xi32, #tpu.memory_space<vmem>>
    %dma_start3A_72 = tpu.memref_slice %arg2[%dma_start3A_62, %mul3A_2] : memref<200x4096xi32, #tpu.memory_space<hbm>> -> memref<1x128xi32, #tpu.memory_space<hbm>>
    %dma_start3A_73 = tpu.memref_squeeze %dma_start3A_72 : memref<1x128xi32, #tpu.memory_space<hbm>> -> memref<128xi32, #tpu.memory_space<hbm>>
    tpu.enqueue_dma source(%dma_start3A_73 : memref<128xi32, #tpu.memory_space<hbm>>) target(%dma_start3A_71 : memref<128xi32, #tpu.memory_space<vmem>>) target_semaphore(%arg13 : memref<!tpu.dma_semaphore, #tpu.memory_space<semaphore_mem>>)
    %dma_wait3A = arith.constant 0 : i32
    %dma_wait3A_74 = arith.constant 0 : i32
    %dma_wait3A_75 = arith.constant 0 : i32
    %dma_wait3A_76 = tpu.memref_slice %arg6[%dma_wait3A_74, %dma_wait3A_75] : memref<4x128xi32, #tpu.memory_space<vmem>> -> memref<1x128xi32, #tpu.memory_space<vmem>>
    %dma_wait3A_77 = tpu.memref_squeeze %dma_wait3A_76 : memref<1x128xi32, #tpu.memory_space<vmem>> -> memref<128xi32, #tpu.memory_space<vmem>>
    %dma_wait3A_78 = tpu.memref_slice %arg2[%dma_wait3A, %mul3A_2] : memref<200x4096xi32, #tpu.memory_space<hbm>> -> memref<1x128xi32, #tpu.memory_space<hbm>>
    %dma_wait3A_79 = tpu.memref_squeeze %dma_wait3A_78 : memref<1x128xi32, #tpu.memory_space<hbm>> -> memref<128xi32, #tpu.memory_space<hbm>>
    %dma_wait3A_80 = arith.constant 0 : i32
    %dma_wait3A_81 = tpu.memref_slice %arg6[%dma_wait3A_74, %dma_wait3A_80] : memref<4x128xi32, #tpu.memory_space<vmem>> -> memref<1x128xi32, #tpu.memory_space<vmem>>
    %dma_wait3A_82 = tpu.memref_squeeze %dma_wait3A_81 : memref<1x128xi32, #tpu.memory_space<vmem>> -> memref<128xi32, #tpu.memory_space<vmem>>
    %dma_wait3A_83 = tpu.memref_slice %arg2[%dma_wait3A, %mul3A_2] : memref<200x4096xi32, #tpu.memory_space<hbm>> -> memref<1x128xi32, #tpu.memory_space<hbm>>
    %dma_wait3A_84 = tpu.memref_squeeze %dma_wait3A_83 : memref<1x128xi32, #tpu.memory_space<hbm>> -> memref<128xi32, #tpu.memory_space<hbm>>
    tpu.wait_dma2 semaphore(%arg10 : memref<!tpu.dma_semaphore, #tpu.memory_space<semaphore_mem>>) src(%dma_wait3A_84 : memref<128xi32, #tpu.memory_space<hbm>>) dst(%dma_wait3A_82 : memref<128xi32, #tpu.memory_space<vmem>>)
    %dma_start3A_85 = arith.constant 0 : i32
    %dma_start3A_86 = arith.constant 0 : i32
    %dma_start3A_87 = arith.constant 0 : i32
    %dma_start3A_88 = arith.constant 0 : i32
    %dma_start3A_89 = tpu.memref_slice %arg7[%dma_start3A_86, %dma_start3A_87, %dma_start3A_88] : memref<4x128x64xf32, #tpu.memory_space<vmem>> -> memref<1x128x64xf32, #tpu.memory_space<vmem>>
    %dma_start3A_90 = tpu.memref_squeeze %dma_start3A_89 : memref<1x128x64xf32, #tpu.memory_space<vmem>> -> memref<128x64xf32, #tpu.memory_space<vmem>>
    %dma_start3A_91 = arith.constant 0 : i32
    %dma_start3A_92 = tpu.memref_slice %arg6[%dma_start3A_85, %dma_start3A_91] : memref<4x128xi32, #tpu.memory_space<vmem>> -> memref<1x128xi32, #tpu.memory_space<vmem>>
    %dma_start3A_93 = tpu.memref_squeeze %dma_start3A_92 : memref<1x128xi32, #tpu.memory_space<vmem>> -> memref<128xi32, #tpu.memory_space<vmem>>
    %dma_start3A_94 = arith.constant 0 : i32
    %dma_start3A_95 = arith.constant 0 : i32
    %dma_start3A_96 = tpu.memref_slice %arg4[%dma_start3A_94, %dma_start3A_95] : memref<100000x64xf32, #tpu.memory_space<hbm>> -> memref<100000x64xf32, #tpu.memory_space<hbm>>
    tpu.enqueue_indirect_dma source(%dma_start3A_96 : memref<100000x64xf32, #tpu.memory_space<hbm>>) target(%dma_start3A_90 : memref<128x64xf32, #tpu.memory_space<vmem>>) offsets(%dma_start3A_93 : memref<128xi32, #tpu.memory_space<vmem>>) semaphore(%arg14 : memref<!tpu.dma_semaphore, #tpu.memory_space<semaphore_mem>>)
    %dma_wait3A_97 = arith.constant 1 : i32
    %dma_wait3A_98 = arith.constant 1 : i32
    %dma_wait3A_99 = arith.constant 0 : i32
    %dma_wait3A_100 = tpu.memref_slice %arg6[%dma_wait3A_98, %dma_wait3A_99] : memref<4x128xi32, #tpu.memory_space<vmem>> -> memref<1x128xi32, #tpu.memory_space<vmem>>
    %dma_wait3A_101 = tpu.memref_squeeze %dma_wait3A_100 : memref<1x128xi32, #tpu.memory_space<vmem>> -> memref<128xi32, #tpu.memory_space<vmem>>
    %dma_wait3A_102 = tpu.memref_slice %arg2[%dma_wait3A_97, %mul3A_2] : memref<200x4096xi32, #tpu.memory_space<hbm>> -> memref<1x128xi32, #tpu.memory_space<hbm>>
    %dma_wait3A_103 = tpu.memref_squeeze %dma_wait3A_102 : memref<1x128xi32, #tpu.memory_space<hbm>> -> memref<128xi32, #tpu.memory_space<hbm>>
    %dma_wait3A_104 = arith.constant 0 : i32
    %dma_wait3A_105 = tpu.memref_slice %arg6[%dma_wait3A_98, %dma_wait3A_104] : memref<4x128xi32, #tpu.memory_space<vmem>> -> memref<1x128xi32, #tpu.memory_space<vmem>>
    %dma_wait3A_106 = tpu.memref_squeeze %dma_wait3A_105 : memref<1x128xi32, #tpu.memory_space<vmem>> -> memref<128xi32, #tpu.memory_space<vmem>>
    %dma_wait3A_107 = tpu.memref_slice %arg2[%dma_wait3A_97, %mul3A_2] : memref<200x4096xi32, #tpu.memory_space<hbm>> -> memref<1x128xi32, #tpu.memory_space<hbm>>
    %dma_wait3A_108 = tpu.memref_squeeze %dma_wait3A_107 : memref<1x128xi32, #tpu.memory_space<hbm>> -> memref<128xi32, #tpu.memory_space<hbm>>
    tpu.wait_dma2 semaphore(%arg11 : memref<!tpu.dma_semaphore, #tpu.memory_space<semaphore_mem>>) src(%dma_wait3A_108 : memref<128xi32, #tpu.memory_space<hbm>>) dst(%dma_wait3A_106 : memref<128xi32, #tpu.memory_space<vmem>>)
    %dma_start3A_109 = arith.constant 1 : i32
    %dma_start3A_110 = arith.constant 1 : i32
    %dma_start3A_111 = arith.constant 0 : i32
    %dma_start3A_112 = arith.constant 0 : i32
    %dma_start3A_113 = tpu.memref_slice %arg7[%dma_start3A_110, %dma_start3A_111, %dma_start3A_112] : memref<4x128x64xf32, #tpu.memory_space<vmem>> -> memref<1x128x64xf32, #tpu.memory_space<vmem>>
    %dma_start3A_114 = tpu.memref_squeeze %dma_start3A_113 : memref<1x128x64xf32, #tpu.memory_space<vmem>> -> memref<128x64xf32, #tpu.memory_space<vmem>>
    %dma_start3A_115 = arith.constant 0 : i32
    %dma_start3A_116 = tpu.memref_slice %arg6[%dma_start3A_109, %dma_start3A_115] : memref<4x128xi32, #tpu.memory_space<vmem>> -> memref<1x128xi32, #tpu.memory_space<vmem>>
    %dma_start3A_117 = tpu.memref_squeeze %dma_start3A_116 : memref<1x128xi32, #tpu.memory_space<vmem>> -> memref<128xi32, #tpu.memory_space<vmem>>
    %dma_start3A_118 = arith.constant 0 : i32
    %dma_start3A_119 = arith.constant 0 : i32
    %dma_start3A_120 = tpu.memref_slice %arg4[%dma_start3A_118, %dma_start3A_119] : memref<100000x64xf32, #tpu.memory_space<hbm>> -> memref<100000x64xf32, #tpu.memory_space<hbm>>
    tpu.enqueue_indirect_dma source(%dma_start3A_120 : memref<100000x64xf32, #tpu.memory_space<hbm>>) target(%dma_start3A_114 : memref<128x64xf32, #tpu.memory_space<vmem>>) offsets(%dma_start3A_117 : memref<128xi32, #tpu.memory_space<vmem>>) semaphore(%arg15 : memref<!tpu.dma_semaphore, #tpu.memory_space<semaphore_mem>>)
    %dma_wait3A_121 = arith.constant 2 : i32
    %dma_wait3A_122 = arith.constant 2 : i32
    %dma_wait3A_123 = arith.constant 0 : i32
    %dma_wait3A_124 = tpu.memref_slice %arg6[%dma_wait3A_122, %dma_wait3A_123] : memref<4x128xi32, #tpu.memory_space<vmem>> -> memref<1x128xi32, #tpu.memory_space<vmem>>
    %dma_wait3A_125 = tpu.memref_squeeze %dma_wait3A_124 : memref<1x128xi32, #tpu.memory_space<vmem>> -> memref<128xi32, #tpu.memory_space<vmem>>
    %dma_wait3A_126 = tpu.memref_slice %arg2[%dma_wait3A_121, %mul3A_2] : memref<200x4096xi32, #tpu.memory_space<hbm>> -> memref<1x128xi32, #tpu.memory_space<hbm>>
    %dma_wait3A_127 = tpu.memref_squeeze %dma_wait3A_126 : memref<1x128xi32, #tpu.memory_space<hbm>> -> memref<128xi32, #tpu.memory_space<hbm>>
    %dma_wait3A_128 = arith.constant 0 : i32
    %dma_wait3A_129 = tpu.memref_slice %arg6[%dma_wait3A_122, %dma_wait3A_128] : memref<4x128xi32, #tpu.memory_space<vmem>> -> memref<1x128xi32, #tpu.memory_space<vmem>>
    %dma_wait3A_130 = tpu.memref_squeeze %dma_wait3A_129 : memref<1x128xi32, #tpu.memory_space<vmem>> -> memref<128xi32, #tpu.memory_space<vmem>>
    %dma_wait3A_131 = tpu.memref_slice %arg2[%dma_wait3A_121, %mul3A_2] : memref<200x4096xi32, #tpu.memory_space<hbm>> -> memref<1x128xi32, #tpu.memory_space<hbm>>
    %dma_wait3A_132 = tpu.memref_squeeze %dma_wait3A_131 : memref<1x128xi32, #tpu.memory_space<hbm>> -> memref<128xi32, #tpu.memory_space<hbm>>
    tpu.wait_dma2 semaphore(%arg12 : memref<!tpu.dma_semaphore, #tpu.memory_space<semaphore_mem>>) src(%dma_wait3A_132 : memref<128xi32, #tpu.memory_space<hbm>>) dst(%dma_wait3A_130 : memref<128xi32, #tpu.memory_space<vmem>>)
    %dma_start3A_133 = arith.constant 2 : i32
    %dma_start3A_134 = arith.constant 2 : i32
    %dma_start3A_135 = arith.constant 0 : i32
    %dma_start3A_136 = arith.constant 0 : i32
    %dma_start3A_137 = tpu.memref_slice %arg7[%dma_start3A_134, %dma_start3A_135, %dma_start3A_136] : memref<4x128x64xf32, #tpu.memory_space<vmem>> -> memref<1x128x64xf32, #tpu.memory_space<vmem>>
    %dma_start3A_138 = tpu.memref_squeeze %dma_start3A_137 : memref<1x128x64xf32, #tpu.memory_space<vmem>> -> memref<128x64xf32, #tpu.memory_space<vmem>>
    %dma_start3A_139 = arith.constant 0 : i32
    %dma_start3A_140 = tpu.memref_slice %arg6[%dma_start3A_133, %dma_start3A_139] : memref<4x128xi32, #tpu.memory_space<vmem>> -> memref<1x128xi32, #tpu.memory_space<vmem>>
    %dma_start3A_141 = tpu.memref_squeeze %dma_start3A_140 : memref<1x128xi32, #tpu.memory_space<vmem>> -> memref<128xi32, #tpu.memory_space<vmem>>
    %dma_start3A_142 = arith.constant 0 : i32
    %dma_start3A_143 = arith.constant 0 : i32
    %dma_start3A_144 = tpu.memref_slice %arg4[%dma_start3A_142, %dma_start3A_143] : memref<100000x64xf32, #tpu.memory_space<hbm>> -> memref<100000x64xf32, #tpu.memory_space<hbm>>
    tpu.enqueue_indirect_dma source(%dma_start3A_144 : memref<100000x64xf32, #tpu.memory_space<hbm>>) target(%dma_start3A_138 : memref<128x64xf32, #tpu.memory_space<vmem>>) offsets(%dma_start3A_141 : memref<128xi32, #tpu.memory_space<vmem>>) semaphore(%arg16 : memref<!tpu.dma_semaphore, #tpu.memory_space<semaphore_mem>>)
    %dma_wait3A_145 = arith.constant 3 : i32
    %dma_wait3A_146 = arith.constant 3 : i32
    %dma_wait3A_147 = arith.constant 0 : i32
    %dma_wait3A_148 = tpu.memref_slice %arg6[%dma_wait3A_146, %dma_wait3A_147] : memref<4x128xi32, #tpu.memory_space<vmem>> -> memref<1x128xi32, #tpu.memory_space<vmem>>
    %dma_wait3A_149 = tpu.memref_squeeze %dma_wait3A_148 : memref<1x128xi32, #tpu.memory_space<vmem>> -> memref<128xi32, #tpu.memory_space<vmem>>
    %dma_wait3A_150 = tpu.memref_slice %arg2[%dma_wait3A_145, %mul3A_2] : memref<200x4096xi32, #tpu.memory_space<hbm>> -> memref<1x128xi32, #tpu.memory_space<hbm>>
    %dma_wait3A_151 = tpu.memref_squeeze %dma_wait3A_150 : memref<1x128xi32, #tpu.memory_space<hbm>> -> memref<128xi32, #tpu.memory_space<hbm>>
    %dma_wait3A_152 = arith.constant 0 : i32
    %dma_wait3A_153 = tpu.memref_slice %arg6[%dma_wait3A_146, %dma_wait3A_152] : memref<4x128xi32, #tpu.memory_space<vmem>> -> memref<1x128xi32, #tpu.memory_space<vmem>>
    %dma_wait3A_154 = tpu.memref_squeeze %dma_wait3A_153 : memref<1x128xi32, #tpu.memory_space<vmem>> -> memref<128xi32, #tpu.memory_space<vmem>>
    %dma_wait3A_155 = tpu.memref_slice %arg2[%dma_wait3A_145, %mul3A_2] : memref<200x4096xi32, #tpu.memory_space<hbm>> -> memref<1x128xi32, #tpu.memory_space<hbm>>
    %dma_wait3A_156 = tpu.memref_squeeze %dma_wait3A_155 : memref<1x128xi32, #tpu.memory_space<hbm>> -> memref<128xi32, #tpu.memory_space<hbm>>
    tpu.wait_dma2 semaphore(%arg13 : memref<!tpu.dma_semaphore, #tpu.memory_space<semaphore_mem>>) src(%dma_wait3A_156 : memref<128xi32, #tpu.memory_space<hbm>>) dst(%dma_wait3A_154 : memref<128xi32, #tpu.memory_space<vmem>>)
    %dma_start3A_157 = arith.constant 3 : i32
    %dma_start3A_158 = arith.constant 3 : i32
    %dma_start3A_159 = arith.constant 0 : i32
    %dma_start3A_160 = arith.constant 0 : i32
    %dma_start3A_161 = tpu.memref_slice %arg7[%dma_start3A_158, %dma_start3A_159, %dma_start3A_160] : memref<4x128x64xf32, #tpu.memory_space<vmem>> -> memref<1x128x64xf32, #tpu.memory_space<vmem>>
    %dma_start3A_162 = tpu.memref_squeeze %dma_start3A_161 : memref<1x128x64xf32, #tpu.memory_space<vmem>> -> memref<128x64xf32, #tpu.memory_space<vmem>>
    %dma_start3A_163 = arith.constant 0 : i32
    %dma_start3A_164 = tpu.memref_slice %arg6[%dma_start3A_157, %dma_start3A_163] : memref<4x128xi32, #tpu.memory_space<vmem>> -> memref<1x128xi32, #tpu.memory_space<vmem>>
    %dma_start3A_165 = tpu.memref_squeeze %dma_start3A_164 : memref<1x128xi32, #tpu.memory_space<vmem>> -> memref<128xi32, #tpu.memory_space<vmem>>
    %dma_start3A_166 = arith.constant 0 : i32
    %dma_start3A_167 = arith.constant 0 : i32
    %dma_start3A_168 = tpu.memref_slice %arg4[%dma_start3A_166, %dma_start3A_167] : memref<100000x64xf32, #tpu.memory_space<hbm>> -> memref<100000x64xf32, #tpu.memory_space<hbm>>
    tpu.enqueue_indirect_dma source(%dma_start3A_168 : memref<100000x64xf32, #tpu.memory_space<hbm>>) target(%dma_start3A_162 : memref<128x64xf32, #tpu.memory_space<vmem>>) offsets(%dma_start3A_165 : memref<128xi32, #tpu.memory_space<vmem>>) semaphore(%arg17 : memref<!tpu.dma_semaphore, #tpu.memory_space<semaphore_mem>>)
    %scan3A = arith.constant 0 : i32
    %scan3A_169 = arith.constant 50 : i32
    %scan3A_170 = arith.addi %scan3A, %scan3A_169 : i32
    %scan3A_171 = arith.constant 1 : i32
    scf.for %scan3A_477 = %scan3A to %scan3A_170 step %scan3A_171  : i32 {
      %mul3A_478 = arith.constant 4 : i32
      %mul3A_479 = arith.muli %scan3A_477, %mul3A_478 : i32
      %add3A_480 = arith.constant 0 : i32
      %add3A_481 = arith.addi %add3A_480, %mul3A_479 : i32
      %add3A_482 = arith.constant 0 : i32
      %add3A_483 = arith.addi %add3A_481, %add3A_482 : i32
      %dma_wait3A_484 = arith.constant 0 : i32
      %dma_wait3A_485 = arith.constant 0 : i32
      %dma_wait3A_486 = arith.constant 0 : i32
      %dma_wait3A_487 = arith.constant 0 : i32
      %dma_wait3A_488 = tpu.memref_slice %arg7[%dma_wait3A_485, %dma_wait3A_486, %dma_wait3A_487] : memref<4x128x64xf32, #tpu.memory_space<vmem>> -> memref<1x128x64xf32, #tpu.memory_space<vmem>>
      %dma_wait3A_489 = tpu.memref_squeeze %dma_wait3A_488 : memref<1x128x64xf32, #tpu.memory_space<vmem>> -> memref<128x64xf32, #tpu.memory_space<vmem>>
      %dma_wait3A_490 = arith.constant 0 : i32
      %dma_wait3A_491 = tpu.memref_slice %arg6[%dma_wait3A_484, %dma_wait3A_490] : memref<4x128xi32, #tpu.memory_space<vmem>> -> memref<1x128xi32, #tpu.memory_space<vmem>>
      %dma_wait3A_492 = tpu.memref_squeeze %dma_wait3A_491 : memref<1x128xi32, #tpu.memory_space<vmem>> -> memref<128xi32, #tpu.memory_space<vmem>>
      %dma_wait3A_493 = arith.constant 0 : i32
      %dma_wait3A_494 = arith.constant 0 : i32
      %dma_wait3A_495 = tpu.memref_slice %arg4[%dma_wait3A_493, %dma_wait3A_494] : memref<100000x64xf32, #tpu.memory_space<hbm>> -> memref<100000x64xf32, #tpu.memory_space<hbm>>
      tpu.wait_indirect_dma semaphore(%arg14 : memref<!tpu.dma_semaphore, #tpu.memory_space<semaphore_mem>>) src(%dma_wait3A_495 : memref<100000x64xf32, #tpu.memory_space<hbm>>) dst(%dma_wait3A_489 : memref<128x64xf32, #tpu.memory_space<vmem>>)
      %add3A_496 = arith.constant 4 : i32
      %add3A_497 = arith.addi %add3A_483, %add3A_496 : i32
      %lt3A = arith.constant 200 : i32
      %lt3A_498 = arith.cmpi slt, %add3A_497, %lt3A : i32
      %convert_element_type3A = arith.extui %lt3A_498 : i1 to i32
      %cond3A = arith.constant 0 : i32
      %cond3A_499 = arith.cmpi ne, %convert_element_type3A, %cond3A : i32
      scf.if %cond3A_499 {
        %add3A_1212 = arith.constant 4 : i32
        %add3A_1213 = arith.addi %add3A_483, %add3A_1212 : i32
        %dma_start3A_1214 = arith.constant 0 : i32
        %dma_start3A_1215 = arith.constant 0 : i32
        %dma_start3A_1216 = tpu.memref_slice %arg6[%dma_start3A_1214, %dma_start3A_1215] : memref<4x128xi32, #tpu.memory_space<vmem>> -> memref<1x128xi32, #tpu.memory_space<vmem>>
        %dma_start3A_1217 = tpu.memref_squeeze %dma_start3A_1216 : memref<1x128xi32, #tpu.memory_space<vmem>> -> memref<128xi32, #tpu.memory_space<vmem>>
        %dma_start3A_1218 = tpu.memref_slice %arg2[%add3A_1213, %mul3A_2] : memref<200x4096xi32, #tpu.memory_space<hbm>> -> memref<1x128xi32, #tpu.memory_space<hbm>>
        %dma_start3A_1219 = tpu.memref_squeeze %dma_start3A_1218 : memref<1x128xi32, #tpu.memory_space<hbm>> -> memref<128xi32, #tpu.memory_space<hbm>>
        %dma_start3A_1220 = arith.constant 0 : i32
        %dma_start3A_1221 = tpu.memref_slice %arg6[%dma_start3A_1214, %dma_start3A_1220] : memref<4x128xi32, #tpu.memory_space<vmem>> -> memref<1x128xi32, #tpu.memory_space<vmem>>
        %dma_start3A_1222 = tpu.memref_squeeze %dma_start3A_1221 : memref<1x128xi32, #tpu.memory_space<vmem>> -> memref<128xi32, #tpu.memory_space<vmem>>
        %dma_start3A_1223 = tpu.memref_slice %arg2[%add3A_1213, %mul3A_2] : memref<200x4096xi32, #tpu.memory_space<hbm>> -> memref<1x128xi32, #tpu.memory_space<hbm>>
        %dma_start3A_1224 = tpu.memref_squeeze %dma_start3A_1223 : memref<1x128xi32, #tpu.memory_space<hbm>> -> memref<128xi32, #tpu.memory_space<hbm>>
        tpu.enqueue_dma source(%dma_start3A_1224 : memref<128xi32, #tpu.memory_space<hbm>>) target(%dma_start3A_1222 : memref<128xi32, #tpu.memory_space<vmem>>) target_semaphore(%arg10 : memref<!tpu.dma_semaphore, #tpu.memory_space<semaphore_mem>>)
      } else {
      }
      %ge3A = arith.constant 2 : i32
      %ge3A_500 = arith.cmpi sge, %add3A_483, %ge3A : i32
      %convert_element_type3A_501 = arith.extui %ge3A_500 : i1 to i32
      %cond3A_502 = arith.constant 0 : i32
      %cond3A_503 = arith.cmpi ne, %convert_element_type3A_501, %cond3A_502 : i32
      scf.if %cond3A_503 {
        %dma_wait3A_1212 = arith.constant 0 : i32
        %dma_wait3A_1213 = arith.constant 0 : i32
        %dma_wait3A_1214 = arith.constant 0 : i32
        %dma_wait3A_1215 = arith.constant 0 : i32
        %dma_wait3A_1216 = tpu.memref_slice %arg8[%dma_wait3A_1212, %dma_wait3A_1214, %dma_wait3A_1215] : memref<2x64x128xf32, #tpu.memory_space<vmem>> -> memref<1x8x128xf32, #tpu.memory_space<vmem>>
        %dma_wait3A_1217 = tpu.memref_squeeze %dma_wait3A_1216 : memref<1x8x128xf32, #tpu.memory_space<vmem>> -> memref<8x128xf32, #tpu.memory_space<vmem>>
        %dma_wait3A_1218 = arith.constant 0 : i32
        %dma_wait3A_1219 = arith.constant 0 : i32
        %dma_wait3A_1220 = tpu.memref_slice %arg5[%add3A_483, %dma_wait3A_1213, %add3A, %dma_wait3A_1218, %dma_wait3A_1219] : memref<200x8x32x8x128xf32, #tpu.memory_space<hbm>> -> memref<1x1x1x8x128xf32, #tpu.memory_space<hbm>>
        %dma_wait3A_1221 = tpu.memref_squeeze %dma_wait3A_1220 : memref<1x1x1x8x128xf32, #tpu.memory_space<hbm>> -> memref<8x128xf32, #tpu.memory_space<hbm>>
        %dma_wait3A_1222 = arith.constant 0 : i32
        %dma_wait3A_1223 = arith.constant 0 : i32
        %dma_wait3A_1224 = tpu.memref_slice %arg5[%add3A_483, %dma_wait3A_1213, %add3A, %dma_wait3A_1222, %dma_wait3A_1223] : memref<200x8x32x8x128xf32, #tpu.memory_space<hbm>> -> memref<1x1x1x8x128xf32, #tpu.memory_space<hbm>>
        %dma_wait3A_1225 = tpu.memref_squeeze %dma_wait3A_1224 : memref<1x1x1x8x128xf32, #tpu.memory_space<hbm>> -> memref<8x128xf32, #tpu.memory_space<hbm>>
        %dma_wait3A_1226 = arith.constant 0 : i32
        %dma_wait3A_1227 = arith.constant 0 : i32
        %dma_wait3A_1228 = tpu.memref_slice %arg8[%dma_wait3A_1212, %dma_wait3A_1226, %dma_wait3A_1227] : memref<2x64x128xf32, #tpu.memory_space<vmem>> -> memref<1x8x128xf32, #tpu.memory_space<vmem>>
        %dma_wait3A_1229 = tpu.memref_squeeze %dma_wait3A_1228 : memref<1x8x128xf32, #tpu.memory_space<vmem>> -> memref<8x128xf32, #tpu.memory_space<vmem>>
        tpu.wait_dma2 semaphore(%arg18 : memref<!tpu.dma_semaphore, #tpu.memory_space<semaphore_mem>>) src(%dma_wait3A_1229 : memref<8x128xf32, #tpu.memory_space<vmem>>) dst(%dma_wait3A_1225 : memref<8x128xf32, #tpu.memory_space<hbm>>)
        %dma_wait3A_1230 = arith.constant 0 : i32
        %dma_wait3A_1231 = arith.constant 1 : i32
        %dma_wait3A_1232 = arith.constant 8 : i32
        %dma_wait3A_1233 = arith.constant 0 : i32
        %dma_wait3A_1234 = tpu.memref_slice %arg8[%dma_wait3A_1230, %dma_wait3A_1232, %dma_wait3A_1233] : memref<2x64x128xf32, #tpu.memory_space<vmem>> -> memref<1x8x128xf32, #tpu.memory_space<vmem>>
        %dma_wait3A_1235 = tpu.memref_squeeze %dma_wait3A_1234 : memref<1x8x128xf32, #tpu.memory_space<vmem>> -> memref<8x128xf32, #tpu.memory_space<vmem>>
        %dma_wait3A_1236 = arith.constant 0 : i32
        %dma_wait3A_1237 = arith.constant 0 : i32
        %dma_wait3A_1238 = tpu.memref_slice %arg5[%add3A_483, %dma_wait3A_1231, %add3A, %dma_wait3A_1236, %dma_wait3A_1237] : memref<200x8x32x8x128xf32, #tpu.memory_space<hbm>> -> memref<1x1x1x8x128xf32, #tpu.memory_space<hbm>>
        %dma_wait3A_1239 = tpu.memref_squeeze %dma_wait3A_1238 : memref<1x1x1x8x128xf32, #tpu.memory_space<hbm>> -> memref<8x128xf32, #tpu.memory_space<hbm>>
        %dma_wait3A_1240 = arith.constant 0 : i32
        %dma_wait3A_1241 = arith.constant 0 : i32
        %dma_wait3A_1242 = tpu.memref_slice %arg5[%add3A_483, %dma_wait3A_1231, %add3A, %dma_wait3A_1240, %dma_wait3A_1241] : memref<200x8x32x8x128xf32, #tpu.memory_space<hbm>> -> memref<1x1x1x8x128xf32, #tpu.memory_space<hbm>>
        %dma_wait3A_1243 = tpu.memref_squeeze %dma_wait3A_1242 : memref<1x1x1x8x128xf32, #tpu.memory_space<hbm>> -> memref<8x128xf32, #tpu.memory_space<hbm>>
        %dma_wait3A_1244 = arith.constant 8 : i32
        %dma_wait3A_1245 = arith.constant 0 : i32
        %dma_wait3A_1246 = tpu.memref_slice %arg8[%dma_wait3A_1230, %dma_wait3A_1244, %dma_wait3A_1245] : memref<2x64x128xf32, #tpu.memory_space<vmem>> -> memref<1x8x128xf32, #tpu.memory_space<vmem>>
        %dma_wait3A_1247 = tpu.memref_squeeze %dma_wait3A_1246 : memref<1x8x128xf32, #tpu.memory_space<vmem>> -> memref<8x128xf32, #tpu.memory_space<vmem>>
        tpu.wait_dma2 semaphore(%arg18 : memref<!tpu.dma_semaphore, #tpu.memory_space<semaphore_mem>>) src(%dma_wait3A_1247 : memref<8x128xf32, #tpu.memory_space<vmem>>) dst(%dma_wait3A_1243 : memref<8x128xf32, #tpu.memory_space<hbm>>)
        %dma_wait3A_1248 = arith.constant 0 : i32
        %dma_wait3A_1249 = arith.constant 2 : i32
        %dma_wait3A_1250 = arith.constant 16 : i32
        %dma_wait3A_1251 = arith.constant 0 : i32
        %dma_wait3A_1252 = tpu.memref_slice %arg8[%dma_wait3A_1248, %dma_wait3A_1250, %dma_wait3A_1251] : memref<2x64x128xf32, #tpu.memory_space<vmem>> -> memref<1x8x128xf32, #tpu.memory_space<vmem>>
        %dma_wait3A_1253 = tpu.memref_squeeze %dma_wait3A_1252 : memref<1x8x128xf32, #tpu.memory_space<vmem>> -> memref<8x128xf32, #tpu.memory_space<vmem>>
        %dma_wait3A_1254 = arith.constant 0 : i32
        %dma_wait3A_1255 = arith.constant 0 : i32
        %dma_wait3A_1256 = tpu.memref_slice %arg5[%add3A_483, %dma_wait3A_1249, %add3A, %dma_wait3A_1254, %dma_wait3A_1255] : memref<200x8x32x8x128xf32, #tpu.memory_space<hbm>> -> memref<1x1x1x8x128xf32, #tpu.memory_space<hbm>>
        %dma_wait3A_1257 = tpu.memref_squeeze %dma_wait3A_1256 : memref<1x1x1x8x128xf32, #tpu.memory_space<hbm>> -> memref<8x128xf32, #tpu.memory_space<hbm>>
        %dma_wait3A_1258 = arith.constant 0 : i32
        %dma_wait3A_1259 = arith.constant 0 : i32
        %dma_wait3A_1260 = tpu.memref_slice %arg5[%add3A_483, %dma_wait3A_1249, %add3A, %dma_wait3A_1258, %dma_wait3A_1259] : memref<200x8x32x8x128xf32, #tpu.memory_space<hbm>> -> memref<1x1x1x8x128xf32, #tpu.memory_space<hbm>>
        %dma_wait3A_1261 = tpu.memref_squeeze %dma_wait3A_1260 : memref<1x1x1x8x128xf32, #tpu.memory_space<hbm>> -> memref<8x128xf32, #tpu.memory_space<hbm>>
        %dma_wait3A_1262 = arith.constant 16 : i32
        %dma_wait3A_1263 = arith.constant 0 : i32
        %dma_wait3A_1264 = tpu.memref_slice %arg8[%dma_wait3A_1248, %dma_wait3A_1262, %dma_wait3A_1263] : memref<2x64x128xf32, #tpu.memory_space<vmem>> -> memref<1x8x128xf32, #tpu.memory_space<vmem>>
        %dma_wait3A_1265 = tpu.memref_squeeze %dma_wait3A_1264 : memref<1x8x128xf32, #tpu.memory_space<vmem>> -> memref<8x128xf32, #tpu.memory_space<vmem>>
        tpu.wait_dma2 semaphore(%arg18 : memref<!tpu.dma_semaphore, #tpu.memory_space<semaphore_mem>>) src(%dma_wait3A_1265 : memref<8x128xf32, #tpu.memory_space<vmem>>) dst(%dma_wait3A_1261 : memref<8x128xf32, #tpu.memory_space<hbm>>)
        %dma_wait3A_1266 = arith.constant 0 : i32
        %dma_wait3A_1267 = arith.constant 3 : i32
        %dma_wait3A_1268 = arith.constant 24 : i32
        %dma_wait3A_1269 = arith.constant 0 : i32
        %dma_wait3A_1270 = tpu.memref_slice %arg8[%dma_wait3A_1266, %dma_wait3A_1268, %dma_wait3A_1269] : memref<2x64x128xf32, #tpu.memory_space<vmem>> -> memref<1x8x128xf32, #tpu.memory_space<vmem>>
        %dma_wait3A_1271 = tpu.memref_squeeze %dma_wait3A_1270 : memref<1x8x128xf32, #tpu.memory_space<vmem>> -> memref<8x128xf32, #tpu.memory_space<vmem>>
        %dma_wait3A_1272 = arith.constant 0 : i32
        %dma_wait3A_1273 = arith.constant 0 : i32
        %dma_wait3A_1274 = tpu.memref_slice %arg5[%add3A_483, %dma_wait3A_1267, %add3A, %dma_wait3A_1272, %dma_wait3A_1273] : memref<200x8x32x8x128xf32, #tpu.memory_space<hbm>> -> memref<1x1x1x8x128xf32, #tpu.memory_space<hbm>>
        %dma_wait3A_1275 = tpu.memref_squeeze %dma_wait3A_1274 : memref<1x1x1x8x128xf32, #tpu.memory_space<hbm>> -> memref<8x128xf32, #tpu.memory_space<hbm>>
        %dma_wait3A_1276 = arith.constant 0 : i32
        %dma_wait3A_1277 = arith.constant 0 : i32
        %dma_wait3A_1278 = tpu.memref_slice %arg5[%add3A_483, %dma_wait3A_1267, %add3A, %dma_wait3A_1276, %dma_wait3A_1277] : memref<200x8x32x8x128xf32, #tpu.memory_space<hbm>> -> memref<1x1x1x8x128xf32, #tpu.memory_space<hbm>>
        %dma_wait3A_1279 = tpu.memref_squeeze %dma_wait3A_1278 : memref<1x1x1x8x128xf32, #tpu.memory_space<hbm>> -> memref<8x128xf32, #tpu.memory_space<hbm>>
        %dma_wait3A_1280 = arith.constant 24 : i32
        %dma_wait3A_1281 = arith.constant 0 : i32
        %dma_wait3A_1282 = tpu.memref_slice %arg8[%dma_wait3A_1266, %dma_wait3A_1280, %dma_wait3A_1281] : memref<2x64x128xf32, #tpu.memory_space<vmem>> -> memref<1x8x128xf32, #tpu.memory_space<vmem>>
        %dma_wait3A_1283 = tpu.memref_squeeze %dma_wait3A_1282 : memref<1x8x128xf32, #tpu.memory_space<vmem>> -> memref<8x128xf32, #tpu.memory_space<vmem>>
        tpu.wait_dma2 semaphore(%arg18 : memref<!tpu.dma_semaphore, #tpu.memory_space<semaphore_mem>>) src(%dma_wait3A_1283 : memref<8x128xf32, #tpu.memory_space<vmem>>) dst(%dma_wait3A_1279 : memref<8x128xf32, #tpu.memory_space<hbm>>)
        %dma_wait3A_1284 = arith.constant 0 : i32
        %dma_wait3A_1285 = arith.constant 4 : i32
        %dma_wait3A_1286 = arith.constant 32 : i32
        %dma_wait3A_1287 = arith.constant 0 : i32
        %dma_wait3A_1288 = tpu.memref_slice %arg8[%dma_wait3A_1284, %dma_wait3A_1286, %dma_wait3A_1287] : memref<2x64x128xf32, #tpu.memory_space<vmem>> -> memref<1x8x128xf32, #tpu.memory_space<vmem>>
        %dma_wait3A_1289 = tpu.memref_squeeze %dma_wait3A_1288 : memref<1x8x128xf32, #tpu.memory_space<vmem>> -> memref<8x128xf32, #tpu.memory_space<vmem>>
        %dma_wait3A_1290 = arith.constant 0 : i32
        %dma_wait3A_1291 = arith.constant 0 : i32
        %dma_wait3A_1292 = tpu.memref_slice %arg5[%add3A_483, %dma_wait3A_1285, %add3A, %dma_wait3A_1290, %dma_wait3A_1291] : memref<200x8x32x8x128xf32, #tpu.memory_space<hbm>> -> memref<1x1x1x8x128xf32, #tpu.memory_space<hbm>>
        %dma_wait3A_1293 = tpu.memref_squeeze %dma_wait3A_1292 : memref<1x1x1x8x128xf32, #tpu.memory_space<hbm>> -> memref<8x128xf32, #tpu.memory_space<hbm>>
        %dma_wait3A_1294 = arith.constant 0 : i32
        %dma_wait3A_1295 = arith.constant 0 : i32
        %dma_wait3A_1296 = tpu.memref_slice %arg5[%add3A_483, %dma_wait3A_1285, %add3A, %dma_wait3A_1294, %dma_wait3A_1295] : memref<200x8x32x8x128xf32, #tpu.memory_space<hbm>> -> memref<1x1x1x8x128xf32, #tpu.memory_space<hbm>>
        %dma_wait3A_1297 = tpu.memref_squeeze %dma_wait3A_1296 : memref<1x1x1x8x128xf32, #tpu.memory_space<hbm>> -> memref<8x128xf32, #tpu.memory_space<hbm>>
        %dma_wait3A_1298 = arith.constant 32 : i32
        %dma_wait3A_1299 = arith.constant 0 : i32
        %dma_wait3A_1300 = tpu.memref_slice %arg8[%dma_wait3A_1284, %dma_wait3A_1298, %dma_wait3A_1299] : memref<2x64x128xf32, #tpu.memory_space<vmem>> -> memref<1x8x128xf32, #tpu.memory_space<vmem>>
        %dma_wait3A_1301 = tpu.memref_squeeze %dma_wait3A_1300 : memref<1x8x128xf32, #tpu.memory_space<vmem>> -> memref<8x128xf32, #tpu.memory_space<vmem>>
        tpu.wait_dma2 semaphore(%arg18 : memref<!tpu.dma_semaphore, #tpu.memory_space<semaphore_mem>>) src(%dma_wait3A_1301 : memref<8x128xf32, #tpu.memory_space<vmem>>) dst(%dma_wait3A_1297 : memref<8x128xf32, #tpu.memory_space<hbm>>)
        %dma_wait3A_1302 = arith.constant 0 : i32
        %dma_wait3A_1303 = arith.constant 5 : i32
        %dma_wait3A_1304 = arith.constant 40 : i32
        %dma_wait3A_1305 = arith.constant 0 : i32
        %dma_wait3A_1306 = tpu.memref_slice %arg8[%dma_wait3A_1302, %dma_wait3A_1304, %dma_wait3A_1305] : memref<2x64x128xf32, #tpu.memory_space<vmem>> -> memref<1x8x128xf32, #tpu.memory_space<vmem>>
        %dma_wait3A_1307 = tpu.memref_squeeze %dma_wait3A_1306 : memref<1x8x128xf32, #tpu.memory_space<vmem>> -> memref<8x128xf32, #tpu.memory_space<vmem>>
        %dma_wait3A_1308 = arith.constant 0 : i32
        %dma_wait3A_1309 = arith.constant 0 : i32
        %dma_wait3A_1310 = tpu.memref_slice %arg5[%add3A_483, %dma_wait3A_1303, %add3A, %dma_wait3A_1308, %dma_wait3A_1309] : memref<200x8x32x8x128xf32, #tpu.memory_space<hbm>> -> memref<1x1x1x8x128xf32, #tpu.memory_space<hbm>>
        %dma_wait3A_1311 = tpu.memref_squeeze %dma_wait3A_1310 : memref<1x1x1x8x128xf32, #tpu.memory_space<hbm>> -> memref<8x128xf32, #tpu.memory_space<hbm>>
        %dma_wait3A_1312 = arith.constant 0 : i32
        %dma_wait3A_1313 = arith.constant 0 : i32
        %dma_wait3A_1314 = tpu.memref_slice %arg5[%add3A_483, %dma_wait3A_1303, %add3A, %dma_wait3A_1312, %dma_wait3A_1313] : memref<200x8x32x8x128xf32, #tpu.memory_space<hbm>> -> memref<1x1x1x8x128xf32, #tpu.memory_space<hbm>>
        %dma_wait3A_1315 = tpu.memref_squeeze %dma_wait3A_1314 : memref<1x1x1x8x128xf32, #tpu.memory_space<hbm>> -> memref<8x128xf32, #tpu.memory_space<hbm>>
        %dma_wait3A_1316 = arith.constant 40 : i32
        %dma_wait3A_1317 = arith.constant 0 : i32
        %dma_wait3A_1318 = tpu.memref_slice %arg8[%dma_wait3A_1302, %dma_wait3A_1316, %dma_wait3A_1317] : memref<2x64x128xf32, #tpu.memory_space<vmem>> -> memref<1x8x128xf32, #tpu.memory_space<vmem>>
        %dma_wait3A_1319 = tpu.memref_squeeze %dma_wait3A_1318 : memref<1x8x128xf32, #tpu.memory_space<vmem>> -> memref<8x128xf32, #tpu.memory_space<vmem>>
        tpu.wait_dma2 semaphore(%arg18 : memref<!tpu.dma_semaphore, #tpu.memory_space<semaphore_mem>>) src(%dma_wait3A_1319 : memref<8x128xf32, #tpu.memory_space<vmem>>) dst(%dma_wait3A_1315 : memref<8x128xf32, #tpu.memory_space<hbm>>)
        %dma_wait3A_1320 = arith.constant 0 : i32
        %dma_wait3A_1321 = arith.constant 6 : i32
        %dma_wait3A_1322 = arith.constant 48 : i32
        %dma_wait3A_1323 = arith.constant 0 : i32
        %dma_wait3A_1324 = tpu.memref_slice %arg8[%dma_wait3A_1320, %dma_wait3A_1322, %dma_wait3A_1323] : memref<2x64x128xf32, #tpu.memory_space<vmem>> -> memref<1x8x128xf32, #tpu.memory_space<vmem>>
        %dma_wait3A_1325 = tpu.memref_squeeze %dma_wait3A_1324 : memref<1x8x128xf32, #tpu.memory_space<vmem>> -> memref<8x128xf32, #tpu.memory_space<vmem>>
        %dma_wait3A_1326 = arith.constant 0 : i32
        %dma_wait3A_1327 = arith.constant 0 : i32
        %dma_wait3A_1328 = tpu.memref_slice %arg5[%add3A_483, %dma_wait3A_1321, %add3A, %dma_wait3A_1326, %dma_wait3A_1327] : memref<200x8x32x8x128xf32, #tpu.memory_space<hbm>> -> memref<1x1x1x8x128xf32, #tpu.memory_space<hbm>>
        %dma_wait3A_1329 = tpu.memref_squeeze %dma_wait3A_1328 : memref<1x1x1x8x128xf32, #tpu.memory_space<hbm>> -> memref<8x128xf32, #tpu.memory_space<hbm>>
        %dma_wait3A_1330 = arith.constant 0 : i32
        %dma_wait3A_1331 = arith.constant 0 : i32
        %dma_wait3A_1332 = tpu.memref_slice %arg5[%add3A_483, %dma_wait3A_1321, %add3A, %dma_wait3A_1330, %dma_wait3A_1331] : memref<200x8x32x8x128xf32, #tpu.memory_space<hbm>> -> memref<1x1x1x8x128xf32, #tpu.memory_space<hbm>>
        %dma_wait3A_1333 = tpu.memref_squeeze %dma_wait3A_1332 : memref<1x1x1x8x128xf32, #tpu.memory_space<hbm>> -> memref<8x128xf32, #tpu.memory_space<hbm>>
        %dma_wait3A_1334 = arith.constant 48 : i32
        %dma_wait3A_1335 = arith.constant 0 : i32
        %dma_wait3A_1336 = tpu.memref_slice %arg8[%dma_wait3A_1320, %dma_wait3A_1334, %dma_wait3A_1335] : memref<2x64x128xf32, #tpu.memory_space<vmem>> -> memref<1x8x128xf32, #tpu.memory_space<vmem>>
        %dma_wait3A_1337 = tpu.memref_squeeze %dma_wait3A_1336 : memref<1x8x128xf32, #tpu.memory_space<vmem>> -> memref<8x128xf32, #tpu.memory_space<vmem>>
        tpu.wait_dma2 semaphore(%arg18 : memref<!tpu.dma_semaphore, #tpu.memory_space<semaphore_mem>>) src(%dma_wait3A_1337 : memref<8x128xf32, #tpu.memory_space<vmem>>) dst(%dma_wait3A_1333 : memref<8x128xf32, #tpu.memory_space<hbm>>)
        %dma_wait3A_1338 = arith.constant 0 : i32
        %dma_wait3A_1339 = arith.constant 7 : i32
        %dma_wait3A_1340 = arith.constant 56 : i32
        %dma_wait3A_1341 = arith.constant 0 : i32
        %dma_wait3A_1342 = tpu.memref_slice %arg8[%dma_wait3A_1338, %dma_wait3A_1340, %dma_wait3A_1341] : memref<2x64x128xf32, #tpu.memory_space<vmem>> -> memref<1x8x128xf32, #tpu.memory_space<vmem>>
        %dma_wait3A_1343 = tpu.memref_squeeze %dma_wait3A_1342 : memref<1x8x128xf32, #tpu.memory_space<vmem>> -> memref<8x128xf32, #tpu.memory_space<vmem>>
        %dma_wait3A_1344 = arith.constant 0 : i32
        %dma_wait3A_1345 = arith.constant 0 : i32
        %dma_wait3A_1346 = tpu.memref_slice %arg5[%add3A_483, %dma_wait3A_1339, %add3A, %dma_wait3A_1344, %dma_wait3A_1345] : memref<200x8x32x8x128xf32, #tpu.memory_space<hbm>> -> memref<1x1x1x8x128xf32, #tpu.memory_space<hbm>>
        %dma_wait3A_1347 = tpu.memref_squeeze %dma_wait3A_1346 : memref<1x1x1x8x128xf32, #tpu.memory_space<hbm>> -> memref<8x128xf32, #tpu.memory_space<hbm>>
        %dma_wait3A_1348 = arith.constant 0 : i32
        %dma_wait3A_1349 = arith.constant 0 : i32
        %dma_wait3A_1350 = tpu.memref_slice %arg5[%add3A_483, %dma_wait3A_1339, %add3A, %dma_wait3A_1348, %dma_wait3A_1349] : memref<200x8x32x8x128xf32, #tpu.memory_space<hbm>> -> memref<1x1x1x8x128xf32, #tpu.memory_space<hbm>>
        %dma_wait3A_1351 = tpu.memref_squeeze %dma_wait3A_1350 : memref<1x1x1x8x128xf32, #tpu.memory_space<hbm>> -> memref<8x128xf32, #tpu.memory_space<hbm>>
        %dma_wait3A_1352 = arith.constant 56 : i32
        %dma_wait3A_1353 = arith.constant 0 : i32
        %dma_wait3A_1354 = tpu.memref_slice %arg8[%dma_wait3A_1338, %dma_wait3A_1352, %dma_wait3A_1353] : memref<2x64x128xf32, #tpu.memory_space<vmem>> -> memref<1x8x128xf32, #tpu.memory_space<vmem>>
        %dma_wait3A_1355 = tpu.memref_squeeze %dma_wait3A_1354 : memref<1x8x128xf32, #tpu.memory_space<vmem>> -> memref<8x128xf32, #tpu.memory_space<vmem>>
        tpu.wait_dma2 semaphore(%arg18 : memref<!tpu.dma_semaphore, #tpu.memory_space<semaphore_mem>>) src(%dma_wait3A_1355 : memref<8x128xf32, #tpu.memory_space<vmem>>) dst(%dma_wait3A_1351 : memref<8x128xf32, #tpu.memory_space<hbm>>)
      } else {
      }
      %broadcast_in_dim3A = arith.constant 0 : i32
      %broadcast_in_dim3A_504 = vector.broadcast %broadcast_in_dim3A : i32 to vector<16xi32>
      %add3A_505 = vector.broadcast %add3A_483 : i32 to vector<16xi32>
      %add3A_506 = arith.addi %broadcast_in_dim3A_504, %add3A_505 : vector<16xi32>
      %parallel_loop3A = arith.constant 0 : i32
      %parallel_loop3A_507 = arith.constant 64 : i32
      %parallel_loop3A_508 = arith.constant 1 : i32
      scf.for %parallel_loop3A_1212 = %parallel_loop3A to %parallel_loop3A_507 step %parallel_loop3A_508  : i32 {
        %parallel_loop3A_1213 = vector.broadcast %parallel_loop3A_1212 : i32 to vector<16xi32>
        %parallel_loop3A_1214 = arith.addi %iota3A, %parallel_loop3A_1213 : vector<16xi32>
        %parallel_loop3A_1215 = arith.constant 15 : i32
        %parallel_loop3A_1216 = vector.broadcast %parallel_loop3A_1215 : i32 to vector<16xi32>
        %parallel_loop3A_1217 = arith.andi %parallel_loop3A_1214, %parallel_loop3A_1216 : vector<16xi32>
        %parallel_loop3A_1218 = arith.constant 48 : i32
        %parallel_loop3A_1219 = arith.andi %parallel_loop3A_1212, %parallel_loop3A_1218 : i32
        %parallel_loop3A_1220 = vector.broadcast %parallel_loop3A_1219 : i32 to vector<16xi32>
        %parallel_loop3A_1221 = arith.addi %parallel_loop3A_1217, %parallel_loop3A_1220 : vector<16xi32>
        %parallel_loop3A_1222 = tpu.vector_load_idx %arg9[%add3A_506, %parallel_loop3A_1221] : memref<200x64xf32, #tpu.memory_space<vmem>>[vector<16xi32>, vector<16xi32>], vector<16xf32>,
        %parallel_loop3A_1223 = arith.constant 0 : i32
        %parallel_loop3A_1224 = arith.constant 0 : i32
        %parallel_loop3A_1225 = arith.constant 0 : i32
        %parallel_loop3A_1226 = tpu.memref_slice %arg7[%parallel_loop3A_1223, %parallel_loop3A_1224, %parallel_loop3A_1225] : memref<4x128x64xf32, #tpu.memory_space<vmem>> -> memref<1x128x64xf32, #tpu.memory_space<vmem>>
        %parallel_loop3A_1227 = tpu.memref_squeeze %parallel_loop3A_1226 : memref<1x128x64xf32, #tpu.memory_space<vmem>> -> memref<128x64xf32, #tpu.memory_space<vmem>>
        %parallel_loop3A_1228 = tpu.vector_load_idx %parallel_loop3A_1227[%add3A_5, %parallel_loop3A_1221] : memref<128x64xf32, #tpu.memory_space<vmem>>[vector<16xi32>, vector<16xi32>], vector<16xf32>,
        %parallel_loop3A_1229 = arith.constant 8.000000e+00 : f32
        %parallel_loop3A_1230 = vector.broadcast %parallel_loop3A_1229 : f32 to vector<16xf32>
        %parallel_loop3A_1231 = arith.mulf %parallel_loop3A_1228, %parallel_loop3A_1230 : vector<16xf32>
        %parallel_loop3A_1232 = arith.addf %parallel_loop3A_1231, %parallel_loop3A_1222 : vector<16xf32>
        %parallel_loop3A_1233 = arith.constant 0 : i32
        %parallel_loop3A_1234 = arith.constant 0 : i32
        %parallel_loop3A_1235 = arith.constant 0 : i32
        %parallel_loop3A_1236 = tpu.memref_slice %arg8[%parallel_loop3A_1233, %parallel_loop3A_1234, %parallel_loop3A_1235] : memref<2x64x128xf32, #tpu.memory_space<vmem>> -> memref<1x64x128xf32, #tpu.memory_space<vmem>>
        %parallel_loop3A_1237 = tpu.memref_squeeze %parallel_loop3A_1236 : memref<1x64x128xf32, #tpu.memory_space<vmem>> -> memref<64x128xf32, #tpu.memory_space<vmem>>
        tpu.vector_store_idx %parallel_loop3A_1237[%parallel_loop3A_1221, %add3A_5], %parallel_loop3A_1232 : memref<64x128xf32, #tpu.memory_space<vmem>>[vector<16xi32>, vector<16xi32>], vector<16xf32>,
        %parallel_loop3A_1238 = arith.constant 0 : i32
        %parallel_loop3A_1239 = arith.constant 0 : i32
        %parallel_loop3A_1240 = arith.constant 0 : i32
        %parallel_loop3A_1241 = tpu.memref_slice %arg7[%parallel_loop3A_1238, %parallel_loop3A_1239, %parallel_loop3A_1240] : memref<4x128x64xf32, #tpu.memory_space<vmem>> -> memref<1x128x64xf32, #tpu.memory_space<vmem>>
        %parallel_loop3A_1242 = tpu.memref_squeeze %parallel_loop3A_1241 : memref<1x128x64xf32, #tpu.memory_space<vmem>> -> memref<128x64xf32, #tpu.memory_space<vmem>>
        %parallel_loop3A_1243 = tpu.vector_load_idx %parallel_loop3A_1242[%add3A_8, %parallel_loop3A_1221] : memref<128x64xf32, #tpu.memory_space<vmem>>[vector<16xi32>, vector<16xi32>], vector<16xf32>,
        %parallel_loop3A_1244 = arith.constant 8.000000e+00 : f32
        %parallel_loop3A_1245 = vector.broadcast %parallel_loop3A_1244 : f32 to vector<16xf32>
        %parallel_loop3A_1246 = arith.mulf %parallel_loop3A_1243, %parallel_loop3A_1245 : vector<16xf32>
        %parallel_loop3A_1247 = arith.addf %parallel_loop3A_1246, %parallel_loop3A_1222 : vector<16xf32>
        %parallel_loop3A_1248 = arith.constant 0 : i32
        %parallel_loop3A_1249 = arith.constant 0 : i32
        %parallel_loop3A_1250 = arith.constant 0 : i32
        %parallel_loop3A_1251 = tpu.memref_slice %arg8[%parallel_loop3A_1248, %parallel_loop3A_1249, %parallel_loop3A_1250] : memref<2x64x128xf32, #tpu.memory_space<vmem>> -> memref<1x64x128xf32, #tpu.memory_space<vmem>>
        %parallel_loop3A_1252 = tpu.memref_squeeze %parallel_loop3A_1251 : memref<1x64x128xf32, #tpu.memory_space<vmem>> -> memref<64x128xf32, #tpu.memory_space<vmem>>
        tpu.vector_store_idx %parallel_loop3A_1252[%parallel_loop3A_1221, %add3A_8], %parallel_loop3A_1247 : memref<64x128xf32, #tpu.memory_space<vmem>>[vector<16xi32>, vector<16xi32>], vector<16xf32>,
        %parallel_loop3A_1253 = arith.constant 0 : i32
        %parallel_loop3A_1254 = arith.constant 0 : i32
        %parallel_loop3A_1255 = arith.constant 0 : i32
        %parallel_loop3A_1256 = tpu.memref_slice %arg7[%parallel_loop3A_1253, %parallel_loop3A_1254, %parallel_loop3A_1255] : memref<4x128x64xf32, #tpu.memory_space<vmem>> -> memref<1x128x64xf32, #tpu.memory_space<vmem>>
        %parallel_loop3A_1257 = tpu.memref_squeeze %parallel_loop3A_1256 : memref<1x128x64xf32, #tpu.memory_space<vmem>> -> memref<128x64xf32, #tpu.memory_space<vmem>>
        %parallel_loop3A_1258 = tpu.vector_load_idx %parallel_loop3A_1257[%add3A_11, %parallel_loop3A_1221] : memref<128x64xf32, #tpu.memory_space<vmem>>[vector<16xi32>, vector<16xi32>], vector<16xf32>,
        %parallel_loop3A_1259 = arith.constant 8.000000e+00 : f32
        %parallel_loop3A_1260 = vector.broadcast %parallel_loop3A_1259 : f32 to vector<16xf32>
        %parallel_loop3A_1261 = arith.mulf %parallel_loop3A_1258, %parallel_loop3A_1260 : vector<16xf32>
        %parallel_loop3A_1262 = arith.addf %parallel_loop3A_1261, %parallel_loop3A_1222 : vector<16xf32>
        %parallel_loop3A_1263 = arith.constant 0 : i32
        %parallel_loop3A_1264 = arith.constant 0 : i32
        %parallel_loop3A_1265 = arith.constant 0 : i32
        %parallel_loop3A_1266 = tpu.memref_slice %arg8[%parallel_loop3A_1263, %parallel_loop3A_1264, %parallel_loop3A_1265] : memref<2x64x128xf32, #tpu.memory_space<vmem>> -> memref<1x64x128xf32, #tpu.memory_space<vmem>>
        %parallel_loop3A_1267 = tpu.memref_squeeze %parallel_loop3A_1266 : memref<1x64x128xf32, #tpu.memory_space<vmem>> -> memref<64x128xf32, #tpu.memory_space<vmem>>
        tpu.vector_store_idx %parallel_loop3A_1267[%parallel_loop3A_1221, %add3A_11], %parallel_loop3A_1262 : memref<64x128xf32, #tpu.memory_space<vmem>>[vector<16xi32>, vector<16xi32>], vector<16xf32>,
        %parallel_loop3A_1268 = arith.constant 0 : i32
        %parallel_loop3A_1269 = arith.constant 0 : i32
        %parallel_loop3A_1270 = arith.constant 0 : i32
        %parallel_loop3A_1271 = tpu.memref_slice %arg7[%parallel_loop3A_1268, %parallel_loop3A_1269, %parallel_loop3A_1270] : memref<4x128x64xf32, #tpu.memory_space<vmem>> -> memref<1x128x64xf32, #tpu.memory_space<vmem>>
        %parallel_loop3A_1272 = tpu.memref_squeeze %parallel_loop3A_1271 : memref<1x128x64xf32, #tpu.memory_space<vmem>> -> memref<128x64xf32, #tpu.memory_space<vmem>>
        %parallel_loop3A_1273 = tpu.vector_load_idx %parallel_loop3A_1272[%add3A_14, %parallel_loop3A_1221] : memref<128x64xf32, #tpu.memory_space<vmem>>[vector<16xi32>, vector<16xi32>], vector<16xf32>,
        %parallel_loop3A_1274 = arith.constant 8.000000e+00 : f32
        %parallel_loop3A_1275 = vector.broadcast %parallel_loop3A_1274 : f32 to vector<16xf32>
        %parallel_loop3A_1276 = arith.mulf %parallel_loop3A_1273, %parallel_loop3A_1275 : vector<16xf32>
        %parallel_loop3A_1277 = arith.addf %parallel_loop3A_1276, %parallel_loop3A_1222 : vector<16xf32>
        %parallel_loop3A_1278 = arith.constant 0 : i32
        %parallel_loop3A_1279 = arith.constant 0 : i32
        %parallel_loop3A_1280 = arith.constant 0 : i32
        %parallel_loop3A_1281 = tpu.memref_slice %arg8[%parallel_loop3A_1278, %parallel_loop3A_1279, %parallel_loop3A_1280] : memref<2x64x128xf32, #tpu.memory_space<vmem>> -> memref<1x64x128xf32, #tpu.memory_space<vmem>>
        %parallel_loop3A_1282 = tpu.memref_squeeze %parallel_loop3A_1281 : memref<1x64x128xf32, #tpu.memory_space<vmem>> -> memref<64x128xf32, #tpu.memory_space<vmem>>
        tpu.vector_store_idx %parallel_loop3A_1282[%parallel_loop3A_1221, %add3A_14], %parallel_loop3A_1277 : memref<64x128xf32, #tpu.memory_space<vmem>>[vector<16xi32>, vector<16xi32>], vector<16xf32>,
        %parallel_loop3A_1283 = arith.constant 0 : i32
        %parallel_loop3A_1284 = arith.constant 0 : i32
        %parallel_loop3A_1285 = arith.constant 0 : i32
        %parallel_loop3A_1286 = tpu.memref_slice %arg7[%parallel_loop3A_1283, %parallel_loop3A_1284, %parallel_loop3A_1285] : memref<4x128x64xf32, #tpu.memory_space<vmem>> -> memref<1x128x64xf32, #tpu.memory_space<vmem>>
        %parallel_loop3A_1287 = tpu.memref_squeeze %parallel_loop3A_1286 : memref<1x128x64xf32, #tpu.memory_space<vmem>> -> memref<128x64xf32, #tpu.memory_space<vmem>>
        %parallel_loop3A_1288 = tpu.vector_load_idx %parallel_loop3A_1287[%add3A_17, %parallel_loop3A_1221] : memref<128x64xf32, #tpu.memory_space<vmem>>[vector<16xi32>, vector<16xi32>], vector<16xf32>,
        %parallel_loop3A_1289 = arith.constant 8.000000e+00 : f32
        %parallel_loop3A_1290 = vector.broadcast %parallel_loop3A_1289 : f32 to vector<16xf32>
        %parallel_loop3A_1291 = arith.mulf %parallel_loop3A_1288, %parallel_loop3A_1290 : vector<16xf32>
        %parallel_loop3A_1292 = arith.addf %parallel_loop3A_1291, %parallel_loop3A_1222 : vector<16xf32>
        %parallel_loop3A_1293 = arith.constant 0 : i32
        %parallel_loop3A_1294 = arith.constant 0 : i32
        %parallel_loop3A_1295 = arith.constant 0 : i32
        %parallel_loop3A_1296 = tpu.memref_slice %arg8[%parallel_loop3A_1293, %parallel_loop3A_1294, %parallel_loop3A_1295] : memref<2x64x128xf32, #tpu.memory_space<vmem>> -> memref<1x64x128xf32, #tpu.memory_space<vmem>>
        %parallel_loop3A_1297 = tpu.memref_squeeze %parallel_loop3A_1296 : memref<1x64x128xf32, #tpu.memory_space<vmem>> -> memref<64x128xf32, #tpu.memory_space<vmem>>
        tpu.vector_store_idx %parallel_loop3A_1297[%parallel_loop3A_1221, %add3A_17], %parallel_loop3A_1292 : memref<64x128xf32, #tpu.memory_space<vmem>>[vector<16xi32>, vector<16xi32>], vector<16xf32>,
        %parallel_loop3A_1298 = arith.constant 0 : i32
        %parallel_loop3A_1299 = arith.constant 0 : i32
        %parallel_loop3A_1300 = arith.constant 0 : i32
        %parallel_loop3A_1301 = tpu.memref_slice %arg7[%parallel_loop3A_1298, %parallel_loop3A_1299, %parallel_loop3A_1300] : memref<4x128x64xf32, #tpu.memory_space<vmem>> -> memref<1x128x64xf32, #tpu.memory_space<vmem>>
        %parallel_loop3A_1302 = tpu.memref_squeeze %parallel_loop3A_1301 : memref<1x128x64xf32, #tpu.memory_space<vmem>> -> memref<128x64xf32, #tpu.memory_space<vmem>>
        %parallel_loop3A_1303 = tpu.vector_load_idx %parallel_loop3A_1302[%add3A_20, %parallel_loop3A_1221] : memref<128x64xf32, #tpu.memory_space<vmem>>[vector<16xi32>, vector<16xi32>], vector<16xf32>,
        %parallel_loop3A_1304 = arith.constant 8.000000e+00 : f32
        %parallel_loop3A_1305 = vector.broadcast %parallel_loop3A_1304 : f32 to vector<16xf32>
        %parallel_loop3A_1306 = arith.mulf %parallel_loop3A_1303, %parallel_loop3A_1305 : vector<16xf32>
        %parallel_loop3A_1307 = arith.addf %parallel_loop3A_1306, %parallel_loop3A_1222 : vector<16xf32>
        %parallel_loop3A_1308 = arith.constant 0 : i32
        %parallel_loop3A_1309 = arith.constant 0 : i32
        %parallel_loop3A_1310 = arith.constant 0 : i32
        %parallel_loop3A_1311 = tpu.memref_slice %arg8[%parallel_loop3A_1308, %parallel_loop3A_1309, %parallel_loop3A_1310] : memref<2x64x128xf32, #tpu.memory_space<vmem>> -> memref<1x64x128xf32, #tpu.memory_space<vmem>>
        %parallel_loop3A_1312 = tpu.memref_squeeze %parallel_loop3A_1311 : memref<1x64x128xf32, #tpu.memory_space<vmem>> -> memref<64x128xf32, #tpu.memory_space<vmem>>
        tpu.vector_store_idx %parallel_loop3A_1312[%parallel_loop3A_1221, %add3A_20], %parallel_loop3A_1307 : memref<64x128xf32, #tpu.memory_space<vmem>>[vector<16xi32>, vector<16xi32>], vector<16xf32>,
        %parallel_loop3A_1313 = arith.constant 0 : i32
        %parallel_loop3A_1314 = arith.constant 0 : i32
        %parallel_loop3A_1315 = arith.constant 0 : i32
        %parallel_loop3A_1316 = tpu.memref_slice %arg7[%parallel_loop3A_1313, %parallel_loop3A_1314, %parallel_loop3A_1315] : memref<4x128x64xf32, #tpu.memory_space<vmem>> -> memref<1x128x64xf32, #tpu.memory_space<vmem>>
        %parallel_loop3A_1317 = tpu.memref_squeeze %parallel_loop3A_1316 : memref<1x128x64xf32, #tpu.memory_space<vmem>> -> memref<128x64xf32, #tpu.memory_space<vmem>>
        %parallel_loop3A_1318 = tpu.vector_load_idx %parallel_loop3A_1317[%add3A_23, %parallel_loop3A_1221] : memref<128x64xf32, #tpu.memory_space<vmem>>[vector<16xi32>, vector<16xi32>], vector<16xf32>,
        %parallel_loop3A_1319 = arith.constant 8.000000e+00 : f32
        %parallel_loop3A_1320 = vector.broadcast %parallel_loop3A_1319 : f32 to vector<16xf32>
        %parallel_loop3A_1321 = arith.mulf %parallel_loop3A_1318, %parallel_loop3A_1320 : vector<16xf32>
        %parallel_loop3A_1322 = arith.addf %parallel_loop3A_1321, %parallel_loop3A_1222 : vector<16xf32>
        %parallel_loop3A_1323 = arith.constant 0 : i32
        %parallel_loop3A_1324 = arith.constant 0 : i32
        %parallel_loop3A_1325 = arith.constant 0 : i32
        %parallel_loop3A_1326 = tpu.memref_slice %arg8[%parallel_loop3A_1323, %parallel_loop3A_1324, %parallel_loop3A_1325] : memref<2x64x128xf32, #tpu.memory_space<vmem>> -> memref<1x64x128xf32, #tpu.memory_space<vmem>>
        %parallel_loop3A_1327 = tpu.memref_squeeze %parallel_loop3A_1326 : memref<1x64x128xf32, #tpu.memory_space<vmem>> -> memref<64x128xf32, #tpu.memory_space<vmem>>
        tpu.vector_store_idx %parallel_loop3A_1327[%parallel_loop3A_1221, %add3A_23], %parallel_loop3A_1322 : memref<64x128xf32, #tpu.memory_space<vmem>>[vector<16xi32>, vector<16xi32>], vector<16xf32>,
        %parallel_loop3A_1328 = arith.constant 0 : i32
        %parallel_loop3A_1329 = arith.constant 0 : i32
        %parallel_loop3A_1330 = arith.constant 0 : i32
        %parallel_loop3A_1331 = tpu.memref_slice %arg7[%parallel_loop3A_1328, %parallel_loop3A_1329, %parallel_loop3A_1330] : memref<4x128x64xf32, #tpu.memory_space<vmem>> -> memref<1x128x64xf32, #tpu.memory_space<vmem>>
        %parallel_loop3A_1332 = tpu.memref_squeeze %parallel_loop3A_1331 : memref<1x128x64xf32, #tpu.memory_space<vmem>> -> memref<128x64xf32, #tpu.memory_space<vmem>>
        %parallel_loop3A_1333 = tpu.vector_load_idx %parallel_loop3A_1332[%add3A_26, %parallel_loop3A_1221] : memref<128x64xf32, #tpu.memory_space<vmem>>[vector<16xi32>, vector<16xi32>], vector<16xf32>,
        %parallel_loop3A_1334 = arith.constant 8.000000e+00 : f32
        %parallel_loop3A_1335 = vector.broadcast %parallel_loop3A_1334 : f32 to vector<16xf32>
        %parallel_loop3A_1336 = arith.mulf %parallel_loop3A_1333, %parallel_loop3A_1335 : vector<16xf32>
        %parallel_loop3A_1337 = arith.addf %parallel_loop3A_1336, %parallel_loop3A_1222 : vector<16xf32>
        %parallel_loop3A_1338 = arith.constant 0 : i32
        %parallel_loop3A_1339 = arith.constant 0 : i32
        %parallel_loop3A_1340 = arith.constant 0 : i32
        %parallel_loop3A_1341 = tpu.memref_slice %arg8[%parallel_loop3A_1338, %parallel_loop3A_1339, %parallel_loop3A_1340] : memref<2x64x128xf32, #tpu.memory_space<vmem>> -> memref<1x64x128xf32, #tpu.memory_space<vmem>>
        %parallel_loop3A_1342 = tpu.memref_squeeze %parallel_loop3A_1341 : memref<1x64x128xf32, #tpu.memory_space<vmem>> -> memref<64x128xf32, #tpu.memory_space<vmem>>
        tpu.vector_store_idx %parallel_loop3A_1342[%parallel_loop3A_1221, %add3A_26], %parallel_loop3A_1337 : memref<64x128xf32, #tpu.memory_space<vmem>>[vector<16xi32>, vector<16xi32>], vector<16xf32>,
      } {sc.loop_unroll_factor = 2 : i64, sc.parallel_access}
      %dma_start3A_509 = arith.constant 0 : i32
      %dma_start3A_510 = arith.constant 0 : i32
      %dma_start3A_511 = arith.constant 0 : i32
      %dma_start3A_512 = arith.constant 0 : i32
      %dma_start3A_513 = tpu.memref_slice %arg8[%dma_start3A_509, %dma_start3A_511, %dma_start3A_512] : memref<2x64x128xf32, #tpu.memory_space<vmem>> -> memref<1x8x128xf32, #tpu.memory_space<vmem>>
      %dma_start3A_514 = tpu.memref_squeeze %dma_start3A_513 : memref<1x8x128xf32, #tpu.memory_space<vmem>> -> memref<8x128xf32, #tpu.memory_space<vmem>>
      %dma_start3A_515 = arith.constant 0 : i32
      %dma_start3A_516 = arith.constant 0 : i32
      %dma_start3A_517 = tpu.memref_slice %arg5[%add3A_483, %dma_start3A_510, %add3A, %dma_start3A_515, %dma_start3A_516] : memref<200x8x32x8x128xf32, #tpu.memory_space<hbm>> -> memref<1x1x1x8x128xf32, #tpu.memory_space<hbm>>
      %dma_start3A_518 = tpu.memref_squeeze %dma_start3A_517 : memref<1x1x1x8x128xf32, #tpu.memory_space<hbm>> -> memref<8x128xf32, #tpu.memory_space<hbm>>
      %dma_start3A_519 = arith.constant 0 : i32
      %dma_start3A_520 = arith.constant 0 : i32
      %dma_start3A_521 = tpu.memref_slice %arg5[%add3A_483, %dma_start3A_510, %add3A, %dma_start3A_519, %dma_start3A_520] : memref<200x8x32x8x128xf32, #tpu.memory_space<hbm>> -> memref<1x1x1x8x128xf32, #tpu.memory_space<hbm>>
      %dma_start3A_522 = tpu.memref_squeeze %dma_start3A_521 : memref<1x1x1x8x128xf32, #tpu.memory_space<hbm>> -> memref<8x128xf32, #tpu.memory_space<hbm>>
      %dma_start3A_523 = arith.constant 0 : i32
      %dma_start3A_524 = arith.constant 0 : i32
      %dma_start3A_525 = tpu.memref_slice %arg8[%dma_start3A_509, %dma_start3A_523, %dma_start3A_524] : memref<2x64x128xf32, #tpu.memory_space<vmem>> -> memref<1x8x128xf32, #tpu.memory_space<vmem>>
      %dma_start3A_526 = tpu.memref_squeeze %dma_start3A_525 : memref<1x8x128xf32, #tpu.memory_space<vmem>> -> memref<8x128xf32, #tpu.memory_space<vmem>>
      tpu.enqueue_dma source(%dma_start3A_526 : memref<8x128xf32, #tpu.memory_space<vmem>>) target(%dma_start3A_522 : memref<8x128xf32, #tpu.memory_space<hbm>>) target_semaphore(%arg18 : memref<!tpu.dma_semaphore, #tpu.memory_space<semaphore_mem>>)
      %dma_start3A_527 = arith.constant 0 : i32
      %dma_start3A_528 = arith.constant 1 : i32
      %dma_start3A_529 = arith.constant 8 : i32
      %dma_start3A_530 = arith.constant 0 : i32
      %dma_start3A_531 = tpu.memref_slice %arg8[%dma_start3A_527, %dma_start3A_529, %dma_start3A_530] : memref<2x64x128xf32, #tpu.memory_space<vmem>> -> memref<1x8x128xf32, #tpu.memory_space<vmem>>
      %dma_start3A_532 = tpu.memref_squeeze %dma_start3A_531 : memref<1x8x128xf32, #tpu.memory_space<vmem>> -> memref<8x128xf32, #tpu.memory_space<vmem>>
      %dma_start3A_533 = arith.constant 0 : i32
      %dma_start3A_534 = arith.constant 0 : i32
      %dma_start3A_535 = tpu.memref_slice %arg5[%add3A_483, %dma_start3A_528, %add3A, %dma_start3A_533, %dma_start3A_534] : memref<200x8x32x8x128xf32, #tpu.memory_space<hbm>> -> memref<1x1x1x8x128xf32, #tpu.memory_space<hbm>>
      %dma_start3A_536 = tpu.memref_squeeze %dma_start3A_535 : memref<1x1x1x8x128xf32, #tpu.memory_space<hbm>> -> memref<8x128xf32, #tpu.memory_space<hbm>>
      %dma_start3A_537 = arith.constant 0 : i32
      %dma_start3A_538 = arith.constant 0 : i32
      %dma_start3A_539 = tpu.memref_slice %arg5[%add3A_483, %dma_start3A_528, %add3A, %dma_start3A_537, %dma_start3A_538] : memref<200x8x32x8x128xf32, #tpu.memory_space<hbm>> -> memref<1x1x1x8x128xf32, #tpu.memory_space<hbm>>
      %dma_start3A_540 = tpu.memref_squeeze %dma_start3A_539 : memref<1x1x1x8x128xf32, #tpu.memory_space<hbm>> -> memref<8x128xf32, #tpu.memory_space<hbm>>
      %dma_start3A_541 = arith.constant 8 : i32
      %dma_start3A_542 = arith.constant 0 : i32
      %dma_start3A_543 = tpu.memref_slice %arg8[%dma_start3A_527, %dma_start3A_541, %dma_start3A_542] : memref<2x64x128xf32, #tpu.memory_space<vmem>> -> memref<1x8x128xf32, #tpu.memory_space<vmem>>
      %dma_start3A_544 = tpu.memref_squeeze %dma_start3A_543 : memref<1x8x128xf32, #tpu.memory_space<vmem>> -> memref<8x128xf32, #tpu.memory_space<vmem>>
      tpu.enqueue_dma source(%dma_start3A_544 : memref<8x128xf32, #tpu.memory_space<vmem>>) target(%dma_start3A_540 : memref<8x128xf32, #tpu.memory_space<hbm>>) target_semaphore(%arg18 : memref<!tpu.dma_semaphore, #tpu.memory_space<semaphore_mem>>)
      %dma_start3A_545 = arith.constant 0 : i32
      %dma_start3A_546 = arith.constant 2 : i32
      %dma_start3A_547 = arith.constant 16 : i32
      %dma_start3A_548 = arith.constant 0 : i32
      %dma_start3A_549 = tpu.memref_slice %arg8[%dma_start3A_545, %dma_start3A_547, %dma_start3A_548] : memref<2x64x128xf32, #tpu.memory_space<vmem>> -> memref<1x8x128xf32, #tpu.memory_space<vmem>>
      %dma_start3A_550 = tpu.memref_squeeze %dma_start3A_549 : memref<1x8x128xf32, #tpu.memory_space<vmem>> -> memref<8x128xf32, #tpu.memory_space<vmem>>
      %dma_start3A_551 = arith.constant 0 : i32
      %dma_start3A_552 = arith.constant 0 : i32
      %dma_start3A_553 = tpu.memref_slice %arg5[%add3A_483, %dma_start3A_546, %add3A, %dma_start3A_551, %dma_start3A_552] : memref<200x8x32x8x128xf32, #tpu.memory_space<hbm>> -> memref<1x1x1x8x128xf32, #tpu.memory_space<hbm>>
      %dma_start3A_554 = tpu.memref_squeeze %dma_start3A_553 : memref<1x1x1x8x128xf32, #tpu.memory_space<hbm>> -> memref<8x128xf32, #tpu.memory_space<hbm>>
      %dma_start3A_555 = arith.constant 0 : i32
      %dma_start3A_556 = arith.constant 0 : i32
      %dma_start3A_557 = tpu.memref_slice %arg5[%add3A_483, %dma_start3A_546, %add3A, %dma_start3A_555, %dma_start3A_556] : memref<200x8x32x8x128xf32, #tpu.memory_space<hbm>> -> memref<1x1x1x8x128xf32, #tpu.memory_space<hbm>>
      %dma_start3A_558 = tpu.memref_squeeze %dma_start3A_557 : memref<1x1x1x8x128xf32, #tpu.memory_space<hbm>> -> memref<8x128xf32, #tpu.memory_space<hbm>>
      %dma_start3A_559 = arith.constant 16 : i32
      %dma_start3A_560 = arith.constant 0 : i32
      %dma_start3A_561 = tpu.memref_slice %arg8[%dma_start3A_545, %dma_start3A_559, %dma_start3A_560] : memref<2x64x128xf32, #tpu.memory_space<vmem>> -> memref<1x8x128xf32, #tpu.memory_space<vmem>>
      %dma_start3A_562 = tpu.memref_squeeze %dma_start3A_561 : memref<1x8x128xf32, #tpu.memory_space<vmem>> -> memref<8x128xf32, #tpu.memory_space<vmem>>
      tpu.enqueue_dma source(%dma_start3A_562 : memref<8x128xf32, #tpu.memory_space<vmem>>) target(%dma_start3A_558 : memref<8x128xf32, #tpu.memory_space<hbm>>) target_semaphore(%arg18 : memref<!tpu.dma_semaphore, #tpu.memory_space<semaphore_mem>>)
      %dma_start3A_563 = arith.constant 0 : i32
      %dma_start3A_564 = arith.constant 3 : i32
      %dma_start3A_565 = arith.constant 24 : i32
      %dma_start3A_566 = arith.constant 0 : i32
      %dma_start3A_567 = tpu.memref_slice %arg8[%dma_start3A_563, %dma_start3A_565, %dma_start3A_566] : memref<2x64x128xf32, #tpu.memory_space<vmem>> -> memref<1x8x128xf32, #tpu.memory_space<vmem>>
      %dma_start3A_568 = tpu.memref_squeeze %dma_start3A_567 : memref<1x8x128xf32, #tpu.memory_space<vmem>> -> memref<8x128xf32, #tpu.memory_space<vmem>>
      %dma_start3A_569 = arith.constant 0 : i32
      %dma_start3A_570 = arith.constant 0 : i32
      %dma_start3A_571 = tpu.memref_slice %arg5[%add3A_483, %dma_start3A_564, %add3A, %dma_start3A_569, %dma_start3A_570] : memref<200x8x32x8x128xf32, #tpu.memory_space<hbm>> -> memref<1x1x1x8x128xf32, #tpu.memory_space<hbm>>
      %dma_start3A_572 = tpu.memref_squeeze %dma_start3A_571 : memref<1x1x1x8x128xf32, #tpu.memory_space<hbm>> -> memref<8x128xf32, #tpu.memory_space<hbm>>
      %dma_start3A_573 = arith.constant 0 : i32
      %dma_start3A_574 = arith.constant 0 : i32
      %dma_start3A_575 = tpu.memref_slice %arg5[%add3A_483, %dma_start3A_564, %add3A, %dma_start3A_573, %dma_start3A_574] : memref<200x8x32x8x128xf32, #tpu.memory_space<hbm>> -> memref<1x1x1x8x128xf32, #tpu.memory_space<hbm>>
      %dma_start3A_576 = tpu.memref_squeeze %dma_start3A_575 : memref<1x1x1x8x128xf32, #tpu.memory_space<hbm>> -> memref<8x128xf32, #tpu.memory_space<hbm>>
      %dma_start3A_577 = arith.constant 24 : i32
      %dma_start3A_578 = arith.constant 0 : i32
      %dma_start3A_579 = tpu.memref_slice %arg8[%dma_start3A_563, %dma_start3A_577, %dma_start3A_578] : memref<2x64x128xf32, #tpu.memory_space<vmem>> -> memref<1x8x128xf32, #tpu.memory_space<vmem>>
      %dma_start3A_580 = tpu.memref_squeeze %dma_start3A_579 : memref<1x8x128xf32, #tpu.memory_space<vmem>> -> memref<8x128xf32, #tpu.memory_space<vmem>>
      tpu.enqueue_dma source(%dma_start3A_580 : memref<8x128xf32, #tpu.memory_space<vmem>>) target(%dma_start3A_576 : memref<8x128xf32, #tpu.memory_space<hbm>>) target_semaphore(%arg18 : memref<!tpu.dma_semaphore, #tpu.memory_space<semaphore_mem>>)
      %dma_start3A_581 = arith.constant 0 : i32
      %dma_start3A_582 = arith.constant 4 : i32
      %dma_start3A_583 = arith.constant 32 : i32
      %dma_start3A_584 = arith.constant 0 : i32
      %dma_start3A_585 = tpu.memref_slice %arg8[%dma_start3A_581, %dma_start3A_583, %dma_start3A_584] : memref<2x64x128xf32, #tpu.memory_space<vmem>> -> memref<1x8x128xf32, #tpu.memory_space<vmem>>
      %dma_start3A_586 = tpu.memref_squeeze %dma_start3A_585 : memref<1x8x128xf32, #tpu.memory_space<vmem>> -> memref<8x128xf32, #tpu.memory_space<vmem>>
      %dma_start3A_587 = arith.constant 0 : i32
      %dma_start3A_588 = arith.constant 0 : i32
      %dma_start3A_589 = tpu.memref_slice %arg5[%add3A_483, %dma_start3A_582, %add3A, %dma_start3A_587, %dma_start3A_588] : memref<200x8x32x8x128xf32, #tpu.memory_space<hbm>> -> memref<1x1x1x8x128xf32, #tpu.memory_space<hbm>>
      %dma_start3A_590 = tpu.memref_squeeze %dma_start3A_589 : memref<1x1x1x8x128xf32, #tpu.memory_space<hbm>> -> memref<8x128xf32, #tpu.memory_space<hbm>>
      %dma_start3A_591 = arith.constant 0 : i32
      %dma_start3A_592 = arith.constant 0 : i32
      %dma_start3A_593 = tpu.memref_slice %arg5[%add3A_483, %dma_start3A_582, %add3A, %dma_start3A_591, %dma_start3A_592] : memref<200x8x32x8x128xf32, #tpu.memory_space<hbm>> -> memref<1x1x1x8x128xf32, #tpu.memory_space<hbm>>
      %dma_start3A_594 = tpu.memref_squeeze %dma_start3A_593 : memref<1x1x1x8x128xf32, #tpu.memory_space<hbm>> -> memref<8x128xf32, #tpu.memory_space<hbm>>
      %dma_start3A_595 = arith.constant 32 : i32
      %dma_start3A_596 = arith.constant 0 : i32
      %dma_start3A_597 = tpu.memref_slice %arg8[%dma_start3A_581, %dma_start3A_595, %dma_start3A_596] : memref<2x64x128xf32, #tpu.memory_space<vmem>> -> memref<1x8x128xf32, #tpu.memory_space<vmem>>
      %dma_start3A_598 = tpu.memref_squeeze %dma_start3A_597 : memref<1x8x128xf32, #tpu.memory_space<vmem>> -> memref<8x128xf32, #tpu.memory_space<vmem>>
      tpu.enqueue_dma source(%dma_start3A_598 : memref<8x128xf32, #tpu.memory_space<vmem>>) target(%dma_start3A_594 : memref<8x128xf32, #tpu.memory_space<hbm>>) target_semaphore(%arg18 : memref<!tpu.dma_semaphore, #tpu.memory_space<semaphore_mem>>)
      %dma_start3A_599 = arith.constant 0 : i32
      %dma_start3A_600 = arith.constant 5 : i32
      %dma_start3A_601 = arith.constant 40 : i32
      %dma_start3A_602 = arith.constant 0 : i32
      %dma_start3A_603 = tpu.memref_slice %arg8[%dma_start3A_599, %dma_start3A_601, %dma_start3A_602] : memref<2x64x128xf32, #tpu.memory_space<vmem>> -> memref<1x8x128xf32, #tpu.memory_space<vmem>>
      %dma_start3A_604 = tpu.memref_squeeze %dma_start3A_603 : memref<1x8x128xf32, #tpu.memory_space<vmem>> -> memref<8x128xf32, #tpu.memory_space<vmem>>
      %dma_start3A_605 = arith.constant 0 : i32
      %dma_start3A_606 = arith.constant 0 : i32
      %dma_start3A_607 = tpu.memref_slice %arg5[%add3A_483, %dma_start3A_600, %add3A, %dma_start3A_605, %dma_start3A_606] : memref<200x8x32x8x128xf32, #tpu.memory_space<hbm>> -> memref<1x1x1x8x128xf32, #tpu.memory_space<hbm>>
      %dma_start3A_608 = tpu.memref_squeeze %dma_start3A_607 : memref<1x1x1x8x128xf32, #tpu.memory_space<hbm>> -> memref<8x128xf32, #tpu.memory_space<hbm>>
      %dma_start3A_609 = arith.constant 0 : i32
      %dma_start3A_610 = arith.constant 0 : i32
      %dma_start3A_611 = tpu.memref_slice %arg5[%add3A_483, %dma_start3A_600, %add3A, %dma_start3A_609, %dma_start3A_610] : memref<200x8x32x8x128xf32, #tpu.memory_space<hbm>> -> memref<1x1x1x8x128xf32, #tpu.memory_space<hbm>>
      %dma_start3A_612 = tpu.memref_squeeze %dma_start3A_611 : memref<1x1x1x8x128xf32, #tpu.memory_space<hbm>> -> memref<8x128xf32, #tpu.memory_space<hbm>>
      %dma_start3A_613 = arith.constant 40 : i32
      %dma_start3A_614 = arith.constant 0 : i32
      %dma_start3A_615 = tpu.memref_slice %arg8[%dma_start3A_599, %dma_start3A_613, %dma_start3A_614] : memref<2x64x128xf32, #tpu.memory_space<vmem>> -> memref<1x8x128xf32, #tpu.memory_space<vmem>>
      %dma_start3A_616 = tpu.memref_squeeze %dma_start3A_615 : memref<1x8x128xf32, #tpu.memory_space<vmem>> -> memref<8x128xf32, #tpu.memory_space<vmem>>
      tpu.enqueue_dma source(%dma_start3A_616 : memref<8x128xf32, #tpu.memory_space<vmem>>) target(%dma_start3A_612 : memref<8x128xf32, #tpu.memory_space<hbm>>) target_semaphore(%arg18 : memref<!tpu.dma_semaphore, #tpu.memory_space<semaphore_mem>>)
      %dma_start3A_617 = arith.constant 0 : i32
      %dma_start3A_618 = arith.constant 6 : i32
      %dma_start3A_619 = arith.constant 48 : i32
      %dma_start3A_620 = arith.constant 0 : i32
      %dma_start3A_621 = tpu.memref_slice %arg8[%dma_start3A_617, %dma_start3A_619, %dma_start3A_620] : memref<2x64x128xf32, #tpu.memory_space<vmem>> -> memref<1x8x128xf32, #tpu.memory_space<vmem>>
      %dma_start3A_622 = tpu.memref_squeeze %dma_start3A_621 : memref<1x8x128xf32, #tpu.memory_space<vmem>> -> memref<8x128xf32, #tpu.memory_space<vmem>>
      %dma_start3A_623 = arith.constant 0 : i32
      %dma_start3A_624 = arith.constant 0 : i32
      %dma_start3A_625 = tpu.memref_slice %arg5[%add3A_483, %dma_start3A_618, %add3A, %dma_start3A_623, %dma_start3A_624] : memref<200x8x32x8x128xf32, #tpu.memory_space<hbm>> -> memref<1x1x1x8x128xf32, #tpu.memory_space<hbm>>
      %dma_start3A_626 = tpu.memref_squeeze %dma_start3A_625 : memref<1x1x1x8x128xf32, #tpu.memory_space<hbm>> -> memref<8x128xf32, #tpu.memory_space<hbm>>
      %dma_start3A_627 = arith.constant 0 : i32
      %dma_start3A_628 = arith.constant 0 : i32
      %dma_start3A_629 = tpu.memref_slice %arg5[%add3A_483, %dma_start3A_618, %add3A, %dma_start3A_627, %dma_start3A_628] : memref<200x8x32x8x128xf32, #tpu.memory_space<hbm>> -> memref<1x1x1x8x128xf32, #tpu.memory_space<hbm>>
      %dma_start3A_630 = tpu.memref_squeeze %dma_start3A_629 : memref<1x1x1x8x128xf32, #tpu.memory_space<hbm>> -> memref<8x128xf32, #tpu.memory_space<hbm>>
      %dma_start3A_631 = arith.constant 48 : i32
      %dma_start3A_632 = arith.constant 0 : i32
      %dma_start3A_633 = tpu.memref_slice %arg8[%dma_start3A_617, %dma_start3A_631, %dma_start3A_632] : memref<2x64x128xf32, #tpu.memory_space<vmem>> -> memref<1x8x128xf32, #tpu.memory_space<vmem>>
      %dma_start3A_634 = tpu.memref_squeeze %dma_start3A_633 : memref<1x8x128xf32, #tpu.memory_space<vmem>> -> memref<8x128xf32, #tpu.memory_space<vmem>>
      tpu.enqueue_dma source(%dma_start3A_634 : memref<8x128xf32, #tpu.memory_space<vmem>>) target(%dma_start3A_630 : memref<8x128xf32, #tpu.memory_space<hbm>>) target_semaphore(%arg18 : memref<!tpu.dma_semaphore, #tpu.memory_space<semaphore_mem>>)
      %dma_start3A_635 = arith.constant 0 : i32
      %dma_start3A_636 = arith.constant 7 : i32
      %dma_start3A_637 = arith.constant 56 : i32
      %dma_start3A_638 = arith.constant 0 : i32
      %dma_start3A_639 = tpu.memref_slice %arg8[%dma_start3A_635, %dma_start3A_637, %dma_start3A_638] : memref<2x64x128xf32, #tpu.memory_space<vmem>> -> memref<1x8x128xf32, #tpu.memory_space<vmem>>
      %dma_start3A_640 = tpu.memref_squeeze %dma_start3A_639 : memref<1x8x128xf32, #tpu.memory_space<vmem>> -> memref<8x128xf32, #tpu.memory_space<vmem>>
      %dma_start3A_641 = arith.constant 0 : i32
      %dma_start3A_642 = arith.constant 0 : i32
      %dma_start3A_643 = tpu.memref_slice %arg5[%add3A_483, %dma_start3A_636, %add3A, %dma_start3A_641, %dma_start3A_642] : memref<200x8x32x8x128xf32, #tpu.memory_space<hbm>> -> memref<1x1x1x8x128xf32, #tpu.memory_space<hbm>>
      %dma_start3A_644 = tpu.memref_squeeze %dma_start3A_643 : memref<1x1x1x8x128xf32, #tpu.memory_space<hbm>> -> memref<8x128xf32, #tpu.memory_space<hbm>>
      %dma_start3A_645 = arith.constant 0 : i32
      %dma_start3A_646 = arith.constant 0 : i32
      %dma_start3A_647 = tpu.memref_slice %arg5[%add3A_483, %dma_start3A_636, %add3A, %dma_start3A_645, %dma_start3A_646] : memref<200x8x32x8x128xf32, #tpu.memory_space<hbm>> -> memref<1x1x1x8x128xf32, #tpu.memory_space<hbm>>
      %dma_start3A_648 = tpu.memref_squeeze %dma_start3A_647 : memref<1x1x1x8x128xf32, #tpu.memory_space<hbm>> -> memref<8x128xf32, #tpu.memory_space<hbm>>
      %dma_start3A_649 = arith.constant 56 : i32
      %dma_start3A_650 = arith.constant 0 : i32
      %dma_start3A_651 = tpu.memref_slice %arg8[%dma_start3A_635, %dma_start3A_649, %dma_start3A_650] : memref<2x64x128xf32, #tpu.memory_space<vmem>> -> memref<1x8x128xf32, #tpu.memory_space<vmem>>
      %dma_start3A_652 = tpu.memref_squeeze %dma_start3A_651 : memref<1x8x128xf32, #tpu.memory_space<vmem>> -> memref<8x128xf32, #tpu.memory_space<vmem>>
      tpu.enqueue_dma source(%dma_start3A_652 : memref<8x128xf32, #tpu.memory_space<vmem>>) target(%dma_start3A_648 : memref<8x128xf32, #tpu.memory_space<hbm>>) target_semaphore(%arg18 : memref<!tpu.dma_semaphore, #tpu.memory_space<semaphore_mem>>)
      %add3A_653 = arith.constant 4 : i32
      %add3A_654 = arith.addi %add3A_483, %add3A_653 : i32
      %lt3A_655 = arith.constant 200 : i32
      %lt3A_656 = arith.cmpi slt, %add3A_654, %lt3A_655 : i32
      %convert_element_type3A_657 = arith.extui %lt3A_656 : i1 to i32
      %cond3A_658 = arith.constant 0 : i32
      %cond3A_659 = arith.cmpi ne, %convert_element_type3A_657, %cond3A_658 : i32
      scf.if %cond3A_659 {
        %add3A_1212 = arith.constant 4 : i32
        %add3A_1213 = arith.addi %add3A_483, %add3A_1212 : i32
        %dma_wait3A_1214 = arith.constant 0 : i32
        %dma_wait3A_1215 = arith.constant 0 : i32
        %dma_wait3A_1216 = tpu.memref_slice %arg6[%dma_wait3A_1214, %dma_wait3A_1215] : memref<4x128xi32, #tpu.memory_space<vmem>> -> memref<1x128xi32, #tpu.memory_space<vmem>>
        %dma_wait3A_1217 = tpu.memref_squeeze %dma_wait3A_1216 : memref<1x128xi32, #tpu.memory_space<vmem>> -> memref<128xi32, #tpu.memory_space<vmem>>
        %dma_wait3A_1218 = tpu.memref_slice %arg2[%add3A_1213, %mul3A_2] : memref<200x4096xi32, #tpu.memory_space<hbm>> -> memref<1x128xi32, #tpu.memory_space<hbm>>
        %dma_wait3A_1219 = tpu.memref_squeeze %dma_wait3A_1218 : memref<1x128xi32, #tpu.memory_space<hbm>> -> memref<128xi32, #tpu.memory_space<hbm>>
        %dma_wait3A_1220 = arith.constant 0 : i32
        %dma_wait3A_1221 = tpu.memref_slice %arg6[%dma_wait3A_1214, %dma_wait3A_1220] : memref<4x128xi32, #tpu.memory_space<vmem>> -> memref<1x128xi32, #tpu.memory_space<vmem>>
        %dma_wait3A_1222 = tpu.memref_squeeze %dma_wait3A_1221 : memref<1x128xi32, #tpu.memory_space<vmem>> -> memref<128xi32, #tpu.memory_space<vmem>>
        %dma_wait3A_1223 = tpu.memref_slice %arg2[%add3A_1213, %mul3A_2] : memref<200x4096xi32, #tpu.memory_space<hbm>> -> memref<1x128xi32, #tpu.memory_space<hbm>>
        %dma_wait3A_1224 = tpu.memref_squeeze %dma_wait3A_1223 : memref<1x128xi32, #tpu.memory_space<hbm>> -> memref<128xi32, #tpu.memory_space<hbm>>
        tpu.wait_dma2 semaphore(%arg10 : memref<!tpu.dma_semaphore, #tpu.memory_space<semaphore_mem>>) src(%dma_wait3A_1224 : memref<128xi32, #tpu.memory_space<hbm>>) dst(%dma_wait3A_1222 : memref<128xi32, #tpu.memory_space<vmem>>)
        %dma_start3A_1225 = arith.constant 0 : i32
        %dma_start3A_1226 = arith.constant 0 : i32
        %dma_start3A_1227 = arith.constant 0 : i32
        %dma_start3A_1228 = arith.constant 0 : i32
        %dma_start3A_1229 = tpu.memref_slice %arg7[%dma_start3A_1226, %dma_start3A_1227, %dma_start3A_1228] : memref<4x128x64xf32, #tpu.memory_space<vmem>> -> memref<1x128x64xf32, #tpu.memory_space<vmem>>
        %dma_start3A_1230 = tpu.memref_squeeze %dma_start3A_1229 : memref<1x128x64xf32, #tpu.memory_space<vmem>> -> memref<128x64xf32, #tpu.memory_space<vmem>>
        %dma_start3A_1231 = arith.constant 0 : i32
        %dma_start3A_1232 = tpu.memref_slice %arg6[%dma_start3A_1225, %dma_start3A_1231] : memref<4x128xi32, #tpu.memory_space<vmem>> -> memref<1x128xi32, #tpu.memory_space<vmem>>
        %dma_start3A_1233 = tpu.memref_squeeze %dma_start3A_1232 : memref<1x128xi32, #tpu.memory_space<vmem>> -> memref<128xi32, #tpu.memory_space<vmem>>
        %dma_start3A_1234 = arith.constant 0 : i32
        %dma_start3A_1235 = arith.constant 0 : i32
        %dma_start3A_1236 = tpu.memref_slice %arg4[%dma_start3A_1234, %dma_start3A_1235] : memref<100000x64xf32, #tpu.memory_space<hbm>> -> memref<100000x64xf32, #tpu.memory_space<hbm>>
        tpu.enqueue_indirect_dma source(%dma_start3A_1236 : memref<100000x64xf32, #tpu.memory_space<hbm>>) target(%dma_start3A_1230 : memref<128x64xf32, #tpu.memory_space<vmem>>) offsets(%dma_start3A_1233 : memref<128xi32, #tpu.memory_space<vmem>>) semaphore(%arg14 : memref<!tpu.dma_semaphore, #tpu.memory_space<semaphore_mem>>)
      } else {
      }
      %add3A_660 = arith.constant 1 : i32
      %add3A_661 = arith.addi %add3A_481, %add3A_660 : i32
      %dma_wait3A_662 = arith.constant 1 : i32
      %dma_wait3A_663 = arith.constant 1 : i32
      %dma_wait3A_664 = arith.constant 0 : i32
      %dma_wait3A_665 = arith.constant 0 : i32
      %dma_wait3A_666 = tpu.memref_slice %arg7[%dma_wait3A_663, %dma_wait3A_664, %dma_wait3A_665] : memref<4x128x64xf32, #tpu.memory_space<vmem>> -> memref<1x128x64xf32, #tpu.memory_space<vmem>>
      %dma_wait3A_667 = tpu.memref_squeeze %dma_wait3A_666 : memref<1x128x64xf32, #tpu.memory_space<vmem>> -> memref<128x64xf32, #tpu.memory_space<vmem>>
      %dma_wait3A_668 = arith.constant 0 : i32
      %dma_wait3A_669 = tpu.memref_slice %arg6[%dma_wait3A_662, %dma_wait3A_668] : memref<4x128xi32, #tpu.memory_space<vmem>> -> memref<1x128xi32, #tpu.memory_space<vmem>>
      %dma_wait3A_670 = tpu.memref_squeeze %dma_wait3A_669 : memref<1x128xi32, #tpu.memory_space<vmem>> -> memref<128xi32, #tpu.memory_space<vmem>>
      %dma_wait3A_671 = arith.constant 0 : i32
      %dma_wait3A_672 = arith.constant 0 : i32
      %dma_wait3A_673 = tpu.memref_slice %arg4[%dma_wait3A_671, %dma_wait3A_672] : memref<100000x64xf32, #tpu.memory_space<hbm>> -> memref<100000x64xf32, #tpu.memory_space<hbm>>
      tpu.wait_indirect_dma semaphore(%arg15 : memref<!tpu.dma_semaphore, #tpu.memory_space<semaphore_mem>>) src(%dma_wait3A_673 : memref<100000x64xf32, #tpu.memory_space<hbm>>) dst(%dma_wait3A_667 : memref<128x64xf32, #tpu.memory_space<vmem>>)
      %add3A_674 = arith.constant 4 : i32
      %add3A_675 = arith.addi %add3A_661, %add3A_674 : i32
      %lt3A_676 = arith.constant 200 : i32
      %lt3A_677 = arith.cmpi slt, %add3A_675, %lt3A_676 : i32
      %convert_element_type3A_678 = arith.extui %lt3A_677 : i1 to i32
      %cond3A_679 = arith.constant 0 : i32
      %cond3A_680 = arith.cmpi ne, %convert_element_type3A_678, %cond3A_679 : i32
      scf.if %cond3A_680 {
        %add3A_1212 = arith.constant 4 : i32
        %add3A_1213 = arith.addi %add3A_661, %add3A_1212 : i32
        %dma_start3A_1214 = arith.constant 1 : i32
        %dma_start3A_1215 = arith.constant 0 : i32
        %dma_start3A_1216 = tpu.memref_slice %arg6[%dma_start3A_1214, %dma_start3A_1215] : memref<4x128xi32, #tpu.memory_space<vmem>> -> memref<1x128xi32, #tpu.memory_space<vmem>>
        %dma_start3A_1217 = tpu.memref_squeeze %dma_start3A_1216 : memref<1x128xi32, #tpu.memory_space<vmem>> -> memref<128xi32, #tpu.memory_space<vmem>>
        %dma_start3A_1218 = tpu.memref_slice %arg2[%add3A_1213, %mul3A_2] : memref<200x4096xi32, #tpu.memory_space<hbm>> -> memref<1x128xi32, #tpu.memory_space<hbm>>
        %dma_start3A_1219 = tpu.memref_squeeze %dma_start3A_1218 : memref<1x128xi32, #tpu.memory_space<hbm>> -> memref<128xi32, #tpu.memory_space<hbm>>
        %dma_start3A_1220 = arith.constant 0 : i32
        %dma_start3A_1221 = tpu.memref_slice %arg6[%dma_start3A_1214, %dma_start3A_1220] : memref<4x128xi32, #tpu.memory_space<vmem>> -> memref<1x128xi32, #tpu.memory_space<vmem>>
        %dma_start3A_1222 = tpu.memref_squeeze %dma_start3A_1221 : memref<1x128xi32, #tpu.memory_space<vmem>> -> memref<128xi32, #tpu.memory_space<vmem>>
        %dma_start3A_1223 = tpu.memref_slice %arg2[%add3A_1213, %mul3A_2] : memref<200x4096xi32, #tpu.memory_space<hbm>> -> memref<1x128xi32, #tpu.memory_space<hbm>>
        %dma_start3A_1224 = tpu.memref_squeeze %dma_start3A_1223 : memref<1x128xi32, #tpu.memory_space<hbm>> -> memref<128xi32, #tpu.memory_space<hbm>>
        tpu.enqueue_dma source(%dma_start3A_1224 : memref<128xi32, #tpu.memory_space<hbm>>) target(%dma_start3A_1222 : memref<128xi32, #tpu.memory_space<vmem>>) target_semaphore(%arg11 : memref<!tpu.dma_semaphore, #tpu.memory_space<semaphore_mem>>)
      } else {
      }
      %ge3A_681 = arith.constant 2 : i32
      %ge3A_682 = arith.cmpi sge, %add3A_661, %ge3A_681 : i32
      %convert_element_type3A_683 = arith.extui %ge3A_682 : i1 to i32
      %cond3A_684 = arith.constant 0 : i32
      %cond3A_685 = arith.cmpi ne, %convert_element_type3A_683, %cond3A_684 : i32
      scf.if %cond3A_685 {
        %dma_wait3A_1212 = arith.constant 1 : i32
        %dma_wait3A_1213 = arith.constant 0 : i32
        %dma_wait3A_1214 = arith.constant 0 : i32
        %dma_wait3A_1215 = arith.constant 0 : i32
        %dma_wait3A_1216 = tpu.memref_slice %arg8[%dma_wait3A_1212, %dma_wait3A_1214, %dma_wait3A_1215] : memref<2x64x128xf32, #tpu.memory_space<vmem>> -> memref<1x8x128xf32, #tpu.memory_space<vmem>>
        %dma_wait3A_1217 = tpu.memref_squeeze %dma_wait3A_1216 : memref<1x8x128xf32, #tpu.memory_space<vmem>> -> memref<8x128xf32, #tpu.memory_space<vmem>>
        %dma_wait3A_1218 = arith.constant 0 : i32
        %dma_wait3A_1219 = arith.constant 0 : i32
        %dma_wait3A_1220 = tpu.memref_slice %arg5[%add3A_661, %dma_wait3A_1213, %add3A, %dma_wait3A_1218, %dma_wait3A_1219] : memref<200x8x32x8x128xf32, #tpu.memory_space<hbm>> -> memref<1x1x1x8x128xf32, #tpu.memory_space<hbm>>
        %dma_wait3A_1221 = tpu.memref_squeeze %dma_wait3A_1220 : memref<1x1x1x8x128xf32, #tpu.memory_space<hbm>> -> memref<8x128xf32, #tpu.memory_space<hbm>>
        %dma_wait3A_1222 = arith.constant 0 : i32
        %dma_wait3A_1223 = arith.constant 0 : i32
        %dma_wait3A_1224 = tpu.memref_slice %arg5[%add3A_661, %dma_wait3A_1213, %add3A, %dma_wait3A_1222, %dma_wait3A_1223] : memref<200x8x32x8x128xf32, #tpu.memory_space<hbm>> -> memref<1x1x1x8x128xf32, #tpu.memory_space<hbm>>
        %dma_wait3A_1225 = tpu.memref_squeeze %dma_wait3A_1224 : memref<1x1x1x8x128xf32, #tpu.memory_space<hbm>> -> memref<8x128xf32, #tpu.memory_space<hbm>>
        %dma_wait3A_1226 = arith.constant 0 : i32
        %dma_wait3A_1227 = arith.constant 0 : i32
        %dma_wait3A_1228 = tpu.memref_slice %arg8[%dma_wait3A_1212, %dma_wait3A_1226, %dma_wait3A_1227] : memref<2x64x128xf32, #tpu.memory_space<vmem>> -> memref<1x8x128xf32, #tpu.memory_space<vmem>>
        %dma_wait3A_1229 = tpu.memref_squeeze %dma_wait3A_1228 : memref<1x8x128xf32, #tpu.memory_space<vmem>> -> memref<8x128xf32, #tpu.memory_space<vmem>>
        tpu.wait_dma2 semaphore(%arg19 : memref<!tpu.dma_semaphore, #tpu.memory_space<semaphore_mem>>) src(%dma_wait3A_1229 : memref<8x128xf32, #tpu.memory_space<vmem>>) dst(%dma_wait3A_1225 : memref<8x128xf32, #tpu.memory_space<hbm>>)
        %dma_wait3A_1230 = arith.constant 1 : i32
        %dma_wait3A_1231 = arith.constant 1 : i32
        %dma_wait3A_1232 = arith.constant 8 : i32
        %dma_wait3A_1233 = arith.constant 0 : i32
        %dma_wait3A_1234 = tpu.memref_slice %arg8[%dma_wait3A_1230, %dma_wait3A_1232, %dma_wait3A_1233] : memref<2x64x128xf32, #tpu.memory_space<vmem>> -> memref<1x8x128xf32, #tpu.memory_space<vmem>>
        %dma_wait3A_1235 = tpu.memref_squeeze %dma_wait3A_1234 : memref<1x8x128xf32, #tpu.memory_space<vmem>> -> memref<8x128xf32, #tpu.memory_space<vmem>>
        %dma_wait3A_1236 = arith.constant 0 : i32
        %dma_wait3A_1237 = arith.constant 0 : i32
        %dma_wait3A_1238 = tpu.memref_slice %arg5[%add3A_661, %dma_wait3A_1231, %add3A, %dma_wait3A_1236, %dma_wait3A_1237] : memref<200x8x32x8x128xf32, #tpu.memory_space<hbm>> -> memref<1x1x1x8x128xf32, #tpu.memory_space<hbm>>
        %dma_wait3A_1239 = tpu.memref_squeeze %dma_wait3A_1238 : memref<1x1x1x8x128xf32, #tpu.memory_space<hbm>> -> memref<8x128xf32, #tpu.memory_space<hbm>>
        %dma_wait3A_1240 = arith.constant 0 : i32
        %dma_wait3A_1241 = arith.constant 0 : i32
        %dma_wait3A_1242 = tpu.memref_slice %arg5[%add3A_661, %dma_wait3A_1231, %add3A, %dma_wait3A_1240, %dma_wait3A_1241] : memref<200x8x32x8x128xf32, #tpu.memory_space<hbm>> -> memref<1x1x1x8x128xf32, #tpu.memory_space<hbm>>
        %dma_wait3A_1243 = tpu.memref_squeeze %dma_wait3A_1242 : memref<1x1x1x8x128xf32, #tpu.memory_space<hbm>> -> memref<8x128xf32, #tpu.memory_space<hbm>>
        %dma_wait3A_1244 = arith.constant 8 : i32
        %dma_wait3A_1245 = arith.constant 0 : i32
        %dma_wait3A_1246 = tpu.memref_slice %arg8[%dma_wait3A_1230, %dma_wait3A_1244, %dma_wait3A_1245] : memref<2x64x128xf32, #tpu.memory_space<vmem>> -> memref<1x8x128xf32, #tpu.memory_space<vmem>>
        %dma_wait3A_1247 = tpu.memref_squeeze %dma_wait3A_1246 : memref<1x8x128xf32, #tpu.memory_space<vmem>> -> memref<8x128xf32, #tpu.memory_space<vmem>>
        tpu.wait_dma2 semaphore(%arg19 : memref<!tpu.dma_semaphore, #tpu.memory_space<semaphore_mem>>) src(%dma_wait3A_1247 : memref<8x128xf32, #tpu.memory_space<vmem>>) dst(%dma_wait3A_1243 : memref<8x128xf32, #tpu.memory_space<hbm>>)
        %dma_wait3A_1248 = arith.constant 1 : i32
        %dma_wait3A_1249 = arith.constant 2 : i32
        %dma_wait3A_1250 = arith.constant 16 : i32
        %dma_wait3A_1251 = arith.constant 0 : i32
        %dma_wait3A_1252 = tpu.memref_slice %arg8[%dma_wait3A_1248, %dma_wait3A_1250, %dma_wait3A_1251] : memref<2x64x128xf32, #tpu.memory_space<vmem>> -> memref<1x8x128xf32, #tpu.memory_space<vmem>>
        %dma_wait3A_1253 = tpu.memref_squeeze %dma_wait3A_1252 : memref<1x8x128xf32, #tpu.memory_space<vmem>> -> memref<8x128xf32, #tpu.memory_space<vmem>>
        %dma_wait3A_1254 = arith.constant 0 : i32
        %dma_wait3A_1255 = arith.constant 0 : i32
        %dma_wait3A_1256 = tpu.memref_slice %arg5[%add3A_661, %dma_wait3A_1249, %add3A, %dma_wait3A_1254, %dma_wait3A_1255] : memref<200x8x32x8x128xf32, #tpu.memory_space<hbm>> -> memref<1x1x1x8x128xf32, #tpu.memory_space<hbm>>
        %dma_wait3A_1257 = tpu.memref_squeeze %dma_wait3A_1256 : memref<1x1x1x8x128xf32, #tpu.memory_space<hbm>> -> memref<8x128xf32, #tpu.memory_space<hbm>>
        %dma_wait3A_1258 = arith.constant 0 : i32
        %dma_wait3A_1259 = arith.constant 0 : i32
        %dma_wait3A_1260 = tpu.memref_slice %arg5[%add3A_661, %dma_wait3A_1249, %add3A, %dma_wait3A_1258, %dma_wait3A_1259] : memref<200x8x32x8x128xf32, #tpu.memory_space<hbm>> -> memref<1x1x1x8x128xf32, #tpu.memory_space<hbm>>
        %dma_wait3A_1261 = tpu.memref_squeeze %dma_wait3A_1260 : memref<1x1x1x8x128xf32, #tpu.memory_space<hbm>> -> memref<8x128xf32, #tpu.memory_space<hbm>>
        %dma_wait3A_1262 = arith.constant 16 : i32
        %dma_wait3A_1263 = arith.constant 0 : i32
        %dma_wait3A_1264 = tpu.memref_slice %arg8[%dma_wait3A_1248, %dma_wait3A_1262, %dma_wait3A_1263] : memref<2x64x128xf32, #tpu.memory_space<vmem>> -> memref<1x8x128xf32, #tpu.memory_space<vmem>>
        %dma_wait3A_1265 = tpu.memref_squeeze %dma_wait3A_1264 : memref<1x8x128xf32, #tpu.memory_space<vmem>> -> memref<8x128xf32, #tpu.memory_space<vmem>>
        tpu.wait_dma2 semaphore(%arg19 : memref<!tpu.dma_semaphore, #tpu.memory_space<semaphore_mem>>) src(%dma_wait3A_1265 : memref<8x128xf32, #tpu.memory_space<vmem>>) dst(%dma_wait3A_1261 : memref<8x128xf32, #tpu.memory_space<hbm>>)
        %dma_wait3A_1266 = arith.constant 1 : i32
        %dma_wait3A_1267 = arith.constant 3 : i32
        %dma_wait3A_1268 = arith.constant 24 : i32
        %dma_wait3A_1269 = arith.constant 0 : i32
        %dma_wait3A_1270 = tpu.memref_slice %arg8[%dma_wait3A_1266, %dma_wait3A_1268, %dma_wait3A_1269] : memref<2x64x128xf32, #tpu.memory_space<vmem>> -> memref<1x8x128xf32, #tpu.memory_space<vmem>>
        %dma_wait3A_1271 = tpu.memref_squeeze %dma_wait3A_1270 : memref<1x8x128xf32, #tpu.memory_space<vmem>> -> memref<8x128xf32, #tpu.memory_space<vmem>>
        %dma_wait3A_1272 = arith.constant 0 : i32
        %dma_wait3A_1273 = arith.constant 0 : i32
        %dma_wait3A_1274 = tpu.memref_slice %arg5[%add3A_661, %dma_wait3A_1267, %add3A, %dma_wait3A_1272, %dma_wait3A_1273] : memref<200x8x32x8x128xf32, #tpu.memory_space<hbm>> -> memref<1x1x1x8x128xf32, #tpu.memory_space<hbm>>
        %dma_wait3A_1275 = tpu.memref_squeeze %dma_wait3A_1274 : memref<1x1x1x8x128xf32, #tpu.memory_space<hbm>> -> memref<8x128xf32, #tpu.memory_space<hbm>>
        %dma_wait3A_1276 = arith.constant 0 : i32
        %dma_wait3A_1277 = arith.constant 0 : i32
        %dma_wait3A_1278 = tpu.memref_slice %arg5[%add3A_661, %dma_wait3A_1267, %add3A, %dma_wait3A_1276, %dma_wait3A_1277] : memref<200x8x32x8x128xf32, #tpu.memory_space<hbm>> -> memref<1x1x1x8x128xf32, #tpu.memory_space<hbm>>
        %dma_wait3A_1279 = tpu.memref_squeeze %dma_wait3A_1278 : memref<1x1x1x8x128xf32, #tpu.memory_space<hbm>> -> memref<8x128xf32, #tpu.memory_space<hbm>>
        %dma_wait3A_1280 = arith.constant 24 : i32
        %dma_wait3A_1281 = arith.constant 0 : i32
        %dma_wait3A_1282 = tpu.memref_slice %arg8[%dma_wait3A_1266, %dma_wait3A_1280, %dma_wait3A_1281] : memref<2x64x128xf32, #tpu.memory_space<vmem>> -> memref<1x8x128xf32, #tpu.memory_space<vmem>>
        %dma_wait3A_1283 = tpu.memref_squeeze %dma_wait3A_1282 : memref<1x8x128xf32, #tpu.memory_space<vmem>> -> memref<8x128xf32, #tpu.memory_space<vmem>>
        tpu.wait_dma2 semaphore(%arg19 : memref<!tpu.dma_semaphore, #tpu.memory_space<semaphore_mem>>) src(%dma_wait3A_1283 : memref<8x128xf32, #tpu.memory_space<vmem>>) dst(%dma_wait3A_1279 : memref<8x128xf32, #tpu.memory_space<hbm>>)
        %dma_wait3A_1284 = arith.constant 1 : i32
        %dma_wait3A_1285 = arith.constant 4 : i32
        %dma_wait3A_1286 = arith.constant 32 : i32
        %dma_wait3A_1287 = arith.constant 0 : i32
        %dma_wait3A_1288 = tpu.memref_slice %arg8[%dma_wait3A_1284, %dma_wait3A_1286, %dma_wait3A_1287] : memref<2x64x128xf32, #tpu.memory_space<vmem>> -> memref<1x8x128xf32, #tpu.memory_space<vmem>>
        %dma_wait3A_1289 = tpu.memref_squeeze %dma_wait3A_1288 : memref<1x8x128xf32, #tpu.memory_space<vmem>> -> memref<8x128xf32, #tpu.memory_space<vmem>>
        %dma_wait3A_1290 = arith.constant 0 : i32
        %dma_wait3A_1291 = arith.constant 0 : i32
        %dma_wait3A_1292 = tpu.memref_slice %arg5[%add3A_661, %dma_wait3A_1285, %add3A, %dma_wait3A_1290, %dma_wait3A_1291] : memref<200x8x32x8x128xf32, #tpu.memory_space<hbm>> -> memref<1x1x1x8x128xf32, #tpu.memory_space<hbm>>
        %dma_wait3A_1293 = tpu.memref_squeeze %dma_wait3A_1292 : memref<1x1x1x8x128xf32, #tpu.memory_space<hbm>> -> memref<8x128xf32, #tpu.memory_space<hbm>>
        %dma_wait3A_1294 = arith.constant 0 : i32
        %dma_wait3A_1295 = arith.constant 0 : i32
        %dma_wait3A_1296 = tpu.memref_slice %arg5[%add3A_661, %dma_wait3A_1285, %add3A, %dma_wait3A_1294, %dma_wait3A_1295] : memref<200x8x32x8x128xf32, #tpu.memory_space<hbm>> -> memref<1x1x1x8x128xf32, #tpu.memory_space<hbm>>
        %dma_wait3A_1297 = tpu.memref_squeeze %dma_wait3A_1296 : memref<1x1x1x8x128xf32, #tpu.memory_space<hbm>> -> memref<8x128xf32, #tpu.memory_space<hbm>>
        %dma_wait3A_1298 = arith.constant 32 : i32
        %dma_wait3A_1299 = arith.constant 0 : i32
        %dma_wait3A_1300 = tpu.memref_slice %arg8[%dma_wait3A_1284, %dma_wait3A_1298, %dma_wait3A_1299] : memref<2x64x128xf32, #tpu.memory_space<vmem>> -> memref<1x8x128xf32, #tpu.memory_space<vmem>>
        %dma_wait3A_1301 = tpu.memref_squeeze %dma_wait3A_1300 : memref<1x8x128xf32, #tpu.memory_space<vmem>> -> memref<8x128xf32, #tpu.memory_space<vmem>>
        tpu.wait_dma2 semaphore(%arg19 : memref<!tpu.dma_semaphore, #tpu.memory_space<semaphore_mem>>) src(%dma_wait3A_1301 : memref<8x128xf32, #tpu.memory_space<vmem>>) dst(%dma_wait3A_1297 : memref<8x128xf32, #tpu.memory_space<hbm>>)
        %dma_wait3A_1302 = arith.constant 1 : i32
        %dma_wait3A_1303 = arith.constant 5 : i32
        %dma_wait3A_1304 = arith.constant 40 : i32
        %dma_wait3A_1305 = arith.constant 0 : i32
        %dma_wait3A_1306 = tpu.memref_slice %arg8[%dma_wait3A_1302, %dma_wait3A_1304, %dma_wait3A_1305] : memref<2x64x128xf32, #tpu.memory_space<vmem>> -> memref<1x8x128xf32, #tpu.memory_space<vmem>>
        %dma_wait3A_1307 = tpu.memref_squeeze %dma_wait3A_1306 : memref<1x8x128xf32, #tpu.memory_space<vmem>> -> memref<8x128xf32, #tpu.memory_space<vmem>>
        %dma_wait3A_1308 = arith.constant 0 : i32
        %dma_wait3A_1309 = arith.constant 0 : i32
        %dma_wait3A_1310 = tpu.memref_slice %arg5[%add3A_661, %dma_wait3A_1303, %add3A, %dma_wait3A_1308, %dma_wait3A_1309] : memref<200x8x32x8x128xf32, #tpu.memory_space<hbm>> -> memref<1x1x1x8x128xf32, #tpu.memory_space<hbm>>
        %dma_wait3A_1311 = tpu.memref_squeeze %dma_wait3A_1310 : memref<1x1x1x8x128xf32, #tpu.memory_space<hbm>> -> memref<8x128xf32, #tpu.memory_space<hbm>>
        %dma_wait3A_1312 = arith.constant 0 : i32
        %dma_wait3A_1313 = arith.constant 0 : i32
        %dma_wait3A_1314 = tpu.memref_slice %arg5[%add3A_661, %dma_wait3A_1303, %add3A, %dma_wait3A_1312, %dma_wait3A_1313] : memref<200x8x32x8x128xf32, #tpu.memory_space<hbm>> -> memref<1x1x1x8x128xf32, #tpu.memory_space<hbm>>
        %dma_wait3A_1315 = tpu.memref_squeeze %dma_wait3A_1314 : memref<1x1x1x8x128xf32, #tpu.memory_space<hbm>> -> memref<8x128xf32, #tpu.memory_space<hbm>>
        %dma_wait3A_1316 = arith.constant 40 : i32
        %dma_wait3A_1317 = arith.constant 0 : i32
        %dma_wait3A_1318 = tpu.memref_slice %arg8[%dma_wait3A_1302, %dma_wait3A_1316, %dma_wait3A_1317] : memref<2x64x128xf32, #tpu.memory_space<vmem>> -> memref<1x8x128xf32, #tpu.memory_space<vmem>>
        %dma_wait3A_1319 = tpu.memref_squeeze %dma_wait3A_1318 : memref<1x8x128xf32, #tpu.memory_space<vmem>> -> memref<8x128xf32, #tpu.memory_space<vmem>>
        tpu.wait_dma2 semaphore(%arg19 : memref<!tpu.dma_semaphore, #tpu.memory_space<semaphore_mem>>) src(%dma_wait3A_1319 : memref<8x128xf32, #tpu.memory_space<vmem>>) dst(%dma_wait3A_1315 : memref<8x128xf32, #tpu.memory_space<hbm>>)
        %dma_wait3A_1320 = arith.constant 1 : i32
        %dma_wait3A_1321 = arith.constant 6 : i32
        %dma_wait3A_1322 = arith.constant 48 : i32
        %dma_wait3A_1323 = arith.constant 0 : i32
        %dma_wait3A_1324 = tpu.memref_slice %arg8[%dma_wait3A_1320, %dma_wait3A_1322, %dma_wait3A_1323] : memref<2x64x128xf32, #tpu.memory_space<vmem>> -> memref<1x8x128xf32, #tpu.memory_space<vmem>>
        %dma_wait3A_1325 = tpu.memref_squeeze %dma_wait3A_1324 : memref<1x8x128xf32, #tpu.memory_space<vmem>> -> memref<8x128xf32, #tpu.memory_space<vmem>>
        %dma_wait3A_1326 = arith.constant 0 : i32
        %dma_wait3A_1327 = arith.constant 0 : i32
        %dma_wait3A_1328 = tpu.memref_slice %arg5[%add3A_661, %dma_wait3A_1321, %add3A, %dma_wait3A_1326, %dma_wait3A_1327] : memref<200x8x32x8x128xf32, #tpu.memory_space<hbm>> -> memref<1x1x1x8x128xf32, #tpu.memory_space<hbm>>
        %dma_wait3A_1329 = tpu.memref_squeeze %dma_wait3A_1328 : memref<1x1x1x8x128xf32, #tpu.memory_space<hbm>> -> memref<8x128xf32, #tpu.memory_space<hbm>>
        %dma_wait3A_1330 = arith.constant 0 : i32
        %dma_wait3A_1331 = arith.constant 0 : i32
        %dma_wait3A_1332 = tpu.memref_slice %arg5[%add3A_661, %dma_wait3A_1321, %add3A, %dma_wait3A_1330, %dma_wait3A_1331] : memref<200x8x32x8x128xf32, #tpu.memory_space<hbm>> -> memref<1x1x1x8x128xf32, #tpu.memory_space<hbm>>
        %dma_wait3A_1333 = tpu.memref_squeeze %dma_wait3A_1332 : memref<1x1x1x8x128xf32, #tpu.memory_space<hbm>> -> memref<8x128xf32, #tpu.memory_space<hbm>>
        %dma_wait3A_1334 = arith.constant 48 : i32
        %dma_wait3A_1335 = arith.constant 0 : i32
        %dma_wait3A_1336 = tpu.memref_slice %arg8[%dma_wait3A_1320, %dma_wait3A_1334, %dma_wait3A_1335] : memref<2x64x128xf32, #tpu.memory_space<vmem>> -> memref<1x8x128xf32, #tpu.memory_space<vmem>>
        %dma_wait3A_1337 = tpu.memref_squeeze %dma_wait3A_1336 : memref<1x8x128xf32, #tpu.memory_space<vmem>> -> memref<8x128xf32, #tpu.memory_space<vmem>>
        tpu.wait_dma2 semaphore(%arg19 : memref<!tpu.dma_semaphore, #tpu.memory_space<semaphore_mem>>) src(%dma_wait3A_1337 : memref<8x128xf32, #tpu.memory_space<vmem>>) dst(%dma_wait3A_1333 : memref<8x128xf32, #tpu.memory_space<hbm>>)
        %dma_wait3A_1338 = arith.constant 1 : i32
        %dma_wait3A_1339 = arith.constant 7 : i32
        %dma_wait3A_1340 = arith.constant 56 : i32
        %dma_wait3A_1341 = arith.constant 0 : i32
        %dma_wait3A_1342 = tpu.memref_slice %arg8[%dma_wait3A_1338, %dma_wait3A_1340, %dma_wait3A_1341] : memref<2x64x128xf32, #tpu.memory_space<vmem>> -> memref<1x8x128xf32, #tpu.memory_space<vmem>>
        %dma_wait3A_1343 = tpu.memref_squeeze %dma_wait3A_1342 : memref<1x8x128xf32, #tpu.memory_space<vmem>> -> memref<8x128xf32, #tpu.memory_space<vmem>>
        %dma_wait3A_1344 = arith.constant 0 : i32
        %dma_wait3A_1345 = arith.constant 0 : i32
        %dma_wait3A_1346 = tpu.memref_slice %arg5[%add3A_661, %dma_wait3A_1339, %add3A, %dma_wait3A_1344, %dma_wait3A_1345] : memref<200x8x32x8x128xf32, #tpu.memory_space<hbm>> -> memref<1x1x1x8x128xf32, #tpu.memory_space<hbm>>
        %dma_wait3A_1347 = tpu.memref_squeeze %dma_wait3A_1346 : memref<1x1x1x8x128xf32, #tpu.memory_space<hbm>> -> memref<8x128xf32, #tpu.memory_space<hbm>>
        %dma_wait3A_1348 = arith.constant 0 : i32
        %dma_wait3A_1349 = arith.constant 0 : i32
        %dma_wait3A_1350 = tpu.memref_slice %arg5[%add3A_661, %dma_wait3A_1339, %add3A, %dma_wait3A_1348, %dma_wait3A_1349] : memref<200x8x32x8x128xf32, #tpu.memory_space<hbm>> -> memref<1x1x1x8x128xf32, #tpu.memory_space<hbm>>
        %dma_wait3A_1351 = tpu.memref_squeeze %dma_wait3A_1350 : memref<1x1x1x8x128xf32, #tpu.memory_space<hbm>> -> memref<8x128xf32, #tpu.memory_space<hbm>>
        %dma_wait3A_1352 = arith.constant 56 : i32
        %dma_wait3A_1353 = arith.constant 0 : i32
        %dma_wait3A_1354 = tpu.memref_slice %arg8[%dma_wait3A_1338, %dma_wait3A_1352, %dma_wait3A_1353] : memref<2x64x128xf32, #tpu.memory_space<vmem>> -> memref<1x8x128xf32, #tpu.memory_space<vmem>>
        %dma_wait3A_1355 = tpu.memref_squeeze %dma_wait3A_1354 : memref<1x8x128xf32, #tpu.memory_space<vmem>> -> memref<8x128xf32, #tpu.memory_space<vmem>>
        tpu.wait_dma2 semaphore(%arg19 : memref<!tpu.dma_semaphore, #tpu.memory_space<semaphore_mem>>) src(%dma_wait3A_1355 : memref<8x128xf32, #tpu.memory_space<vmem>>) dst(%dma_wait3A_1351 : memref<8x128xf32, #tpu.memory_space<hbm>>)
      } else {
      }
      %broadcast_in_dim3A_686 = arith.constant 0 : i32
      %broadcast_in_dim3A_687 = vector.broadcast %broadcast_in_dim3A_686 : i32 to vector<16xi32>
      %add3A_688 = vector.broadcast %add3A_661 : i32 to vector<16xi32>
      %add3A_689 = arith.addi %broadcast_in_dim3A_687, %add3A_688 : vector<16xi32>
      %parallel_loop3A_690 = arith.constant 0 : i32
      %parallel_loop3A_691 = arith.constant 64 : i32
      %parallel_loop3A_692 = arith.constant 1 : i32
      scf.for %parallel_loop3A_1212 = %parallel_loop3A_690 to %parallel_loop3A_691 step %parallel_loop3A_692  : i32 {
        %parallel_loop3A_1213 = vector.broadcast %parallel_loop3A_1212 : i32 to vector<16xi32>
        %parallel_loop3A_1214 = arith.addi %iota3A, %parallel_loop3A_1213 : vector<16xi32>
        %parallel_loop3A_1215 = arith.constant 15 : i32
        %parallel_loop3A_1216 = vector.broadcast %parallel_loop3A_1215 : i32 to vector<16xi32>
        %parallel_loop3A_1217 = arith.andi %parallel_loop3A_1214, %parallel_loop3A_1216 : vector<16xi32>
        %parallel_loop3A_1218 = arith.constant 48 : i32
        %parallel_loop3A_1219 = arith.andi %parallel_loop3A_1212, %parallel_loop3A_1218 : i32
        %parallel_loop3A_1220 = vector.broadcast %parallel_loop3A_1219 : i32 to vector<16xi32>
        %parallel_loop3A_1221 = arith.addi %parallel_loop3A_1217, %parallel_loop3A_1220 : vector<16xi32>
        %parallel_loop3A_1222 = tpu.vector_load_idx %arg9[%add3A_689, %parallel_loop3A_1221] : memref<200x64xf32, #tpu.memory_space<vmem>>[vector<16xi32>, vector<16xi32>], vector<16xf32>,
        %parallel_loop3A_1223 = arith.constant 1 : i32
        %parallel_loop3A_1224 = arith.constant 0 : i32
        %parallel_loop3A_1225 = arith.constant 0 : i32
        %parallel_loop3A_1226 = tpu.memref_slice %arg7[%parallel_loop3A_1223, %parallel_loop3A_1224, %parallel_loop3A_1225] : memref<4x128x64xf32, #tpu.memory_space<vmem>> -> memref<1x128x64xf32, #tpu.memory_space<vmem>>
        %parallel_loop3A_1227 = tpu.memref_squeeze %parallel_loop3A_1226 : memref<1x128x64xf32, #tpu.memory_space<vmem>> -> memref<128x64xf32, #tpu.memory_space<vmem>>
        %parallel_loop3A_1228 = tpu.vector_load_idx %parallel_loop3A_1227[%add3A_5, %parallel_loop3A_1221] : memref<128x64xf32, #tpu.memory_space<vmem>>[vector<16xi32>, vector<16xi32>], vector<16xf32>,
        %parallel_loop3A_1229 = arith.constant 8.000000e+00 : f32
        %parallel_loop3A_1230 = vector.broadcast %parallel_loop3A_1229 : f32 to vector<16xf32>
        %parallel_loop3A_1231 = arith.mulf %parallel_loop3A_1228, %parallel_loop3A_1230 : vector<16xf32>
        %parallel_loop3A_1232 = arith.addf %parallel_loop3A_1231, %parallel_loop3A_1222 : vector<16xf32>
        %parallel_loop3A_1233 = arith.constant 1 : i32
        %parallel_loop3A_1234 = arith.constant 0 : i32
        %parallel_loop3A_1235 = arith.constant 0 : i32
        %parallel_loop3A_1236 = tpu.memref_slice %arg8[%parallel_loop3A_1233, %parallel_loop3A_1234, %parallel_loop3A_1235] : memref<2x64x128xf32, #tpu.memory_space<vmem>> -> memref<1x64x128xf32, #tpu.memory_space<vmem>>
        %parallel_loop3A_1237 = tpu.memref_squeeze %parallel_loop3A_1236 : memref<1x64x128xf32, #tpu.memory_space<vmem>> -> memref<64x128xf32, #tpu.memory_space<vmem>>
        tpu.vector_store_idx %parallel_loop3A_1237[%parallel_loop3A_1221, %add3A_5], %parallel_loop3A_1232 : memref<64x128xf32, #tpu.memory_space<vmem>>[vector<16xi32>, vector<16xi32>], vector<16xf32>,
        %parallel_loop3A_1238 = arith.constant 1 : i32
        %parallel_loop3A_1239 = arith.constant 0 : i32
        %parallel_loop3A_1240 = arith.constant 0 : i32
        %parallel_loop3A_1241 = tpu.memref_slice %arg7[%parallel_loop3A_1238, %parallel_loop3A_1239, %parallel_loop3A_1240] : memref<4x128x64xf32, #tpu.memory_space<vmem>> -> memref<1x128x64xf32, #tpu.memory_space<vmem>>
        %parallel_loop3A_1242 = tpu.memref_squeeze %parallel_loop3A_1241 : memref<1x128x64xf32, #tpu.memory_space<vmem>> -> memref<128x64xf32, #tpu.memory_space<vmem>>
        %parallel_loop3A_1243 = tpu.vector_load_idx %parallel_loop3A_1242[%add3A_8, %parallel_loop3A_1221] : memref<128x64xf32, #tpu.memory_space<vmem>>[vector<16xi32>, vector<16xi32>], vector<16xf32>,
        %parallel_loop3A_1244 = arith.constant 8.000000e+00 : f32
        %parallel_loop3A_1245 = vector.broadcast %parallel_loop3A_1244 : f32 to vector<16xf32>
        %parallel_loop3A_1246 = arith.mulf %parallel_loop3A_1243, %parallel_loop3A_1245 : vector<16xf32>
        %parallel_loop3A_1247 = arith.addf %parallel_loop3A_1246, %parallel_loop3A_1222 : vector<16xf32>
        %parallel_loop3A_1248 = arith.constant 1 : i32
        %parallel_loop3A_1249 = arith.constant 0 : i32
        %parallel_loop3A_1250 = arith.constant 0 : i32
        %parallel_loop3A_1251 = tpu.memref_slice %arg8[%parallel_loop3A_1248, %parallel_loop3A_1249, %parallel_loop3A_1250] : memref<2x64x128xf32, #tpu.memory_space<vmem>> -> memref<1x64x128xf32, #tpu.memory_space<vmem>>
        %parallel_loop3A_1252 = tpu.memref_squeeze %parallel_loop3A_1251 : memref<1x64x128xf32, #tpu.memory_space<vmem>> -> memref<64x128xf32, #tpu.memory_space<vmem>>
        tpu.vector_store_idx %parallel_loop3A_1252[%parallel_loop3A_1221, %add3A_8], %parallel_loop3A_1247 : memref<64x128xf32, #tpu.memory_space<vmem>>[vector<16xi32>, vector<16xi32>], vector<16xf32>,
        %parallel_loop3A_1253 = arith.constant 1 : i32
        %parallel_loop3A_1254 = arith.constant 0 : i32
        %parallel_loop3A_1255 = arith.constant 0 : i32
        %parallel_loop3A_1256 = tpu.memref_slice %arg7[%parallel_loop3A_1253, %parallel_loop3A_1254, %parallel_loop3A_1255] : memref<4x128x64xf32, #tpu.memory_space<vmem>> -> memref<1x128x64xf32, #tpu.memory_space<vmem>>
        %parallel_loop3A_1257 = tpu.memref_squeeze %parallel_loop3A_1256 : memref<1x128x64xf32, #tpu.memory_space<vmem>> -> memref<128x64xf32, #tpu.memory_space<vmem>>
        %parallel_loop3A_1258 = tpu.vector_load_idx %parallel_loop3A_1257[%add3A_11, %parallel_loop3A_1221] : memref<128x64xf32, #tpu.memory_space<vmem>>[vector<16xi32>, vector<16xi32>], vector<16xf32>,
        %parallel_loop3A_1259 = arith.constant 8.000000e+00 : f32
        %parallel_loop3A_1260 = vector.broadcast %parallel_loop3A_1259 : f32 to vector<16xf32>
        %parallel_loop3A_1261 = arith.mulf %parallel_loop3A_1258, %parallel_loop3A_1260 : vector<16xf32>
        %parallel_loop3A_1262 = arith.addf %parallel_loop3A_1261, %parallel_loop3A_1222 : vector<16xf32>
        %parallel_loop3A_1263 = arith.constant 1 : i32
        %parallel_loop3A_1264 = arith.constant 0 : i32
        %parallel_loop3A_1265 = arith.constant 0 : i32
        %parallel_loop3A_1266 = tpu.memref_slice %arg8[%parallel_loop3A_1263, %parallel_loop3A_1264, %parallel_loop3A_1265] : memref<2x64x128xf32, #tpu.memory_space<vmem>> -> memref<1x64x128xf32, #tpu.memory_space<vmem>>
        %parallel_loop3A_1267 = tpu.memref_squeeze %parallel_loop3A_1266 : memref<1x64x128xf32, #tpu.memory_space<vmem>> -> memref<64x128xf32, #tpu.memory_space<vmem>>
        tpu.vector_store_idx %parallel_loop3A_1267[%parallel_loop3A_1221, %add3A_11], %parallel_loop3A_1262 : memref<64x128xf32, #tpu.memory_space<vmem>>[vector<16xi32>, vector<16xi32>], vector<16xf32>,
        %parallel_loop3A_1268 = arith.constant 1 : i32
        %parallel_loop3A_1269 = arith.constant 0 : i32
        %parallel_loop3A_1270 = arith.constant 0 : i32
        %parallel_loop3A_1271 = tpu.memref_slice %arg7[%parallel_loop3A_1268, %parallel_loop3A_1269, %parallel_loop3A_1270] : memref<4x128x64xf32, #tpu.memory_space<vmem>> -> memref<1x128x64xf32, #tpu.memory_space<vmem>>
        %parallel_loop3A_1272 = tpu.memref_squeeze %parallel_loop3A_1271 : memref<1x128x64xf32, #tpu.memory_space<vmem>> -> memref<128x64xf32, #tpu.memory_space<vmem>>
        %parallel_loop3A_1273 = tpu.vector_load_idx %parallel_loop3A_1272[%add3A_14, %parallel_loop3A_1221] : memref<128x64xf32, #tpu.memory_space<vmem>>[vector<16xi32>, vector<16xi32>], vector<16xf32>,
        %parallel_loop3A_1274 = arith.constant 8.000000e+00 : f32
        %parallel_loop3A_1275 = vector.broadcast %parallel_loop3A_1274 : f32 to vector<16xf32>
        %parallel_loop3A_1276 = arith.mulf %parallel_loop3A_1273, %parallel_loop3A_1275 : vector<16xf32>
        %parallel_loop3A_1277 = arith.addf %parallel_loop3A_1276, %parallel_loop3A_1222 : vector<16xf32>
        %parallel_loop3A_1278 = arith.constant 1 : i32
        %parallel_loop3A_1279 = arith.constant 0 : i32
        %parallel_loop3A_1280 = arith.constant 0 : i32
        %parallel_loop3A_1281 = tpu.memref_slice %arg8[%parallel_loop3A_1278, %parallel_loop3A_1279, %parallel_loop3A_1280] : memref<2x64x128xf32, #tpu.memory_space<vmem>> -> memref<1x64x128xf32, #tpu.memory_space<vmem>>
        %parallel_loop3A_1282 = tpu.memref_squeeze %parallel_loop3A_1281 : memref<1x64x128xf32, #tpu.memory_space<vmem>> -> memref<64x128xf32, #tpu.memory_space<vmem>>
        tpu.vector_store_idx %parallel_loop3A_1282[%parallel_loop3A_1221, %add3A_14], %parallel_loop3A_1277 : memref<64x128xf32, #tpu.memory_space<vmem>>[vector<16xi32>, vector<16xi32>], vector<16xf32>,
        %parallel_loop3A_1283 = arith.constant 1 : i32
        %parallel_loop3A_1284 = arith.constant 0 : i32
        %parallel_loop3A_1285 = arith.constant 0 : i32
        %parallel_loop3A_1286 = tpu.memref_slice %arg7[%parallel_loop3A_1283, %parallel_loop3A_1284, %parallel_loop3A_1285] : memref<4x128x64xf32, #tpu.memory_space<vmem>> -> memref<1x128x64xf32, #tpu.memory_space<vmem>>
        %parallel_loop3A_1287 = tpu.memref_squeeze %parallel_loop3A_1286 : memref<1x128x64xf32, #tpu.memory_space<vmem>> -> memref<128x64xf32, #tpu.memory_space<vmem>>
        %parallel_loop3A_1288 = tpu.vector_load_idx %parallel_loop3A_1287[%add3A_17, %parallel_loop3A_1221] : memref<128x64xf32, #tpu.memory_space<vmem>>[vector<16xi32>, vector<16xi32>], vector<16xf32>,
        %parallel_loop3A_1289 = arith.constant 8.000000e+00 : f32
        %parallel_loop3A_1290 = vector.broadcast %parallel_loop3A_1289 : f32 to vector<16xf32>
        %parallel_loop3A_1291 = arith.mulf %parallel_loop3A_1288, %parallel_loop3A_1290 : vector<16xf32>
        %parallel_loop3A_1292 = arith.addf %parallel_loop3A_1291, %parallel_loop3A_1222 : vector<16xf32>
        %parallel_loop3A_1293 = arith.constant 1 : i32
        %parallel_loop3A_1294 = arith.constant 0 : i32
        %parallel_loop3A_1295 = arith.constant 0 : i32
        %parallel_loop3A_1296 = tpu.memref_slice %arg8[%parallel_loop3A_1293, %parallel_loop3A_1294, %parallel_loop3A_1295] : memref<2x64x128xf32, #tpu.memory_space<vmem>> -> memref<1x64x128xf32, #tpu.memory_space<vmem>>
        %parallel_loop3A_1297 = tpu.memref_squeeze %parallel_loop3A_1296 : memref<1x64x128xf32, #tpu.memory_space<vmem>> -> memref<64x128xf32, #tpu.memory_space<vmem>>
        tpu.vector_store_idx %parallel_loop3A_1297[%parallel_loop3A_1221, %add3A_17], %parallel_loop3A_1292 : memref<64x128xf32, #tpu.memory_space<vmem>>[vector<16xi32>, vector<16xi32>], vector<16xf32>,
        %parallel_loop3A_1298 = arith.constant 1 : i32
        %parallel_loop3A_1299 = arith.constant 0 : i32
        %parallel_loop3A_1300 = arith.constant 0 : i32
        %parallel_loop3A_1301 = tpu.memref_slice %arg7[%parallel_loop3A_1298, %parallel_loop3A_1299, %parallel_loop3A_1300] : memref<4x128x64xf32, #tpu.memory_space<vmem>> -> memref<1x128x64xf32, #tpu.memory_space<vmem>>
        %parallel_loop3A_1302 = tpu.memref_squeeze %parallel_loop3A_1301 : memref<1x128x64xf32, #tpu.memory_space<vmem>> -> memref<128x64xf32, #tpu.memory_space<vmem>>
        %parallel_loop3A_1303 = tpu.vector_load_idx %parallel_loop3A_1302[%add3A_20, %parallel_loop3A_1221] : memref<128x64xf32, #tpu.memory_space<vmem>>[vector<16xi32>, vector<16xi32>], vector<16xf32>,
        %parallel_loop3A_1304 = arith.constant 8.000000e+00 : f32
        %parallel_loop3A_1305 = vector.broadcast %parallel_loop3A_1304 : f32 to vector<16xf32>
        %parallel_loop3A_1306 = arith.mulf %parallel_loop3A_1303, %parallel_loop3A_1305 : vector<16xf32>
        %parallel_loop3A_1307 = arith.addf %parallel_loop3A_1306, %parallel_loop3A_1222 : vector<16xf32>
        %parallel_loop3A_1308 = arith.constant 1 : i32
        %parallel_loop3A_1309 = arith.constant 0 : i32
        %parallel_loop3A_1310 = arith.constant 0 : i32
        %parallel_loop3A_1311 = tpu.memref_slice %arg8[%parallel_loop3A_1308, %parallel_loop3A_1309, %parallel_loop3A_1310] : memref<2x64x128xf32, #tpu.memory_space<vmem>> -> memref<1x64x128xf32, #tpu.memory_space<vmem>>
        %parallel_loop3A_1312 = tpu.memref_squeeze %parallel_loop3A_1311 : memref<1x64x128xf32, #tpu.memory_space<vmem>> -> memref<64x128xf32, #tpu.memory_space<vmem>>
        tpu.vector_store_idx %parallel_loop3A_1312[%parallel_loop3A_1221, %add3A_20], %parallel_loop3A_1307 : memref<64x128xf32, #tpu.memory_space<vmem>>[vector<16xi32>, vector<16xi32>], vector<16xf32>,
        %parallel_loop3A_1313 = arith.constant 1 : i32
        %parallel_loop3A_1314 = arith.constant 0 : i32
        %parallel_loop3A_1315 = arith.constant 0 : i32
        %parallel_loop3A_1316 = tpu.memref_slice %arg7[%parallel_loop3A_1313, %parallel_loop3A_1314, %parallel_loop3A_1315] : memref<4x128x64xf32, #tpu.memory_space<vmem>> -> memref<1x128x64xf32, #tpu.memory_space<vmem>>
        %parallel_loop3A_1317 = tpu.memref_squeeze %parallel_loop3A_1316 : memref<1x128x64xf32, #tpu.memory_space<vmem>> -> memref<128x64xf32, #tpu.memory_space<vmem>>
        %parallel_loop3A_1318 = tpu.vector_load_idx %parallel_loop3A_1317[%add3A_23, %parallel_loop3A_1221] : memref<128x64xf32, #tpu.memory_space<vmem>>[vector<16xi32>, vector<16xi32>], vector<16xf32>,
        %parallel_loop3A_1319 = arith.constant 8.000000e+00 : f32
        %parallel_loop3A_1320 = vector.broadcast %parallel_loop3A_1319 : f32 to vector<16xf32>
        %parallel_loop3A_1321 = arith.mulf %parallel_loop3A_1318, %parallel_loop3A_1320 : vector<16xf32>
        %parallel_loop3A_1322 = arith.addf %parallel_loop3A_1321, %parallel_loop3A_1222 : vector<16xf32>
        %parallel_loop3A_1323 = arith.constant 1 : i32
        %parallel_loop3A_1324 = arith.constant 0 : i32
        %parallel_loop3A_1325 = arith.constant 0 : i32
        %parallel_loop3A_1326 = tpu.memref_slice %arg8[%parallel_loop3A_1323, %parallel_loop3A_1324, %parallel_loop3A_1325] : memref<2x64x128xf32, #tpu.memory_space<vmem>> -> memref<1x64x128xf32, #tpu.memory_space<vmem>>
        %parallel_loop3A_1327 = tpu.memref_squeeze %parallel_loop3A_1326 : memref<1x64x128xf32, #tpu.memory_space<vmem>> -> memref<64x128xf32, #tpu.memory_space<vmem>>
        tpu.vector_store_idx %parallel_loop3A_1327[%parallel_loop3A_1221, %add3A_23], %parallel_loop3A_1322 : memref<64x128xf32, #tpu.memory_space<vmem>>[vector<16xi32>, vector<16xi32>], vector<16xf32>,
        %parallel_loop3A_1328 = arith.constant 1 : i32
        %parallel_loop3A_1329 = arith.constant 0 : i32
        %parallel_loop3A_1330 = arith.constant 0 : i32
        %parallel_loop3A_1331 = tpu.memref_slice %arg7[%parallel_loop3A_1328, %parallel_loop3A_1329, %parallel_loop3A_1330] : memref<4x128x64xf32, #tpu.memory_space<vmem>> -> memref<1x128x64xf32, #tpu.memory_space<vmem>>
        %parallel_loop3A_1332 = tpu.memref_squeeze %parallel_loop3A_1331 : memref<1x128x64xf32, #tpu.memory_space<vmem>> -> memref<128x64xf32, #tpu.memory_space<vmem>>
        %parallel_loop3A_1333 = tpu.vector_load_idx %parallel_loop3A_1332[%add3A_26, %parallel_loop3A_1221] : memref<128x64xf32, #tpu.memory_space<vmem>>[vector<16xi32>, vector<16xi32>], vector<16xf32>,
        %parallel_loop3A_1334 = arith.constant 8.000000e+00 : f32
        %parallel_loop3A_1335 = vector.broadcast %parallel_loop3A_1334 : f32 to vector<16xf32>
        %parallel_loop3A_1336 = arith.mulf %parallel_loop3A_1333, %parallel_loop3A_1335 : vector<16xf32>
        %parallel_loop3A_1337 = arith.addf %parallel_loop3A_1336, %parallel_loop3A_1222 : vector<16xf32>
        %parallel_loop3A_1338 = arith.constant 1 : i32
        %parallel_loop3A_1339 = arith.constant 0 : i32
        %parallel_loop3A_1340 = arith.constant 0 : i32
        %parallel_loop3A_1341 = tpu.memref_slice %arg8[%parallel_loop3A_1338, %parallel_loop3A_1339, %parallel_loop3A_1340] : memref<2x64x128xf32, #tpu.memory_space<vmem>> -> memref<1x64x128xf32, #tpu.memory_space<vmem>>
        %parallel_loop3A_1342 = tpu.memref_squeeze %parallel_loop3A_1341 : memref<1x64x128xf32, #tpu.memory_space<vmem>> -> memref<64x128xf32, #tpu.memory_space<vmem>>
        tpu.vector_store_idx %parallel_loop3A_1342[%parallel_loop3A_1221, %add3A_26], %parallel_loop3A_1337 : memref<64x128xf32, #tpu.memory_space<vmem>>[vector<16xi32>, vector<16xi32>], vector<16xf32>,
      } {sc.loop_unroll_factor = 2 : i64, sc.parallel_access}
      %dma_start3A_693 = arith.constant 1 : i32
      %dma_start3A_694 = arith.constant 0 : i32
      %dma_start3A_695 = arith.constant 0 : i32
      %dma_start3A_696 = arith.constant 0 : i32
      %dma_start3A_697 = tpu.memref_slice %arg8[%dma_start3A_693, %dma_start3A_695, %dma_start3A_696] : memref<2x64x128xf32, #tpu.memory_space<vmem>> -> memref<1x8x128xf32, #tpu.memory_space<vmem>>
      %dma_start3A_698 = tpu.memref_squeeze %dma_start3A_697 : memref<1x8x128xf32, #tpu.memory_space<vmem>> -> memref<8x128xf32, #tpu.memory_space<vmem>>
      %dma_start3A_699 = arith.constant 0 : i32
      %dma_start3A_700 = arith.constant 0 : i32
      %dma_start3A_701 = tpu.memref_slice %arg5[%add3A_661, %dma_start3A_694, %add3A, %dma_start3A_699, %dma_start3A_700] : memref<200x8x32x8x128xf32, #tpu.memory_space<hbm>> -> memref<1x1x1x8x128xf32, #tpu.memory_space<hbm>>
      %dma_start3A_702 = tpu.memref_squeeze %dma_start3A_701 : memref<1x1x1x8x128xf32, #tpu.memory_space<hbm>> -> memref<8x128xf32, #tpu.memory_space<hbm>>
      %dma_start3A_703 = arith.constant 0 : i32
      %dma_start3A_704 = arith.constant 0 : i32
      %dma_start3A_705 = tpu.memref_slice %arg5[%add3A_661, %dma_start3A_694, %add3A, %dma_start3A_703, %dma_start3A_704] : memref<200x8x32x8x128xf32, #tpu.memory_space<hbm>> -> memref<1x1x1x8x128xf32, #tpu.memory_space<hbm>>
      %dma_start3A_706 = tpu.memref_squeeze %dma_start3A_705 : memref<1x1x1x8x128xf32, #tpu.memory_space<hbm>> -> memref<8x128xf32, #tpu.memory_space<hbm>>
      %dma_start3A_707 = arith.constant 0 : i32
      %dma_start3A_708 = arith.constant 0 : i32
      %dma_start3A_709 = tpu.memref_slice %arg8[%dma_start3A_693, %dma_start3A_707, %dma_start3A_708] : memref<2x64x128xf32, #tpu.memory_space<vmem>> -> memref<1x8x128xf32, #tpu.memory_space<vmem>>
      %dma_start3A_710 = tpu.memref_squeeze %dma_start3A_709 : memref<1x8x128xf32, #tpu.memory_space<vmem>> -> memref<8x128xf32, #tpu.memory_space<vmem>>
      tpu.enqueue_dma source(%dma_start3A_710 : memref<8x128xf32, #tpu.memory_space<vmem>>) target(%dma_start3A_706 : memref<8x128xf32, #tpu.memory_space<hbm>>) target_semaphore(%arg19 : memref<!tpu.dma_semaphore, #tpu.memory_space<semaphore_mem>>)
      %dma_start3A_711 = arith.constant 1 : i32
      %dma_start3A_712 = arith.constant 1 : i32
      %dma_start3A_713 = arith.constant 8 : i32
      %dma_start3A_714 = arith.constant 0 : i32
      %dma_start3A_715 = tpu.memref_slice %arg8[%dma_start3A_711, %dma_start3A_713, %dma_start3A_714] : memref<2x64x128xf32, #tpu.memory_space<vmem>> -> memref<1x8x128xf32, #tpu.memory_space<vmem>>
      %dma_start3A_716 = tpu.memref_squeeze %dma_start3A_715 : memref<1x8x128xf32, #tpu.memory_space<vmem>> -> memref<8x128xf32, #tpu.memory_space<vmem>>
      %dma_start3A_717 = arith.constant 0 : i32
      %dma_start3A_718 = arith.constant 0 : i32
      %dma_start3A_719 = tpu.memref_slice %arg5[%add3A_661, %dma_start3A_712, %add3A, %dma_start3A_717, %dma_start3A_718] : memref<200x8x32x8x128xf32, #tpu.memory_space<hbm>> -> memref<1x1x1x8x128xf32, #tpu.memory_space<hbm>>
      %dma_start3A_720 = tpu.memref_squeeze %dma_start3A_719 : memref<1x1x1x8x128xf32, #tpu.memory_space<hbm>> -> memref<8x128xf32, #tpu.memory_space<hbm>>
      %dma_start3A_721 = arith.constant 0 : i32
      %dma_start3A_722 = arith.constant 0 : i32
      %dma_start3A_723 = tpu.memref_slice %arg5[%add3A_661, %dma_start3A_712, %add3A, %dma_start3A_721, %dma_start3A_722] : memref<200x8x32x8x128xf32, #tpu.memory_space<hbm>> -> memref<1x1x1x8x128xf32, #tpu.memory_space<hbm>>
      %dma_start3A_724 = tpu.memref_squeeze %dma_start3A_723 : memref<1x1x1x8x128xf32, #tpu.memory_space<hbm>> -> memref<8x128xf32, #tpu.memory_space<hbm>>
      %dma_start3A_725 = arith.constant 8 : i32
      %dma_start3A_726 = arith.constant 0 : i32
      %dma_start3A_727 = tpu.memref_slice %arg8[%dma_start3A_711, %dma_start3A_725, %dma_start3A_726] : memref<2x64x128xf32, #tpu.memory_space<vmem>> -> memref<1x8x128xf32, #tpu.memory_space<vmem>>
      %dma_start3A_728 = tpu.memref_squeeze %dma_start3A_727 : memref<1x8x128xf32, #tpu.memory_space<vmem>> -> memref<8x128xf32, #tpu.memory_space<vmem>>
      tpu.enqueue_dma source(%dma_start3A_728 : memref<8x128xf32, #tpu.memory_space<vmem>>) target(%dma_start3A_724 : memref<8x128xf32, #tpu.memory_space<hbm>>) target_semaphore(%arg19 : memref<!tpu.dma_semaphore, #tpu.memory_space<semaphore_mem>>)
      %dma_start3A_729 = arith.constant 1 : i32
      %dma_start3A_730 = arith.constant 2 : i32
      %dma_start3A_731 = arith.constant 16 : i32
      %dma_start3A_732 = arith.constant 0 : i32
      %dma_start3A_733 = tpu.memref_slice %arg8[%dma_start3A_729, %dma_start3A_731, %dma_start3A_732] : memref<2x64x128xf32, #tpu.memory_space<vmem>> -> memref<1x8x128xf32, #tpu.memory_space<vmem>>
      %dma_start3A_734 = tpu.memref_squeeze %dma_start3A_733 : memref<1x8x128xf32, #tpu.memory_space<vmem>> -> memref<8x128xf32, #tpu.memory_space<vmem>>
      %dma_start3A_735 = arith.constant 0 : i32
      %dma_start3A_736 = arith.constant 0 : i32
      %dma_start3A_737 = tpu.memref_slice %arg5[%add3A_661, %dma_start3A_730, %add3A, %dma_start3A_735, %dma_start3A_736] : memref<200x8x32x8x128xf32, #tpu.memory_space<hbm>> -> memref<1x1x1x8x128xf32, #tpu.memory_space<hbm>>
      %dma_start3A_738 = tpu.memref_squeeze %dma_start3A_737 : memref<1x1x1x8x128xf32, #tpu.memory_space<hbm>> -> memref<8x128xf32, #tpu.memory_space<hbm>>
      %dma_start3A_739 = arith.constant 0 : i32
      %dma_start3A_740 = arith.constant 0 : i32
      %dma_start3A_741 = tpu.memref_slice %arg5[%add3A_661, %dma_start3A_730, %add3A, %dma_start3A_739, %dma_start3A_740] : memref<200x8x32x8x128xf32, #tpu.memory_space<hbm>> -> memref<1x1x1x8x128xf32, #tpu.memory_space<hbm>>
      %dma_start3A_742 = tpu.memref_squeeze %dma_start3A_741 : memref<1x1x1x8x128xf32, #tpu.memory_space<hbm>> -> memref<8x128xf32, #tpu.memory_space<hbm>>
      %dma_start3A_743 = arith.constant 16 : i32
      %dma_start3A_744 = arith.constant 0 : i32
      %dma_start3A_745 = tpu.memref_slice %arg8[%dma_start3A_729, %dma_start3A_743, %dma_start3A_744] : memref<2x64x128xf32, #tpu.memory_space<vmem>> -> memref<1x8x128xf32, #tpu.memory_space<vmem>>
      %dma_start3A_746 = tpu.memref_squeeze %dma_start3A_745 : memref<1x8x128xf32, #tpu.memory_space<vmem>> -> memref<8x128xf32, #tpu.memory_space<vmem>>
      tpu.enqueue_dma source(%dma_start3A_746 : memref<8x128xf32, #tpu.memory_space<vmem>>) target(%dma_start3A_742 : memref<8x128xf32, #tpu.memory_space<hbm>>) target_semaphore(%arg19 : memref<!tpu.dma_semaphore, #tpu.memory_space<semaphore_mem>>)
      %dma_start3A_747 = arith.constant 1 : i32
      %dma_start3A_748 = arith.constant 3 : i32
      %dma_start3A_749 = arith.constant 24 : i32
      %dma_start3A_750 = arith.constant 0 : i32
      %dma_start3A_751 = tpu.memref_slice %arg8[%dma_start3A_747, %dma_start3A_749, %dma_start3A_750] : memref<2x64x128xf32, #tpu.memory_space<vmem>> -> memref<1x8x128xf32, #tpu.memory_space<vmem>>
      %dma_start3A_752 = tpu.memref_squeeze %dma_start3A_751 : memref<1x8x128xf32, #tpu.memory_space<vmem>> -> memref<8x128xf32, #tpu.memory_space<vmem>>
      %dma_start3A_753 = arith.constant 0 : i32
      %dma_start3A_754 = arith.constant 0 : i32
      %dma_start3A_755 = tpu.memref_slice %arg5[%add3A_661, %dma_start3A_748, %add3A, %dma_start3A_753, %dma_start3A_754] : memref<200x8x32x8x128xf32, #tpu.memory_space<hbm>> -> memref<1x1x1x8x128xf32, #tpu.memory_space<hbm>>
      %dma_start3A_756 = tpu.memref_squeeze %dma_start3A_755 : memref<1x1x1x8x128xf32, #tpu.memory_space<hbm>> -> memref<8x128xf32, #tpu.memory_space<hbm>>
      %dma_start3A_757 = arith.constant 0 : i32
      %dma_start3A_758 = arith.constant 0 : i32
      %dma_start3A_759 = tpu.memref_slice %arg5[%add3A_661, %dma_start3A_748, %add3A, %dma_start3A_757, %dma_start3A_758] : memref<200x8x32x8x128xf32, #tpu.memory_space<hbm>> -> memref<1x1x1x8x128xf32, #tpu.memory_space<hbm>>
      %dma_start3A_760 = tpu.memref_squeeze %dma_start3A_759 : memref<1x1x1x8x128xf32, #tpu.memory_space<hbm>> -> memref<8x128xf32, #tpu.memory_space<hbm>>
      %dma_start3A_761 = arith.constant 24 : i32
      %dma_start3A_762 = arith.constant 0 : i32
      %dma_start3A_763 = tpu.memref_slice %arg8[%dma_start3A_747, %dma_start3A_761, %dma_start3A_762] : memref<2x64x128xf32, #tpu.memory_space<vmem>> -> memref<1x8x128xf32, #tpu.memory_space<vmem>>
      %dma_start3A_764 = tpu.memref_squeeze %dma_start3A_763 : memref<1x8x128xf32, #tpu.memory_space<vmem>> -> memref<8x128xf32, #tpu.memory_space<vmem>>
      tpu.enqueue_dma source(%dma_start3A_764 : memref<8x128xf32, #tpu.memory_space<vmem>>) target(%dma_start3A_760 : memref<8x128xf32, #tpu.memory_space<hbm>>) target_semaphore(%arg19 : memref<!tpu.dma_semaphore, #tpu.memory_space<semaphore_mem>>)
      %dma_start3A_765 = arith.constant 1 : i32
      %dma_start3A_766 = arith.constant 4 : i32
      %dma_start3A_767 = arith.constant 32 : i32
      %dma_start3A_768 = arith.constant 0 : i32
      %dma_start3A_769 = tpu.memref_slice %arg8[%dma_start3A_765, %dma_start3A_767, %dma_start3A_768] : memref<2x64x128xf32, #tpu.memory_space<vmem>> -> memref<1x8x128xf32, #tpu.memory_space<vmem>>
      %dma_start3A_770 = tpu.memref_squeeze %dma_start3A_769 : memref<1x8x128xf32, #tpu.memory_space<vmem>> -> memref<8x128xf32, #tpu.memory_space<vmem>>
      %dma_start3A_771 = arith.constant 0 : i32
      %dma_start3A_772 = arith.constant 0 : i32
      %dma_start3A_773 = tpu.memref_slice %arg5[%add3A_661, %dma_start3A_766, %add3A, %dma_start3A_771, %dma_start3A_772] : memref<200x8x32x8x128xf32, #tpu.memory_space<hbm>> -> memref<1x1x1x8x128xf32, #tpu.memory_space<hbm>>
      %dma_start3A_774 = tpu.memref_squeeze %dma_start3A_773 : memref<1x1x1x8x128xf32, #tpu.memory_space<hbm>> -> memref<8x128xf32, #tpu.memory_space<hbm>>
      %dma_start3A_775 = arith.constant 0 : i32
      %dma_start3A_776 = arith.constant 0 : i32
      %dma_start3A_777 = tpu.memref_slice %arg5[%add3A_661, %dma_start3A_766, %add3A, %dma_start3A_775, %dma_start3A_776] : memref<200x8x32x8x128xf32, #tpu.memory_space<hbm>> -> memref<1x1x1x8x128xf32, #tpu.memory_space<hbm>>
      %dma_start3A_778 = tpu.memref_squeeze %dma_start3A_777 : memref<1x1x1x8x128xf32, #tpu.memory_space<hbm>> -> memref<8x128xf32, #tpu.memory_space<hbm>>
      %dma_start3A_779 = arith.constant 32 : i32
      %dma_start3A_780 = arith.constant 0 : i32
      %dma_start3A_781 = tpu.memref_slice %arg8[%dma_start3A_765, %dma_start3A_779, %dma_start3A_780] : memref<2x64x128xf32, #tpu.memory_space<vmem>> -> memref<1x8x128xf32, #tpu.memory_space<vmem>>
      %dma_start3A_782 = tpu.memref_squeeze %dma_start3A_781 : memref<1x8x128xf32, #tpu.memory_space<vmem>> -> memref<8x128xf32, #tpu.memory_space<vmem>>
      tpu.enqueue_dma source(%dma_start3A_782 : memref<8x128xf32, #tpu.memory_space<vmem>>) target(%dma_start3A_778 : memref<8x128xf32, #tpu.memory_space<hbm>>) target_semaphore(%arg19 : memref<!tpu.dma_semaphore, #tpu.memory_space<semaphore_mem>>)
      %dma_start3A_783 = arith.constant 1 : i32
      %dma_start3A_784 = arith.constant 5 : i32
      %dma_start3A_785 = arith.constant 40 : i32
      %dma_start3A_786 = arith.constant 0 : i32
      %dma_start3A_787 = tpu.memref_slice %arg8[%dma_start3A_783, %dma_start3A_785, %dma_start3A_786] : memref<2x64x128xf32, #tpu.memory_space<vmem>> -> memref<1x8x128xf32, #tpu.memory_space<vmem>>
      %dma_start3A_788 = tpu.memref_squeeze %dma_start3A_787 : memref<1x8x128xf32, #tpu.memory_space<vmem>> -> memref<8x128xf32, #tpu.memory_space<vmem>>
      %dma_start3A_789 = arith.constant 0 : i32
      %dma_start3A_790 = arith.constant 0 : i32
      %dma_start3A_791 = tpu.memref_slice %arg5[%add3A_661, %dma_start3A_784, %add3A, %dma_start3A_789, %dma_start3A_790] : memref<200x8x32x8x128xf32, #tpu.memory_space<hbm>> -> memref<1x1x1x8x128xf32, #tpu.memory_space<hbm>>
      %dma_start3A_792 = tpu.memref_squeeze %dma_start3A_791 : memref<1x1x1x8x128xf32, #tpu.memory_space<hbm>> -> memref<8x128xf32, #tpu.memory_space<hbm>>
      %dma_start3A_793 = arith.constant 0 : i32
      %dma_start3A_794 = arith.constant 0 : i32
      %dma_start3A_795 = tpu.memref_slice %arg5[%add3A_661, %dma_start3A_784, %add3A, %dma_start3A_793, %dma_start3A_794] : memref<200x8x32x8x128xf32, #tpu.memory_space<hbm>> -> memref<1x1x1x8x128xf32, #tpu.memory_space<hbm>>
      %dma_start3A_796 = tpu.memref_squeeze %dma_start3A_795 : memref<1x1x1x8x128xf32, #tpu.memory_space<hbm>> -> memref<8x128xf32, #tpu.memory_space<hbm>>
      %dma_start3A_797 = arith.constant 40 : i32
      %dma_start3A_798 = arith.constant 0 : i32
      %dma_start3A_799 = tpu.memref_slice %arg8[%dma_start3A_783, %dma_start3A_797, %dma_start3A_798] : memref<2x64x128xf32, #tpu.memory_space<vmem>> -> memref<1x8x128xf32, #tpu.memory_space<vmem>>
      %dma_start3A_800 = tpu.memref_squeeze %dma_start3A_799 : memref<1x8x128xf32, #tpu.memory_space<vmem>> -> memref<8x128xf32, #tpu.memory_space<vmem>>
      tpu.enqueue_dma source(%dma_start3A_800 : memref<8x128xf32, #tpu.memory_space<vmem>>) target(%dma_start3A_796 : memref<8x128xf32, #tpu.memory_space<hbm>>) target_semaphore(%arg19 : memref<!tpu.dma_semaphore, #tpu.memory_space<semaphore_mem>>)
      %dma_start3A_801 = arith.constant 1 : i32
      %dma_start3A_802 = arith.constant 6 : i32
      %dma_start3A_803 = arith.constant 48 : i32
      %dma_start3A_804 = arith.constant 0 : i32
      %dma_start3A_805 = tpu.memref_slice %arg8[%dma_start3A_801, %dma_start3A_803, %dma_start3A_804] : memref<2x64x128xf32, #tpu.memory_space<vmem>> -> memref<1x8x128xf32, #tpu.memory_space<vmem>>
      %dma_start3A_806 = tpu.memref_squeeze %dma_start3A_805 : memref<1x8x128xf32, #tpu.memory_space<vmem>> -> memref<8x128xf32, #tpu.memory_space<vmem>>
      %dma_start3A_807 = arith.constant 0 : i32
      %dma_start3A_808 = arith.constant 0 : i32
      %dma_start3A_809 = tpu.memref_slice %arg5[%add3A_661, %dma_start3A_802, %add3A, %dma_start3A_807, %dma_start3A_808] : memref<200x8x32x8x128xf32, #tpu.memory_space<hbm>> -> memref<1x1x1x8x128xf32, #tpu.memory_space<hbm>>
      %dma_start3A_810 = tpu.memref_squeeze %dma_start3A_809 : memref<1x1x1x8x128xf32, #tpu.memory_space<hbm>> -> memref<8x128xf32, #tpu.memory_space<hbm>>
      %dma_start3A_811 = arith.constant 0 : i32
      %dma_start3A_812 = arith.constant 0 : i32
      %dma_start3A_813 = tpu.memref_slice %arg5[%add3A_661, %dma_start3A_802, %add3A, %dma_start3A_811, %dma_start3A_812] : memref<200x8x32x8x128xf32, #tpu.memory_space<hbm>> -> memref<1x1x1x8x128xf32, #tpu.memory_space<hbm>>
      %dma_start3A_814 = tpu.memref_squeeze %dma_start3A_813 : memref<1x1x1x8x128xf32, #tpu.memory_space<hbm>> -> memref<8x128xf32, #tpu.memory_space<hbm>>
      %dma_start3A_815 = arith.constant 48 : i32
      %dma_start3A_816 = arith.constant 0 : i32
      %dma_start3A_817 = tpu.memref_slice %arg8[%dma_start3A_801, %dma_start3A_815, %dma_start3A_816] : memref<2x64x128xf32, #tpu.memory_space<vmem>> -> memref<1x8x128xf32, #tpu.memory_space<vmem>>
      %dma_start3A_818 = tpu.memref_squeeze %dma_start3A_817 : memref<1x8x128xf32, #tpu.memory_space<vmem>> -> memref<8x128xf32, #tpu.memory_space<vmem>>
      tpu.enqueue_dma source(%dma_start3A_818 : memref<8x128xf32, #tpu.memory_space<vmem>>) target(%dma_start3A_814 : memref<8x128xf32, #tpu.memory_space<hbm>>) target_semaphore(%arg19 : memref<!tpu.dma_semaphore, #tpu.memory_space<semaphore_mem>>)
      %dma_start3A_819 = arith.constant 1 : i32
      %dma_start3A_820 = arith.constant 7 : i32
      %dma_start3A_821 = arith.constant 56 : i32
      %dma_start3A_822 = arith.constant 0 : i32
      %dma_start3A_823 = tpu.memref_slice %arg8[%dma_start3A_819, %dma_start3A_821, %dma_start3A_822] : memref<2x64x128xf32, #tpu.memory_space<vmem>> -> memref<1x8x128xf32, #tpu.memory_space<vmem>>
      %dma_start3A_824 = tpu.memref_squeeze %dma_start3A_823 : memref<1x8x128xf32, #tpu.memory_space<vmem>> -> memref<8x128xf32, #tpu.memory_space<vmem>>
      %dma_start3A_825 = arith.constant 0 : i32
      %dma_start3A_826 = arith.constant 0 : i32
      %dma_start3A_827 = tpu.memref_slice %arg5[%add3A_661, %dma_start3A_820, %add3A, %dma_start3A_825, %dma_start3A_826] : memref<200x8x32x8x128xf32, #tpu.memory_space<hbm>> -> memref<1x1x1x8x128xf32, #tpu.memory_space<hbm>>
      %dma_start3A_828 = tpu.memref_squeeze %dma_start3A_827 : memref<1x1x1x8x128xf32, #tpu.memory_space<hbm>> -> memref<8x128xf32, #tpu.memory_space<hbm>>
      %dma_start3A_829 = arith.constant 0 : i32
      %dma_start3A_830 = arith.constant 0 : i32
      %dma_start3A_831 = tpu.memref_slice %arg5[%add3A_661, %dma_start3A_820, %add3A, %dma_start3A_829, %dma_start3A_830] : memref<200x8x32x8x128xf32, #tpu.memory_space<hbm>> -> memref<1x1x1x8x128xf32, #tpu.memory_space<hbm>>
      %dma_start3A_832 = tpu.memref_squeeze %dma_start3A_831 : memref<1x1x1x8x128xf32, #tpu.memory_space<hbm>> -> memref<8x128xf32, #tpu.memory_space<hbm>>
      %dma_start3A_833 = arith.constant 56 : i32
      %dma_start3A_834 = arith.constant 0 : i32
      %dma_start3A_835 = tpu.memref_slice %arg8[%dma_start3A_819, %dma_start3A_833, %dma_start3A_834] : memref<2x64x128xf32, #tpu.memory_space<vmem>> -> memref<1x8x128xf32, #tpu.memory_space<vmem>>
      %dma_start3A_836 = tpu.memref_squeeze %dma_start3A_835 : memref<1x8x128xf32, #tpu.memory_space<vmem>> -> memref<8x128xf32, #tpu.memory_space<vmem>>
      tpu.enqueue_dma source(%dma_start3A_836 : memref<8x128xf32, #tpu.memory_space<vmem>>) target(%dma_start3A_832 : memref<8x128xf32, #tpu.memory_space<hbm>>) target_semaphore(%arg19 : memref<!tpu.dma_semaphore, #tpu.memory_space<semaphore_mem>>)
      %add3A_837 = arith.constant 4 : i32
      %add3A_838 = arith.addi %add3A_661, %add3A_837 : i32
      %lt3A_839 = arith.constant 200 : i32
      %lt3A_840 = arith.cmpi slt, %add3A_838, %lt3A_839 : i32
      %convert_element_type3A_841 = arith.extui %lt3A_840 : i1 to i32
      %cond3A_842 = arith.constant 0 : i32
      %cond3A_843 = arith.cmpi ne, %convert_element_type3A_841, %cond3A_842 : i32
      scf.if %cond3A_843 {
        %add3A_1212 = arith.constant 4 : i32
        %add3A_1213 = arith.addi %add3A_661, %add3A_1212 : i32
        %dma_wait3A_1214 = arith.constant 1 : i32
        %dma_wait3A_1215 = arith.constant 0 : i32
        %dma_wait3A_1216 = tpu.memref_slice %arg6[%dma_wait3A_1214, %dma_wait3A_1215] : memref<4x128xi32, #tpu.memory_space<vmem>> -> memref<1x128xi32, #tpu.memory_space<vmem>>
        %dma_wait3A_1217 = tpu.memref_squeeze %dma_wait3A_1216 : memref<1x128xi32, #tpu.memory_space<vmem>> -> memref<128xi32, #tpu.memory_space<vmem>>
        %dma_wait3A_1218 = tpu.memref_slice %arg2[%add3A_1213, %mul3A_2] : memref<200x4096xi32, #tpu.memory_space<hbm>> -> memref<1x128xi32, #tpu.memory_space<hbm>>
        %dma_wait3A_1219 = tpu.memref_squeeze %dma_wait3A_1218 : memref<1x128xi32, #tpu.memory_space<hbm>> -> memref<128xi32, #tpu.memory_space<hbm>>
        %dma_wait3A_1220 = arith.constant 0 : i32
        %dma_wait3A_1221 = tpu.memref_slice %arg6[%dma_wait3A_1214, %dma_wait3A_1220] : memref<4x128xi32, #tpu.memory_space<vmem>> -> memref<1x128xi32, #tpu.memory_space<vmem>>
        %dma_wait3A_1222 = tpu.memref_squeeze %dma_wait3A_1221 : memref<1x128xi32, #tpu.memory_space<vmem>> -> memref<128xi32, #tpu.memory_space<vmem>>
        %dma_wait3A_1223 = tpu.memref_slice %arg2[%add3A_1213, %mul3A_2] : memref<200x4096xi32, #tpu.memory_space<hbm>> -> memref<1x128xi32, #tpu.memory_space<hbm>>
        %dma_wait3A_1224 = tpu.memref_squeeze %dma_wait3A_1223 : memref<1x128xi32, #tpu.memory_space<hbm>> -> memref<128xi32, #tpu.memory_space<hbm>>
        tpu.wait_dma2 semaphore(%arg11 : memref<!tpu.dma_semaphore, #tpu.memory_space<semaphore_mem>>) src(%dma_wait3A_1224 : memref<128xi32, #tpu.memory_space<hbm>>) dst(%dma_wait3A_1222 : memref<128xi32, #tpu.memory_space<vmem>>)
        %dma_start3A_1225 = arith.constant 1 : i32
        %dma_start3A_1226 = arith.constant 1 : i32
        %dma_start3A_1227 = arith.constant 0 : i32
        %dma_start3A_1228 = arith.constant 0 : i32
        %dma_start3A_1229 = tpu.memref_slice %arg7[%dma_start3A_1226, %dma_start3A_1227, %dma_start3A_1228] : memref<4x128x64xf32, #tpu.memory_space<vmem>> -> memref<1x128x64xf32, #tpu.memory_space<vmem>>
        %dma_start3A_1230 = tpu.memref_squeeze %dma_start3A_1229 : memref<1x128x64xf32, #tpu.memory_space<vmem>> -> memref<128x64xf32, #tpu.memory_space<vmem>>
        %dma_start3A_1231 = arith.constant 0 : i32
        %dma_start3A_1232 = tpu.memref_slice %arg6[%dma_start3A_1225, %dma_start3A_1231] : memref<4x128xi32, #tpu.memory_space<vmem>> -> memref<1x128xi32, #tpu.memory_space<vmem>>
        %dma_start3A_1233 = tpu.memref_squeeze %dma_start3A_1232 : memref<1x128xi32, #tpu.memory_space<vmem>> -> memref<128xi32, #tpu.memory_space<vmem>>
        %dma_start3A_1234 = arith.constant 0 : i32
        %dma_start3A_1235 = arith.constant 0 : i32
        %dma_start3A_1236 = tpu.memref_slice %arg4[%dma_start3A_1234, %dma_start3A_1235] : memref<100000x64xf32, #tpu.memory_space<hbm>> -> memref<100000x64xf32, #tpu.memory_space<hbm>>
        tpu.enqueue_indirect_dma source(%dma_start3A_1236 : memref<100000x64xf32, #tpu.memory_space<hbm>>) target(%dma_start3A_1230 : memref<128x64xf32, #tpu.memory_space<vmem>>) offsets(%dma_start3A_1233 : memref<128xi32, #tpu.memory_space<vmem>>) semaphore(%arg15 : memref<!tpu.dma_semaphore, #tpu.memory_space<semaphore_mem>>)
      } else {
      }
      %add3A_844 = arith.constant 2 : i32
      %add3A_845 = arith.addi %add3A_481, %add3A_844 : i32
      %dma_wait3A_846 = arith.constant 2 : i32
      %dma_wait3A_847 = arith.constant 2 : i32
      %dma_wait3A_848 = arith.constant 0 : i32
      %dma_wait3A_849 = arith.constant 0 : i32
      %dma_wait3A_850 = tpu.memref_slice %arg7[%dma_wait3A_847, %dma_wait3A_848, %dma_wait3A_849] : memref<4x128x64xf32, #tpu.memory_space<vmem>> -> memref<1x128x64xf32, #tpu.memory_space<vmem>>
      %dma_wait3A_851 = tpu.memref_squeeze %dma_wait3A_850 : memref<1x128x64xf32, #tpu.memory_space<vmem>> -> memref<128x64xf32, #tpu.memory_space<vmem>>
      %dma_wait3A_852 = arith.constant 0 : i32
      %dma_wait3A_853 = tpu.memref_slice %arg6[%dma_wait3A_846, %dma_wait3A_852] : memref<4x128xi32, #tpu.memory_space<vmem>> -> memref<1x128xi32, #tpu.memory_space<vmem>>
      %dma_wait3A_854 = tpu.memref_squeeze %dma_wait3A_853 : memref<1x128xi32, #tpu.memory_space<vmem>> -> memref<128xi32, #tpu.memory_space<vmem>>
      %dma_wait3A_855 = arith.constant 0 : i32
      %dma_wait3A_856 = arith.constant 0 : i32
      %dma_wait3A_857 = tpu.memref_slice %arg4[%dma_wait3A_855, %dma_wait3A_856] : memref<100000x64xf32, #tpu.memory_space<hbm>> -> memref<100000x64xf32, #tpu.memory_space<hbm>>
      tpu.wait_indirect_dma semaphore(%arg16 : memref<!tpu.dma_semaphore, #tpu.memory_space<semaphore_mem>>) src(%dma_wait3A_857 : memref<100000x64xf32, #tpu.memory_space<hbm>>) dst(%dma_wait3A_851 : memref<128x64xf32, #tpu.memory_space<vmem>>)
      %add3A_858 = arith.constant 4 : i32
      %add3A_859 = arith.addi %add3A_845, %add3A_858 : i32
      %lt3A_860 = arith.constant 200 : i32
      %lt3A_861 = arith.cmpi slt, %add3A_859, %lt3A_860 : i32
      %convert_element_type3A_862 = arith.extui %lt3A_861 : i1 to i32
      %cond3A_863 = arith.constant 0 : i32
      %cond3A_864 = arith.cmpi ne, %convert_element_type3A_862, %cond3A_863 : i32
      scf.if %cond3A_864 {
        %add3A_1212 = arith.constant 4 : i32
        %add3A_1213 = arith.addi %add3A_845, %add3A_1212 : i32
        %dma_start3A_1214 = arith.constant 2 : i32
        %dma_start3A_1215 = arith.constant 0 : i32
        %dma_start3A_1216 = tpu.memref_slice %arg6[%dma_start3A_1214, %dma_start3A_1215] : memref<4x128xi32, #tpu.memory_space<vmem>> -> memref<1x128xi32, #tpu.memory_space<vmem>>
        %dma_start3A_1217 = tpu.memref_squeeze %dma_start3A_1216 : memref<1x128xi32, #tpu.memory_space<vmem>> -> memref<128xi32, #tpu.memory_space<vmem>>
        %dma_start3A_1218 = tpu.memref_slice %arg2[%add3A_1213, %mul3A_2] : memref<200x4096xi32, #tpu.memory_space<hbm>> -> memref<1x128xi32, #tpu.memory_space<hbm>>
        %dma_start3A_1219 = tpu.memref_squeeze %dma_start3A_1218 : memref<1x128xi32, #tpu.memory_space<hbm>> -> memref<128xi32, #tpu.memory_space<hbm>>
        %dma_start3A_1220 = arith.constant 0 : i32
        %dma_start3A_1221 = tpu.memref_slice %arg6[%dma_start3A_1214, %dma_start3A_1220] : memref<4x128xi32, #tpu.memory_space<vmem>> -> memref<1x128xi32, #tpu.memory_space<vmem>>
        %dma_start3A_1222 = tpu.memref_squeeze %dma_start3A_1221 : memref<1x128xi32, #tpu.memory_space<vmem>> -> memref<128xi32, #tpu.memory_space<vmem>>
        %dma_start3A_1223 = tpu.memref_slice %arg2[%add3A_1213, %mul3A_2] : memref<200x4096xi32, #tpu.memory_space<hbm>> -> memref<1x128xi32, #tpu.memory_space<hbm>>
        %dma_start3A_1224 = tpu.memref_squeeze %dma_start3A_1223 : memref<1x128xi32, #tpu.memory_space<hbm>> -> memref<128xi32, #tpu.memory_space<hbm>>
        tpu.enqueue_dma source(%dma_start3A_1224 : memref<128xi32, #tpu.memory_space<hbm>>) target(%dma_start3A_1222 : memref<128xi32, #tpu.memory_space<vmem>>) target_semaphore(%arg12 : memref<!tpu.dma_semaphore, #tpu.memory_space<semaphore_mem>>)
      } else {
      }
      %ge3A_865 = arith.constant 2 : i32
      %ge3A_866 = arith.cmpi sge, %add3A_845, %ge3A_865 : i32
      %convert_element_type3A_867 = arith.extui %ge3A_866 : i1 to i32
      %cond3A_868 = arith.constant 0 : i32
      %cond3A_869 = arith.cmpi ne, %convert_element_type3A_867, %cond3A_868 : i32
      scf.if %cond3A_869 {
        %dma_wait3A_1212 = arith.constant 0 : i32
        %dma_wait3A_1213 = arith.constant 0 : i32
        %dma_wait3A_1214 = arith.constant 0 : i32
        %dma_wait3A_1215 = arith.constant 0 : i32
        %dma_wait3A_1216 = tpu.memref_slice %arg8[%dma_wait3A_1212, %dma_wait3A_1214, %dma_wait3A_1215] : memref<2x64x128xf32, #tpu.memory_space<vmem>> -> memref<1x8x128xf32, #tpu.memory_space<vmem>>
        %dma_wait3A_1217 = tpu.memref_squeeze %dma_wait3A_1216 : memref<1x8x128xf32, #tpu.memory_space<vmem>> -> memref<8x128xf32, #tpu.memory_space<vmem>>
        %dma_wait3A_1218 = arith.constant 0 : i32
        %dma_wait3A_1219 = arith.constant 0 : i32
        %dma_wait3A_1220 = tpu.memref_slice %arg5[%add3A_845, %dma_wait3A_1213, %add3A, %dma_wait3A_1218, %dma_wait3A_1219] : memref<200x8x32x8x128xf32, #tpu.memory_space<hbm>> -> memref<1x1x1x8x128xf32, #tpu.memory_space<hbm>>
        %dma_wait3A_1221 = tpu.memref_squeeze %dma_wait3A_1220 : memref<1x1x1x8x128xf32, #tpu.memory_space<hbm>> -> memref<8x128xf32, #tpu.memory_space<hbm>>
        %dma_wait3A_1222 = arith.constant 0 : i32
        %dma_wait3A_1223 = arith.constant 0 : i32
        %dma_wait3A_1224 = tpu.memref_slice %arg5[%add3A_845, %dma_wait3A_1213, %add3A, %dma_wait3A_1222, %dma_wait3A_1223] : memref<200x8x32x8x128xf32, #tpu.memory_space<hbm>> -> memref<1x1x1x8x128xf32, #tpu.memory_space<hbm>>
        %dma_wait3A_1225 = tpu.memref_squeeze %dma_wait3A_1224 : memref<1x1x1x8x128xf32, #tpu.memory_space<hbm>> -> memref<8x128xf32, #tpu.memory_space<hbm>>
        %dma_wait3A_1226 = arith.constant 0 : i32
        %dma_wait3A_1227 = arith.constant 0 : i32
        %dma_wait3A_1228 = tpu.memref_slice %arg8[%dma_wait3A_1212, %dma_wait3A_1226, %dma_wait3A_1227] : memref<2x64x128xf32, #tpu.memory_space<vmem>> -> memref<1x8x128xf32, #tpu.memory_space<vmem>>
        %dma_wait3A_1229 = tpu.memref_squeeze %dma_wait3A_1228 : memref<1x8x128xf32, #tpu.memory_space<vmem>> -> memref<8x128xf32, #tpu.memory_space<vmem>>
        tpu.wait_dma2 semaphore(%arg18 : memref<!tpu.dma_semaphore, #tpu.memory_space<semaphore_mem>>) src(%dma_wait3A_1229 : memref<8x128xf32, #tpu.memory_space<vmem>>) dst(%dma_wait3A_1225 : memref<8x128xf32, #tpu.memory_space<hbm>>)
        %dma_wait3A_1230 = arith.constant 0 : i32
        %dma_wait3A_1231 = arith.constant 1 : i32
        %dma_wait3A_1232 = arith.constant 8 : i32
        %dma_wait3A_1233 = arith.constant 0 : i32
        %dma_wait3A_1234 = tpu.memref_slice %arg8[%dma_wait3A_1230, %dma_wait3A_1232, %dma_wait3A_1233] : memref<2x64x128xf32, #tpu.memory_space<vmem>> -> memref<1x8x128xf32, #tpu.memory_space<vmem>>
        %dma_wait3A_1235 = tpu.memref_squeeze %dma_wait3A_1234 : memref<1x8x128xf32, #tpu.memory_space<vmem>> -> memref<8x128xf32, #tpu.memory_space<vmem>>
        %dma_wait3A_1236 = arith.constant 0 : i32
        %dma_wait3A_1237 = arith.constant 0 : i32
        %dma_wait3A_1238 = tpu.memref_slice %arg5[%add3A_845, %dma_wait3A_1231, %add3A, %dma_wait3A_1236, %dma_wait3A_1237] : memref<200x8x32x8x128xf32, #tpu.memory_space<hbm>> -> memref<1x1x1x8x128xf32, #tpu.memory_space<hbm>>
        %dma_wait3A_1239 = tpu.memref_squeeze %dma_wait3A_1238 : memref<1x1x1x8x128xf32, #tpu.memory_space<hbm>> -> memref<8x128xf32, #tpu.memory_space<hbm>>
        %dma_wait3A_1240 = arith.constant 0 : i32
        %dma_wait3A_1241 = arith.constant 0 : i32
        %dma_wait3A_1242 = tpu.memref_slice %arg5[%add3A_845, %dma_wait3A_1231, %add3A, %dma_wait3A_1240, %dma_wait3A_1241] : memref<200x8x32x8x128xf32, #tpu.memory_space<hbm>> -> memref<1x1x1x8x128xf32, #tpu.memory_space<hbm>>
        %dma_wait3A_1243 = tpu.memref_squeeze %dma_wait3A_1242 : memref<1x1x1x8x128xf32, #tpu.memory_space<hbm>> -> memref<8x128xf32, #tpu.memory_space<hbm>>
        %dma_wait3A_1244 = arith.constant 8 : i32
        %dma_wait3A_1245 = arith.constant 0 : i32
        %dma_wait3A_1246 = tpu.memref_slice %arg8[%dma_wait3A_1230, %dma_wait3A_1244, %dma_wait3A_1245] : memref<2x64x128xf32, #tpu.memory_space<vmem>> -> memref<1x8x128xf32, #tpu.memory_space<vmem>>
        %dma_wait3A_1247 = tpu.memref_squeeze %dma_wait3A_1246 : memref<1x8x128xf32, #tpu.memory_space<vmem>> -> memref<8x128xf32, #tpu.memory_space<vmem>>
        tpu.wait_dma2 semaphore(%arg18 : memref<!tpu.dma_semaphore, #tpu.memory_space<semaphore_mem>>) src(%dma_wait3A_1247 : memref<8x128xf32, #tpu.memory_space<vmem>>) dst(%dma_wait3A_1243 : memref<8x128xf32, #tpu.memory_space<hbm>>)
        %dma_wait3A_1248 = arith.constant 0 : i32
        %dma_wait3A_1249 = arith.constant 2 : i32
        %dma_wait3A_1250 = arith.constant 16 : i32
        %dma_wait3A_1251 = arith.constant 0 : i32
        %dma_wait3A_1252 = tpu.memref_slice %arg8[%dma_wait3A_1248, %dma_wait3A_1250, %dma_wait3A_1251] : memref<2x64x128xf32, #tpu.memory_space<vmem>> -> memref<1x8x128xf32, #tpu.memory_space<vmem>>
        %dma_wait3A_1253 = tpu.memref_squeeze %dma_wait3A_1252 : memref<1x8x128xf32, #tpu.memory_space<vmem>> -> memref<8x128xf32, #tpu.memory_space<vmem>>
        %dma_wait3A_1254 = arith.constant 0 : i32
        %dma_wait3A_1255 = arith.constant 0 : i32
        %dma_wait3A_1256 = tpu.memref_slice %arg5[%add3A_845, %dma_wait3A_1249, %add3A, %dma_wait3A_1254, %dma_wait3A_1255] : memref<200x8x32x8x128xf32, #tpu.memory_space<hbm>> -> memref<1x1x1x8x128xf32, #tpu.memory_space<hbm>>
        %dma_wait3A_1257 = tpu.memref_squeeze %dma_wait3A_1256 : memref<1x1x1x8x128xf32, #tpu.memory_space<hbm>> -> memref<8x128xf32, #tpu.memory_space<hbm>>
        %dma_wait3A_1258 = arith.constant 0 : i32
        %dma_wait3A_1259 = arith.constant 0 : i32
        %dma_wait3A_1260 = tpu.memref_slice %arg5[%add3A_845, %dma_wait3A_1249, %add3A, %dma_wait3A_1258, %dma_wait3A_1259] : memref<200x8x32x8x128xf32, #tpu.memory_space<hbm>> -> memref<1x1x1x8x128xf32, #tpu.memory_space<hbm>>
        %dma_wait3A_1261 = tpu.memref_squeeze %dma_wait3A_1260 : memref<1x1x1x8x128xf32, #tpu.memory_space<hbm>> -> memref<8x128xf32, #tpu.memory_space<hbm>>
        %dma_wait3A_1262 = arith.constant 16 : i32
        %dma_wait3A_1263 = arith.constant 0 : i32
        %dma_wait3A_1264 = tpu.memref_slice %arg8[%dma_wait3A_1248, %dma_wait3A_1262, %dma_wait3A_1263] : memref<2x64x128xf32, #tpu.memory_space<vmem>> -> memref<1x8x128xf32, #tpu.memory_space<vmem>>
        %dma_wait3A_1265 = tpu.memref_squeeze %dma_wait3A_1264 : memref<1x8x128xf32, #tpu.memory_space<vmem>> -> memref<8x128xf32, #tpu.memory_space<vmem>>
        tpu.wait_dma2 semaphore(%arg18 : memref<!tpu.dma_semaphore, #tpu.memory_space<semaphore_mem>>) src(%dma_wait3A_1265 : memref<8x128xf32, #tpu.memory_space<vmem>>) dst(%dma_wait3A_1261 : memref<8x128xf32, #tpu.memory_space<hbm>>)
        %dma_wait3A_1266 = arith.constant 0 : i32
        %dma_wait3A_1267 = arith.constant 3 : i32
        %dma_wait3A_1268 = arith.constant 24 : i32
        %dma_wait3A_1269 = arith.constant 0 : i32
        %dma_wait3A_1270 = tpu.memref_slice %arg8[%dma_wait3A_1266, %dma_wait3A_1268, %dma_wait3A_1269] : memref<2x64x128xf32, #tpu.memory_space<vmem>> -> memref<1x8x128xf32, #tpu.memory_space<vmem>>
        %dma_wait3A_1271 = tpu.memref_squeeze %dma_wait3A_1270 : memref<1x8x128xf32, #tpu.memory_space<vmem>> -> memref<8x128xf32, #tpu.memory_space<vmem>>
        %dma_wait3A_1272 = arith.constant 0 : i32
        %dma_wait3A_1273 = arith.constant 0 : i32
        %dma_wait3A_1274 = tpu.memref_slice %arg5[%add3A_845, %dma_wait3A_1267, %add3A, %dma_wait3A_1272, %dma_wait3A_1273] : memref<200x8x32x8x128xf32, #tpu.memory_space<hbm>> -> memref<1x1x1x8x128xf32, #tpu.memory_space<hbm>>
        %dma_wait3A_1275 = tpu.memref_squeeze %dma_wait3A_1274 : memref<1x1x1x8x128xf32, #tpu.memory_space<hbm>> -> memref<8x128xf32, #tpu.memory_space<hbm>>
        %dma_wait3A_1276 = arith.constant 0 : i32
        %dma_wait3A_1277 = arith.constant 0 : i32
        %dma_wait3A_1278 = tpu.memref_slice %arg5[%add3A_845, %dma_wait3A_1267, %add3A, %dma_wait3A_1276, %dma_wait3A_1277] : memref<200x8x32x8x128xf32, #tpu.memory_space<hbm>> -> memref<1x1x1x8x128xf32, #tpu.memory_space<hbm>>
        %dma_wait3A_1279 = tpu.memref_squeeze %dma_wait3A_1278 : memref<1x1x1x8x128xf32, #tpu.memory_space<hbm>> -> memref<8x128xf32, #tpu.memory_space<hbm>>
        %dma_wait3A_1280 = arith.constant 24 : i32
        %dma_wait3A_1281 = arith.constant 0 : i32
        %dma_wait3A_1282 = tpu.memref_slice %arg8[%dma_wait3A_1266, %dma_wait3A_1280, %dma_wait3A_1281] : memref<2x64x128xf32, #tpu.memory_space<vmem>> -> memref<1x8x128xf32, #tpu.memory_space<vmem>>
        %dma_wait3A_1283 = tpu.memref_squeeze %dma_wait3A_1282 : memref<1x8x128xf32, #tpu.memory_space<vmem>> -> memref<8x128xf32, #tpu.memory_space<vmem>>
        tpu.wait_dma2 semaphore(%arg18 : memref<!tpu.dma_semaphore, #tpu.memory_space<semaphore_mem>>) src(%dma_wait3A_1283 : memref<8x128xf32, #tpu.memory_space<vmem>>) dst(%dma_wait3A_1279 : memref<8x128xf32, #tpu.memory_space<hbm>>)
        %dma_wait3A_1284 = arith.constant 0 : i32
        %dma_wait3A_1285 = arith.constant 4 : i32
        %dma_wait3A_1286 = arith.constant 32 : i32
        %dma_wait3A_1287 = arith.constant 0 : i32
        %dma_wait3A_1288 = tpu.memref_slice %arg8[%dma_wait3A_1284, %dma_wait3A_1286, %dma_wait3A_1287] : memref<2x64x128xf32, #tpu.memory_space<vmem>> -> memref<1x8x128xf32, #tpu.memory_space<vmem>>
        %dma_wait3A_1289 = tpu.memref_squeeze %dma_wait3A_1288 : memref<1x8x128xf32, #tpu.memory_space<vmem>> -> memref<8x128xf32, #tpu.memory_space<vmem>>
        %dma_wait3A_1290 = arith.constant 0 : i32
        %dma_wait3A_1291 = arith.constant 0 : i32
        %dma_wait3A_1292 = tpu.memref_slice %arg5[%add3A_845, %dma_wait3A_1285, %add3A, %dma_wait3A_1290, %dma_wait3A_1291] : memref<200x8x32x8x128xf32, #tpu.memory_space<hbm>> -> memref<1x1x1x8x128xf32, #tpu.memory_space<hbm>>
        %dma_wait3A_1293 = tpu.memref_squeeze %dma_wait3A_1292 : memref<1x1x1x8x128xf32, #tpu.memory_space<hbm>> -> memref<8x128xf32, #tpu.memory_space<hbm>>
        %dma_wait3A_1294 = arith.constant 0 : i32
        %dma_wait3A_1295 = arith.constant 0 : i32
        %dma_wait3A_1296 = tpu.memref_slice %arg5[%add3A_845, %dma_wait3A_1285, %add3A, %dma_wait3A_1294, %dma_wait3A_1295] : memref<200x8x32x8x128xf32, #tpu.memory_space<hbm>> -> memref<1x1x1x8x128xf32, #tpu.memory_space<hbm>>
        %dma_wait3A_1297 = tpu.memref_squeeze %dma_wait3A_1296 : memref<1x1x1x8x128xf32, #tpu.memory_space<hbm>> -> memref<8x128xf32, #tpu.memory_space<hbm>>
        %dma_wait3A_1298 = arith.constant 32 : i32
        %dma_wait3A_1299 = arith.constant 0 : i32
        %dma_wait3A_1300 = tpu.memref_slice %arg8[%dma_wait3A_1284, %dma_wait3A_1298, %dma_wait3A_1299] : memref<2x64x128xf32, #tpu.memory_space<vmem>> -> memref<1x8x128xf32, #tpu.memory_space<vmem>>
        %dma_wait3A_1301 = tpu.memref_squeeze %dma_wait3A_1300 : memref<1x8x128xf32, #tpu.memory_space<vmem>> -> memref<8x128xf32, #tpu.memory_space<vmem>>
        tpu.wait_dma2 semaphore(%arg18 : memref<!tpu.dma_semaphore, #tpu.memory_space<semaphore_mem>>) src(%dma_wait3A_1301 : memref<8x128xf32, #tpu.memory_space<vmem>>) dst(%dma_wait3A_1297 : memref<8x128xf32, #tpu.memory_space<hbm>>)
        %dma_wait3A_1302 = arith.constant 0 : i32
        %dma_wait3A_1303 = arith.constant 5 : i32
        %dma_wait3A_1304 = arith.constant 40 : i32
        %dma_wait3A_1305 = arith.constant 0 : i32
        %dma_wait3A_1306 = tpu.memref_slice %arg8[%dma_wait3A_1302, %dma_wait3A_1304, %dma_wait3A_1305] : memref<2x64x128xf32, #tpu.memory_space<vmem>> -> memref<1x8x128xf32, #tpu.memory_space<vmem>>
        %dma_wait3A_1307 = tpu.memref_squeeze %dma_wait3A_1306 : memref<1x8x128xf32, #tpu.memory_space<vmem>> -> memref<8x128xf32, #tpu.memory_space<vmem>>
        %dma_wait3A_1308 = arith.constant 0 : i32
        %dma_wait3A_1309 = arith.constant 0 : i32
        %dma_wait3A_1310 = tpu.memref_slice %arg5[%add3A_845, %dma_wait3A_1303, %add3A, %dma_wait3A_1308, %dma_wait3A_1309] : memref<200x8x32x8x128xf32, #tpu.memory_space<hbm>> -> memref<1x1x1x8x128xf32, #tpu.memory_space<hbm>>
        %dma_wait3A_1311 = tpu.memref_squeeze %dma_wait3A_1310 : memref<1x1x1x8x128xf32, #tpu.memory_space<hbm>> -> memref<8x128xf32, #tpu.memory_space<hbm>>
        %dma_wait3A_1312 = arith.constant 0 : i32
        %dma_wait3A_1313 = arith.constant 0 : i32
        %dma_wait3A_1314 = tpu.memref_slice %arg5[%add3A_845, %dma_wait3A_1303, %add3A, %dma_wait3A_1312, %dma_wait3A_1313] : memref<200x8x32x8x128xf32, #tpu.memory_space<hbm>> -> memref<1x1x1x8x128xf32, #tpu.memory_space<hbm>>
        %dma_wait3A_1315 = tpu.memref_squeeze %dma_wait3A_1314 : memref<1x1x1x8x128xf32, #tpu.memory_space<hbm>> -> memref<8x128xf32, #tpu.memory_space<hbm>>
        %dma_wait3A_1316 = arith.constant 40 : i32
        %dma_wait3A_1317 = arith.constant 0 : i32
        %dma_wait3A_1318 = tpu.memref_slice %arg8[%dma_wait3A_1302, %dma_wait3A_1316, %dma_wait3A_1317] : memref<2x64x128xf32, #tpu.memory_space<vmem>> -> memref<1x8x128xf32, #tpu.memory_space<vmem>>
        %dma_wait3A_1319 = tpu.memref_squeeze %dma_wait3A_1318 : memref<1x8x128xf32, #tpu.memory_space<vmem>> -> memref<8x128xf32, #tpu.memory_space<vmem>>
        tpu.wait_dma2 semaphore(%arg18 : memref<!tpu.dma_semaphore, #tpu.memory_space<semaphore_mem>>) src(%dma_wait3A_1319 : memref<8x128xf32, #tpu.memory_space<vmem>>) dst(%dma_wait3A_1315 : memref<8x128xf32, #tpu.memory_space<hbm>>)
        %dma_wait3A_1320 = arith.constant 0 : i32
        %dma_wait3A_1321 = arith.constant 6 : i32
        %dma_wait3A_1322 = arith.constant 48 : i32
        %dma_wait3A_1323 = arith.constant 0 : i32
        %dma_wait3A_1324 = tpu.memref_slice %arg8[%dma_wait3A_1320, %dma_wait3A_1322, %dma_wait3A_1323] : memref<2x64x128xf32, #tpu.memory_space<vmem>> -> memref<1x8x128xf32, #tpu.memory_space<vmem>>
        %dma_wait3A_1325 = tpu.memref_squeeze %dma_wait3A_1324 : memref<1x8x128xf32, #tpu.memory_space<vmem>> -> memref<8x128xf32, #tpu.memory_space<vmem>>
        %dma_wait3A_1326 = arith.constant 0 : i32
        %dma_wait3A_1327 = arith.constant 0 : i32
        %dma_wait3A_1328 = tpu.memref_slice %arg5[%add3A_845, %dma_wait3A_1321, %add3A, %dma_wait3A_1326, %dma_wait3A_1327] : memref<200x8x32x8x128xf32, #tpu.memory_space<hbm>> -> memref<1x1x1x8x128xf32, #tpu.memory_space<hbm>>
        %dma_wait3A_1329 = tpu.memref_squeeze %dma_wait3A_1328 : memref<1x1x1x8x128xf32, #tpu.memory_space<hbm>> -> memref<8x128xf32, #tpu.memory_space<hbm>>
        %dma_wait3A_1330 = arith.constant 0 : i32
        %dma_wait3A_1331 = arith.constant 0 : i32
        %dma_wait3A_1332 = tpu.memref_slice %arg5[%add3A_845, %dma_wait3A_1321, %add3A, %dma_wait3A_1330, %dma_wait3A_1331] : memref<200x8x32x8x128xf32, #tpu.memory_space<hbm>> -> memref<1x1x1x8x128xf32, #tpu.memory_space<hbm>>
        %dma_wait3A_1333 = tpu.memref_squeeze %dma_wait3A_1332 : memref<1x1x1x8x128xf32, #tpu.memory_space<hbm>> -> memref<8x128xf32, #tpu.memory_space<hbm>>
        %dma_wait3A_1334 = arith.constant 48 : i32
        %dma_wait3A_1335 = arith.constant 0 : i32
        %dma_wait3A_1336 = tpu.memref_slice %arg8[%dma_wait3A_1320, %dma_wait3A_1334, %dma_wait3A_1335] : memref<2x64x128xf32, #tpu.memory_space<vmem>> -> memref<1x8x128xf32, #tpu.memory_space<vmem>>
        %dma_wait3A_1337 = tpu.memref_squeeze %dma_wait3A_1336 : memref<1x8x128xf32, #tpu.memory_space<vmem>> -> memref<8x128xf32, #tpu.memory_space<vmem>>
        tpu.wait_dma2 semaphore(%arg18 : memref<!tpu.dma_semaphore, #tpu.memory_space<semaphore_mem>>) src(%dma_wait3A_1337 : memref<8x128xf32, #tpu.memory_space<vmem>>) dst(%dma_wait3A_1333 : memref<8x128xf32, #tpu.memory_space<hbm>>)
        %dma_wait3A_1338 = arith.constant 0 : i32
        %dma_wait3A_1339 = arith.constant 7 : i32
        %dma_wait3A_1340 = arith.constant 56 : i32
        %dma_wait3A_1341 = arith.constant 0 : i32
        %dma_wait3A_1342 = tpu.memref_slice %arg8[%dma_wait3A_1338, %dma_wait3A_1340, %dma_wait3A_1341] : memref<2x64x128xf32, #tpu.memory_space<vmem>> -> memref<1x8x128xf32, #tpu.memory_space<vmem>>
        %dma_wait3A_1343 = tpu.memref_squeeze %dma_wait3A_1342 : memref<1x8x128xf32, #tpu.memory_space<vmem>> -> memref<8x128xf32, #tpu.memory_space<vmem>>
        %dma_wait3A_1344 = arith.constant 0 : i32
        %dma_wait3A_1345 = arith.constant 0 : i32
        %dma_wait3A_1346 = tpu.memref_slice %arg5[%add3A_845, %dma_wait3A_1339, %add3A, %dma_wait3A_1344, %dma_wait3A_1345] : memref<200x8x32x8x128xf32, #tpu.memory_space<hbm>> -> memref<1x1x1x8x128xf32, #tpu.memory_space<hbm>>
        %dma_wait3A_1347 = tpu.memref_squeeze %dma_wait3A_1346 : memref<1x1x1x8x128xf32, #tpu.memory_space<hbm>> -> memref<8x128xf32, #tpu.memory_space<hbm>>
        %dma_wait3A_1348 = arith.constant 0 : i32
        %dma_wait3A_1349 = arith.constant 0 : i32
        %dma_wait3A_1350 = tpu.memref_slice %arg5[%add3A_845, %dma_wait3A_1339, %add3A, %dma_wait3A_1348, %dma_wait3A_1349] : memref<200x8x32x8x128xf32, #tpu.memory_space<hbm>> -> memref<1x1x1x8x128xf32, #tpu.memory_space<hbm>>
        %dma_wait3A_1351 = tpu.memref_squeeze %dma_wait3A_1350 : memref<1x1x1x8x128xf32, #tpu.memory_space<hbm>> -> memref<8x128xf32, #tpu.memory_space<hbm>>
        %dma_wait3A_1352 = arith.constant 56 : i32
        %dma_wait3A_1353 = arith.constant 0 : i32
        %dma_wait3A_1354 = tpu.memref_slice %arg8[%dma_wait3A_1338, %dma_wait3A_1352, %dma_wait3A_1353] : memref<2x64x128xf32, #tpu.memory_space<vmem>> -> memref<1x8x128xf32, #tpu.memory_space<vmem>>
        %dma_wait3A_1355 = tpu.memref_squeeze %dma_wait3A_1354 : memref<1x8x128xf32, #tpu.memory_space<vmem>> -> memref<8x128xf32, #tpu.memory_space<vmem>>
        tpu.wait_dma2 semaphore(%arg18 : memref<!tpu.dma_semaphore, #tpu.memory_space<semaphore_mem>>) src(%dma_wait3A_1355 : memref<8x128xf32, #tpu.memory_space<vmem>>) dst(%dma_wait3A_1351 : memref<8x128xf32, #tpu.memory_space<hbm>>)
      } else {
      }
      %broadcast_in_dim3A_870 = arith.constant 0 : i32
      %broadcast_in_dim3A_871 = vector.broadcast %broadcast_in_dim3A_870 : i32 to vector<16xi32>
      %add3A_872 = vector.broadcast %add3A_845 : i32 to vector<16xi32>
      %add3A_873 = arith.addi %broadcast_in_dim3A_871, %add3A_872 : vector<16xi32>
      %parallel_loop3A_874 = arith.constant 0 : i32
      %parallel_loop3A_875 = arith.constant 64 : i32
      %parallel_loop3A_876 = arith.constant 1 : i32
      scf.for %parallel_loop3A_1212 = %parallel_loop3A_874 to %parallel_loop3A_875 step %parallel_loop3A_876  : i32 {
        %parallel_loop3A_1213 = vector.broadcast %parallel_loop3A_1212 : i32 to vector<16xi32>
        %parallel_loop3A_1214 = arith.addi %iota3A, %parallel_loop3A_1213 : vector<16xi32>
        %parallel_loop3A_1215 = arith.constant 15 : i32
        %parallel_loop3A_1216 = vector.broadcast %parallel_loop3A_1215 : i32 to vector<16xi32>
        %parallel_loop3A_1217 = arith.andi %parallel_loop3A_1214, %parallel_loop3A_1216 : vector<16xi32>
        %parallel_loop3A_1218 = arith.constant 48 : i32
        %parallel_loop3A_1219 = arith.andi %parallel_loop3A_1212, %parallel_loop3A_1218 : i32
        %parallel_loop3A_1220 = vector.broadcast %parallel_loop3A_1219 : i32 to vector<16xi32>
        %parallel_loop3A_1221 = arith.addi %parallel_loop3A_1217, %parallel_loop3A_1220 : vector<16xi32>
        %parallel_loop3A_1222 = tpu.vector_load_idx %arg9[%add3A_873, %parallel_loop3A_1221] : memref<200x64xf32, #tpu.memory_space<vmem>>[vector<16xi32>, vector<16xi32>], vector<16xf32>,
        %parallel_loop3A_1223 = arith.constant 2 : i32
        %parallel_loop3A_1224 = arith.constant 0 : i32
        %parallel_loop3A_1225 = arith.constant 0 : i32
        %parallel_loop3A_1226 = tpu.memref_slice %arg7[%parallel_loop3A_1223, %parallel_loop3A_1224, %parallel_loop3A_1225] : memref<4x128x64xf32, #tpu.memory_space<vmem>> -> memref<1x128x64xf32, #tpu.memory_space<vmem>>
        %parallel_loop3A_1227 = tpu.memref_squeeze %parallel_loop3A_1226 : memref<1x128x64xf32, #tpu.memory_space<vmem>> -> memref<128x64xf32, #tpu.memory_space<vmem>>
        %parallel_loop3A_1228 = tpu.vector_load_idx %parallel_loop3A_1227[%add3A_5, %parallel_loop3A_1221] : memref<128x64xf32, #tpu.memory_space<vmem>>[vector<16xi32>, vector<16xi32>], vector<16xf32>,
        %parallel_loop3A_1229 = arith.constant 8.000000e+00 : f32
        %parallel_loop3A_1230 = vector.broadcast %parallel_loop3A_1229 : f32 to vector<16xf32>
        %parallel_loop3A_1231 = arith.mulf %parallel_loop3A_1228, %parallel_loop3A_1230 : vector<16xf32>
        %parallel_loop3A_1232 = arith.addf %parallel_loop3A_1231, %parallel_loop3A_1222 : vector<16xf32>
        %parallel_loop3A_1233 = arith.constant 0 : i32
        %parallel_loop3A_1234 = arith.constant 0 : i32
        %parallel_loop3A_1235 = arith.constant 0 : i32
        %parallel_loop3A_1236 = tpu.memref_slice %arg8[%parallel_loop3A_1233, %parallel_loop3A_1234, %parallel_loop3A_1235] : memref<2x64x128xf32, #tpu.memory_space<vmem>> -> memref<1x64x128xf32, #tpu.memory_space<vmem>>
        %parallel_loop3A_1237 = tpu.memref_squeeze %parallel_loop3A_1236 : memref<1x64x128xf32, #tpu.memory_space<vmem>> -> memref<64x128xf32, #tpu.memory_space<vmem>>
        tpu.vector_store_idx %parallel_loop3A_1237[%parallel_loop3A_1221, %add3A_5], %parallel_loop3A_1232 : memref<64x128xf32, #tpu.memory_space<vmem>>[vector<16xi32>, vector<16xi32>], vector<16xf32>,
        %parallel_loop3A_1238 = arith.constant 2 : i32
        %parallel_loop3A_1239 = arith.constant 0 : i32
        %parallel_loop3A_1240 = arith.constant 0 : i32
        %parallel_loop3A_1241 = tpu.memref_slice %arg7[%parallel_loop3A_1238, %parallel_loop3A_1239, %parallel_loop3A_1240] : memref<4x128x64xf32, #tpu.memory_space<vmem>> -> memref<1x128x64xf32, #tpu.memory_space<vmem>>
        %parallel_loop3A_1242 = tpu.memref_squeeze %parallel_loop3A_1241 : memref<1x128x64xf32, #tpu.memory_space<vmem>> -> memref<128x64xf32, #tpu.memory_space<vmem>>
        %parallel_loop3A_1243 = tpu.vector_load_idx %parallel_loop3A_1242[%add3A_8, %parallel_loop3A_1221] : memref<128x64xf32, #tpu.memory_space<vmem>>[vector<16xi32>, vector<16xi32>], vector<16xf32>,
        %parallel_loop3A_1244 = arith.constant 8.000000e+00 : f32
        %parallel_loop3A_1245 = vector.broadcast %parallel_loop3A_1244 : f32 to vector<16xf32>
        %parallel_loop3A_1246 = arith.mulf %parallel_loop3A_1243, %parallel_loop3A_1245 : vector<16xf32>
        %parallel_loop3A_1247 = arith.addf %parallel_loop3A_1246, %parallel_loop3A_1222 : vector<16xf32>
        %parallel_loop3A_1248 = arith.constant 0 : i32
        %parallel_loop3A_1249 = arith.constant 0 : i32
        %parallel_loop3A_1250 = arith.constant 0 : i32
        %parallel_loop3A_1251 = tpu.memref_slice %arg8[%parallel_loop3A_1248, %parallel_loop3A_1249, %parallel_loop3A_1250] : memref<2x64x128xf32, #tpu.memory_space<vmem>> -> memref<1x64x128xf32, #tpu.memory_space<vmem>>
        %parallel_loop3A_1252 = tpu.memref_squeeze %parallel_loop3A_1251 : memref<1x64x128xf32, #tpu.memory_space<vmem>> -> memref<64x128xf32, #tpu.memory_space<vmem>>
        tpu.vector_store_idx %parallel_loop3A_1252[%parallel_loop3A_1221, %add3A_8], %parallel_loop3A_1247 : memref<64x128xf32, #tpu.memory_space<vmem>>[vector<16xi32>, vector<16xi32>], vector<16xf32>,
        %parallel_loop3A_1253 = arith.constant 2 : i32
        %parallel_loop3A_1254 = arith.constant 0 : i32
        %parallel_loop3A_1255 = arith.constant 0 : i32
        %parallel_loop3A_1256 = tpu.memref_slice %arg7[%parallel_loop3A_1253, %parallel_loop3A_1254, %parallel_loop3A_1255] : memref<4x128x64xf32, #tpu.memory_space<vmem>> -> memref<1x128x64xf32, #tpu.memory_space<vmem>>
        %parallel_loop3A_1257 = tpu.memref_squeeze %parallel_loop3A_1256 : memref<1x128x64xf32, #tpu.memory_space<vmem>> -> memref<128x64xf32, #tpu.memory_space<vmem>>
        %parallel_loop3A_1258 = tpu.vector_load_idx %parallel_loop3A_1257[%add3A_11, %parallel_loop3A_1221] : memref<128x64xf32, #tpu.memory_space<vmem>>[vector<16xi32>, vector<16xi32>], vector<16xf32>,
        %parallel_loop3A_1259 = arith.constant 8.000000e+00 : f32
        %parallel_loop3A_1260 = vector.broadcast %parallel_loop3A_1259 : f32 to vector<16xf32>
        %parallel_loop3A_1261 = arith.mulf %parallel_loop3A_1258, %parallel_loop3A_1260 : vector<16xf32>
        %parallel_loop3A_1262 = arith.addf %parallel_loop3A_1261, %parallel_loop3A_1222 : vector<16xf32>
        %parallel_loop3A_1263 = arith.constant 0 : i32
        %parallel_loop3A_1264 = arith.constant 0 : i32
        %parallel_loop3A_1265 = arith.constant 0 : i32
        %parallel_loop3A_1266 = tpu.memref_slice %arg8[%parallel_loop3A_1263, %parallel_loop3A_1264, %parallel_loop3A_1265] : memref<2x64x128xf32, #tpu.memory_space<vmem>> -> memref<1x64x128xf32, #tpu.memory_space<vmem>>
        %parallel_loop3A_1267 = tpu.memref_squeeze %parallel_loop3A_1266 : memref<1x64x128xf32, #tpu.memory_space<vmem>> -> memref<64x128xf32, #tpu.memory_space<vmem>>
        tpu.vector_store_idx %parallel_loop3A_1267[%parallel_loop3A_1221, %add3A_11], %parallel_loop3A_1262 : memref<64x128xf32, #tpu.memory_space<vmem>>[vector<16xi32>, vector<16xi32>], vector<16xf32>,
        %parallel_loop3A_1268 = arith.constant 2 : i32
        %parallel_loop3A_1269 = arith.constant 0 : i32
        %parallel_loop3A_1270 = arith.constant 0 : i32
        %parallel_loop3A_1271 = tpu.memref_slice %arg7[%parallel_loop3A_1268, %parallel_loop3A_1269, %parallel_loop3A_1270] : memref<4x128x64xf32, #tpu.memory_space<vmem>> -> memref<1x128x64xf32, #tpu.memory_space<vmem>>
        %parallel_loop3A_1272 = tpu.memref_squeeze %parallel_loop3A_1271 : memref<1x128x64xf32, #tpu.memory_space<vmem>> -> memref<128x64xf32, #tpu.memory_space<vmem>>
        %parallel_loop3A_1273 = tpu.vector_load_idx %parallel_loop3A_1272[%add3A_14, %parallel_loop3A_1221] : memref<128x64xf32, #tpu.memory_space<vmem>>[vector<16xi32>, vector<16xi32>], vector<16xf32>,
        %parallel_loop3A_1274 = arith.constant 8.000000e+00 : f32
        %parallel_loop3A_1275 = vector.broadcast %parallel_loop3A_1274 : f32 to vector<16xf32>
        %parallel_loop3A_1276 = arith.mulf %parallel_loop3A_1273, %parallel_loop3A_1275 : vector<16xf32>
        %parallel_loop3A_1277 = arith.addf %parallel_loop3A_1276, %parallel_loop3A_1222 : vector<16xf32>
        %parallel_loop3A_1278 = arith.constant 0 : i32
        %parallel_loop3A_1279 = arith.constant 0 : i32
        %parallel_loop3A_1280 = arith.constant 0 : i32
        %parallel_loop3A_1281 = tpu.memref_slice %arg8[%parallel_loop3A_1278, %parallel_loop3A_1279, %parallel_loop3A_1280] : memref<2x64x128xf32, #tpu.memory_space<vmem>> -> memref<1x64x128xf32, #tpu.memory_space<vmem>>
        %parallel_loop3A_1282 = tpu.memref_squeeze %parallel_loop3A_1281 : memref<1x64x128xf32, #tpu.memory_space<vmem>> -> memref<64x128xf32, #tpu.memory_space<vmem>>
        tpu.vector_store_idx %parallel_loop3A_1282[%parallel_loop3A_1221, %add3A_14], %parallel_loop3A_1277 : memref<64x128xf32, #tpu.memory_space<vmem>>[vector<16xi32>, vector<16xi32>], vector<16xf32>,
        %parallel_loop3A_1283 = arith.constant 2 : i32
        %parallel_loop3A_1284 = arith.constant 0 : i32
        %parallel_loop3A_1285 = arith.constant 0 : i32
        %parallel_loop3A_1286 = tpu.memref_slice %arg7[%parallel_loop3A_1283, %parallel_loop3A_1284, %parallel_loop3A_1285] : memref<4x128x64xf32, #tpu.memory_space<vmem>> -> memref<1x128x64xf32, #tpu.memory_space<vmem>>
        %parallel_loop3A_1287 = tpu.memref_squeeze %parallel_loop3A_1286 : memref<1x128x64xf32, #tpu.memory_space<vmem>> -> memref<128x64xf32, #tpu.memory_space<vmem>>
        %parallel_loop3A_1288 = tpu.vector_load_idx %parallel_loop3A_1287[%add3A_17, %parallel_loop3A_1221] : memref<128x64xf32, #tpu.memory_space<vmem>>[vector<16xi32>, vector<16xi32>], vector<16xf32>,
        %parallel_loop3A_1289 = arith.constant 8.000000e+00 : f32
        %parallel_loop3A_1290 = vector.broadcast %parallel_loop3A_1289 : f32 to vector<16xf32>
        %parallel_loop3A_1291 = arith.mulf %parallel_loop3A_1288, %parallel_loop3A_1290 : vector<16xf32>
        %parallel_loop3A_1292 = arith.addf %parallel_loop3A_1291, %parallel_loop3A_1222 : vector<16xf32>
        %parallel_loop3A_1293 = arith.constant 0 : i32
        %parallel_loop3A_1294 = arith.constant 0 : i32
        %parallel_loop3A_1295 = arith.constant 0 : i32
        %parallel_loop3A_1296 = tpu.memref_slice %arg8[%parallel_loop3A_1293, %parallel_loop3A_1294, %parallel_loop3A_1295] : memref<2x64x128xf32, #tpu.memory_space<vmem>> -> memref<1x64x128xf32, #tpu.memory_space<vmem>>
        %parallel_loop3A_1297 = tpu.memref_squeeze %parallel_loop3A_1296 : memref<1x64x128xf32, #tpu.memory_space<vmem>> -> memref<64x128xf32, #tpu.memory_space<vmem>>
        tpu.vector_store_idx %parallel_loop3A_1297[%parallel_loop3A_1221, %add3A_17], %parallel_loop3A_1292 : memref<64x128xf32, #tpu.memory_space<vmem>>[vector<16xi32>, vector<16xi32>], vector<16xf32>,
        %parallel_loop3A_1298 = arith.constant 2 : i32
        %parallel_loop3A_1299 = arith.constant 0 : i32
        %parallel_loop3A_1300 = arith.constant 0 : i32
        %parallel_loop3A_1301 = tpu.memref_slice %arg7[%parallel_loop3A_1298, %parallel_loop3A_1299, %parallel_loop3A_1300] : memref<4x128x64xf32, #tpu.memory_space<vmem>> -> memref<1x128x64xf32, #tpu.memory_space<vmem>>
        %parallel_loop3A_1302 = tpu.memref_squeeze %parallel_loop3A_1301 : memref<1x128x64xf32, #tpu.memory_space<vmem>> -> memref<128x64xf32, #tpu.memory_space<vmem>>
        %parallel_loop3A_1303 = tpu.vector_load_idx %parallel_loop3A_1302[%add3A_20, %parallel_loop3A_1221] : memref<128x64xf32, #tpu.memory_space<vmem>>[vector<16xi32>, vector<16xi32>], vector<16xf32>,
        %parallel_loop3A_1304 = arith.constant 8.000000e+00 : f32
        %parallel_loop3A_1305 = vector.broadcast %parallel_loop3A_1304 : f32 to vector<16xf32>
        %parallel_loop3A_1306 = arith.mulf %parallel_loop3A_1303, %parallel_loop3A_1305 : vector<16xf32>
        %parallel_loop3A_1307 = arith.addf %parallel_loop3A_1306, %parallel_loop3A_1222 : vector<16xf32>
        %parallel_loop3A_1308 = arith.constant 0 : i32
        %parallel_loop3A_1309 = arith.constant 0 : i32
        %parallel_loop3A_1310 = arith.constant 0 : i32
        %parallel_loop3A_1311 = tpu.memref_slice %arg8[%parallel_loop3A_1308, %parallel_loop3A_1309, %parallel_loop3A_1310] : memref<2x64x128xf32, #tpu.memory_space<vmem>> -> memref<1x64x128xf32, #tpu.memory_space<vmem>>
        %parallel_loop3A_1312 = tpu.memref_squeeze %parallel_loop3A_1311 : memref<1x64x128xf32, #tpu.memory_space<vmem>> -> memref<64x128xf32, #tpu.memory_space<vmem>>
        tpu.vector_store_idx %parallel_loop3A_1312[%parallel_loop3A_1221, %add3A_20], %parallel_loop3A_1307 : memref<64x128xf32, #tpu.memory_space<vmem>>[vector<16xi32>, vector<16xi32>], vector<16xf32>,
        %parallel_loop3A_1313 = arith.constant 2 : i32
        %parallel_loop3A_1314 = arith.constant 0 : i32
        %parallel_loop3A_1315 = arith.constant 0 : i32
        %parallel_loop3A_1316 = tpu.memref_slice %arg7[%parallel_loop3A_1313, %parallel_loop3A_1314, %parallel_loop3A_1315] : memref<4x128x64xf32, #tpu.memory_space<vmem>> -> memref<1x128x64xf32, #tpu.memory_space<vmem>>
        %parallel_loop3A_1317 = tpu.memref_squeeze %parallel_loop3A_1316 : memref<1x128x64xf32, #tpu.memory_space<vmem>> -> memref<128x64xf32, #tpu.memory_space<vmem>>
        %parallel_loop3A_1318 = tpu.vector_load_idx %parallel_loop3A_1317[%add3A_23, %parallel_loop3A_1221] : memref<128x64xf32, #tpu.memory_space<vmem>>[vector<16xi32>, vector<16xi32>], vector<16xf32>,
        %parallel_loop3A_1319 = arith.constant 8.000000e+00 : f32
        %parallel_loop3A_1320 = vector.broadcast %parallel_loop3A_1319 : f32 to vector<16xf32>
        %parallel_loop3A_1321 = arith.mulf %parallel_loop3A_1318, %parallel_loop3A_1320 : vector<16xf32>
        %parallel_loop3A_1322 = arith.addf %parallel_loop3A_1321, %parallel_loop3A_1222 : vector<16xf32>
        %parallel_loop3A_1323 = arith.constant 0 : i32
        %parallel_loop3A_1324 = arith.constant 0 : i32
        %parallel_loop3A_1325 = arith.constant 0 : i32
        %parallel_loop3A_1326 = tpu.memref_slice %arg8[%parallel_loop3A_1323, %parallel_loop3A_1324, %parallel_loop3A_1325] : memref<2x64x128xf32, #tpu.memory_space<vmem>> -> memref<1x64x128xf32, #tpu.memory_space<vmem>>
        %parallel_loop3A_1327 = tpu.memref_squeeze %parallel_loop3A_1326 : memref<1x64x128xf32, #tpu.memory_space<vmem>> -> memref<64x128xf32, #tpu.memory_space<vmem>>
        tpu.vector_store_idx %parallel_loop3A_1327[%parallel_loop3A_1221, %add3A_23], %parallel_loop3A_1322 : memref<64x128xf32, #tpu.memory_space<vmem>>[vector<16xi32>, vector<16xi32>], vector<16xf32>,
        %parallel_loop3A_1328 = arith.constant 2 : i32
        %parallel_loop3A_1329 = arith.constant 0 : i32
        %parallel_loop3A_1330 = arith.constant 0 : i32
        %parallel_loop3A_1331 = tpu.memref_slice %arg7[%parallel_loop3A_1328, %parallel_loop3A_1329, %parallel_loop3A_1330] : memref<4x128x64xf32, #tpu.memory_space<vmem>> -> memref<1x128x64xf32, #tpu.memory_space<vmem>>
        %parallel_loop3A_1332 = tpu.memref_squeeze %parallel_loop3A_1331 : memref<1x128x64xf32, #tpu.memory_space<vmem>> -> memref<128x64xf32, #tpu.memory_space<vmem>>
        %parallel_loop3A_1333 = tpu.vector_load_idx %parallel_loop3A_1332[%add3A_26, %parallel_loop3A_1221] : memref<128x64xf32, #tpu.memory_space<vmem>>[vector<16xi32>, vector<16xi32>], vector<16xf32>,
        %parallel_loop3A_1334 = arith.constant 8.000000e+00 : f32
        %parallel_loop3A_1335 = vector.broadcast %parallel_loop3A_1334 : f32 to vector<16xf32>
        %parallel_loop3A_1336 = arith.mulf %parallel_loop3A_1333, %parallel_loop3A_1335 : vector<16xf32>
        %parallel_loop3A_1337 = arith.addf %parallel_loop3A_1336, %parallel_loop3A_1222 : vector<16xf32>
        %parallel_loop3A_1338 = arith.constant 0 : i32
        %parallel_loop3A_1339 = arith.constant 0 : i32
        %parallel_loop3A_1340 = arith.constant 0 : i32
        %parallel_loop3A_1341 = tpu.memref_slice %arg8[%parallel_loop3A_1338, %parallel_loop3A_1339, %parallel_loop3A_1340] : memref<2x64x128xf32, #tpu.memory_space<vmem>> -> memref<1x64x128xf32, #tpu.memory_space<vmem>>
        %parallel_loop3A_1342 = tpu.memref_squeeze %parallel_loop3A_1341 : memref<1x64x128xf32, #tpu.memory_space<vmem>> -> memref<64x128xf32, #tpu.memory_space<vmem>>
        tpu.vector_store_idx %parallel_loop3A_1342[%parallel_loop3A_1221, %add3A_26], %parallel_loop3A_1337 : memref<64x128xf32, #tpu.memory_space<vmem>>[vector<16xi32>, vector<16xi32>], vector<16xf32>,
      } {sc.loop_unroll_factor = 2 : i64, sc.parallel_access}
      %dma_start3A_877 = arith.constant 0 : i32
      %dma_start3A_878 = arith.constant 0 : i32
      %dma_start3A_879 = arith.constant 0 : i32
      %dma_start3A_880 = arith.constant 0 : i32
      %dma_start3A_881 = tpu.memref_slice %arg8[%dma_start3A_877, %dma_start3A_879, %dma_start3A_880] : memref<2x64x128xf32, #tpu.memory_space<vmem>> -> memref<1x8x128xf32, #tpu.memory_space<vmem>>
      %dma_start3A_882 = tpu.memref_squeeze %dma_start3A_881 : memref<1x8x128xf32, #tpu.memory_space<vmem>> -> memref<8x128xf32, #tpu.memory_space<vmem>>
      %dma_start3A_883 = arith.constant 0 : i32
      %dma_start3A_884 = arith.constant 0 : i32
      %dma_start3A_885 = tpu.memref_slice %arg5[%add3A_845, %dma_start3A_878, %add3A, %dma_start3A_883, %dma_start3A_884] : memref<200x8x32x8x128xf32, #tpu.memory_space<hbm>> -> memref<1x1x1x8x128xf32, #tpu.memory_space<hbm>>
      %dma_start3A_886 = tpu.memref_squeeze %dma_start3A_885 : memref<1x1x1x8x128xf32, #tpu.memory_space<hbm>> -> memref<8x128xf32, #tpu.memory_space<hbm>>
      %dma_start3A_887 = arith.constant 0 : i32
      %dma_start3A_888 = arith.constant 0 : i32
      %dma_start3A_889 = tpu.memref_slice %arg5[%add3A_845, %dma_start3A_878, %add3A, %dma_start3A_887, %dma_start3A_888] : memref<200x8x32x8x128xf32, #tpu.memory_space<hbm>> -> memref<1x1x1x8x128xf32, #tpu.memory_space<hbm>>
      %dma_start3A_890 = tpu.memref_squeeze %dma_start3A_889 : memref<1x1x1x8x128xf32, #tpu.memory_space<hbm>> -> memref<8x128xf32, #tpu.memory_space<hbm>>
      %dma_start3A_891 = arith.constant 0 : i32
      %dma_start3A_892 = arith.constant 0 : i32
      %dma_start3A_893 = tpu.memref_slice %arg8[%dma_start3A_877, %dma_start3A_891, %dma_start3A_892] : memref<2x64x128xf32, #tpu.memory_space<vmem>> -> memref<1x8x128xf32, #tpu.memory_space<vmem>>
      %dma_start3A_894 = tpu.memref_squeeze %dma_start3A_893 : memref<1x8x128xf32, #tpu.memory_space<vmem>> -> memref<8x128xf32, #tpu.memory_space<vmem>>
      tpu.enqueue_dma source(%dma_start3A_894 : memref<8x128xf32, #tpu.memory_space<vmem>>) target(%dma_start3A_890 : memref<8x128xf32, #tpu.memory_space<hbm>>) target_semaphore(%arg18 : memref<!tpu.dma_semaphore, #tpu.memory_space<semaphore_mem>>)
      %dma_start3A_895 = arith.constant 0 : i32
      %dma_start3A_896 = arith.constant 1 : i32
      %dma_start3A_897 = arith.constant 8 : i32
      %dma_start3A_898 = arith.constant 0 : i32
      %dma_start3A_899 = tpu.memref_slice %arg8[%dma_start3A_895, %dma_start3A_897, %dma_start3A_898] : memref<2x64x128xf32, #tpu.memory_space<vmem>> -> memref<1x8x128xf32, #tpu.memory_space<vmem>>
      %dma_start3A_900 = tpu.memref_squeeze %dma_start3A_899 : memref<1x8x128xf32, #tpu.memory_space<vmem>> -> memref<8x128xf32, #tpu.memory_space<vmem>>
      %dma_start3A_901 = arith.constant 0 : i32
      %dma_start3A_902 = arith.constant 0 : i32
      %dma_start3A_903 = tpu.memref_slice %arg5[%add3A_845, %dma_start3A_896, %add3A, %dma_start3A_901, %dma_start3A_902] : memref<200x8x32x8x128xf32, #tpu.memory_space<hbm>> -> memref<1x1x1x8x128xf32, #tpu.memory_space<hbm>>
      %dma_start3A_904 = tpu.memref_squeeze %dma_start3A_903 : memref<1x1x1x8x128xf32, #tpu.memory_space<hbm>> -> memref<8x128xf32, #tpu.memory_space<hbm>>
      %dma_start3A_905 = arith.constant 0 : i32
      %dma_start3A_906 = arith.constant 0 : i32
      %dma_start3A_907 = tpu.memref_slice %arg5[%add3A_845, %dma_start3A_896, %add3A, %dma_start3A_905, %dma_start3A_906] : memref<200x8x32x8x128xf32, #tpu.memory_space<hbm>> -> memref<1x1x1x8x128xf32, #tpu.memory_space<hbm>>
      %dma_start3A_908 = tpu.memref_squeeze %dma_start3A_907 : memref<1x1x1x8x128xf32, #tpu.memory_space<hbm>> -> memref<8x128xf32, #tpu.memory_space<hbm>>
      %dma_start3A_909 = arith.constant 8 : i32
      %dma_start3A_910 = arith.constant 0 : i32
      %dma_start3A_911 = tpu.memref_slice %arg8[%dma_start3A_895, %dma_start3A_909, %dma_start3A_910] : memref<2x64x128xf32, #tpu.memory_space<vmem>> -> memref<1x8x128xf32, #tpu.memory_space<vmem>>
      %dma_start3A_912 = tpu.memref_squeeze %dma_start3A_911 : memref<1x8x128xf32, #tpu.memory_space<vmem>> -> memref<8x128xf32, #tpu.memory_space<vmem>>
      tpu.enqueue_dma source(%dma_start3A_912 : memref<8x128xf32, #tpu.memory_space<vmem>>) target(%dma_start3A_908 : memref<8x128xf32, #tpu.memory_space<hbm>>) target_semaphore(%arg18 : memref<!tpu.dma_semaphore, #tpu.memory_space<semaphore_mem>>)
      %dma_start3A_913 = arith.constant 0 : i32
      %dma_start3A_914 = arith.constant 2 : i32
      %dma_start3A_915 = arith.constant 16 : i32
      %dma_start3A_916 = arith.constant 0 : i32
      %dma_start3A_917 = tpu.memref_slice %arg8[%dma_start3A_913, %dma_start3A_915, %dma_start3A_916] : memref<2x64x128xf32, #tpu.memory_space<vmem>> -> memref<1x8x128xf32, #tpu.memory_space<vmem>>
      %dma_start3A_918 = tpu.memref_squeeze %dma_start3A_917 : memref<1x8x128xf32, #tpu.memory_space<vmem>> -> memref<8x128xf32, #tpu.memory_space<vmem>>
      %dma_start3A_919 = arith.constant 0 : i32
      %dma_start3A_920 = arith.constant 0 : i32
      %dma_start3A_921 = tpu.memref_slice %arg5[%add3A_845, %dma_start3A_914, %add3A, %dma_start3A_919, %dma_start3A_920] : memref<200x8x32x8x128xf32, #tpu.memory_space<hbm>> -> memref<1x1x1x8x128xf32, #tpu.memory_space<hbm>>
      %dma_start3A_922 = tpu.memref_squeeze %dma_start3A_921 : memref<1x1x1x8x128xf32, #tpu.memory_space<hbm>> -> memref<8x128xf32, #tpu.memory_space<hbm>>
      %dma_start3A_923 = arith.constant 0 : i32
      %dma_start3A_924 = arith.constant 0 : i32
      %dma_start3A_925 = tpu.memref_slice %arg5[%add3A_845, %dma_start3A_914, %add3A, %dma_start3A_923, %dma_start3A_924] : memref<200x8x32x8x128xf32, #tpu.memory_space<hbm>> -> memref<1x1x1x8x128xf32, #tpu.memory_space<hbm>>
      %dma_start3A_926 = tpu.memref_squeeze %dma_start3A_925 : memref<1x1x1x8x128xf32, #tpu.memory_space<hbm>> -> memref<8x128xf32, #tpu.memory_space<hbm>>
      %dma_start3A_927 = arith.constant 16 : i32
      %dma_start3A_928 = arith.constant 0 : i32
      %dma_start3A_929 = tpu.memref_slice %arg8[%dma_start3A_913, %dma_start3A_927, %dma_start3A_928] : memref<2x64x128xf32, #tpu.memory_space<vmem>> -> memref<1x8x128xf32, #tpu.memory_space<vmem>>
      %dma_start3A_930 = tpu.memref_squeeze %dma_start3A_929 : memref<1x8x128xf32, #tpu.memory_space<vmem>> -> memref<8x128xf32, #tpu.memory_space<vmem>>
      tpu.enqueue_dma source(%dma_start3A_930 : memref<8x128xf32, #tpu.memory_space<vmem>>) target(%dma_start3A_926 : memref<8x128xf32, #tpu.memory_space<hbm>>) target_semaphore(%arg18 : memref<!tpu.dma_semaphore, #tpu.memory_space<semaphore_mem>>)
      %dma_start3A_931 = arith.constant 0 : i32
      %dma_start3A_932 = arith.constant 3 : i32
      %dma_start3A_933 = arith.constant 24 : i32
      %dma_start3A_934 = arith.constant 0 : i32
      %dma_start3A_935 = tpu.memref_slice %arg8[%dma_start3A_931, %dma_start3A_933, %dma_start3A_934] : memref<2x64x128xf32, #tpu.memory_space<vmem>> -> memref<1x8x128xf32, #tpu.memory_space<vmem>>
      %dma_start3A_936 = tpu.memref_squeeze %dma_start3A_935 : memref<1x8x128xf32, #tpu.memory_space<vmem>> -> memref<8x128xf32, #tpu.memory_space<vmem>>
      %dma_start3A_937 = arith.constant 0 : i32
      %dma_start3A_938 = arith.constant 0 : i32
      %dma_start3A_939 = tpu.memref_slice %arg5[%add3A_845, %dma_start3A_932, %add3A, %dma_start3A_937, %dma_start3A_938] : memref<200x8x32x8x128xf32, #tpu.memory_space<hbm>> -> memref<1x1x1x8x128xf32, #tpu.memory_space<hbm>>
      %dma_start3A_940 = tpu.memref_squeeze %dma_start3A_939 : memref<1x1x1x8x128xf32, #tpu.memory_space<hbm>> -> memref<8x128xf32, #tpu.memory_space<hbm>>
      %dma_start3A_941 = arith.constant 0 : i32
      %dma_start3A_942 = arith.constant 0 : i32
      %dma_start3A_943 = tpu.memref_slice %arg5[%add3A_845, %dma_start3A_932, %add3A, %dma_start3A_941, %dma_start3A_942] : memref<200x8x32x8x128xf32, #tpu.memory_space<hbm>> -> memref<1x1x1x8x128xf32, #tpu.memory_space<hbm>>
      %dma_start3A_944 = tpu.memref_squeeze %dma_start3A_943 : memref<1x1x1x8x128xf32, #tpu.memory_space<hbm>> -> memref<8x128xf32, #tpu.memory_space<hbm>>
      %dma_start3A_945 = arith.constant 24 : i32
      %dma_start3A_946 = arith.constant 0 : i32
      %dma_start3A_947 = tpu.memref_slice %arg8[%dma_start3A_931, %dma_start3A_945, %dma_start3A_946] : memref<2x64x128xf32, #tpu.memory_space<vmem>> -> memref<1x8x128xf32, #tpu.memory_space<vmem>>
      %dma_start3A_948 = tpu.memref_squeeze %dma_start3A_947 : memref<1x8x128xf32, #tpu.memory_space<vmem>> -> memref<8x128xf32, #tpu.memory_space<vmem>>
      tpu.enqueue_dma source(%dma_start3A_948 : memref<8x128xf32, #tpu.memory_space<vmem>>) target(%dma_start3A_944 : memref<8x128xf32, #tpu.memory_space<hbm>>) target_semaphore(%arg18 : memref<!tpu.dma_semaphore, #tpu.memory_space<semaphore_mem>>)
      %dma_start3A_949 = arith.constant 0 : i32
      %dma_start3A_950 = arith.constant 4 : i32
      %dma_start3A_951 = arith.constant 32 : i32
      %dma_start3A_952 = arith.constant 0 : i32
      %dma_start3A_953 = tpu.memref_slice %arg8[%dma_start3A_949, %dma_start3A_951, %dma_start3A_952] : memref<2x64x128xf32, #tpu.memory_space<vmem>> -> memref<1x8x128xf32, #tpu.memory_space<vmem>>
      %dma_start3A_954 = tpu.memref_squeeze %dma_start3A_953 : memref<1x8x128xf32, #tpu.memory_space<vmem>> -> memref<8x128xf32, #tpu.memory_space<vmem>>
      %dma_start3A_955 = arith.constant 0 : i32
      %dma_start3A_956 = arith.constant 0 : i32
      %dma_start3A_957 = tpu.memref_slice %arg5[%add3A_845, %dma_start3A_950, %add3A, %dma_start3A_955, %dma_start3A_956] : memref<200x8x32x8x128xf32, #tpu.memory_space<hbm>> -> memref<1x1x1x8x128xf32, #tpu.memory_space<hbm>>
      %dma_start3A_958 = tpu.memref_squeeze %dma_start3A_957 : memref<1x1x1x8x128xf32, #tpu.memory_space<hbm>> -> memref<8x128xf32, #tpu.memory_space<hbm>>
      %dma_start3A_959 = arith.constant 0 : i32
      %dma_start3A_960 = arith.constant 0 : i32
      %dma_start3A_961 = tpu.memref_slice %arg5[%add3A_845, %dma_start3A_950, %add3A, %dma_start3A_959, %dma_start3A_960] : memref<200x8x32x8x128xf32, #tpu.memory_space<hbm>> -> memref<1x1x1x8x128xf32, #tpu.memory_space<hbm>>
      %dma_start3A_962 = tpu.memref_squeeze %dma_start3A_961 : memref<1x1x1x8x128xf32, #tpu.memory_space<hbm>> -> memref<8x128xf32, #tpu.memory_space<hbm>>
      %dma_start3A_963 = arith.constant 32 : i32
      %dma_start3A_964 = arith.constant 0 : i32
      %dma_start3A_965 = tpu.memref_slice %arg8[%dma_start3A_949, %dma_start3A_963, %dma_start3A_964] : memref<2x64x128xf32, #tpu.memory_space<vmem>> -> memref<1x8x128xf32, #tpu.memory_space<vmem>>
      %dma_start3A_966 = tpu.memref_squeeze %dma_start3A_965 : memref<1x8x128xf32, #tpu.memory_space<vmem>> -> memref<8x128xf32, #tpu.memory_space<vmem>>
      tpu.enqueue_dma source(%dma_start3A_966 : memref<8x128xf32, #tpu.memory_space<vmem>>) target(%dma_start3A_962 : memref<8x128xf32, #tpu.memory_space<hbm>>) target_semaphore(%arg18 : memref<!tpu.dma_semaphore, #tpu.memory_space<semaphore_mem>>)
      %dma_start3A_967 = arith.constant 0 : i32
      %dma_start3A_968 = arith.constant 5 : i32
      %dma_start3A_969 = arith.constant 40 : i32
      %dma_start3A_970 = arith.constant 0 : i32
      %dma_start3A_971 = tpu.memref_slice %arg8[%dma_start3A_967, %dma_start3A_969, %dma_start3A_970] : memref<2x64x128xf32, #tpu.memory_space<vmem>> -> memref<1x8x128xf32, #tpu.memory_space<vmem>>
      %dma_start3A_972 = tpu.memref_squeeze %dma_start3A_971 : memref<1x8x128xf32, #tpu.memory_space<vmem>> -> memref<8x128xf32, #tpu.memory_space<vmem>>
      %dma_start3A_973 = arith.constant 0 : i32
      %dma_start3A_974 = arith.constant 0 : i32
      %dma_start3A_975 = tpu.memref_slice %arg5[%add3A_845, %dma_start3A_968, %add3A, %dma_start3A_973, %dma_start3A_974] : memref<200x8x32x8x128xf32, #tpu.memory_space<hbm>> -> memref<1x1x1x8x128xf32, #tpu.memory_space<hbm>>
      %dma_start3A_976 = tpu.memref_squeeze %dma_start3A_975 : memref<1x1x1x8x128xf32, #tpu.memory_space<hbm>> -> memref<8x128xf32, #tpu.memory_space<hbm>>
      %dma_start3A_977 = arith.constant 0 : i32
      %dma_start3A_978 = arith.constant 0 : i32
      %dma_start3A_979 = tpu.memref_slice %arg5[%add3A_845, %dma_start3A_968, %add3A, %dma_start3A_977, %dma_start3A_978] : memref<200x8x32x8x128xf32, #tpu.memory_space<hbm>> -> memref<1x1x1x8x128xf32, #tpu.memory_space<hbm>>
      %dma_start3A_980 = tpu.memref_squeeze %dma_start3A_979 : memref<1x1x1x8x128xf32, #tpu.memory_space<hbm>> -> memref<8x128xf32, #tpu.memory_space<hbm>>
      %dma_start3A_981 = arith.constant 40 : i32
      %dma_start3A_982 = arith.constant 0 : i32
      %dma_start3A_983 = tpu.memref_slice %arg8[%dma_start3A_967, %dma_start3A_981, %dma_start3A_982] : memref<2x64x128xf32, #tpu.memory_space<vmem>> -> memref<1x8x128xf32, #tpu.memory_space<vmem>>
      %dma_start3A_984 = tpu.memref_squeeze %dma_start3A_983 : memref<1x8x128xf32, #tpu.memory_space<vmem>> -> memref<8x128xf32, #tpu.memory_space<vmem>>
      tpu.enqueue_dma source(%dma_start3A_984 : memref<8x128xf32, #tpu.memory_space<vmem>>) target(%dma_start3A_980 : memref<8x128xf32, #tpu.memory_space<hbm>>) target_semaphore(%arg18 : memref<!tpu.dma_semaphore, #tpu.memory_space<semaphore_mem>>)
      %dma_start3A_985 = arith.constant 0 : i32
      %dma_start3A_986 = arith.constant 6 : i32
      %dma_start3A_987 = arith.constant 48 : i32
      %dma_start3A_988 = arith.constant 0 : i32
      %dma_start3A_989 = tpu.memref_slice %arg8[%dma_start3A_985, %dma_start3A_987, %dma_start3A_988] : memref<2x64x128xf32, #tpu.memory_space<vmem>> -> memref<1x8x128xf32, #tpu.memory_space<vmem>>
      %dma_start3A_990 = tpu.memref_squeeze %dma_start3A_989 : memref<1x8x128xf32, #tpu.memory_space<vmem>> -> memref<8x128xf32, #tpu.memory_space<vmem>>
      %dma_start3A_991 = arith.constant 0 : i32
      %dma_start3A_992 = arith.constant 0 : i32
      %dma_start3A_993 = tpu.memref_slice %arg5[%add3A_845, %dma_start3A_986, %add3A, %dma_start3A_991, %dma_start3A_992] : memref<200x8x32x8x128xf32, #tpu.memory_space<hbm>> -> memref<1x1x1x8x128xf32, #tpu.memory_space<hbm>>
      %dma_start3A_994 = tpu.memref_squeeze %dma_start3A_993 : memref<1x1x1x8x128xf32, #tpu.memory_space<hbm>> -> memref<8x128xf32, #tpu.memory_space<hbm>>
      %dma_start3A_995 = arith.constant 0 : i32
      %dma_start3A_996 = arith.constant 0 : i32
      %dma_start3A_997 = tpu.memref_slice %arg5[%add3A_845, %dma_start3A_986, %add3A, %dma_start3A_995, %dma_start3A_996] : memref<200x8x32x8x128xf32, #tpu.memory_space<hbm>> -> memref<1x1x1x8x128xf32, #tpu.memory_space<hbm>>
      %dma_start3A_998 = tpu.memref_squeeze %dma_start3A_997 : memref<1x1x1x8x128xf32, #tpu.memory_space<hbm>> -> memref<8x128xf32, #tpu.memory_space<hbm>>
      %dma_start3A_999 = arith.constant 48 : i32
      %dma_start3A_1000 = arith.constant 0 : i32
      %dma_start3A_1001 = tpu.memref_slice %arg8[%dma_start3A_985, %dma_start3A_999, %dma_start3A_1000] : memref<2x64x128xf32, #tpu.memory_space<vmem>> -> memref<1x8x128xf32, #tpu.memory_space<vmem>>
      %dma_start3A_1002 = tpu.memref_squeeze %dma_start3A_1001 : memref<1x8x128xf32, #tpu.memory_space<vmem>> -> memref<8x128xf32, #tpu.memory_space<vmem>>
      tpu.enqueue_dma source(%dma_start3A_1002 : memref<8x128xf32, #tpu.memory_space<vmem>>) target(%dma_start3A_998 : memref<8x128xf32, #tpu.memory_space<hbm>>) target_semaphore(%arg18 : memref<!tpu.dma_semaphore, #tpu.memory_space<semaphore_mem>>)
      %dma_start3A_1003 = arith.constant 0 : i32
      %dma_start3A_1004 = arith.constant 7 : i32
      %dma_start3A_1005 = arith.constant 56 : i32
      %dma_start3A_1006 = arith.constant 0 : i32
      %dma_start3A_1007 = tpu.memref_slice %arg8[%dma_start3A_1003, %dma_start3A_1005, %dma_start3A_1006] : memref<2x64x128xf32, #tpu.memory_space<vmem>> -> memref<1x8x128xf32, #tpu.memory_space<vmem>>
      %dma_start3A_1008 = tpu.memref_squeeze %dma_start3A_1007 : memref<1x8x128xf32, #tpu.memory_space<vmem>> -> memref<8x128xf32, #tpu.memory_space<vmem>>
      %dma_start3A_1009 = arith.constant 0 : i32
      %dma_start3A_1010 = arith.constant 0 : i32
      %dma_start3A_1011 = tpu.memref_slice %arg5[%add3A_845, %dma_start3A_1004, %add3A, %dma_start3A_1009, %dma_start3A_1010] : memref<200x8x32x8x128xf32, #tpu.memory_space<hbm>> -> memref<1x1x1x8x128xf32, #tpu.memory_space<hbm>>
      %dma_start3A_1012 = tpu.memref_squeeze %dma_start3A_1011 : memref<1x1x1x8x128xf32, #tpu.memory_space<hbm>> -> memref<8x128xf32, #tpu.memory_space<hbm>>
      %dma_start3A_1013 = arith.constant 0 : i32
      %dma_start3A_1014 = arith.constant 0 : i32
      %dma_start3A_1015 = tpu.memref_slice %arg5[%add3A_845, %dma_start3A_1004, %add3A, %dma_start3A_1013, %dma_start3A_1014] : memref<200x8x32x8x128xf32, #tpu.memory_space<hbm>> -> memref<1x1x1x8x128xf32, #tpu.memory_space<hbm>>
      %dma_start3A_1016 = tpu.memref_squeeze %dma_start3A_1015 : memref<1x1x1x8x128xf32, #tpu.memory_space<hbm>> -> memref<8x128xf32, #tpu.memory_space<hbm>>
      %dma_start3A_1017 = arith.constant 56 : i32
      %dma_start3A_1018 = arith.constant 0 : i32
      %dma_start3A_1019 = tpu.memref_slice %arg8[%dma_start3A_1003, %dma_start3A_1017, %dma_start3A_1018] : memref<2x64x128xf32, #tpu.memory_space<vmem>> -> memref<1x8x128xf32, #tpu.memory_space<vmem>>
      %dma_start3A_1020 = tpu.memref_squeeze %dma_start3A_1019 : memref<1x8x128xf32, #tpu.memory_space<vmem>> -> memref<8x128xf32, #tpu.memory_space<vmem>>
      tpu.enqueue_dma source(%dma_start3A_1020 : memref<8x128xf32, #tpu.memory_space<vmem>>) target(%dma_start3A_1016 : memref<8x128xf32, #tpu.memory_space<hbm>>) target_semaphore(%arg18 : memref<!tpu.dma_semaphore, #tpu.memory_space<semaphore_mem>>)
      %add3A_1021 = arith.constant 4 : i32
      %add3A_1022 = arith.addi %add3A_845, %add3A_1021 : i32
      %lt3A_1023 = arith.constant 200 : i32
      %lt3A_1024 = arith.cmpi slt, %add3A_1022, %lt3A_1023 : i32
      %convert_element_type3A_1025 = arith.extui %lt3A_1024 : i1 to i32
      %cond3A_1026 = arith.constant 0 : i32
      %cond3A_1027 = arith.cmpi ne, %convert_element_type3A_1025, %cond3A_1026 : i32
      scf.if %cond3A_1027 {
        %add3A_1212 = arith.constant 4 : i32
        %add3A_1213 = arith.addi %add3A_845, %add3A_1212 : i32
        %dma_wait3A_1214 = arith.constant 2 : i32
        %dma_wait3A_1215 = arith.constant 0 : i32
        %dma_wait3A_1216 = tpu.memref_slice %arg6[%dma_wait3A_1214, %dma_wait3A_1215] : memref<4x128xi32, #tpu.memory_space<vmem>> -> memref<1x128xi32, #tpu.memory_space<vmem>>
        %dma_wait3A_1217 = tpu.memref_squeeze %dma_wait3A_1216 : memref<1x128xi32, #tpu.memory_space<vmem>> -> memref<128xi32, #tpu.memory_space<vmem>>
        %dma_wait3A_1218 = tpu.memref_slice %arg2[%add3A_1213, %mul3A_2] : memref<200x4096xi32, #tpu.memory_space<hbm>> -> memref<1x128xi32, #tpu.memory_space<hbm>>
        %dma_wait3A_1219 = tpu.memref_squeeze %dma_wait3A_1218 : memref<1x128xi32, #tpu.memory_space<hbm>> -> memref<128xi32, #tpu.memory_space<hbm>>
        %dma_wait3A_1220 = arith.constant 0 : i32
        %dma_wait3A_1221 = tpu.memref_slice %arg6[%dma_wait3A_1214, %dma_wait3A_1220] : memref<4x128xi32, #tpu.memory_space<vmem>> -> memref<1x128xi32, #tpu.memory_space<vmem>>
        %dma_wait3A_1222 = tpu.memref_squeeze %dma_wait3A_1221 : memref<1x128xi32, #tpu.memory_space<vmem>> -> memref<128xi32, #tpu.memory_space<vmem>>
        %dma_wait3A_1223 = tpu.memref_slice %arg2[%add3A_1213, %mul3A_2] : memref<200x4096xi32, #tpu.memory_space<hbm>> -> memref<1x128xi32, #tpu.memory_space<hbm>>
        %dma_wait3A_1224 = tpu.memref_squeeze %dma_wait3A_1223 : memref<1x128xi32, #tpu.memory_space<hbm>> -> memref<128xi32, #tpu.memory_space<hbm>>
        tpu.wait_dma2 semaphore(%arg12 : memref<!tpu.dma_semaphore, #tpu.memory_space<semaphore_mem>>) src(%dma_wait3A_1224 : memref<128xi32, #tpu.memory_space<hbm>>) dst(%dma_wait3A_1222 : memref<128xi32, #tpu.memory_space<vmem>>)
        %dma_start3A_1225 = arith.constant 2 : i32
        %dma_start3A_1226 = arith.constant 2 : i32
        %dma_start3A_1227 = arith.constant 0 : i32
        %dma_start3A_1228 = arith.constant 0 : i32
        %dma_start3A_1229 = tpu.memref_slice %arg7[%dma_start3A_1226, %dma_start3A_1227, %dma_start3A_1228] : memref<4x128x64xf32, #tpu.memory_space<vmem>> -> memref<1x128x64xf32, #tpu.memory_space<vmem>>
        %dma_start3A_1230 = tpu.memref_squeeze %dma_start3A_1229 : memref<1x128x64xf32, #tpu.memory_space<vmem>> -> memref<128x64xf32, #tpu.memory_space<vmem>>
        %dma_start3A_1231 = arith.constant 0 : i32
        %dma_start3A_1232 = tpu.memref_slice %arg6[%dma_start3A_1225, %dma_start3A_1231] : memref<4x128xi32, #tpu.memory_space<vmem>> -> memref<1x128xi32, #tpu.memory_space<vmem>>
        %dma_start3A_1233 = tpu.memref_squeeze %dma_start3A_1232 : memref<1x128xi32, #tpu.memory_space<vmem>> -> memref<128xi32, #tpu.memory_space<vmem>>
        %dma_start3A_1234 = arith.constant 0 : i32
        %dma_start3A_1235 = arith.constant 0 : i32
        %dma_start3A_1236 = tpu.memref_slice %arg4[%dma_start3A_1234, %dma_start3A_1235] : memref<100000x64xf32, #tpu.memory_space<hbm>> -> memref<100000x64xf32, #tpu.memory_space<hbm>>
        tpu.enqueue_indirect_dma source(%dma_start3A_1236 : memref<100000x64xf32, #tpu.memory_space<hbm>>) target(%dma_start3A_1230 : memref<128x64xf32, #tpu.memory_space<vmem>>) offsets(%dma_start3A_1233 : memref<128xi32, #tpu.memory_space<vmem>>) semaphore(%arg16 : memref<!tpu.dma_semaphore, #tpu.memory_space<semaphore_mem>>)
      } else {
      }
      %add3A_1028 = arith.constant 3 : i32
      %add3A_1029 = arith.addi %add3A_481, %add3A_1028 : i32
      %dma_wait3A_1030 = arith.constant 3 : i32
      %dma_wait3A_1031 = arith.constant 3 : i32
      %dma_wait3A_1032 = arith.constant 0 : i32
      %dma_wait3A_1033 = arith.constant 0 : i32
      %dma_wait3A_1034 = tpu.memref_slice %arg7[%dma_wait3A_1031, %dma_wait3A_1032, %dma_wait3A_1033] : memref<4x128x64xf32, #tpu.memory_space<vmem>> -> memref<1x128x64xf32, #tpu.memory_space<vmem>>
      %dma_wait3A_1035 = tpu.memref_squeeze %dma_wait3A_1034 : memref<1x128x64xf32, #tpu.memory_space<vmem>> -> memref<128x64xf32, #tpu.memory_space<vmem>>
      %dma_wait3A_1036 = arith.constant 0 : i32
      %dma_wait3A_1037 = tpu.memref_slice %arg6[%dma_wait3A_1030, %dma_wait3A_1036] : memref<4x128xi32, #tpu.memory_space<vmem>> -> memref<1x128xi32, #tpu.memory_space<vmem>>
      %dma_wait3A_1038 = tpu.memref_squeeze %dma_wait3A_1037 : memref<1x128xi32, #tpu.memory_space<vmem>> -> memref<128xi32, #tpu.memory_space<vmem>>
      %dma_wait3A_1039 = arith.constant 0 : i32
      %dma_wait3A_1040 = arith.constant 0 : i32
      %dma_wait3A_1041 = tpu.memref_slice %arg4[%dma_wait3A_1039, %dma_wait3A_1040] : memref<100000x64xf32, #tpu.memory_space<hbm>> -> memref<100000x64xf32, #tpu.memory_space<hbm>>
      tpu.wait_indirect_dma semaphore(%arg17 : memref<!tpu.dma_semaphore, #tpu.memory_space<semaphore_mem>>) src(%dma_wait3A_1041 : memref<100000x64xf32, #tpu.memory_space<hbm>>) dst(%dma_wait3A_1035 : memref<128x64xf32, #tpu.memory_space<vmem>>)
      %add3A_1042 = arith.constant 4 : i32
      %add3A_1043 = arith.addi %add3A_1029, %add3A_1042 : i32
      %lt3A_1044 = arith.constant 200 : i32
      %lt3A_1045 = arith.cmpi slt, %add3A_1043, %lt3A_1044 : i32
      %convert_element_type3A_1046 = arith.extui %lt3A_1045 : i1 to i32
      %cond3A_1047 = arith.constant 0 : i32
      %cond3A_1048 = arith.cmpi ne, %convert_element_type3A_1046, %cond3A_1047 : i32
      scf.if %cond3A_1048 {
        %add3A_1212 = arith.constant 4 : i32
        %add3A_1213 = arith.addi %add3A_1029, %add3A_1212 : i32
        %dma_start3A_1214 = arith.constant 3 : i32
        %dma_start3A_1215 = arith.constant 0 : i32
        %dma_start3A_1216 = tpu.memref_slice %arg6[%dma_start3A_1214, %dma_start3A_1215] : memref<4x128xi32, #tpu.memory_space<vmem>> -> memref<1x128xi32, #tpu.memory_space<vmem>>
        %dma_start3A_1217 = tpu.memref_squeeze %dma_start3A_1216 : memref<1x128xi32, #tpu.memory_space<vmem>> -> memref<128xi32, #tpu.memory_space<vmem>>
        %dma_start3A_1218 = tpu.memref_slice %arg2[%add3A_1213, %mul3A_2] : memref<200x4096xi32, #tpu.memory_space<hbm>> -> memref<1x128xi32, #tpu.memory_space<hbm>>
        %dma_start3A_1219 = tpu.memref_squeeze %dma_start3A_1218 : memref<1x128xi32, #tpu.memory_space<hbm>> -> memref<128xi32, #tpu.memory_space<hbm>>
        %dma_start3A_1220 = arith.constant 0 : i32
        %dma_start3A_1221 = tpu.memref_slice %arg6[%dma_start3A_1214, %dma_start3A_1220] : memref<4x128xi32, #tpu.memory_space<vmem>> -> memref<1x128xi32, #tpu.memory_space<vmem>>
        %dma_start3A_1222 = tpu.memref_squeeze %dma_start3A_1221 : memref<1x128xi32, #tpu.memory_space<vmem>> -> memref<128xi32, #tpu.memory_space<vmem>>
        %dma_start3A_1223 = tpu.memref_slice %arg2[%add3A_1213, %mul3A_2] : memref<200x4096xi32, #tpu.memory_space<hbm>> -> memref<1x128xi32, #tpu.memory_space<hbm>>
        %dma_start3A_1224 = tpu.memref_squeeze %dma_start3A_1223 : memref<1x128xi32, #tpu.memory_space<hbm>> -> memref<128xi32, #tpu.memory_space<hbm>>
        tpu.enqueue_dma source(%dma_start3A_1224 : memref<128xi32, #tpu.memory_space<hbm>>) target(%dma_start3A_1222 : memref<128xi32, #tpu.memory_space<vmem>>) target_semaphore(%arg13 : memref<!tpu.dma_semaphore, #tpu.memory_space<semaphore_mem>>)
      } else {
      }
      %ge3A_1049 = arith.constant 2 : i32
      %ge3A_1050 = arith.cmpi sge, %add3A_1029, %ge3A_1049 : i32
      %convert_element_type3A_1051 = arith.extui %ge3A_1050 : i1 to i32
      %cond3A_1052 = arith.constant 0 : i32
      %cond3A_1053 = arith.cmpi ne, %convert_element_type3A_1051, %cond3A_1052 : i32
      scf.if %cond3A_1053 {
        %dma_wait3A_1212 = arith.constant 1 : i32
        %dma_wait3A_1213 = arith.constant 0 : i32
        %dma_wait3A_1214 = arith.constant 0 : i32
        %dma_wait3A_1215 = arith.constant 0 : i32
        %dma_wait3A_1216 = tpu.memref_slice %arg8[%dma_wait3A_1212, %dma_wait3A_1214, %dma_wait3A_1215] : memref<2x64x128xf32, #tpu.memory_space<vmem>> -> memref<1x8x128xf32, #tpu.memory_space<vmem>>
        %dma_wait3A_1217 = tpu.memref_squeeze %dma_wait3A_1216 : memref<1x8x128xf32, #tpu.memory_space<vmem>> -> memref<8x128xf32, #tpu.memory_space<vmem>>
        %dma_wait3A_1218 = arith.constant 0 : i32
        %dma_wait3A_1219 = arith.constant 0 : i32
        %dma_wait3A_1220 = tpu.memref_slice %arg5[%add3A_1029, %dma_wait3A_1213, %add3A, %dma_wait3A_1218, %dma_wait3A_1219] : memref<200x8x32x8x128xf32, #tpu.memory_space<hbm>> -> memref<1x1x1x8x128xf32, #tpu.memory_space<hbm>>
        %dma_wait3A_1221 = tpu.memref_squeeze %dma_wait3A_1220 : memref<1x1x1x8x128xf32, #tpu.memory_space<hbm>> -> memref<8x128xf32, #tpu.memory_space<hbm>>
        %dma_wait3A_1222 = arith.constant 0 : i32
        %dma_wait3A_1223 = arith.constant 0 : i32
        %dma_wait3A_1224 = tpu.memref_slice %arg5[%add3A_1029, %dma_wait3A_1213, %add3A, %dma_wait3A_1222, %dma_wait3A_1223] : memref<200x8x32x8x128xf32, #tpu.memory_space<hbm>> -> memref<1x1x1x8x128xf32, #tpu.memory_space<hbm>>
        %dma_wait3A_1225 = tpu.memref_squeeze %dma_wait3A_1224 : memref<1x1x1x8x128xf32, #tpu.memory_space<hbm>> -> memref<8x128xf32, #tpu.memory_space<hbm>>
        %dma_wait3A_1226 = arith.constant 0 : i32
        %dma_wait3A_1227 = arith.constant 0 : i32
        %dma_wait3A_1228 = tpu.memref_slice %arg8[%dma_wait3A_1212, %dma_wait3A_1226, %dma_wait3A_1227] : memref<2x64x128xf32, #tpu.memory_space<vmem>> -> memref<1x8x128xf32, #tpu.memory_space<vmem>>
        %dma_wait3A_1229 = tpu.memref_squeeze %dma_wait3A_1228 : memref<1x8x128xf32, #tpu.memory_space<vmem>> -> memref<8x128xf32, #tpu.memory_space<vmem>>
        tpu.wait_dma2 semaphore(%arg19 : memref<!tpu.dma_semaphore, #tpu.memory_space<semaphore_mem>>) src(%dma_wait3A_1229 : memref<8x128xf32, #tpu.memory_space<vmem>>) dst(%dma_wait3A_1225 : memref<8x128xf32, #tpu.memory_space<hbm>>)
        %dma_wait3A_1230 = arith.constant 1 : i32
        %dma_wait3A_1231 = arith.constant 1 : i32
        %dma_wait3A_1232 = arith.constant 8 : i32
        %dma_wait3A_1233 = arith.constant 0 : i32
        %dma_wait3A_1234 = tpu.memref_slice %arg8[%dma_wait3A_1230, %dma_wait3A_1232, %dma_wait3A_1233] : memref<2x64x128xf32, #tpu.memory_space<vmem>> -> memref<1x8x128xf32, #tpu.memory_space<vmem>>
        %dma_wait3A_1235 = tpu.memref_squeeze %dma_wait3A_1234 : memref<1x8x128xf32, #tpu.memory_space<vmem>> -> memref<8x128xf32, #tpu.memory_space<vmem>>
        %dma_wait3A_1236 = arith.constant 0 : i32
        %dma_wait3A_1237 = arith.constant 0 : i32
        %dma_wait3A_1238 = tpu.memref_slice %arg5[%add3A_1029, %dma_wait3A_1231, %add3A, %dma_wait3A_1236, %dma_wait3A_1237] : memref<200x8x32x8x128xf32, #tpu.memory_space<hbm>> -> memref<1x1x1x8x128xf32, #tpu.memory_space<hbm>>
        %dma_wait3A_1239 = tpu.memref_squeeze %dma_wait3A_1238 : memref<1x1x1x8x128xf32, #tpu.memory_space<hbm>> -> memref<8x128xf32, #tpu.memory_space<hbm>>
        %dma_wait3A_1240 = arith.constant 0 : i32
        %dma_wait3A_1241 = arith.constant 0 : i32
        %dma_wait3A_1242 = tpu.memref_slice %arg5[%add3A_1029, %dma_wait3A_1231, %add3A, %dma_wait3A_1240, %dma_wait3A_1241] : memref<200x8x32x8x128xf32, #tpu.memory_space<hbm>> -> memref<1x1x1x8x128xf32, #tpu.memory_space<hbm>>
        %dma_wait3A_1243 = tpu.memref_squeeze %dma_wait3A_1242 : memref<1x1x1x8x128xf32, #tpu.memory_space<hbm>> -> memref<8x128xf32, #tpu.memory_space<hbm>>
        %dma_wait3A_1244 = arith.constant 8 : i32
        %dma_wait3A_1245 = arith.constant 0 : i32
        %dma_wait3A_1246 = tpu.memref_slice %arg8[%dma_wait3A_1230, %dma_wait3A_1244, %dma_wait3A_1245] : memref<2x64x128xf32, #tpu.memory_space<vmem>> -> memref<1x8x128xf32, #tpu.memory_space<vmem>>
        %dma_wait3A_1247 = tpu.memref_squeeze %dma_wait3A_1246 : memref<1x8x128xf32, #tpu.memory_space<vmem>> -> memref<8x128xf32, #tpu.memory_space<vmem>>
        tpu.wait_dma2 semaphore(%arg19 : memref<!tpu.dma_semaphore, #tpu.memory_space<semaphore_mem>>) src(%dma_wait3A_1247 : memref<8x128xf32, #tpu.memory_space<vmem>>) dst(%dma_wait3A_1243 : memref<8x128xf32, #tpu.memory_space<hbm>>)
        %dma_wait3A_1248 = arith.constant 1 : i32
        %dma_wait3A_1249 = arith.constant 2 : i32
        %dma_wait3A_1250 = arith.constant 16 : i32
        %dma_wait3A_1251 = arith.constant 0 : i32
        %dma_wait3A_1252 = tpu.memref_slice %arg8[%dma_wait3A_1248, %dma_wait3A_1250, %dma_wait3A_1251] : memref<2x64x128xf32, #tpu.memory_space<vmem>> -> memref<1x8x128xf32, #tpu.memory_space<vmem>>
        %dma_wait3A_1253 = tpu.memref_squeeze %dma_wait3A_1252 : memref<1x8x128xf32, #tpu.memory_space<vmem>> -> memref<8x128xf32, #tpu.memory_space<vmem>>
        %dma_wait3A_1254 = arith.constant 0 : i32
        %dma_wait3A_1255 = arith.constant 0 : i32
        %dma_wait3A_1256 = tpu.memref_slice %arg5[%add3A_1029, %dma_wait3A_1249, %add3A, %dma_wait3A_1254, %dma_wait3A_1255] : memref<200x8x32x8x128xf32, #tpu.memory_space<hbm>> -> memref<1x1x1x8x128xf32, #tpu.memory_space<hbm>>
        %dma_wait3A_1257 = tpu.memref_squeeze %dma_wait3A_1256 : memref<1x1x1x8x128xf32, #tpu.memory_space<hbm>> -> memref<8x128xf32, #tpu.memory_space<hbm>>
        %dma_wait3A_1258 = arith.constant 0 : i32
        %dma_wait3A_1259 = arith.constant 0 : i32
        %dma_wait3A_1260 = tpu.memref_slice %arg5[%add3A_1029, %dma_wait3A_1249, %add3A, %dma_wait3A_1258, %dma_wait3A_1259] : memref<200x8x32x8x128xf32, #tpu.memory_space<hbm>> -> memref<1x1x1x8x128xf32, #tpu.memory_space<hbm>>
        %dma_wait3A_1261 = tpu.memref_squeeze %dma_wait3A_1260 : memref<1x1x1x8x128xf32, #tpu.memory_space<hbm>> -> memref<8x128xf32, #tpu.memory_space<hbm>>
        %dma_wait3A_1262 = arith.constant 16 : i32
        %dma_wait3A_1263 = arith.constant 0 : i32
        %dma_wait3A_1264 = tpu.memref_slice %arg8[%dma_wait3A_1248, %dma_wait3A_1262, %dma_wait3A_1263] : memref<2x64x128xf32, #tpu.memory_space<vmem>> -> memref<1x8x128xf32, #tpu.memory_space<vmem>>
        %dma_wait3A_1265 = tpu.memref_squeeze %dma_wait3A_1264 : memref<1x8x128xf32, #tpu.memory_space<vmem>> -> memref<8x128xf32, #tpu.memory_space<vmem>>
        tpu.wait_dma2 semaphore(%arg19 : memref<!tpu.dma_semaphore, #tpu.memory_space<semaphore_mem>>) src(%dma_wait3A_1265 : memref<8x128xf32, #tpu.memory_space<vmem>>) dst(%dma_wait3A_1261 : memref<8x128xf32, #tpu.memory_space<hbm>>)
        %dma_wait3A_1266 = arith.constant 1 : i32
        %dma_wait3A_1267 = arith.constant 3 : i32
        %dma_wait3A_1268 = arith.constant 24 : i32
        %dma_wait3A_1269 = arith.constant 0 : i32
        %dma_wait3A_1270 = tpu.memref_slice %arg8[%dma_wait3A_1266, %dma_wait3A_1268, %dma_wait3A_1269] : memref<2x64x128xf32, #tpu.memory_space<vmem>> -> memref<1x8x128xf32, #tpu.memory_space<vmem>>
        %dma_wait3A_1271 = tpu.memref_squeeze %dma_wait3A_1270 : memref<1x8x128xf32, #tpu.memory_space<vmem>> -> memref<8x128xf32, #tpu.memory_space<vmem>>
        %dma_wait3A_1272 = arith.constant 0 : i32
        %dma_wait3A_1273 = arith.constant 0 : i32
        %dma_wait3A_1274 = tpu.memref_slice %arg5[%add3A_1029, %dma_wait3A_1267, %add3A, %dma_wait3A_1272, %dma_wait3A_1273] : memref<200x8x32x8x128xf32, #tpu.memory_space<hbm>> -> memref<1x1x1x8x128xf32, #tpu.memory_space<hbm>>
        %dma_wait3A_1275 = tpu.memref_squeeze %dma_wait3A_1274 : memref<1x1x1x8x128xf32, #tpu.memory_space<hbm>> -> memref<8x128xf32, #tpu.memory_space<hbm>>
        %dma_wait3A_1276 = arith.constant 0 : i32
        %dma_wait3A_1277 = arith.constant 0 : i32
        %dma_wait3A_1278 = tpu.memref_slice %arg5[%add3A_1029, %dma_wait3A_1267, %add3A, %dma_wait3A_1276, %dma_wait3A_1277] : memref<200x8x32x8x128xf32, #tpu.memory_space<hbm>> -> memref<1x1x1x8x128xf32, #tpu.memory_space<hbm>>
        %dma_wait3A_1279 = tpu.memref_squeeze %dma_wait3A_1278 : memref<1x1x1x8x128xf32, #tpu.memory_space<hbm>> -> memref<8x128xf32, #tpu.memory_space<hbm>>
        %dma_wait3A_1280 = arith.constant 24 : i32
        %dma_wait3A_1281 = arith.constant 0 : i32
        %dma_wait3A_1282 = tpu.memref_slice %arg8[%dma_wait3A_1266, %dma_wait3A_1280, %dma_wait3A_1281] : memref<2x64x128xf32, #tpu.memory_space<vmem>> -> memref<1x8x128xf32, #tpu.memory_space<vmem>>
        %dma_wait3A_1283 = tpu.memref_squeeze %dma_wait3A_1282 : memref<1x8x128xf32, #tpu.memory_space<vmem>> -> memref<8x128xf32, #tpu.memory_space<vmem>>
        tpu.wait_dma2 semaphore(%arg19 : memref<!tpu.dma_semaphore, #tpu.memory_space<semaphore_mem>>) src(%dma_wait3A_1283 : memref<8x128xf32, #tpu.memory_space<vmem>>) dst(%dma_wait3A_1279 : memref<8x128xf32, #tpu.memory_space<hbm>>)
        %dma_wait3A_1284 = arith.constant 1 : i32
        %dma_wait3A_1285 = arith.constant 4 : i32
        %dma_wait3A_1286 = arith.constant 32 : i32
        %dma_wait3A_1287 = arith.constant 0 : i32
        %dma_wait3A_1288 = tpu.memref_slice %arg8[%dma_wait3A_1284, %dma_wait3A_1286, %dma_wait3A_1287] : memref<2x64x128xf32, #tpu.memory_space<vmem>> -> memref<1x8x128xf32, #tpu.memory_space<vmem>>
        %dma_wait3A_1289 = tpu.memref_squeeze %dma_wait3A_1288 : memref<1x8x128xf32, #tpu.memory_space<vmem>> -> memref<8x128xf32, #tpu.memory_space<vmem>>
        %dma_wait3A_1290 = arith.constant 0 : i32
        %dma_wait3A_1291 = arith.constant 0 : i32
        %dma_wait3A_1292 = tpu.memref_slice %arg5[%add3A_1029, %dma_wait3A_1285, %add3A, %dma_wait3A_1290, %dma_wait3A_1291] : memref<200x8x32x8x128xf32, #tpu.memory_space<hbm>> -> memref<1x1x1x8x128xf32, #tpu.memory_space<hbm>>
        %dma_wait3A_1293 = tpu.memref_squeeze %dma_wait3A_1292 : memref<1x1x1x8x128xf32, #tpu.memory_space<hbm>> -> memref<8x128xf32, #tpu.memory_space<hbm>>
        %dma_wait3A_1294 = arith.constant 0 : i32
        %dma_wait3A_1295 = arith.constant 0 : i32
        %dma_wait3A_1296 = tpu.memref_slice %arg5[%add3A_1029, %dma_wait3A_1285, %add3A, %dma_wait3A_1294, %dma_wait3A_1295] : memref<200x8x32x8x128xf32, #tpu.memory_space<hbm>> -> memref<1x1x1x8x128xf32, #tpu.memory_space<hbm>>
        %dma_wait3A_1297 = tpu.memref_squeeze %dma_wait3A_1296 : memref<1x1x1x8x128xf32, #tpu.memory_space<hbm>> -> memref<8x128xf32, #tpu.memory_space<hbm>>
        %dma_wait3A_1298 = arith.constant 32 : i32
        %dma_wait3A_1299 = arith.constant 0 : i32
        %dma_wait3A_1300 = tpu.memref_slice %arg8[%dma_wait3A_1284, %dma_wait3A_1298, %dma_wait3A_1299] : memref<2x64x128xf32, #tpu.memory_space<vmem>> -> memref<1x8x128xf32, #tpu.memory_space<vmem>>
        %dma_wait3A_1301 = tpu.memref_squeeze %dma_wait3A_1300 : memref<1x8x128xf32, #tpu.memory_space<vmem>> -> memref<8x128xf32, #tpu.memory_space<vmem>>
        tpu.wait_dma2 semaphore(%arg19 : memref<!tpu.dma_semaphore, #tpu.memory_space<semaphore_mem>>) src(%dma_wait3A_1301 : memref<8x128xf32, #tpu.memory_space<vmem>>) dst(%dma_wait3A_1297 : memref<8x128xf32, #tpu.memory_space<hbm>>)
        %dma_wait3A_1302 = arith.constant 1 : i32
        %dma_wait3A_1303 = arith.constant 5 : i32
        %dma_wait3A_1304 = arith.constant 40 : i32
        %dma_wait3A_1305 = arith.constant 0 : i32
        %dma_wait3A_1306 = tpu.memref_slice %arg8[%dma_wait3A_1302, %dma_wait3A_1304, %dma_wait3A_1305] : memref<2x64x128xf32, #tpu.memory_space<vmem>> -> memref<1x8x128xf32, #tpu.memory_space<vmem>>
        %dma_wait3A_1307 = tpu.memref_squeeze %dma_wait3A_1306 : memref<1x8x128xf32, #tpu.memory_space<vmem>> -> memref<8x128xf32, #tpu.memory_space<vmem>>
        %dma_wait3A_1308 = arith.constant 0 : i32
        %dma_wait3A_1309 = arith.constant 0 : i32
        %dma_wait3A_1310 = tpu.memref_slice %arg5[%add3A_1029, %dma_wait3A_1303, %add3A, %dma_wait3A_1308, %dma_wait3A_1309] : memref<200x8x32x8x128xf32, #tpu.memory_space<hbm>> -> memref<1x1x1x8x128xf32, #tpu.memory_space<hbm>>
        %dma_wait3A_1311 = tpu.memref_squeeze %dma_wait3A_1310 : memref<1x1x1x8x128xf32, #tpu.memory_space<hbm>> -> memref<8x128xf32, #tpu.memory_space<hbm>>
        %dma_wait3A_1312 = arith.constant 0 : i32
        %dma_wait3A_1313 = arith.constant 0 : i32
        %dma_wait3A_1314 = tpu.memref_slice %arg5[%add3A_1029, %dma_wait3A_1303, %add3A, %dma_wait3A_1312, %dma_wait3A_1313] : memref<200x8x32x8x128xf32, #tpu.memory_space<hbm>> -> memref<1x1x1x8x128xf32, #tpu.memory_space<hbm>>
        %dma_wait3A_1315 = tpu.memref_squeeze %dma_wait3A_1314 : memref<1x1x1x8x128xf32, #tpu.memory_space<hbm>> -> memref<8x128xf32, #tpu.memory_space<hbm>>
        %dma_wait3A_1316 = arith.constant 40 : i32
        %dma_wait3A_1317 = arith.constant 0 : i32
        %dma_wait3A_1318 = tpu.memref_slice %arg8[%dma_wait3A_1302, %dma_wait3A_1316, %dma_wait3A_1317] : memref<2x64x128xf32, #tpu.memory_space<vmem>> -> memref<1x8x128xf32, #tpu.memory_space<vmem>>
        %dma_wait3A_1319 = tpu.memref_squeeze %dma_wait3A_1318 : memref<1x8x128xf32, #tpu.memory_space<vmem>> -> memref<8x128xf32, #tpu.memory_space<vmem>>
        tpu.wait_dma2 semaphore(%arg19 : memref<!tpu.dma_semaphore, #tpu.memory_space<semaphore_mem>>) src(%dma_wait3A_1319 : memref<8x128xf32, #tpu.memory_space<vmem>>) dst(%dma_wait3A_1315 : memref<8x128xf32, #tpu.memory_space<hbm>>)
        %dma_wait3A_1320 = arith.constant 1 : i32
        %dma_wait3A_1321 = arith.constant 6 : i32
        %dma_wait3A_1322 = arith.constant 48 : i32
        %dma_wait3A_1323 = arith.constant 0 : i32
        %dma_wait3A_1324 = tpu.memref_slice %arg8[%dma_wait3A_1320, %dma_wait3A_1322, %dma_wait3A_1323] : memref<2x64x128xf32, #tpu.memory_space<vmem>> -> memref<1x8x128xf32, #tpu.memory_space<vmem>>
        %dma_wait3A_1325 = tpu.memref_squeeze %dma_wait3A_1324 : memref<1x8x128xf32, #tpu.memory_space<vmem>> -> memref<8x128xf32, #tpu.memory_space<vmem>>
        %dma_wait3A_1326 = arith.constant 0 : i32
        %dma_wait3A_1327 = arith.constant 0 : i32
        %dma_wait3A_1328 = tpu.memref_slice %arg5[%add3A_1029, %dma_wait3A_1321, %add3A, %dma_wait3A_1326, %dma_wait3A_1327] : memref<200x8x32x8x128xf32, #tpu.memory_space<hbm>> -> memref<1x1x1x8x128xf32, #tpu.memory_space<hbm>>
        %dma_wait3A_1329 = tpu.memref_squeeze %dma_wait3A_1328 : memref<1x1x1x8x128xf32, #tpu.memory_space<hbm>> -> memref<8x128xf32, #tpu.memory_space<hbm>>
        %dma_wait3A_1330 = arith.constant 0 : i32
        %dma_wait3A_1331 = arith.constant 0 : i32
        %dma_wait3A_1332 = tpu.memref_slice %arg5[%add3A_1029, %dma_wait3A_1321, %add3A, %dma_wait3A_1330, %dma_wait3A_1331] : memref<200x8x32x8x128xf32, #tpu.memory_space<hbm>> -> memref<1x1x1x8x128xf32, #tpu.memory_space<hbm>>
        %dma_wait3A_1333 = tpu.memref_squeeze %dma_wait3A_1332 : memref<1x1x1x8x128xf32, #tpu.memory_space<hbm>> -> memref<8x128xf32, #tpu.memory_space<hbm>>
        %dma_wait3A_1334 = arith.constant 48 : i32
        %dma_wait3A_1335 = arith.constant 0 : i32
        %dma_wait3A_1336 = tpu.memref_slice %arg8[%dma_wait3A_1320, %dma_wait3A_1334, %dma_wait3A_1335] : memref<2x64x128xf32, #tpu.memory_space<vmem>> -> memref<1x8x128xf32, #tpu.memory_space<vmem>>
        %dma_wait3A_1337 = tpu.memref_squeeze %dma_wait3A_1336 : memref<1x8x128xf32, #tpu.memory_space<vmem>> -> memref<8x128xf32, #tpu.memory_space<vmem>>
        tpu.wait_dma2 semaphore(%arg19 : memref<!tpu.dma_semaphore, #tpu.memory_space<semaphore_mem>>) src(%dma_wait3A_1337 : memref<8x128xf32, #tpu.memory_space<vmem>>) dst(%dma_wait3A_1333 : memref<8x128xf32, #tpu.memory_space<hbm>>)
        %dma_wait3A_1338 = arith.constant 1 : i32
        %dma_wait3A_1339 = arith.constant 7 : i32
        %dma_wait3A_1340 = arith.constant 56 : i32
        %dma_wait3A_1341 = arith.constant 0 : i32
        %dma_wait3A_1342 = tpu.memref_slice %arg8[%dma_wait3A_1338, %dma_wait3A_1340, %dma_wait3A_1341] : memref<2x64x128xf32, #tpu.memory_space<vmem>> -> memref<1x8x128xf32, #tpu.memory_space<vmem>>
        %dma_wait3A_1343 = tpu.memref_squeeze %dma_wait3A_1342 : memref<1x8x128xf32, #tpu.memory_space<vmem>> -> memref<8x128xf32, #tpu.memory_space<vmem>>
        %dma_wait3A_1344 = arith.constant 0 : i32
        %dma_wait3A_1345 = arith.constant 0 : i32
        %dma_wait3A_1346 = tpu.memref_slice %arg5[%add3A_1029, %dma_wait3A_1339, %add3A, %dma_wait3A_1344, %dma_wait3A_1345] : memref<200x8x32x8x128xf32, #tpu.memory_space<hbm>> -> memref<1x1x1x8x128xf32, #tpu.memory_space<hbm>>
        %dma_wait3A_1347 = tpu.memref_squeeze %dma_wait3A_1346 : memref<1x1x1x8x128xf32, #tpu.memory_space<hbm>> -> memref<8x128xf32, #tpu.memory_space<hbm>>
        %dma_wait3A_1348 = arith.constant 0 : i32
        %dma_wait3A_1349 = arith.constant 0 : i32
        %dma_wait3A_1350 = tpu.memref_slice %arg5[%add3A_1029, %dma_wait3A_1339, %add3A, %dma_wait3A_1348, %dma_wait3A_1349] : memref<200x8x32x8x128xf32, #tpu.memory_space<hbm>> -> memref<1x1x1x8x128xf32, #tpu.memory_space<hbm>>
        %dma_wait3A_1351 = tpu.memref_squeeze %dma_wait3A_1350 : memref<1x1x1x8x128xf32, #tpu.memory_space<hbm>> -> memref<8x128xf32, #tpu.memory_space<hbm>>
        %dma_wait3A_1352 = arith.constant 56 : i32
        %dma_wait3A_1353 = arith.constant 0 : i32
        %dma_wait3A_1354 = tpu.memref_slice %arg8[%dma_wait3A_1338, %dma_wait3A_1352, %dma_wait3A_1353] : memref<2x64x128xf32, #tpu.memory_space<vmem>> -> memref<1x8x128xf32, #tpu.memory_space<vmem>>
        %dma_wait3A_1355 = tpu.memref_squeeze %dma_wait3A_1354 : memref<1x8x128xf32, #tpu.memory_space<vmem>> -> memref<8x128xf32, #tpu.memory_space<vmem>>
        tpu.wait_dma2 semaphore(%arg19 : memref<!tpu.dma_semaphore, #tpu.memory_space<semaphore_mem>>) src(%dma_wait3A_1355 : memref<8x128xf32, #tpu.memory_space<vmem>>) dst(%dma_wait3A_1351 : memref<8x128xf32, #tpu.memory_space<hbm>>)
      } else {
      }
      %broadcast_in_dim3A_1054 = arith.constant 0 : i32
      %broadcast_in_dim3A_1055 = vector.broadcast %broadcast_in_dim3A_1054 : i32 to vector<16xi32>
      %add3A_1056 = vector.broadcast %add3A_1029 : i32 to vector<16xi32>
      %add3A_1057 = arith.addi %broadcast_in_dim3A_1055, %add3A_1056 : vector<16xi32>
      %parallel_loop3A_1058 = arith.constant 0 : i32
      %parallel_loop3A_1059 = arith.constant 64 : i32
      %parallel_loop3A_1060 = arith.constant 1 : i32
      scf.for %parallel_loop3A_1212 = %parallel_loop3A_1058 to %parallel_loop3A_1059 step %parallel_loop3A_1060  : i32 {
        %parallel_loop3A_1213 = vector.broadcast %parallel_loop3A_1212 : i32 to vector<16xi32>
        %parallel_loop3A_1214 = arith.addi %iota3A, %parallel_loop3A_1213 : vector<16xi32>
        %parallel_loop3A_1215 = arith.constant 15 : i32
        %parallel_loop3A_1216 = vector.broadcast %parallel_loop3A_1215 : i32 to vector<16xi32>
        %parallel_loop3A_1217 = arith.andi %parallel_loop3A_1214, %parallel_loop3A_1216 : vector<16xi32>
        %parallel_loop3A_1218 = arith.constant 48 : i32
        %parallel_loop3A_1219 = arith.andi %parallel_loop3A_1212, %parallel_loop3A_1218 : i32
        %parallel_loop3A_1220 = vector.broadcast %parallel_loop3A_1219 : i32 to vector<16xi32>
        %parallel_loop3A_1221 = arith.addi %parallel_loop3A_1217, %parallel_loop3A_1220 : vector<16xi32>
        %parallel_loop3A_1222 = tpu.vector_load_idx %arg9[%add3A_1057, %parallel_loop3A_1221] : memref<200x64xf32, #tpu.memory_space<vmem>>[vector<16xi32>, vector<16xi32>], vector<16xf32>,
        %parallel_loop3A_1223 = arith.constant 3 : i32
        %parallel_loop3A_1224 = arith.constant 0 : i32
        %parallel_loop3A_1225 = arith.constant 0 : i32
        %parallel_loop3A_1226 = tpu.memref_slice %arg7[%parallel_loop3A_1223, %parallel_loop3A_1224, %parallel_loop3A_1225] : memref<4x128x64xf32, #tpu.memory_space<vmem>> -> memref<1x128x64xf32, #tpu.memory_space<vmem>>
        %parallel_loop3A_1227 = tpu.memref_squeeze %parallel_loop3A_1226 : memref<1x128x64xf32, #tpu.memory_space<vmem>> -> memref<128x64xf32, #tpu.memory_space<vmem>>
        %parallel_loop3A_1228 = tpu.vector_load_idx %parallel_loop3A_1227[%add3A_5, %parallel_loop3A_1221] : memref<128x64xf32, #tpu.memory_space<vmem>>[vector<16xi32>, vector<16xi32>], vector<16xf32>,
        %parallel_loop3A_1229 = arith.constant 8.000000e+00 : f32
        %parallel_loop3A_1230 = vector.broadcast %parallel_loop3A_1229 : f32 to vector<16xf32>
        %parallel_loop3A_1231 = arith.mulf %parallel_loop3A_1228, %parallel_loop3A_1230 : vector<16xf32>
        %parallel_loop3A_1232 = arith.addf %parallel_loop3A_1231, %parallel_loop3A_1222 : vector<16xf32>
        %parallel_loop3A_1233 = arith.constant 1 : i32
        %parallel_loop3A_1234 = arith.constant 0 : i32
        %parallel_loop3A_1235 = arith.constant 0 : i32
        %parallel_loop3A_1236 = tpu.memref_slice %arg8[%parallel_loop3A_1233, %parallel_loop3A_1234, %parallel_loop3A_1235] : memref<2x64x128xf32, #tpu.memory_space<vmem>> -> memref<1x64x128xf32, #tpu.memory_space<vmem>>
        %parallel_loop3A_1237 = tpu.memref_squeeze %parallel_loop3A_1236 : memref<1x64x128xf32, #tpu.memory_space<vmem>> -> memref<64x128xf32, #tpu.memory_space<vmem>>
        tpu.vector_store_idx %parallel_loop3A_1237[%parallel_loop3A_1221, %add3A_5], %parallel_loop3A_1232 : memref<64x128xf32, #tpu.memory_space<vmem>>[vector<16xi32>, vector<16xi32>], vector<16xf32>,
        %parallel_loop3A_1238 = arith.constant 3 : i32
        %parallel_loop3A_1239 = arith.constant 0 : i32
        %parallel_loop3A_1240 = arith.constant 0 : i32
        %parallel_loop3A_1241 = tpu.memref_slice %arg7[%parallel_loop3A_1238, %parallel_loop3A_1239, %parallel_loop3A_1240] : memref<4x128x64xf32, #tpu.memory_space<vmem>> -> memref<1x128x64xf32, #tpu.memory_space<vmem>>
        %parallel_loop3A_1242 = tpu.memref_squeeze %parallel_loop3A_1241 : memref<1x128x64xf32, #tpu.memory_space<vmem>> -> memref<128x64xf32, #tpu.memory_space<vmem>>
        %parallel_loop3A_1243 = tpu.vector_load_idx %parallel_loop3A_1242[%add3A_8, %parallel_loop3A_1221] : memref<128x64xf32, #tpu.memory_space<vmem>>[vector<16xi32>, vector<16xi32>], vector<16xf32>,
        %parallel_loop3A_1244 = arith.constant 8.000000e+00 : f32
        %parallel_loop3A_1245 = vector.broadcast %parallel_loop3A_1244 : f32 to vector<16xf32>
        %parallel_loop3A_1246 = arith.mulf %parallel_loop3A_1243, %parallel_loop3A_1245 : vector<16xf32>
        %parallel_loop3A_1247 = arith.addf %parallel_loop3A_1246, %parallel_loop3A_1222 : vector<16xf32>
        %parallel_loop3A_1248 = arith.constant 1 : i32
        %parallel_loop3A_1249 = arith.constant 0 : i32
        %parallel_loop3A_1250 = arith.constant 0 : i32
        %parallel_loop3A_1251 = tpu.memref_slice %arg8[%parallel_loop3A_1248, %parallel_loop3A_1249, %parallel_loop3A_1250] : memref<2x64x128xf32, #tpu.memory_space<vmem>> -> memref<1x64x128xf32, #tpu.memory_space<vmem>>
        %parallel_loop3A_1252 = tpu.memref_squeeze %parallel_loop3A_1251 : memref<1x64x128xf32, #tpu.memory_space<vmem>> -> memref<64x128xf32, #tpu.memory_space<vmem>>
        tpu.vector_store_idx %parallel_loop3A_1252[%parallel_loop3A_1221, %add3A_8], %parallel_loop3A_1247 : memref<64x128xf32, #tpu.memory_space<vmem>>[vector<16xi32>, vector<16xi32>], vector<16xf32>,
        %parallel_loop3A_1253 = arith.constant 3 : i32
        %parallel_loop3A_1254 = arith.constant 0 : i32
        %parallel_loop3A_1255 = arith.constant 0 : i32
        %parallel_loop3A_1256 = tpu.memref_slice %arg7[%parallel_loop3A_1253, %parallel_loop3A_1254, %parallel_loop3A_1255] : memref<4x128x64xf32, #tpu.memory_space<vmem>> -> memref<1x128x64xf32, #tpu.memory_space<vmem>>
        %parallel_loop3A_1257 = tpu.memref_squeeze %parallel_loop3A_1256 : memref<1x128x64xf32, #tpu.memory_space<vmem>> -> memref<128x64xf32, #tpu.memory_space<vmem>>
        %parallel_loop3A_1258 = tpu.vector_load_idx %parallel_loop3A_1257[%add3A_11, %parallel_loop3A_1221] : memref<128x64xf32, #tpu.memory_space<vmem>>[vector<16xi32>, vector<16xi32>], vector<16xf32>,
        %parallel_loop3A_1259 = arith.constant 8.000000e+00 : f32
        %parallel_loop3A_1260 = vector.broadcast %parallel_loop3A_1259 : f32 to vector<16xf32>
        %parallel_loop3A_1261 = arith.mulf %parallel_loop3A_1258, %parallel_loop3A_1260 : vector<16xf32>
        %parallel_loop3A_1262 = arith.addf %parallel_loop3A_1261, %parallel_loop3A_1222 : vector<16xf32>
        %parallel_loop3A_1263 = arith.constant 1 : i32
        %parallel_loop3A_1264 = arith.constant 0 : i32
        %parallel_loop3A_1265 = arith.constant 0 : i32
        %parallel_loop3A_1266 = tpu.memref_slice %arg8[%parallel_loop3A_1263, %parallel_loop3A_1264, %parallel_loop3A_1265] : memref<2x64x128xf32, #tpu.memory_space<vmem>> -> memref<1x64x128xf32, #tpu.memory_space<vmem>>
        %parallel_loop3A_1267 = tpu.memref_squeeze %parallel_loop3A_1266 : memref<1x64x128xf32, #tpu.memory_space<vmem>> -> memref<64x128xf32, #tpu.memory_space<vmem>>
        tpu.vector_store_idx %parallel_loop3A_1267[%parallel_loop3A_1221, %add3A_11], %parallel_loop3A_1262 : memref<64x128xf32, #tpu.memory_space<vmem>>[vector<16xi32>, vector<16xi32>], vector<16xf32>,
        %parallel_loop3A_1268 = arith.constant 3 : i32
        %parallel_loop3A_1269 = arith.constant 0 : i32
        %parallel_loop3A_1270 = arith.constant 0 : i32
        %parallel_loop3A_1271 = tpu.memref_slice %arg7[%parallel_loop3A_1268, %parallel_loop3A_1269, %parallel_loop3A_1270] : memref<4x128x64xf32, #tpu.memory_space<vmem>> -> memref<1x128x64xf32, #tpu.memory_space<vmem>>
        %parallel_loop3A_1272 = tpu.memref_squeeze %parallel_loop3A_1271 : memref<1x128x64xf32, #tpu.memory_space<vmem>> -> memref<128x64xf32, #tpu.memory_space<vmem>>
        %parallel_loop3A_1273 = tpu.vector_load_idx %parallel_loop3A_1272[%add3A_14, %parallel_loop3A_1221] : memref<128x64xf32, #tpu.memory_space<vmem>>[vector<16xi32>, vector<16xi32>], vector<16xf32>,
        %parallel_loop3A_1274 = arith.constant 8.000000e+00 : f32
        %parallel_loop3A_1275 = vector.broadcast %parallel_loop3A_1274 : f32 to vector<16xf32>
        %parallel_loop3A_1276 = arith.mulf %parallel_loop3A_1273, %parallel_loop3A_1275 : vector<16xf32>
        %parallel_loop3A_1277 = arith.addf %parallel_loop3A_1276, %parallel_loop3A_1222 : vector<16xf32>
        %parallel_loop3A_1278 = arith.constant 1 : i32
        %parallel_loop3A_1279 = arith.constant 0 : i32
        %parallel_loop3A_1280 = arith.constant 0 : i32
        %parallel_loop3A_1281 = tpu.memref_slice %arg8[%parallel_loop3A_1278, %parallel_loop3A_1279, %parallel_loop3A_1280] : memref<2x64x128xf32, #tpu.memory_space<vmem>> -> memref<1x64x128xf32, #tpu.memory_space<vmem>>
        %parallel_loop3A_1282 = tpu.memref_squeeze %parallel_loop3A_1281 : memref<1x64x128xf32, #tpu.memory_space<vmem>> -> memref<64x128xf32, #tpu.memory_space<vmem>>
        tpu.vector_store_idx %parallel_loop3A_1282[%parallel_loop3A_1221, %add3A_14], %parallel_loop3A_1277 : memref<64x128xf32, #tpu.memory_space<vmem>>[vector<16xi32>, vector<16xi32>], vector<16xf32>,
        %parallel_loop3A_1283 = arith.constant 3 : i32
        %parallel_loop3A_1284 = arith.constant 0 : i32
        %parallel_loop3A_1285 = arith.constant 0 : i32
        %parallel_loop3A_1286 = tpu.memref_slice %arg7[%parallel_loop3A_1283, %parallel_loop3A_1284, %parallel_loop3A_1285] : memref<4x128x64xf32, #tpu.memory_space<vmem>> -> memref<1x128x64xf32, #tpu.memory_space<vmem>>
        %parallel_loop3A_1287 = tpu.memref_squeeze %parallel_loop3A_1286 : memref<1x128x64xf32, #tpu.memory_space<vmem>> -> memref<128x64xf32, #tpu.memory_space<vmem>>
        %parallel_loop3A_1288 = tpu.vector_load_idx %parallel_loop3A_1287[%add3A_17, %parallel_loop3A_1221] : memref<128x64xf32, #tpu.memory_space<vmem>>[vector<16xi32>, vector<16xi32>], vector<16xf32>,
        %parallel_loop3A_1289 = arith.constant 8.000000e+00 : f32
        %parallel_loop3A_1290 = vector.broadcast %parallel_loop3A_1289 : f32 to vector<16xf32>
        %parallel_loop3A_1291 = arith.mulf %parallel_loop3A_1288, %parallel_loop3A_1290 : vector<16xf32>
        %parallel_loop3A_1292 = arith.addf %parallel_loop3A_1291, %parallel_loop3A_1222 : vector<16xf32>
        %parallel_loop3A_1293 = arith.constant 1 : i32
        %parallel_loop3A_1294 = arith.constant 0 : i32
        %parallel_loop3A_1295 = arith.constant 0 : i32
        %parallel_loop3A_1296 = tpu.memref_slice %arg8[%parallel_loop3A_1293, %parallel_loop3A_1294, %parallel_loop3A_1295] : memref<2x64x128xf32, #tpu.memory_space<vmem>> -> memref<1x64x128xf32, #tpu.memory_space<vmem>>
        %parallel_loop3A_1297 = tpu.memref_squeeze %parallel_loop3A_1296 : memref<1x64x128xf32, #tpu.memory_space<vmem>> -> memref<64x128xf32, #tpu.memory_space<vmem>>
        tpu.vector_store_idx %parallel_loop3A_1297[%parallel_loop3A_1221, %add3A_17], %parallel_loop3A_1292 : memref<64x128xf32, #tpu.memory_space<vmem>>[vector<16xi32>, vector<16xi32>], vector<16xf32>,
        %parallel_loop3A_1298 = arith.constant 3 : i32
        %parallel_loop3A_1299 = arith.constant 0 : i32
        %parallel_loop3A_1300 = arith.constant 0 : i32
        %parallel_loop3A_1301 = tpu.memref_slice %arg7[%parallel_loop3A_1298, %parallel_loop3A_1299, %parallel_loop3A_1300] : memref<4x128x64xf32, #tpu.memory_space<vmem>> -> memref<1x128x64xf32, #tpu.memory_space<vmem>>
        %parallel_loop3A_1302 = tpu.memref_squeeze %parallel_loop3A_1301 : memref<1x128x64xf32, #tpu.memory_space<vmem>> -> memref<128x64xf32, #tpu.memory_space<vmem>>
        %parallel_loop3A_1303 = tpu.vector_load_idx %parallel_loop3A_1302[%add3A_20, %parallel_loop3A_1221] : memref<128x64xf32, #tpu.memory_space<vmem>>[vector<16xi32>, vector<16xi32>], vector<16xf32>,
        %parallel_loop3A_1304 = arith.constant 8.000000e+00 : f32
        %parallel_loop3A_1305 = vector.broadcast %parallel_loop3A_1304 : f32 to vector<16xf32>
        %parallel_loop3A_1306 = arith.mulf %parallel_loop3A_1303, %parallel_loop3A_1305 : vector<16xf32>
        %parallel_loop3A_1307 = arith.addf %parallel_loop3A_1306, %parallel_loop3A_1222 : vector<16xf32>
        %parallel_loop3A_1308 = arith.constant 1 : i32
        %parallel_loop3A_1309 = arith.constant 0 : i32
        %parallel_loop3A_1310 = arith.constant 0 : i32
        %parallel_loop3A_1311 = tpu.memref_slice %arg8[%parallel_loop3A_1308, %parallel_loop3A_1309, %parallel_loop3A_1310] : memref<2x64x128xf32, #tpu.memory_space<vmem>> -> memref<1x64x128xf32, #tpu.memory_space<vmem>>
        %parallel_loop3A_1312 = tpu.memref_squeeze %parallel_loop3A_1311 : memref<1x64x128xf32, #tpu.memory_space<vmem>> -> memref<64x128xf32, #tpu.memory_space<vmem>>
        tpu.vector_store_idx %parallel_loop3A_1312[%parallel_loop3A_1221, %add3A_20], %parallel_loop3A_1307 : memref<64x128xf32, #tpu.memory_space<vmem>>[vector<16xi32>, vector<16xi32>], vector<16xf32>,
        %parallel_loop3A_1313 = arith.constant 3 : i32
        %parallel_loop3A_1314 = arith.constant 0 : i32
        %parallel_loop3A_1315 = arith.constant 0 : i32
        %parallel_loop3A_1316 = tpu.memref_slice %arg7[%parallel_loop3A_1313, %parallel_loop3A_1314, %parallel_loop3A_1315] : memref<4x128x64xf32, #tpu.memory_space<vmem>> -> memref<1x128x64xf32, #tpu.memory_space<vmem>>
        %parallel_loop3A_1317 = tpu.memref_squeeze %parallel_loop3A_1316 : memref<1x128x64xf32, #tpu.memory_space<vmem>> -> memref<128x64xf32, #tpu.memory_space<vmem>>
        %parallel_loop3A_1318 = tpu.vector_load_idx %parallel_loop3A_1317[%add3A_23, %parallel_loop3A_1221] : memref<128x64xf32, #tpu.memory_space<vmem>>[vector<16xi32>, vector<16xi32>], vector<16xf32>,
        %parallel_loop3A_1319 = arith.constant 8.000000e+00 : f32
        %parallel_loop3A_1320 = vector.broadcast %parallel_loop3A_1319 : f32 to vector<16xf32>
        %parallel_loop3A_1321 = arith.mulf %parallel_loop3A_1318, %parallel_loop3A_1320 : vector<16xf32>
        %parallel_loop3A_1322 = arith.addf %parallel_loop3A_1321, %parallel_loop3A_1222 : vector<16xf32>
        %parallel_loop3A_1323 = arith.constant 1 : i32
        %parallel_loop3A_1324 = arith.constant 0 : i32
        %parallel_loop3A_1325 = arith.constant 0 : i32
        %parallel_loop3A_1326 = tpu.memref_slice %arg8[%parallel_loop3A_1323, %parallel_loop3A_1324, %parallel_loop3A_1325] : memref<2x64x128xf32, #tpu.memory_space<vmem>> -> memref<1x64x128xf32, #tpu.memory_space<vmem>>
        %parallel_loop3A_1327 = tpu.memref_squeeze %parallel_loop3A_1326 : memref<1x64x128xf32, #tpu.memory_space<vmem>> -> memref<64x128xf32, #tpu.memory_space<vmem>>
        tpu.vector_store_idx %parallel_loop3A_1327[%parallel_loop3A_1221, %add3A_23], %parallel_loop3A_1322 : memref<64x128xf32, #tpu.memory_space<vmem>>[vector<16xi32>, vector<16xi32>], vector<16xf32>,
        %parallel_loop3A_1328 = arith.constant 3 : i32
        %parallel_loop3A_1329 = arith.constant 0 : i32
        %parallel_loop3A_1330 = arith.constant 0 : i32
        %parallel_loop3A_1331 = tpu.memref_slice %arg7[%parallel_loop3A_1328, %parallel_loop3A_1329, %parallel_loop3A_1330] : memref<4x128x64xf32, #tpu.memory_space<vmem>> -> memref<1x128x64xf32, #tpu.memory_space<vmem>>
        %parallel_loop3A_1332 = tpu.memref_squeeze %parallel_loop3A_1331 : memref<1x128x64xf32, #tpu.memory_space<vmem>> -> memref<128x64xf32, #tpu.memory_space<vmem>>
        %parallel_loop3A_1333 = tpu.vector_load_idx %parallel_loop3A_1332[%add3A_26, %parallel_loop3A_1221] : memref<128x64xf32, #tpu.memory_space<vmem>>[vector<16xi32>, vector<16xi32>], vector<16xf32>,
        %parallel_loop3A_1334 = arith.constant 8.000000e+00 : f32
        %parallel_loop3A_1335 = vector.broadcast %parallel_loop3A_1334 : f32 to vector<16xf32>
        %parallel_loop3A_1336 = arith.mulf %parallel_loop3A_1333, %parallel_loop3A_1335 : vector<16xf32>
        %parallel_loop3A_1337 = arith.addf %parallel_loop3A_1336, %parallel_loop3A_1222 : vector<16xf32>
        %parallel_loop3A_1338 = arith.constant 1 : i32
        %parallel_loop3A_1339 = arith.constant 0 : i32
        %parallel_loop3A_1340 = arith.constant 0 : i32
        %parallel_loop3A_1341 = tpu.memref_slice %arg8[%parallel_loop3A_1338, %parallel_loop3A_1339, %parallel_loop3A_1340] : memref<2x64x128xf32, #tpu.memory_space<vmem>> -> memref<1x64x128xf32, #tpu.memory_space<vmem>>
        %parallel_loop3A_1342 = tpu.memref_squeeze %parallel_loop3A_1341 : memref<1x64x128xf32, #tpu.memory_space<vmem>> -> memref<64x128xf32, #tpu.memory_space<vmem>>
        tpu.vector_store_idx %parallel_loop3A_1342[%parallel_loop3A_1221, %add3A_26], %parallel_loop3A_1337 : memref<64x128xf32, #tpu.memory_space<vmem>>[vector<16xi32>, vector<16xi32>], vector<16xf32>,
      } {sc.loop_unroll_factor = 2 : i64, sc.parallel_access}
      %dma_start3A_1061 = arith.constant 1 : i32
      %dma_start3A_1062 = arith.constant 0 : i32
      %dma_start3A_1063 = arith.constant 0 : i32
      %dma_start3A_1064 = arith.constant 0 : i32
      %dma_start3A_1065 = tpu.memref_slice %arg8[%dma_start3A_1061, %dma_start3A_1063, %dma_start3A_1064] : memref<2x64x128xf32, #tpu.memory_space<vmem>> -> memref<1x8x128xf32, #tpu.memory_space<vmem>>
      %dma_start3A_1066 = tpu.memref_squeeze %dma_start3A_1065 : memref<1x8x128xf32, #tpu.memory_space<vmem>> -> memref<8x128xf32, #tpu.memory_space<vmem>>
      %dma_start3A_1067 = arith.constant 0 : i32
      %dma_start3A_1068 = arith.constant 0 : i32
      %dma_start3A_1069 = tpu.memref_slice %arg5[%add3A_1029, %dma_start3A_1062, %add3A, %dma_start3A_1067, %dma_start3A_1068] : memref<200x8x32x8x128xf32, #tpu.memory_space<hbm>> -> memref<1x1x1x8x128xf32, #tpu.memory_space<hbm>>
      %dma_start3A_1070 = tpu.memref_squeeze %dma_start3A_1069 : memref<1x1x1x8x128xf32, #tpu.memory_space<hbm>> -> memref<8x128xf32, #tpu.memory_space<hbm>>
      %dma_start3A_1071 = arith.constant 0 : i32
      %dma_start3A_1072 = arith.constant 0 : i32
      %dma_start3A_1073 = tpu.memref_slice %arg5[%add3A_1029, %dma_start3A_1062, %add3A, %dma_start3A_1071, %dma_start3A_1072] : memref<200x8x32x8x128xf32, #tpu.memory_space<hbm>> -> memref<1x1x1x8x128xf32, #tpu.memory_space<hbm>>
      %dma_start3A_1074 = tpu.memref_squeeze %dma_start3A_1073 : memref<1x1x1x8x128xf32, #tpu.memory_space<hbm>> -> memref<8x128xf32, #tpu.memory_space<hbm>>
      %dma_start3A_1075 = arith.constant 0 : i32
      %dma_start3A_1076 = arith.constant 0 : i32
      %dma_start3A_1077 = tpu.memref_slice %arg8[%dma_start3A_1061, %dma_start3A_1075, %dma_start3A_1076] : memref<2x64x128xf32, #tpu.memory_space<vmem>> -> memref<1x8x128xf32, #tpu.memory_space<vmem>>
      %dma_start3A_1078 = tpu.memref_squeeze %dma_start3A_1077 : memref<1x8x128xf32, #tpu.memory_space<vmem>> -> memref<8x128xf32, #tpu.memory_space<vmem>>
      tpu.enqueue_dma source(%dma_start3A_1078 : memref<8x128xf32, #tpu.memory_space<vmem>>) target(%dma_start3A_1074 : memref<8x128xf32, #tpu.memory_space<hbm>>) target_semaphore(%arg19 : memref<!tpu.dma_semaphore, #tpu.memory_space<semaphore_mem>>)
      %dma_start3A_1079 = arith.constant 1 : i32
      %dma_start3A_1080 = arith.constant 1 : i32
      %dma_start3A_1081 = arith.constant 8 : i32
      %dma_start3A_1082 = arith.constant 0 : i32
      %dma_start3A_1083 = tpu.memref_slice %arg8[%dma_start3A_1079, %dma_start3A_1081, %dma_start3A_1082] : memref<2x64x128xf32, #tpu.memory_space<vmem>> -> memref<1x8x128xf32, #tpu.memory_space<vmem>>
      %dma_start3A_1084 = tpu.memref_squeeze %dma_start3A_1083 : memref<1x8x128xf32, #tpu.memory_space<vmem>> -> memref<8x128xf32, #tpu.memory_space<vmem>>
      %dma_start3A_1085 = arith.constant 0 : i32
      %dma_start3A_1086 = arith.constant 0 : i32
      %dma_start3A_1087 = tpu.memref_slice %arg5[%add3A_1029, %dma_start3A_1080, %add3A, %dma_start3A_1085, %dma_start3A_1086] : memref<200x8x32x8x128xf32, #tpu.memory_space<hbm>> -> memref<1x1x1x8x128xf32, #tpu.memory_space<hbm>>
      %dma_start3A_1088 = tpu.memref_squeeze %dma_start3A_1087 : memref<1x1x1x8x128xf32, #tpu.memory_space<hbm>> -> memref<8x128xf32, #tpu.memory_space<hbm>>
      %dma_start3A_1089 = arith.constant 0 : i32
      %dma_start3A_1090 = arith.constant 0 : i32
      %dma_start3A_1091 = tpu.memref_slice %arg5[%add3A_1029, %dma_start3A_1080, %add3A, %dma_start3A_1089, %dma_start3A_1090] : memref<200x8x32x8x128xf32, #tpu.memory_space<hbm>> -> memref<1x1x1x8x128xf32, #tpu.memory_space<hbm>>
      %dma_start3A_1092 = tpu.memref_squeeze %dma_start3A_1091 : memref<1x1x1x8x128xf32, #tpu.memory_space<hbm>> -> memref<8x128xf32, #tpu.memory_space<hbm>>
      %dma_start3A_1093 = arith.constant 8 : i32
      %dma_start3A_1094 = arith.constant 0 : i32
      %dma_start3A_1095 = tpu.memref_slice %arg8[%dma_start3A_1079, %dma_start3A_1093, %dma_start3A_1094] : memref<2x64x128xf32, #tpu.memory_space<vmem>> -> memref<1x8x128xf32, #tpu.memory_space<vmem>>
      %dma_start3A_1096 = tpu.memref_squeeze %dma_start3A_1095 : memref<1x8x128xf32, #tpu.memory_space<vmem>> -> memref<8x128xf32, #tpu.memory_space<vmem>>
      tpu.enqueue_dma source(%dma_start3A_1096 : memref<8x128xf32, #tpu.memory_space<vmem>>) target(%dma_start3A_1092 : memref<8x128xf32, #tpu.memory_space<hbm>>) target_semaphore(%arg19 : memref<!tpu.dma_semaphore, #tpu.memory_space<semaphore_mem>>)
      %dma_start3A_1097 = arith.constant 1 : i32
      %dma_start3A_1098 = arith.constant 2 : i32
      %dma_start3A_1099 = arith.constant 16 : i32
      %dma_start3A_1100 = arith.constant 0 : i32
      %dma_start3A_1101 = tpu.memref_slice %arg8[%dma_start3A_1097, %dma_start3A_1099, %dma_start3A_1100] : memref<2x64x128xf32, #tpu.memory_space<vmem>> -> memref<1x8x128xf32, #tpu.memory_space<vmem>>
      %dma_start3A_1102 = tpu.memref_squeeze %dma_start3A_1101 : memref<1x8x128xf32, #tpu.memory_space<vmem>> -> memref<8x128xf32, #tpu.memory_space<vmem>>
      %dma_start3A_1103 = arith.constant 0 : i32
      %dma_start3A_1104 = arith.constant 0 : i32
      %dma_start3A_1105 = tpu.memref_slice %arg5[%add3A_1029, %dma_start3A_1098, %add3A, %dma_start3A_1103, %dma_start3A_1104] : memref<200x8x32x8x128xf32, #tpu.memory_space<hbm>> -> memref<1x1x1x8x128xf32, #tpu.memory_space<hbm>>
      %dma_start3A_1106 = tpu.memref_squeeze %dma_start3A_1105 : memref<1x1x1x8x128xf32, #tpu.memory_space<hbm>> -> memref<8x128xf32, #tpu.memory_space<hbm>>
      %dma_start3A_1107 = arith.constant 0 : i32
      %dma_start3A_1108 = arith.constant 0 : i32
      %dma_start3A_1109 = tpu.memref_slice %arg5[%add3A_1029, %dma_start3A_1098, %add3A, %dma_start3A_1107, %dma_start3A_1108] : memref<200x8x32x8x128xf32, #tpu.memory_space<hbm>> -> memref<1x1x1x8x128xf32, #tpu.memory_space<hbm>>
      %dma_start3A_1110 = tpu.memref_squeeze %dma_start3A_1109 : memref<1x1x1x8x128xf32, #tpu.memory_space<hbm>> -> memref<8x128xf32, #tpu.memory_space<hbm>>
      %dma_start3A_1111 = arith.constant 16 : i32
      %dma_start3A_1112 = arith.constant 0 : i32
      %dma_start3A_1113 = tpu.memref_slice %arg8[%dma_start3A_1097, %dma_start3A_1111, %dma_start3A_1112] : memref<2x64x128xf32, #tpu.memory_space<vmem>> -> memref<1x8x128xf32, #tpu.memory_space<vmem>>
      %dma_start3A_1114 = tpu.memref_squeeze %dma_start3A_1113 : memref<1x8x128xf32, #tpu.memory_space<vmem>> -> memref<8x128xf32, #tpu.memory_space<vmem>>
      tpu.enqueue_dma source(%dma_start3A_1114 : memref<8x128xf32, #tpu.memory_space<vmem>>) target(%dma_start3A_1110 : memref<8x128xf32, #tpu.memory_space<hbm>>) target_semaphore(%arg19 : memref<!tpu.dma_semaphore, #tpu.memory_space<semaphore_mem>>)
      %dma_start3A_1115 = arith.constant 1 : i32
      %dma_start3A_1116 = arith.constant 3 : i32
      %dma_start3A_1117 = arith.constant 24 : i32
      %dma_start3A_1118 = arith.constant 0 : i32
      %dma_start3A_1119 = tpu.memref_slice %arg8[%dma_start3A_1115, %dma_start3A_1117, %dma_start3A_1118] : memref<2x64x128xf32, #tpu.memory_space<vmem>> -> memref<1x8x128xf32, #tpu.memory_space<vmem>>
      %dma_start3A_1120 = tpu.memref_squeeze %dma_start3A_1119 : memref<1x8x128xf32, #tpu.memory_space<vmem>> -> memref<8x128xf32, #tpu.memory_space<vmem>>
      %dma_start3A_1121 = arith.constant 0 : i32
      %dma_start3A_1122 = arith.constant 0 : i32
      %dma_start3A_1123 = tpu.memref_slice %arg5[%add3A_1029, %dma_start3A_1116, %add3A, %dma_start3A_1121, %dma_start3A_1122] : memref<200x8x32x8x128xf32, #tpu.memory_space<hbm>> -> memref<1x1x1x8x128xf32, #tpu.memory_space<hbm>>
      %dma_start3A_1124 = tpu.memref_squeeze %dma_start3A_1123 : memref<1x1x1x8x128xf32, #tpu.memory_space<hbm>> -> memref<8x128xf32, #tpu.memory_space<hbm>>
      %dma_start3A_1125 = arith.constant 0 : i32
      %dma_start3A_1126 = arith.constant 0 : i32
      %dma_start3A_1127 = tpu.memref_slice %arg5[%add3A_1029, %dma_start3A_1116, %add3A, %dma_start3A_1125, %dma_start3A_1126] : memref<200x8x32x8x128xf32, #tpu.memory_space<hbm>> -> memref<1x1x1x8x128xf32, #tpu.memory_space<hbm>>
      %dma_start3A_1128 = tpu.memref_squeeze %dma_start3A_1127 : memref<1x1x1x8x128xf32, #tpu.memory_space<hbm>> -> memref<8x128xf32, #tpu.memory_space<hbm>>
      %dma_start3A_1129 = arith.constant 24 : i32
      %dma_start3A_1130 = arith.constant 0 : i32
      %dma_start3A_1131 = tpu.memref_slice %arg8[%dma_start3A_1115, %dma_start3A_1129, %dma_start3A_1130] : memref<2x64x128xf32, #tpu.memory_space<vmem>> -> memref<1x8x128xf32, #tpu.memory_space<vmem>>
      %dma_start3A_1132 = tpu.memref_squeeze %dma_start3A_1131 : memref<1x8x128xf32, #tpu.memory_space<vmem>> -> memref<8x128xf32, #tpu.memory_space<vmem>>
      tpu.enqueue_dma source(%dma_start3A_1132 : memref<8x128xf32, #tpu.memory_space<vmem>>) target(%dma_start3A_1128 : memref<8x128xf32, #tpu.memory_space<hbm>>) target_semaphore(%arg19 : memref<!tpu.dma_semaphore, #tpu.memory_space<semaphore_mem>>)
      %dma_start3A_1133 = arith.constant 1 : i32
      %dma_start3A_1134 = arith.constant 4 : i32
      %dma_start3A_1135 = arith.constant 32 : i32
      %dma_start3A_1136 = arith.constant 0 : i32
      %dma_start3A_1137 = tpu.memref_slice %arg8[%dma_start3A_1133, %dma_start3A_1135, %dma_start3A_1136] : memref<2x64x128xf32, #tpu.memory_space<vmem>> -> memref<1x8x128xf32, #tpu.memory_space<vmem>>
      %dma_start3A_1138 = tpu.memref_squeeze %dma_start3A_1137 : memref<1x8x128xf32, #tpu.memory_space<vmem>> -> memref<8x128xf32, #tpu.memory_space<vmem>>
      %dma_start3A_1139 = arith.constant 0 : i32
      %dma_start3A_1140 = arith.constant 0 : i32
      %dma_start3A_1141 = tpu.memref_slice %arg5[%add3A_1029, %dma_start3A_1134, %add3A, %dma_start3A_1139, %dma_start3A_1140] : memref<200x8x32x8x128xf32, #tpu.memory_space<hbm>> -> memref<1x1x1x8x128xf32, #tpu.memory_space<hbm>>
      %dma_start3A_1142 = tpu.memref_squeeze %dma_start3A_1141 : memref<1x1x1x8x128xf32, #tpu.memory_space<hbm>> -> memref<8x128xf32, #tpu.memory_space<hbm>>
      %dma_start3A_1143 = arith.constant 0 : i32
      %dma_start3A_1144 = arith.constant 0 : i32
      %dma_start3A_1145 = tpu.memref_slice %arg5[%add3A_1029, %dma_start3A_1134, %add3A, %dma_start3A_1143, %dma_start3A_1144] : memref<200x8x32x8x128xf32, #tpu.memory_space<hbm>> -> memref<1x1x1x8x128xf32, #tpu.memory_space<hbm>>
      %dma_start3A_1146 = tpu.memref_squeeze %dma_start3A_1145 : memref<1x1x1x8x128xf32, #tpu.memory_space<hbm>> -> memref<8x128xf32, #tpu.memory_space<hbm>>
      %dma_start3A_1147 = arith.constant 32 : i32
      %dma_start3A_1148 = arith.constant 0 : i32
      %dma_start3A_1149 = tpu.memref_slice %arg8[%dma_start3A_1133, %dma_start3A_1147, %dma_start3A_1148] : memref<2x64x128xf32, #tpu.memory_space<vmem>> -> memref<1x8x128xf32, #tpu.memory_space<vmem>>
      %dma_start3A_1150 = tpu.memref_squeeze %dma_start3A_1149 : memref<1x8x128xf32, #tpu.memory_space<vmem>> -> memref<8x128xf32, #tpu.memory_space<vmem>>
      tpu.enqueue_dma source(%dma_start3A_1150 : memref<8x128xf32, #tpu.memory_space<vmem>>) target(%dma_start3A_1146 : memref<8x128xf32, #tpu.memory_space<hbm>>) target_semaphore(%arg19 : memref<!tpu.dma_semaphore, #tpu.memory_space<semaphore_mem>>)
      %dma_start3A_1151 = arith.constant 1 : i32
      %dma_start3A_1152 = arith.constant 5 : i32
      %dma_start3A_1153 = arith.constant 40 : i32
      %dma_start3A_1154 = arith.constant 0 : i32
      %dma_start3A_1155 = tpu.memref_slice %arg8[%dma_start3A_1151, %dma_start3A_1153, %dma_start3A_1154] : memref<2x64x128xf32, #tpu.memory_space<vmem>> -> memref<1x8x128xf32, #tpu.memory_space<vmem>>
      %dma_start3A_1156 = tpu.memref_squeeze %dma_start3A_1155 : memref<1x8x128xf32, #tpu.memory_space<vmem>> -> memref<8x128xf32, #tpu.memory_space<vmem>>
      %dma_start3A_1157 = arith.constant 0 : i32
      %dma_start3A_1158 = arith.constant 0 : i32
      %dma_start3A_1159 = tpu.memref_slice %arg5[%add3A_1029, %dma_start3A_1152, %add3A, %dma_start3A_1157, %dma_start3A_1158] : memref<200x8x32x8x128xf32, #tpu.memory_space<hbm>> -> memref<1x1x1x8x128xf32, #tpu.memory_space<hbm>>
      %dma_start3A_1160 = tpu.memref_squeeze %dma_start3A_1159 : memref<1x1x1x8x128xf32, #tpu.memory_space<hbm>> -> memref<8x128xf32, #tpu.memory_space<hbm>>
      %dma_start3A_1161 = arith.constant 0 : i32
      %dma_start3A_1162 = arith.constant 0 : i32
      %dma_start3A_1163 = tpu.memref_slice %arg5[%add3A_1029, %dma_start3A_1152, %add3A, %dma_start3A_1161, %dma_start3A_1162] : memref<200x8x32x8x128xf32, #tpu.memory_space<hbm>> -> memref<1x1x1x8x128xf32, #tpu.memory_space<hbm>>
      %dma_start3A_1164 = tpu.memref_squeeze %dma_start3A_1163 : memref<1x1x1x8x128xf32, #tpu.memory_space<hbm>> -> memref<8x128xf32, #tpu.memory_space<hbm>>
      %dma_start3A_1165 = arith.constant 40 : i32
      %dma_start3A_1166 = arith.constant 0 : i32
      %dma_start3A_1167 = tpu.memref_slice %arg8[%dma_start3A_1151, %dma_start3A_1165, %dma_start3A_1166] : memref<2x64x128xf32, #tpu.memory_space<vmem>> -> memref<1x8x128xf32, #tpu.memory_space<vmem>>
      %dma_start3A_1168 = tpu.memref_squeeze %dma_start3A_1167 : memref<1x8x128xf32, #tpu.memory_space<vmem>> -> memref<8x128xf32, #tpu.memory_space<vmem>>
      tpu.enqueue_dma source(%dma_start3A_1168 : memref<8x128xf32, #tpu.memory_space<vmem>>) target(%dma_start3A_1164 : memref<8x128xf32, #tpu.memory_space<hbm>>) target_semaphore(%arg19 : memref<!tpu.dma_semaphore, #tpu.memory_space<semaphore_mem>>)
      %dma_start3A_1169 = arith.constant 1 : i32
      %dma_start3A_1170 = arith.constant 6 : i32
      %dma_start3A_1171 = arith.constant 48 : i32
      %dma_start3A_1172 = arith.constant 0 : i32
      %dma_start3A_1173 = tpu.memref_slice %arg8[%dma_start3A_1169, %dma_start3A_1171, %dma_start3A_1172] : memref<2x64x128xf32, #tpu.memory_space<vmem>> -> memref<1x8x128xf32, #tpu.memory_space<vmem>>
      %dma_start3A_1174 = tpu.memref_squeeze %dma_start3A_1173 : memref<1x8x128xf32, #tpu.memory_space<vmem>> -> memref<8x128xf32, #tpu.memory_space<vmem>>
      %dma_start3A_1175 = arith.constant 0 : i32
      %dma_start3A_1176 = arith.constant 0 : i32
      %dma_start3A_1177 = tpu.memref_slice %arg5[%add3A_1029, %dma_start3A_1170, %add3A, %dma_start3A_1175, %dma_start3A_1176] : memref<200x8x32x8x128xf32, #tpu.memory_space<hbm>> -> memref<1x1x1x8x128xf32, #tpu.memory_space<hbm>>
      %dma_start3A_1178 = tpu.memref_squeeze %dma_start3A_1177 : memref<1x1x1x8x128xf32, #tpu.memory_space<hbm>> -> memref<8x128xf32, #tpu.memory_space<hbm>>
      %dma_start3A_1179 = arith.constant 0 : i32
      %dma_start3A_1180 = arith.constant 0 : i32
      %dma_start3A_1181 = tpu.memref_slice %arg5[%add3A_1029, %dma_start3A_1170, %add3A, %dma_start3A_1179, %dma_start3A_1180] : memref<200x8x32x8x128xf32, #tpu.memory_space<hbm>> -> memref<1x1x1x8x128xf32, #tpu.memory_space<hbm>>
      %dma_start3A_1182 = tpu.memref_squeeze %dma_start3A_1181 : memref<1x1x1x8x128xf32, #tpu.memory_space<hbm>> -> memref<8x128xf32, #tpu.memory_space<hbm>>
      %dma_start3A_1183 = arith.constant 48 : i32
      %dma_start3A_1184 = arith.constant 0 : i32
      %dma_start3A_1185 = tpu.memref_slice %arg8[%dma_start3A_1169, %dma_start3A_1183, %dma_start3A_1184] : memref<2x64x128xf32, #tpu.memory_space<vmem>> -> memref<1x8x128xf32, #tpu.memory_space<vmem>>
      %dma_start3A_1186 = tpu.memref_squeeze %dma_start3A_1185 : memref<1x8x128xf32, #tpu.memory_space<vmem>> -> memref<8x128xf32, #tpu.memory_space<vmem>>
      tpu.enqueue_dma source(%dma_start3A_1186 : memref<8x128xf32, #tpu.memory_space<vmem>>) target(%dma_start3A_1182 : memref<8x128xf32, #tpu.memory_space<hbm>>) target_semaphore(%arg19 : memref<!tpu.dma_semaphore, #tpu.memory_space<semaphore_mem>>)
      %dma_start3A_1187 = arith.constant 1 : i32
      %dma_start3A_1188 = arith.constant 7 : i32
      %dma_start3A_1189 = arith.constant 56 : i32
      %dma_start3A_1190 = arith.constant 0 : i32
      %dma_start3A_1191 = tpu.memref_slice %arg8[%dma_start3A_1187, %dma_start3A_1189, %dma_start3A_1190] : memref<2x64x128xf32, #tpu.memory_space<vmem>> -> memref<1x8x128xf32, #tpu.memory_space<vmem>>
      %dma_start3A_1192 = tpu.memref_squeeze %dma_start3A_1191 : memref<1x8x128xf32, #tpu.memory_space<vmem>> -> memref<8x128xf32, #tpu.memory_space<vmem>>
      %dma_start3A_1193 = arith.constant 0 : i32
      %dma_start3A_1194 = arith.constant 0 : i32
      %dma_start3A_1195 = tpu.memref_slice %arg5[%add3A_1029, %dma_start3A_1188, %add3A, %dma_start3A_1193, %dma_start3A_1194] : memref<200x8x32x8x128xf32, #tpu.memory_space<hbm>> -> memref<1x1x1x8x128xf32, #tpu.memory_space<hbm>>
      %dma_start3A_1196 = tpu.memref_squeeze %dma_start3A_1195 : memref<1x1x1x8x128xf32, #tpu.memory_space<hbm>> -> memref<8x128xf32, #tpu.memory_space<hbm>>
      %dma_start3A_1197 = arith.constant 0 : i32
      %dma_start3A_1198 = arith.constant 0 : i32
      %dma_start3A_1199 = tpu.memref_slice %arg5[%add3A_1029, %dma_start3A_1188, %add3A, %dma_start3A_1197, %dma_start3A_1198] : memref<200x8x32x8x128xf32, #tpu.memory_space<hbm>> -> memref<1x1x1x8x128xf32, #tpu.memory_space<hbm>>
      %dma_start3A_1200 = tpu.memref_squeeze %dma_start3A_1199 : memref<1x1x1x8x128xf32, #tpu.memory_space<hbm>> -> memref<8x128xf32, #tpu.memory_space<hbm>>
      %dma_start3A_1201 = arith.constant 56 : i32
      %dma_start3A_1202 = arith.constant 0 : i32
      %dma_start3A_1203 = tpu.memref_slice %arg8[%dma_start3A_1187, %dma_start3A_1201, %dma_start3A_1202] : memref<2x64x128xf32, #tpu.memory_space<vmem>> -> memref<1x8x128xf32, #tpu.memory_space<vmem>>
      %dma_start3A_1204 = tpu.memref_squeeze %dma_start3A_1203 : memref<1x8x128xf32, #tpu.memory_space<vmem>> -> memref<8x128xf32, #tpu.memory_space<vmem>>
      tpu.enqueue_dma source(%dma_start3A_1204 : memref<8x128xf32, #tpu.memory_space<vmem>>) target(%dma_start3A_1200 : memref<8x128xf32, #tpu.memory_space<hbm>>) target_semaphore(%arg19 : memref<!tpu.dma_semaphore, #tpu.memory_space<semaphore_mem>>)
      %add3A_1205 = arith.constant 4 : i32
      %add3A_1206 = arith.addi %add3A_1029, %add3A_1205 : i32
      %lt3A_1207 = arith.constant 200 : i32
      %lt3A_1208 = arith.cmpi slt, %add3A_1206, %lt3A_1207 : i32
      %convert_element_type3A_1209 = arith.extui %lt3A_1208 : i1 to i32
      %cond3A_1210 = arith.constant 0 : i32
      %cond3A_1211 = arith.cmpi ne, %convert_element_type3A_1209, %cond3A_1210 : i32
      scf.if %cond3A_1211 {
        %add3A_1212 = arith.constant 4 : i32
        %add3A_1213 = arith.addi %add3A_1029, %add3A_1212 : i32
        %dma_wait3A_1214 = arith.constant 3 : i32
        %dma_wait3A_1215 = arith.constant 0 : i32
        %dma_wait3A_1216 = tpu.memref_slice %arg6[%dma_wait3A_1214, %dma_wait3A_1215] : memref<4x128xi32, #tpu.memory_space<vmem>> -> memref<1x128xi32, #tpu.memory_space<vmem>>
        %dma_wait3A_1217 = tpu.memref_squeeze %dma_wait3A_1216 : memref<1x128xi32, #tpu.memory_space<vmem>> -> memref<128xi32, #tpu.memory_space<vmem>>
        %dma_wait3A_1218 = tpu.memref_slice %arg2[%add3A_1213, %mul3A_2] : memref<200x4096xi32, #tpu.memory_space<hbm>> -> memref<1x128xi32, #tpu.memory_space<hbm>>
        %dma_wait3A_1219 = tpu.memref_squeeze %dma_wait3A_1218 : memref<1x128xi32, #tpu.memory_space<hbm>> -> memref<128xi32, #tpu.memory_space<hbm>>
        %dma_wait3A_1220 = arith.constant 0 : i32
        %dma_wait3A_1221 = tpu.memref_slice %arg6[%dma_wait3A_1214, %dma_wait3A_1220] : memref<4x128xi32, #tpu.memory_space<vmem>> -> memref<1x128xi32, #tpu.memory_space<vmem>>
        %dma_wait3A_1222 = tpu.memref_squeeze %dma_wait3A_1221 : memref<1x128xi32, #tpu.memory_space<vmem>> -> memref<128xi32, #tpu.memory_space<vmem>>
        %dma_wait3A_1223 = tpu.memref_slice %arg2[%add3A_1213, %mul3A_2] : memref<200x4096xi32, #tpu.memory_space<hbm>> -> memref<1x128xi32, #tpu.memory_space<hbm>>
        %dma_wait3A_1224 = tpu.memref_squeeze %dma_wait3A_1223 : memref<1x128xi32, #tpu.memory_space<hbm>> -> memref<128xi32, #tpu.memory_space<hbm>>
        tpu.wait_dma2 semaphore(%arg13 : memref<!tpu.dma_semaphore, #tpu.memory_space<semaphore_mem>>) src(%dma_wait3A_1224 : memref<128xi32, #tpu.memory_space<hbm>>) dst(%dma_wait3A_1222 : memref<128xi32, #tpu.memory_space<vmem>>)
        %dma_start3A_1225 = arith.constant 3 : i32
        %dma_start3A_1226 = arith.constant 3 : i32
        %dma_start3A_1227 = arith.constant 0 : i32
        %dma_start3A_1228 = arith.constant 0 : i32
        %dma_start3A_1229 = tpu.memref_slice %arg7[%dma_start3A_1226, %dma_start3A_1227, %dma_start3A_1228] : memref<4x128x64xf32, #tpu.memory_space<vmem>> -> memref<1x128x64xf32, #tpu.memory_space<vmem>>
        %dma_start3A_1230 = tpu.memref_squeeze %dma_start3A_1229 : memref<1x128x64xf32, #tpu.memory_space<vmem>> -> memref<128x64xf32, #tpu.memory_space<vmem>>
        %dma_start3A_1231 = arith.constant 0 : i32
        %dma_start3A_1232 = tpu.memref_slice %arg6[%dma_start3A_1225, %dma_start3A_1231] : memref<4x128xi32, #tpu.memory_space<vmem>> -> memref<1x128xi32, #tpu.memory_space<vmem>>
        %dma_start3A_1233 = tpu.memref_squeeze %dma_start3A_1232 : memref<1x128xi32, #tpu.memory_space<vmem>> -> memref<128xi32, #tpu.memory_space<vmem>>
        %dma_start3A_1234 = arith.constant 0 : i32
        %dma_start3A_1235 = arith.constant 0 : i32
        %dma_start3A_1236 = tpu.memref_slice %arg4[%dma_start3A_1234, %dma_start3A_1235] : memref<100000x64xf32, #tpu.memory_space<hbm>> -> memref<100000x64xf32, #tpu.memory_space<hbm>>
        tpu.enqueue_indirect_dma source(%dma_start3A_1236 : memref<100000x64xf32, #tpu.memory_space<hbm>>) target(%dma_start3A_1230 : memref<128x64xf32, #tpu.memory_space<vmem>>) offsets(%dma_start3A_1233 : memref<128xi32, #tpu.memory_space<vmem>>) semaphore(%arg17 : memref<!tpu.dma_semaphore, #tpu.memory_space<semaphore_mem>>)
      } else {
      }
    }
    %scan3A_172 = arith.constant 50 : i32
    %dma_wait3A_173 = arith.constant 0 : i32
    %dma_wait3A_174 = arith.constant 198 : i32
    %dma_wait3A_175 = arith.constant 0 : i32
    %dma_wait3A_176 = arith.constant 0 : i32
    %dma_wait3A_177 = arith.constant 0 : i32
    %dma_wait3A_178 = tpu.memref_slice %arg8[%dma_wait3A_173, %dma_wait3A_176, %dma_wait3A_177] : memref<2x64x128xf32, #tpu.memory_space<vmem>> -> memref<1x8x128xf32, #tpu.memory_space<vmem>>
    %dma_wait3A_179 = tpu.memref_squeeze %dma_wait3A_178 : memref<1x8x128xf32, #tpu.memory_space<vmem>> -> memref<8x128xf32, #tpu.memory_space<vmem>>
    %dma_wait3A_180 = arith.constant 0 : i32
    %dma_wait3A_181 = arith.constant 0 : i32
    %dma_wait3A_182 = tpu.memref_slice %arg5[%dma_wait3A_174, %dma_wait3A_175, %add3A, %dma_wait3A_180, %dma_wait3A_181] : memref<200x8x32x8x128xf32, #tpu.memory_space<hbm>> -> memref<1x1x1x8x128xf32, #tpu.memory_space<hbm>>
    %dma_wait3A_183 = tpu.memref_squeeze %dma_wait3A_182 : memref<1x1x1x8x128xf32, #tpu.memory_space<hbm>> -> memref<8x128xf32, #tpu.memory_space<hbm>>
    %dma_wait3A_184 = arith.constant 0 : i32
    %dma_wait3A_185 = arith.constant 0 : i32
    %dma_wait3A_186 = tpu.memref_slice %arg5[%dma_wait3A_174, %dma_wait3A_175, %add3A, %dma_wait3A_184, %dma_wait3A_185] : memref<200x8x32x8x128xf32, #tpu.memory_space<hbm>> -> memref<1x1x1x8x128xf32, #tpu.memory_space<hbm>>
    %dma_wait3A_187 = tpu.memref_squeeze %dma_wait3A_186 : memref<1x1x1x8x128xf32, #tpu.memory_space<hbm>> -> memref<8x128xf32, #tpu.memory_space<hbm>>
    %dma_wait3A_188 = arith.constant 0 : i32
    %dma_wait3A_189 = arith.constant 0 : i32
    %dma_wait3A_190 = tpu.memref_slice %arg8[%dma_wait3A_173, %dma_wait3A_188, %dma_wait3A_189] : memref<2x64x128xf32, #tpu.memory_space<vmem>> -> memref<1x8x128xf32, #tpu.memory_space<vmem>>
    %dma_wait3A_191 = tpu.memref_squeeze %dma_wait3A_190 : memref<1x8x128xf32, #tpu.memory_space<vmem>> -> memref<8x128xf32, #tpu.memory_space<vmem>>
    tpu.wait_dma2 semaphore(%arg18 : memref<!tpu.dma_semaphore, #tpu.memory_space<semaphore_mem>>) src(%dma_wait3A_191 : memref<8x128xf32, #tpu.memory_space<vmem>>) dst(%dma_wait3A_187 : memref<8x128xf32, #tpu.memory_space<hbm>>)
    %dma_wait3A_192 = arith.constant 0 : i32
    %dma_wait3A_193 = arith.constant 198 : i32
    %dma_wait3A_194 = arith.constant 1 : i32
    %dma_wait3A_195 = arith.constant 8 : i32
    %dma_wait3A_196 = arith.constant 0 : i32
    %dma_wait3A_197 = tpu.memref_slice %arg8[%dma_wait3A_192, %dma_wait3A_195, %dma_wait3A_196] : memref<2x64x128xf32, #tpu.memory_space<vmem>> -> memref<1x8x128xf32, #tpu.memory_space<vmem>>
    %dma_wait3A_198 = tpu.memref_squeeze %dma_wait3A_197 : memref<1x8x128xf32, #tpu.memory_space<vmem>> -> memref<8x128xf32, #tpu.memory_space<vmem>>
    %dma_wait3A_199 = arith.constant 0 : i32
    %dma_wait3A_200 = arith.constant 0 : i32
    %dma_wait3A_201 = tpu.memref_slice %arg5[%dma_wait3A_193, %dma_wait3A_194, %add3A, %dma_wait3A_199, %dma_wait3A_200] : memref<200x8x32x8x128xf32, #tpu.memory_space<hbm>> -> memref<1x1x1x8x128xf32, #tpu.memory_space<hbm>>
    %dma_wait3A_202 = tpu.memref_squeeze %dma_wait3A_201 : memref<1x1x1x8x128xf32, #tpu.memory_space<hbm>> -> memref<8x128xf32, #tpu.memory_space<hbm>>
    %dma_wait3A_203 = arith.constant 0 : i32
    %dma_wait3A_204 = arith.constant 0 : i32
    %dma_wait3A_205 = tpu.memref_slice %arg5[%dma_wait3A_193, %dma_wait3A_194, %add3A, %dma_wait3A_203, %dma_wait3A_204] : memref<200x8x32x8x128xf32, #tpu.memory_space<hbm>> -> memref<1x1x1x8x128xf32, #tpu.memory_space<hbm>>
    %dma_wait3A_206 = tpu.memref_squeeze %dma_wait3A_205 : memref<1x1x1x8x128xf32, #tpu.memory_space<hbm>> -> memref<8x128xf32, #tpu.memory_space<hbm>>
    %dma_wait3A_207 = arith.constant 8 : i32
    %dma_wait3A_208 = arith.constant 0 : i32
    %dma_wait3A_209 = tpu.memref_slice %arg8[%dma_wait3A_192, %dma_wait3A_207, %dma_wait3A_208] : memref<2x64x128xf32, #tpu.memory_space<vmem>> -> memref<1x8x128xf32, #tpu.memory_space<vmem>>
    %dma_wait3A_210 = tpu.memref_squeeze %dma_wait3A_209 : memref<1x8x128xf32, #tpu.memory_space<vmem>> -> memref<8x128xf32, #tpu.memory_space<vmem>>
    tpu.wait_dma2 semaphore(%arg18 : memref<!tpu.dma_semaphore, #tpu.memory_space<semaphore_mem>>) src(%dma_wait3A_210 : memref<8x128xf32, #tpu.memory_space<vmem>>) dst(%dma_wait3A_206 : memref<8x128xf32, #tpu.memory_space<hbm>>)
    %dma_wait3A_211 = arith.constant 0 : i32
    %dma_wait3A_212 = arith.constant 198 : i32
    %dma_wait3A_213 = arith.constant 2 : i32
    %dma_wait3A_214 = arith.constant 16 : i32
    %dma_wait3A_215 = arith.constant 0 : i32
    %dma_wait3A_216 = tpu.memref_slice %arg8[%dma_wait3A_211, %dma_wait3A_214, %dma_wait3A_215] : memref<2x64x128xf32, #tpu.memory_space<vmem>> -> memref<1x8x128xf32, #tpu.memory_space<vmem>>
    %dma_wait3A_217 = tpu.memref_squeeze %dma_wait3A_216 : memref<1x8x128xf32, #tpu.memory_space<vmem>> -> memref<8x128xf32, #tpu.memory_space<vmem>>
    %dma_wait3A_218 = arith.constant 0 : i32
    %dma_wait3A_219 = arith.constant 0 : i32
    %dma_wait3A_220 = tpu.memref_slice %arg5[%dma_wait3A_212, %dma_wait3A_213, %add3A, %dma_wait3A_218, %dma_wait3A_219] : memref<200x8x32x8x128xf32, #tpu.memory_space<hbm>> -> memref<1x1x1x8x128xf32, #tpu.memory_space<hbm>>
    %dma_wait3A_221 = tpu.memref_squeeze %dma_wait3A_220 : memref<1x1x1x8x128xf32, #tpu.memory_space<hbm>> -> memref<8x128xf32, #tpu.memory_space<hbm>>
    %dma_wait3A_222 = arith.constant 0 : i32
    %dma_wait3A_223 = arith.constant 0 : i32
    %dma_wait3A_224 = tpu.memref_slice %arg5[%dma_wait3A_212, %dma_wait3A_213, %add3A, %dma_wait3A_222, %dma_wait3A_223] : memref<200x8x32x8x128xf32, #tpu.memory_space<hbm>> -> memref<1x1x1x8x128xf32, #tpu.memory_space<hbm>>
    %dma_wait3A_225 = tpu.memref_squeeze %dma_wait3A_224 : memref<1x1x1x8x128xf32, #tpu.memory_space<hbm>> -> memref<8x128xf32, #tpu.memory_space<hbm>>
    %dma_wait3A_226 = arith.constant 16 : i32
    %dma_wait3A_227 = arith.constant 0 : i32
    %dma_wait3A_228 = tpu.memref_slice %arg8[%dma_wait3A_211, %dma_wait3A_226, %dma_wait3A_227] : memref<2x64x128xf32, #tpu.memory_space<vmem>> -> memref<1x8x128xf32, #tpu.memory_space<vmem>>
    %dma_wait3A_229 = tpu.memref_squeeze %dma_wait3A_228 : memref<1x8x128xf32, #tpu.memory_space<vmem>> -> memref<8x128xf32, #tpu.memory_space<vmem>>
    tpu.wait_dma2 semaphore(%arg18 : memref<!tpu.dma_semaphore, #tpu.memory_space<semaphore_mem>>) src(%dma_wait3A_229 : memref<8x128xf32, #tpu.memory_space<vmem>>) dst(%dma_wait3A_225 : memref<8x128xf32, #tpu.memory_space<hbm>>)
    %dma_wait3A_230 = arith.constant 0 : i32
    %dma_wait3A_231 = arith.constant 198 : i32
    %dma_wait3A_232 = arith.constant 3 : i32
    %dma_wait3A_233 = arith.constant 24 : i32
    %dma_wait3A_234 = arith.constant 0 : i32
    %dma_wait3A_235 = tpu.memref_slice %arg8[%dma_wait3A_230, %dma_wait3A_233, %dma_wait3A_234] : memref<2x64x128xf32, #tpu.memory_space<vmem>> -> memref<1x8x128xf32, #tpu.memory_space<vmem>>
    %dma_wait3A_236 = tpu.memref_squeeze %dma_wait3A_235 : memref<1x8x128xf32, #tpu.memory_space<vmem>> -> memref<8x128xf32, #tpu.memory_space<vmem>>
    %dma_wait3A_237 = arith.constant 0 : i32
    %dma_wait3A_238 = arith.constant 0 : i32
    %dma_wait3A_239 = tpu.memref_slice %arg5[%dma_wait3A_231, %dma_wait3A_232, %add3A, %dma_wait3A_237, %dma_wait3A_238] : memref<200x8x32x8x128xf32, #tpu.memory_space<hbm>> -> memref<1x1x1x8x128xf32, #tpu.memory_space<hbm>>
    %dma_wait3A_240 = tpu.memref_squeeze %dma_wait3A_239 : memref<1x1x1x8x128xf32, #tpu.memory_space<hbm>> -> memref<8x128xf32, #tpu.memory_space<hbm>>
    %dma_wait3A_241 = arith.constant 0 : i32
    %dma_wait3A_242 = arith.constant 0 : i32
    %dma_wait3A_243 = tpu.memref_slice %arg5[%dma_wait3A_231, %dma_wait3A_232, %add3A, %dma_wait3A_241, %dma_wait3A_242] : memref<200x8x32x8x128xf32, #tpu.memory_space<hbm>> -> memref<1x1x1x8x128xf32, #tpu.memory_space<hbm>>
    %dma_wait3A_244 = tpu.memref_squeeze %dma_wait3A_243 : memref<1x1x1x8x128xf32, #tpu.memory_space<hbm>> -> memref<8x128xf32, #tpu.memory_space<hbm>>
    %dma_wait3A_245 = arith.constant 24 : i32
    %dma_wait3A_246 = arith.constant 0 : i32
    %dma_wait3A_247 = tpu.memref_slice %arg8[%dma_wait3A_230, %dma_wait3A_245, %dma_wait3A_246] : memref<2x64x128xf32, #tpu.memory_space<vmem>> -> memref<1x8x128xf32, #tpu.memory_space<vmem>>
    %dma_wait3A_248 = tpu.memref_squeeze %dma_wait3A_247 : memref<1x8x128xf32, #tpu.memory_space<vmem>> -> memref<8x128xf32, #tpu.memory_space<vmem>>
    tpu.wait_dma2 semaphore(%arg18 : memref<!tpu.dma_semaphore, #tpu.memory_space<semaphore_mem>>) src(%dma_wait3A_248 : memref<8x128xf32, #tpu.memory_space<vmem>>) dst(%dma_wait3A_244 : memref<8x128xf32, #tpu.memory_space<hbm>>)
    %dma_wait3A_249 = arith.constant 0 : i32
    %dma_wait3A_250 = arith.constant 198 : i32
    %dma_wait3A_251 = arith.constant 4 : i32
    %dma_wait3A_252 = arith.constant 32 : i32
    %dma_wait3A_253 = arith.constant 0 : i32
    %dma_wait3A_254 = tpu.memref_slice %arg8[%dma_wait3A_249, %dma_wait3A_252, %dma_wait3A_253] : memref<2x64x128xf32, #tpu.memory_space<vmem>> -> memref<1x8x128xf32, #tpu.memory_space<vmem>>
    %dma_wait3A_255 = tpu.memref_squeeze %dma_wait3A_254 : memref<1x8x128xf32, #tpu.memory_space<vmem>> -> memref<8x128xf32, #tpu.memory_space<vmem>>
    %dma_wait3A_256 = arith.constant 0 : i32
    %dma_wait3A_257 = arith.constant 0 : i32
    %dma_wait3A_258 = tpu.memref_slice %arg5[%dma_wait3A_250, %dma_wait3A_251, %add3A, %dma_wait3A_256, %dma_wait3A_257] : memref<200x8x32x8x128xf32, #tpu.memory_space<hbm>> -> memref<1x1x1x8x128xf32, #tpu.memory_space<hbm>>
    %dma_wait3A_259 = tpu.memref_squeeze %dma_wait3A_258 : memref<1x1x1x8x128xf32, #tpu.memory_space<hbm>> -> memref<8x128xf32, #tpu.memory_space<hbm>>
    %dma_wait3A_260 = arith.constant 0 : i32
    %dma_wait3A_261 = arith.constant 0 : i32
    %dma_wait3A_262 = tpu.memref_slice %arg5[%dma_wait3A_250, %dma_wait3A_251, %add3A, %dma_wait3A_260, %dma_wait3A_261] : memref<200x8x32x8x128xf32, #tpu.memory_space<hbm>> -> memref<1x1x1x8x128xf32, #tpu.memory_space<hbm>>
    %dma_wait3A_263 = tpu.memref_squeeze %dma_wait3A_262 : memref<1x1x1x8x128xf32, #tpu.memory_space<hbm>> -> memref<8x128xf32, #tpu.memory_space<hbm>>
    %dma_wait3A_264 = arith.constant 32 : i32
    %dma_wait3A_265 = arith.constant 0 : i32
    %dma_wait3A_266 = tpu.memref_slice %arg8[%dma_wait3A_249, %dma_wait3A_264, %dma_wait3A_265] : memref<2x64x128xf32, #tpu.memory_space<vmem>> -> memref<1x8x128xf32, #tpu.memory_space<vmem>>
    %dma_wait3A_267 = tpu.memref_squeeze %dma_wait3A_266 : memref<1x8x128xf32, #tpu.memory_space<vmem>> -> memref<8x128xf32, #tpu.memory_space<vmem>>
    tpu.wait_dma2 semaphore(%arg18 : memref<!tpu.dma_semaphore, #tpu.memory_space<semaphore_mem>>) src(%dma_wait3A_267 : memref<8x128xf32, #tpu.memory_space<vmem>>) dst(%dma_wait3A_263 : memref<8x128xf32, #tpu.memory_space<hbm>>)
    %dma_wait3A_268 = arith.constant 0 : i32
    %dma_wait3A_269 = arith.constant 198 : i32
    %dma_wait3A_270 = arith.constant 5 : i32
    %dma_wait3A_271 = arith.constant 40 : i32
    %dma_wait3A_272 = arith.constant 0 : i32
    %dma_wait3A_273 = tpu.memref_slice %arg8[%dma_wait3A_268, %dma_wait3A_271, %dma_wait3A_272] : memref<2x64x128xf32, #tpu.memory_space<vmem>> -> memref<1x8x128xf32, #tpu.memory_space<vmem>>
    %dma_wait3A_274 = tpu.memref_squeeze %dma_wait3A_273 : memref<1x8x128xf32, #tpu.memory_space<vmem>> -> memref<8x128xf32, #tpu.memory_space<vmem>>
    %dma_wait3A_275 = arith.constant 0 : i32
    %dma_wait3A_276 = arith.constant 0 : i32
    %dma_wait3A_277 = tpu.memref_slice %arg5[%dma_wait3A_269, %dma_wait3A_270, %add3A, %dma_wait3A_275, %dma_wait3A_276] : memref<200x8x32x8x128xf32, #tpu.memory_space<hbm>> -> memref<1x1x1x8x128xf32, #tpu.memory_space<hbm>>
    %dma_wait3A_278 = tpu.memref_squeeze %dma_wait3A_277 : memref<1x1x1x8x128xf32, #tpu.memory_space<hbm>> -> memref<8x128xf32, #tpu.memory_space<hbm>>
    %dma_wait3A_279 = arith.constant 0 : i32
    %dma_wait3A_280 = arith.constant 0 : i32
    %dma_wait3A_281 = tpu.memref_slice %arg5[%dma_wait3A_269, %dma_wait3A_270, %add3A, %dma_wait3A_279, %dma_wait3A_280] : memref<200x8x32x8x128xf32, #tpu.memory_space<hbm>> -> memref<1x1x1x8x128xf32, #tpu.memory_space<hbm>>
    %dma_wait3A_282 = tpu.memref_squeeze %dma_wait3A_281 : memref<1x1x1x8x128xf32, #tpu.memory_space<hbm>> -> memref<8x128xf32, #tpu.memory_space<hbm>>
    %dma_wait3A_283 = arith.constant 40 : i32
    %dma_wait3A_284 = arith.constant 0 : i32
    %dma_wait3A_285 = tpu.memref_slice %arg8[%dma_wait3A_268, %dma_wait3A_283, %dma_wait3A_284] : memref<2x64x128xf32, #tpu.memory_space<vmem>> -> memref<1x8x128xf32, #tpu.memory_space<vmem>>
    %dma_wait3A_286 = tpu.memref_squeeze %dma_wait3A_285 : memref<1x8x128xf32, #tpu.memory_space<vmem>> -> memref<8x128xf32, #tpu.memory_space<vmem>>
    tpu.wait_dma2 semaphore(%arg18 : memref<!tpu.dma_semaphore, #tpu.memory_space<semaphore_mem>>) src(%dma_wait3A_286 : memref<8x128xf32, #tpu.memory_space<vmem>>) dst(%dma_wait3A_282 : memref<8x128xf32, #tpu.memory_space<hbm>>)
    %dma_wait3A_287 = arith.constant 0 : i32
    %dma_wait3A_288 = arith.constant 198 : i32
    %dma_wait3A_289 = arith.constant 6 : i32
    %dma_wait3A_290 = arith.constant 48 : i32
    %dma_wait3A_291 = arith.constant 0 : i32
    %dma_wait3A_292 = tpu.memref_slice %arg8[%dma_wait3A_287, %dma_wait3A_290, %dma_wait3A_291] : memref<2x64x128xf32, #tpu.memory_space<vmem>> -> memref<1x8x128xf32, #tpu.memory_space<vmem>>
    %dma_wait3A_293 = tpu.memref_squeeze %dma_wait3A_292 : memref<1x8x128xf32, #tpu.memory_space<vmem>> -> memref<8x128xf32, #tpu.memory_space<vmem>>
    %dma_wait3A_294 = arith.constant 0 : i32
    %dma_wait3A_295 = arith.constant 0 : i32
    %dma_wait3A_296 = tpu.memref_slice %arg5[%dma_wait3A_288, %dma_wait3A_289, %add3A, %dma_wait3A_294, %dma_wait3A_295] : memref<200x8x32x8x128xf32, #tpu.memory_space<hbm>> -> memref<1x1x1x8x128xf32, #tpu.memory_space<hbm>>
    %dma_wait3A_297 = tpu.memref_squeeze %dma_wait3A_296 : memref<1x1x1x8x128xf32, #tpu.memory_space<hbm>> -> memref<8x128xf32, #tpu.memory_space<hbm>>
    %dma_wait3A_298 = arith.constant 0 : i32
    %dma_wait3A_299 = arith.constant 0 : i32
    %dma_wait3A_300 = tpu.memref_slice %arg5[%dma_wait3A_288, %dma_wait3A_289, %add3A, %dma_wait3A_298, %dma_wait3A_299] : memref<200x8x32x8x128xf32, #tpu.memory_space<hbm>> -> memref<1x1x1x8x128xf32, #tpu.memory_space<hbm>>
    %dma_wait3A_301 = tpu.memref_squeeze %dma_wait3A_300 : memref<1x1x1x8x128xf32, #tpu.memory_space<hbm>> -> memref<8x128xf32, #tpu.memory_space<hbm>>
    %dma_wait3A_302 = arith.constant 48 : i32
    %dma_wait3A_303 = arith.constant 0 : i32
    %dma_wait3A_304 = tpu.memref_slice %arg8[%dma_wait3A_287, %dma_wait3A_302, %dma_wait3A_303] : memref<2x64x128xf32, #tpu.memory_space<vmem>> -> memref<1x8x128xf32, #tpu.memory_space<vmem>>
    %dma_wait3A_305 = tpu.memref_squeeze %dma_wait3A_304 : memref<1x8x128xf32, #tpu.memory_space<vmem>> -> memref<8x128xf32, #tpu.memory_space<vmem>>
    tpu.wait_dma2 semaphore(%arg18 : memref<!tpu.dma_semaphore, #tpu.memory_space<semaphore_mem>>) src(%dma_wait3A_305 : memref<8x128xf32, #tpu.memory_space<vmem>>) dst(%dma_wait3A_301 : memref<8x128xf32, #tpu.memory_space<hbm>>)
    %dma_wait3A_306 = arith.constant 0 : i32
    %dma_wait3A_307 = arith.constant 198 : i32
    %dma_wait3A_308 = arith.constant 7 : i32
    %dma_wait3A_309 = arith.constant 56 : i32
    %dma_wait3A_310 = arith.constant 0 : i32
    %dma_wait3A_311 = tpu.memref_slice %arg8[%dma_wait3A_306, %dma_wait3A_309, %dma_wait3A_310] : memref<2x64x128xf32, #tpu.memory_space<vmem>> -> memref<1x8x128xf32, #tpu.memory_space<vmem>>
    %dma_wait3A_312 = tpu.memref_squeeze %dma_wait3A_311 : memref<1x8x128xf32, #tpu.memory_space<vmem>> -> memref<8x128xf32, #tpu.memory_space<vmem>>
    %dma_wait3A_313 = arith.constant 0 : i32
    %dma_wait3A_314 = arith.constant 0 : i32
    %dma_wait3A_315 = tpu.memref_slice %arg5[%dma_wait3A_307, %dma_wait3A_308, %add3A, %dma_wait3A_313, %dma_wait3A_314] : memref<200x8x32x8x128xf32, #tpu.memory_space<hbm>> -> memref<1x1x1x8x128xf32, #tpu.memory_space<hbm>>
    %dma_wait3A_316 = tpu.memref_squeeze %dma_wait3A_315 : memref<1x1x1x8x128xf32, #tpu.memory_space<hbm>> -> memref<8x128xf32, #tpu.memory_space<hbm>>
    %dma_wait3A_317 = arith.constant 0 : i32
    %dma_wait3A_318 = arith.constant 0 : i32
    %dma_wait3A_319 = tpu.memref_slice %arg5[%dma_wait3A_307, %dma_wait3A_308, %add3A, %dma_wait3A_317, %dma_wait3A_318] : memref<200x8x32x8x128xf32, #tpu.memory_space<hbm>> -> memref<1x1x1x8x128xf32, #tpu.memory_space<hbm>>
    %dma_wait3A_320 = tpu.memref_squeeze %dma_wait3A_319 : memref<1x1x1x8x128xf32, #tpu.memory_space<hbm>> -> memref<8x128xf32, #tpu.memory_space<hbm>>
    %dma_wait3A_321 = arith.constant 56 : i32
    %dma_wait3A_322 = arith.constant 0 : i32
    %dma_wait3A_323 = tpu.memref_slice %arg8[%dma_wait3A_306, %dma_wait3A_321, %dma_wait3A_322] : memref<2x64x128xf32, #tpu.memory_space<vmem>> -> memref<1x8x128xf32, #tpu.memory_space<vmem>>
    %dma_wait3A_324 = tpu.memref_squeeze %dma_wait3A_323 : memref<1x8x128xf32, #tpu.memory_space<vmem>> -> memref<8x128xf32, #tpu.memory_space<vmem>>
    tpu.wait_dma2 semaphore(%arg18 : memref<!tpu.dma_semaphore, #tpu.memory_space<semaphore_mem>>) src(%dma_wait3A_324 : memref<8x128xf32, #tpu.memory_space<vmem>>) dst(%dma_wait3A_320 : memref<8x128xf32, #tpu.memory_space<hbm>>)
    %dma_wait3A_325 = arith.constant 1 : i32
    %dma_wait3A_326 = arith.constant 199 : i32
    %dma_wait3A_327 = arith.constant 0 : i32
    %dma_wait3A_328 = arith.constant 0 : i32
    %dma_wait3A_329 = arith.constant 0 : i32
    %dma_wait3A_330 = tpu.memref_slice %arg8[%dma_wait3A_325, %dma_wait3A_328, %dma_wait3A_329] : memref<2x64x128xf32, #tpu.memory_space<vmem>> -> memref<1x8x128xf32, #tpu.memory_space<vmem>>
    %dma_wait3A_331 = tpu.memref_squeeze %dma_wait3A_330 : memref<1x8x128xf32, #tpu.memory_space<vmem>> -> memref<8x128xf32, #tpu.memory_space<vmem>>
    %dma_wait3A_332 = arith.constant 0 : i32
    %dma_wait3A_333 = arith.constant 0 : i32
    %dma_wait3A_334 = tpu.memref_slice %arg5[%dma_wait3A_326, %dma_wait3A_327, %add3A, %dma_wait3A_332, %dma_wait3A_333] : memref<200x8x32x8x128xf32, #tpu.memory_space<hbm>> -> memref<1x1x1x8x128xf32, #tpu.memory_space<hbm>>
    %dma_wait3A_335 = tpu.memref_squeeze %dma_wait3A_334 : memref<1x1x1x8x128xf32, #tpu.memory_space<hbm>> -> memref<8x128xf32, #tpu.memory_space<hbm>>
    %dma_wait3A_336 = arith.constant 0 : i32
    %dma_wait3A_337 = arith.constant 0 : i32
    %dma_wait3A_338 = tpu.memref_slice %arg5[%dma_wait3A_326, %dma_wait3A_327, %add3A, %dma_wait3A_336, %dma_wait3A_337] : memref<200x8x32x8x128xf32, #tpu.memory_space<hbm>> -> memref<1x1x1x8x128xf32, #tpu.memory_space<hbm>>
    %dma_wait3A_339 = tpu.memref_squeeze %dma_wait3A_338 : memref<1x1x1x8x128xf32, #tpu.memory_space<hbm>> -> memref<8x128xf32, #tpu.memory_space<hbm>>
    %dma_wait3A_340 = arith.constant 0 : i32
    %dma_wait3A_341 = arith.constant 0 : i32
    %dma_wait3A_342 = tpu.memref_slice %arg8[%dma_wait3A_325, %dma_wait3A_340, %dma_wait3A_341] : memref<2x64x128xf32, #tpu.memory_space<vmem>> -> memref<1x8x128xf32, #tpu.memory_space<vmem>>
    %dma_wait3A_343 = tpu.memref_squeeze %dma_wait3A_342 : memref<1x8x128xf32, #tpu.memory_space<vmem>> -> memref<8x128xf32, #tpu.memory_space<vmem>>
    tpu.wait_dma2 semaphore(%arg19 : memref<!tpu.dma_semaphore, #tpu.memory_space<semaphore_mem>>) src(%dma_wait3A_343 : memref<8x128xf32, #tpu.memory_space<vmem>>) dst(%dma_wait3A_339 : memref<8x128xf32, #tpu.memory_space<hbm>>)
    %dma_wait3A_344 = arith.constant 1 : i32
    %dma_wait3A_345 = arith.constant 199 : i32
    %dma_wait3A_346 = arith.constant 1 : i32
    %dma_wait3A_347 = arith.constant 8 : i32
    %dma_wait3A_348 = arith.constant 0 : i32
    %dma_wait3A_349 = tpu.memref_slice %arg8[%dma_wait3A_344, %dma_wait3A_347, %dma_wait3A_348] : memref<2x64x128xf32, #tpu.memory_space<vmem>> -> memref<1x8x128xf32, #tpu.memory_space<vmem>>
    %dma_wait3A_350 = tpu.memref_squeeze %dma_wait3A_349 : memref<1x8x128xf32, #tpu.memory_space<vmem>> -> memref<8x128xf32, #tpu.memory_space<vmem>>
    %dma_wait3A_351 = arith.constant 0 : i32
    %dma_wait3A_352 = arith.constant 0 : i32
    %dma_wait3A_353 = tpu.memref_slice %arg5[%dma_wait3A_345, %dma_wait3A_346, %add3A, %dma_wait3A_351, %dma_wait3A_352] : memref<200x8x32x8x128xf32, #tpu.memory_space<hbm>> -> memref<1x1x1x8x128xf32, #tpu.memory_space<hbm>>
    %dma_wait3A_354 = tpu.memref_squeeze %dma_wait3A_353 : memref<1x1x1x8x128xf32, #tpu.memory_space<hbm>> -> memref<8x128xf32, #tpu.memory_space<hbm>>
    %dma_wait3A_355 = arith.constant 0 : i32
    %dma_wait3A_356 = arith.constant 0 : i32
    %dma_wait3A_357 = tpu.memref_slice %arg5[%dma_wait3A_345, %dma_wait3A_346, %add3A, %dma_wait3A_355, %dma_wait3A_356] : memref<200x8x32x8x128xf32, #tpu.memory_space<hbm>> -> memref<1x1x1x8x128xf32, #tpu.memory_space<hbm>>
    %dma_wait3A_358 = tpu.memref_squeeze %dma_wait3A_357 : memref<1x1x1x8x128xf32, #tpu.memory_space<hbm>> -> memref<8x128xf32, #tpu.memory_space<hbm>>
    %dma_wait3A_359 = arith.constant 8 : i32
    %dma_wait3A_360 = arith.constant 0 : i32
    %dma_wait3A_361 = tpu.memref_slice %arg8[%dma_wait3A_344, %dma_wait3A_359, %dma_wait3A_360] : memref<2x64x128xf32, #tpu.memory_space<vmem>> -> memref<1x8x128xf32, #tpu.memory_space<vmem>>
    %dma_wait3A_362 = tpu.memref_squeeze %dma_wait3A_361 : memref<1x8x128xf32, #tpu.memory_space<vmem>> -> memref<8x128xf32, #tpu.memory_space<vmem>>
    tpu.wait_dma2 semaphore(%arg19 : memref<!tpu.dma_semaphore, #tpu.memory_space<semaphore_mem>>) src(%dma_wait3A_362 : memref<8x128xf32, #tpu.memory_space<vmem>>) dst(%dma_wait3A_358 : memref<8x128xf32, #tpu.memory_space<hbm>>)
    %dma_wait3A_363 = arith.constant 1 : i32
    %dma_wait3A_364 = arith.constant 199 : i32
    %dma_wait3A_365 = arith.constant 2 : i32
    %dma_wait3A_366 = arith.constant 16 : i32
    %dma_wait3A_367 = arith.constant 0 : i32
    %dma_wait3A_368 = tpu.memref_slice %arg8[%dma_wait3A_363, %dma_wait3A_366, %dma_wait3A_367] : memref<2x64x128xf32, #tpu.memory_space<vmem>> -> memref<1x8x128xf32, #tpu.memory_space<vmem>>
    %dma_wait3A_369 = tpu.memref_squeeze %dma_wait3A_368 : memref<1x8x128xf32, #tpu.memory_space<vmem>> -> memref<8x128xf32, #tpu.memory_space<vmem>>
    %dma_wait3A_370 = arith.constant 0 : i32
    %dma_wait3A_371 = arith.constant 0 : i32
    %dma_wait3A_372 = tpu.memref_slice %arg5[%dma_wait3A_364, %dma_wait3A_365, %add3A, %dma_wait3A_370, %dma_wait3A_371] : memref<200x8x32x8x128xf32, #tpu.memory_space<hbm>> -> memref<1x1x1x8x128xf32, #tpu.memory_space<hbm>>
    %dma_wait3A_373 = tpu.memref_squeeze %dma_wait3A_372 : memref<1x1x1x8x128xf32, #tpu.memory_space<hbm>> -> memref<8x128xf32, #tpu.memory_space<hbm>>
    %dma_wait3A_374 = arith.constant 0 : i32
    %dma_wait3A_375 = arith.constant 0 : i32
    %dma_wait3A_376 = tpu.memref_slice %arg5[%dma_wait3A_364, %dma_wait3A_365, %add3A, %dma_wait3A_374, %dma_wait3A_375] : memref<200x8x32x8x128xf32, #tpu.memory_space<hbm>> -> memref<1x1x1x8x128xf32, #tpu.memory_space<hbm>>
    %dma_wait3A_377 = tpu.memref_squeeze %dma_wait3A_376 : memref<1x1x1x8x128xf32, #tpu.memory_space<hbm>> -> memref<8x128xf32, #tpu.memory_space<hbm>>
    %dma_wait3A_378 = arith.constant 16 : i32
    %dma_wait3A_379 = arith.constant 0 : i32
    %dma_wait3A_380 = tpu.memref_slice %arg8[%dma_wait3A_363, %dma_wait3A_378, %dma_wait3A_379] : memref<2x64x128xf32, #tpu.memory_space<vmem>> -> memref<1x8x128xf32, #tpu.memory_space<vmem>>
    %dma_wait3A_381 = tpu.memref_squeeze %dma_wait3A_380 : memref<1x8x128xf32, #tpu.memory_space<vmem>> -> memref<8x128xf32, #tpu.memory_space<vmem>>
    tpu.wait_dma2 semaphore(%arg19 : memref<!tpu.dma_semaphore, #tpu.memory_space<semaphore_mem>>) src(%dma_wait3A_381 : memref<8x128xf32, #tpu.memory_space<vmem>>) dst(%dma_wait3A_377 : memref<8x128xf32, #tpu.memory_space<hbm>>)
    %dma_wait3A_382 = arith.constant 1 : i32
    %dma_wait3A_383 = arith.constant 199 : i32
    %dma_wait3A_384 = arith.constant 3 : i32
    %dma_wait3A_385 = arith.constant 24 : i32
    %dma_wait3A_386 = arith.constant 0 : i32
    %dma_wait3A_387 = tpu.memref_slice %arg8[%dma_wait3A_382, %dma_wait3A_385, %dma_wait3A_386] : memref<2x64x128xf32, #tpu.memory_space<vmem>> -> memref<1x8x128xf32, #tpu.memory_space<vmem>>
    %dma_wait3A_388 = tpu.memref_squeeze %dma_wait3A_387 : memref<1x8x128xf32, #tpu.memory_space<vmem>> -> memref<8x128xf32, #tpu.memory_space<vmem>>
    %dma_wait3A_389 = arith.constant 0 : i32
    %dma_wait3A_390 = arith.constant 0 : i32
    %dma_wait3A_391 = tpu.memref_slice %arg5[%dma_wait3A_383, %dma_wait3A_384, %add3A, %dma_wait3A_389, %dma_wait3A_390] : memref<200x8x32x8x128xf32, #tpu.memory_space<hbm>> -> memref<1x1x1x8x128xf32, #tpu.memory_space<hbm>>
    %dma_wait3A_392 = tpu.memref_squeeze %dma_wait3A_391 : memref<1x1x1x8x128xf32, #tpu.memory_space<hbm>> -> memref<8x128xf32, #tpu.memory_space<hbm>>
    %dma_wait3A_393 = arith.constant 0 : i32
    %dma_wait3A_394 = arith.constant 0 : i32
    %dma_wait3A_395 = tpu.memref_slice %arg5[%dma_wait3A_383, %dma_wait3A_384, %add3A, %dma_wait3A_393, %dma_wait3A_394] : memref<200x8x32x8x128xf32, #tpu.memory_space<hbm>> -> memref<1x1x1x8x128xf32, #tpu.memory_space<hbm>>
    %dma_wait3A_396 = tpu.memref_squeeze %dma_wait3A_395 : memref<1x1x1x8x128xf32, #tpu.memory_space<hbm>> -> memref<8x128xf32, #tpu.memory_space<hbm>>
    %dma_wait3A_397 = arith.constant 24 : i32
    %dma_wait3A_398 = arith.constant 0 : i32
    %dma_wait3A_399 = tpu.memref_slice %arg8[%dma_wait3A_382, %dma_wait3A_397, %dma_wait3A_398] : memref<2x64x128xf32, #tpu.memory_space<vmem>> -> memref<1x8x128xf32, #tpu.memory_space<vmem>>
    %dma_wait3A_400 = tpu.memref_squeeze %dma_wait3A_399 : memref<1x8x128xf32, #tpu.memory_space<vmem>> -> memref<8x128xf32, #tpu.memory_space<vmem>>
    tpu.wait_dma2 semaphore(%arg19 : memref<!tpu.dma_semaphore, #tpu.memory_space<semaphore_mem>>) src(%dma_wait3A_400 : memref<8x128xf32, #tpu.memory_space<vmem>>) dst(%dma_wait3A_396 : memref<8x128xf32, #tpu.memory_space<hbm>>)
    %dma_wait3A_401 = arith.constant 1 : i32
    %dma_wait3A_402 = arith.constant 199 : i32
    %dma_wait3A_403 = arith.constant 4 : i32
    %dma_wait3A_404 = arith.constant 32 : i32
    %dma_wait3A_405 = arith.constant 0 : i32
    %dma_wait3A_406 = tpu.memref_slice %arg8[%dma_wait3A_401, %dma_wait3A_404, %dma_wait3A_405] : memref<2x64x128xf32, #tpu.memory_space<vmem>> -> memref<1x8x128xf32, #tpu.memory_space<vmem>>
    %dma_wait3A_407 = tpu.memref_squeeze %dma_wait3A_406 : memref<1x8x128xf32, #tpu.memory_space<vmem>> -> memref<8x128xf32, #tpu.memory_space<vmem>>
    %dma_wait3A_408 = arith.constant 0 : i32
    %dma_wait3A_409 = arith.constant 0 : i32
    %dma_wait3A_410 = tpu.memref_slice %arg5[%dma_wait3A_402, %dma_wait3A_403, %add3A, %dma_wait3A_408, %dma_wait3A_409] : memref<200x8x32x8x128xf32, #tpu.memory_space<hbm>> -> memref<1x1x1x8x128xf32, #tpu.memory_space<hbm>>
    %dma_wait3A_411 = tpu.memref_squeeze %dma_wait3A_410 : memref<1x1x1x8x128xf32, #tpu.memory_space<hbm>> -> memref<8x128xf32, #tpu.memory_space<hbm>>
    %dma_wait3A_412 = arith.constant 0 : i32
    %dma_wait3A_413 = arith.constant 0 : i32
    %dma_wait3A_414 = tpu.memref_slice %arg5[%dma_wait3A_402, %dma_wait3A_403, %add3A, %dma_wait3A_412, %dma_wait3A_413] : memref<200x8x32x8x128xf32, #tpu.memory_space<hbm>> -> memref<1x1x1x8x128xf32, #tpu.memory_space<hbm>>
    %dma_wait3A_415 = tpu.memref_squeeze %dma_wait3A_414 : memref<1x1x1x8x128xf32, #tpu.memory_space<hbm>> -> memref<8x128xf32, #tpu.memory_space<hbm>>
    %dma_wait3A_416 = arith.constant 32 : i32
    %dma_wait3A_417 = arith.constant 0 : i32
    %dma_wait3A_418 = tpu.memref_slice %arg8[%dma_wait3A_401, %dma_wait3A_416, %dma_wait3A_417] : memref<2x64x128xf32, #tpu.memory_space<vmem>> -> memref<1x8x128xf32, #tpu.memory_space<vmem>>
    %dma_wait3A_419 = tpu.memref_squeeze %dma_wait3A_418 : memref<1x8x128xf32, #tpu.memory_space<vmem>> -> memref<8x128xf32, #tpu.memory_space<vmem>>
    tpu.wait_dma2 semaphore(%arg19 : memref<!tpu.dma_semaphore, #tpu.memory_space<semaphore_mem>>) src(%dma_wait3A_419 : memref<8x128xf32, #tpu.memory_space<vmem>>) dst(%dma_wait3A_415 : memref<8x128xf32, #tpu.memory_space<hbm>>)
    %dma_wait3A_420 = arith.constant 1 : i32
    %dma_wait3A_421 = arith.constant 199 : i32
    %dma_wait3A_422 = arith.constant 5 : i32
    %dma_wait3A_423 = arith.constant 40 : i32
    %dma_wait3A_424 = arith.constant 0 : i32
    %dma_wait3A_425 = tpu.memref_slice %arg8[%dma_wait3A_420, %dma_wait3A_423, %dma_wait3A_424] : memref<2x64x128xf32, #tpu.memory_space<vmem>> -> memref<1x8x128xf32, #tpu.memory_space<vmem>>
    %dma_wait3A_426 = tpu.memref_squeeze %dma_wait3A_425 : memref<1x8x128xf32, #tpu.memory_space<vmem>> -> memref<8x128xf32, #tpu.memory_space<vmem>>
    %dma_wait3A_427 = arith.constant 0 : i32
    %dma_wait3A_428 = arith.constant 0 : i32
    %dma_wait3A_429 = tpu.memref_slice %arg5[%dma_wait3A_421, %dma_wait3A_422, %add3A, %dma_wait3A_427, %dma_wait3A_428] : memref<200x8x32x8x128xf32, #tpu.memory_space<hbm>> -> memref<1x1x1x8x128xf32, #tpu.memory_space<hbm>>
    %dma_wait3A_430 = tpu.memref_squeeze %dma_wait3A_429 : memref<1x1x1x8x128xf32, #tpu.memory_space<hbm>> -> memref<8x128xf32, #tpu.memory_space<hbm>>
    %dma_wait3A_431 = arith.constant 0 : i32
    %dma_wait3A_432 = arith.constant 0 : i32
    %dma_wait3A_433 = tpu.memref_slice %arg5[%dma_wait3A_421, %dma_wait3A_422, %add3A, %dma_wait3A_431, %dma_wait3A_432] : memref<200x8x32x8x128xf32, #tpu.memory_space<hbm>> -> memref<1x1x1x8x128xf32, #tpu.memory_space<hbm>>
    %dma_wait3A_434 = tpu.memref_squeeze %dma_wait3A_433 : memref<1x1x1x8x128xf32, #tpu.memory_space<hbm>> -> memref<8x128xf32, #tpu.memory_space<hbm>>
    %dma_wait3A_435 = arith.constant 40 : i32
    %dma_wait3A_436 = arith.constant 0 : i32
    %dma_wait3A_437 = tpu.memref_slice %arg8[%dma_wait3A_420, %dma_wait3A_435, %dma_wait3A_436] : memref<2x64x128xf32, #tpu.memory_space<vmem>> -> memref<1x8x128xf32, #tpu.memory_space<vmem>>
    %dma_wait3A_438 = tpu.memref_squeeze %dma_wait3A_437 : memref<1x8x128xf32, #tpu.memory_space<vmem>> -> memref<8x128xf32, #tpu.memory_space<vmem>>
    tpu.wait_dma2 semaphore(%arg19 : memref<!tpu.dma_semaphore, #tpu.memory_space<semaphore_mem>>) src(%dma_wait3A_438 : memref<8x128xf32, #tpu.memory_space<vmem>>) dst(%dma_wait3A_434 : memref<8x128xf32, #tpu.memory_space<hbm>>)
    %dma_wait3A_439 = arith.constant 1 : i32
    %dma_wait3A_440 = arith.constant 199 : i32
    %dma_wait3A_441 = arith.constant 6 : i32
    %dma_wait3A_442 = arith.constant 48 : i32
    %dma_wait3A_443 = arith.constant 0 : i32
    %dma_wait3A_444 = tpu.memref_slice %arg8[%dma_wait3A_439, %dma_wait3A_442, %dma_wait3A_443] : memref<2x64x128xf32, #tpu.memory_space<vmem>> -> memref<1x8x128xf32, #tpu.memory_space<vmem>>
    %dma_wait3A_445 = tpu.memref_squeeze %dma_wait3A_444 : memref<1x8x128xf32, #tpu.memory_space<vmem>> -> memref<8x128xf32, #tpu.memory_space<vmem>>
    %dma_wait3A_446 = arith.constant 0 : i32
    %dma_wait3A_447 = arith.constant 0 : i32
    %dma_wait3A_448 = tpu.memref_slice %arg5[%dma_wait3A_440, %dma_wait3A_441, %add3A, %dma_wait3A_446, %dma_wait3A_447] : memref<200x8x32x8x128xf32, #tpu.memory_space<hbm>> -> memref<1x1x1x8x128xf32, #tpu.memory_space<hbm>>
    %dma_wait3A_449 = tpu.memref_squeeze %dma_wait3A_448 : memref<1x1x1x8x128xf32, #tpu.memory_space<hbm>> -> memref<8x128xf32, #tpu.memory_space<hbm>>
    %dma_wait3A_450 = arith.constant 0 : i32
    %dma_wait3A_451 = arith.constant 0 : i32
    %dma_wait3A_452 = tpu.memref_slice %arg5[%dma_wait3A_440, %dma_wait3A_441, %add3A, %dma_wait3A_450, %dma_wait3A_451] : memref<200x8x32x8x128xf32, #tpu.memory_space<hbm>> -> memref<1x1x1x8x128xf32, #tpu.memory_space<hbm>>
    %dma_wait3A_453 = tpu.memref_squeeze %dma_wait3A_452 : memref<1x1x1x8x128xf32, #tpu.memory_space<hbm>> -> memref<8x128xf32, #tpu.memory_space<hbm>>
    %dma_wait3A_454 = arith.constant 48 : i32
    %dma_wait3A_455 = arith.constant 0 : i32
    %dma_wait3A_456 = tpu.memref_slice %arg8[%dma_wait3A_439, %dma_wait3A_454, %dma_wait3A_455] : memref<2x64x128xf32, #tpu.memory_space<vmem>> -> memref<1x8x128xf32, #tpu.memory_space<vmem>>
    %dma_wait3A_457 = tpu.memref_squeeze %dma_wait3A_456 : memref<1x8x128xf32, #tpu.memory_space<vmem>> -> memref<8x128xf32, #tpu.memory_space<vmem>>
    tpu.wait_dma2 semaphore(%arg19 : memref<!tpu.dma_semaphore, #tpu.memory_space<semaphore_mem>>) src(%dma_wait3A_457 : memref<8x128xf32, #tpu.memory_space<vmem>>) dst(%dma_wait3A_453 : memref<8x128xf32, #tpu.memory_space<hbm>>)
    %dma_wait3A_458 = arith.constant 1 : i32
    %dma_wait3A_459 = arith.constant 199 : i32
    %dma_wait3A_460 = arith.constant 7 : i32
    %dma_wait3A_461 = arith.constant 56 : i32
    %dma_wait3A_462 = arith.constant 0 : i32
    %dma_wait3A_463 = tpu.memref_slice %arg8[%dma_wait3A_458, %dma_wait3A_461, %dma_wait3A_462] : memref<2x64x128xf32, #tpu.memory_space<vmem>> -> memref<1x8x128xf32, #tpu.memory_space<vmem>>
    %dma_wait3A_464 = tpu.memref_squeeze %dma_wait3A_463 : memref<1x8x128xf32, #tpu.memory_space<vmem>> -> memref<8x128xf32, #tpu.memory_space<vmem>>
    %dma_wait3A_465 = arith.constant 0 : i32
    %dma_wait3A_466 = arith.constant 0 : i32
    %dma_wait3A_467 = tpu.memref_slice %arg5[%dma_wait3A_459, %dma_wait3A_460, %add3A, %dma_wait3A_465, %dma_wait3A_466] : memref<200x8x32x8x128xf32, #tpu.memory_space<hbm>> -> memref<1x1x1x8x128xf32, #tpu.memory_space<hbm>>
    %dma_wait3A_468 = tpu.memref_squeeze %dma_wait3A_467 : memref<1x1x1x8x128xf32, #tpu.memory_space<hbm>> -> memref<8x128xf32, #tpu.memory_space<hbm>>
    %dma_wait3A_469 = arith.constant 0 : i32
    %dma_wait3A_470 = arith.constant 0 : i32
    %dma_wait3A_471 = tpu.memref_slice %arg5[%dma_wait3A_459, %dma_wait3A_460, %add3A, %dma_wait3A_469, %dma_wait3A_470] : memref<200x8x32x8x128xf32, #tpu.memory_space<hbm>> -> memref<1x1x1x8x128xf32, #tpu.memory_space<hbm>>
    %dma_wait3A_472 = tpu.memref_squeeze %dma_wait3A_471 : memref<1x1x1x8x128xf32, #tpu.memory_space<hbm>> -> memref<8x128xf32, #tpu.memory_space<hbm>>
    %dma_wait3A_473 = arith.constant 56 : i32
    %dma_wait3A_474 = arith.constant 0 : i32
    %dma_wait3A_475 = tpu.memref_slice %arg8[%dma_wait3A_458, %dma_wait3A_473, %dma_wait3A_474] : memref<2x64x128xf32, #tpu.memory_space<vmem>> -> memref<1x8x128xf32, #tpu.memory_space<vmem>>
    %dma_wait3A_476 = tpu.memref_squeeze %dma_wait3A_475 : memref<1x8x128xf32, #tpu.memory_space<vmem>> -> memref<8x128xf32, #tpu.memory_space<vmem>>
    tpu.wait_dma2 semaphore(%arg19 : memref<!tpu.dma_semaphore, #tpu.memory_space<semaphore_mem>>) src(%dma_wait3A_476 : memref<8x128xf32, #tpu.memory_space<vmem>>) dst(%dma_wait3A_472 : memref<8x128xf32, #tpu.memory_space<hbm>>)
    return
  }
}

</mosaic_0001>

<sc_bundles>
// kernel: _embed.3.cloned.1.call-start
scs
__scs_entry_jumppad:
0x0: {  	(pc) =	sbr.rel $0x88, $3  }
0x1: {  	(tag) =	ssettag $0x0;
	lr =	simm.s32 $0x1  }
0x2: {  	[smem:$0x3F9E] =	sst lr;
	_ =	strace $0xD0000000  }
0x3: {  	_ = 	snop  }
0x4: {  	_ = 	snop  }
0x5: {  	_ = 	snop  }
0x6: {  	_ = 	snop  }
0x7: {  	_ = 	snop  }
__scs_overlays_trampoline_lowered:
0x8: {  	[smem:$0x3FAD] =	sst s0  }
0x9: {  	[smem:$0x3FAE] =	sst s1  }
0xa: {  	[smem:$0x3FAF] =	sst s2  }
0xb: {  	[smem:$0x3FB0] =	sst s3  }
0xc: {  	[smem:$0x3FB1] =	sst s4  }
0xd: {  	[smem:$0x3FB2] =	sst s5  }
0xe: {  	[smem:$0x3FB3] =	sst s6  }
0xf: {  	[smem:$0x3FB4] =	sst s7  }
0x10: {  	[smem:$0x3FB5] =	sst s8  }
0x11: {  	[smem:$0x3FB6] =	sst s9;
	s0 =	simm.s32 @!p0 $0x0  }
0x12: {  	s1 =	sld [smem:$0x3F9C];
	s0 =	simm.s32 @p0 $0x1  }
0x13: {  	[smem:$0x3FB7] =	sst s0;
	s0 =	simm.s32 @!p1 $0x0  }
0x14: {  	s2 =	sld [smem:$0x3F9B];
	s0 =	simm.s32 @p1 $0x1  }
0x15: {  	[smem:$0x3FB8] =	sst s0;
	s0 =	simm.s32 @!p2 $0x0  }
0x16: {  	s3 =	sld [smem:$0x3FDB];
	s0 =	simm.s32 @p2 $0x1  }
0x17: {  	s4 =	simm.s32 $0x1BF5;
	[smem:$0x3FBA] =	sst s0  }
0x18: {  	s0 =	sld [smem:$0x3F9D];
	_ =	swait.ge [sflag:s4], $0x0  }
0x19: {  	s7 =	sld [smem:$0x3F9E]  }
0x1a: {  	s8 =	sadd.s32 $0xFFFFE003, lr  }
0x1b: {  	s9 =	sadd.s32 $0xFFFFFEF7, lr;
	s5 =	simm.s32 $0xFFFFFFFF;
	p2 =	slt.u32 s8, $0xFFFFF086  }
0x1c: {  	p1 =	slt.u32 s9, $0xF7A;
	s5 =	simm.s32 @!p2 $0x0  }
0x1d: {  	s5 =	simm.s32 @p1 $0x1;
	p0 =	seq.s32 s7, s2  }
0x1e: {  	s7 =	smul.u32 @!p0 $0xF7A, s2;
	p2 =	seq.s32 @!p0 s5, $0x0  }
0x1f: {  	s9 =	smul.u32 $0xF7A, s1;
	s8 =	simm.s32 @!p0 $0x1BF5;
	p2 =	por !p2, p0  }
0x20: {  	[sflag:s8] =	ssyncset.s32 @!p0 $0xFFFFF086;
	s6 =	sadd.s32 @!p0 s3, s7;
	s7 =	simm.s32 @!p0 $0x108  }
0x21: {  	s3 =	sadd.s32 s3, s9;
	s6 =	sadd.s32 @!p0 $0x88, s6;
	s7 =	simm.s32 @p2 $0x1082  }
0x22: {  	[simem:s7], [sflag:s8] =	dma.local @!p0 [hbm:s6], $0xF7A  }
0x23: {  	s9 =	sor.u32 $0xD0000000, s2;
	s6 =	simm.s32 $0x108;
	_ =	swait.ge @!p0 [sflag:s8], $0x0  }
0x24: {  	s3 =	sadd.s32 $0x88, s3;
	s6 =	simm.s32 @!p1 $0x1082;
	[sflag:s4] =	ssyncset.s32 $0xFFFFF086  }
0x25: {  	[simem:s6], [sflag:s4] =	dma.local [hbm:s3], $0xF7A  }
0x26: {  	[smem:$0x3F9E] =	sst s1;
	(tag) =	ssettag s2;
	_ =	strace s9  }
0x27: {  	s1 =	sld [smem:$0x3FAE]  }
0x28: {  	s2 =	sld [smem:$0x3FAF]  }
0x29: {  	s4 =	sld [smem:$0x3FB1]  }
0x2a: {  	p0 =	seq.s32 s5, $0x0;
	s5 =	sld [smem:$0x3FB2]  }
0x2b: {  	s6 =	sld [smem:$0x3FB3]  }
0x2c: {  	s7 =	sld [smem:$0x3FB4]  }
0x2d: {  	s3 =	simm.s32 $0x108;
	s8 =	sld [smem:$0x3FB5]  }
0x2e: {  	s3 =	simm.s32 @!p0 $0x1082;
	s9 =	sld [smem:$0x3FB6]  }
0x2f: {  	lr =	sadd.s32 s0, s3;
	s0 =	sld [smem:$0x3FAD]  }
0x30: {  	s3 =	sld [smem:$0x3FB0]  }
0x31: {  	[smem:$0x3FB9] =	sst s10  }
0x32: {  	s10 =	sld [smem:$0x3FB7];
	_ =	sdelay $0x3  }
0x33: {  	p0 =	seq.s32 s10, $0x1;
	s10 =	sld [smem:$0x3FB9];
	_ =	sdelay $0x3  }
0x34: {  	[smem:$0x3FB9] =	sst s10  }
0x35: {  	s10 =	sld [smem:$0x3FB8];
	_ =	sdelay $0x3  }
0x36: {  	p1 =	seq.s32 s10, $0x1;
	s10 =	sld [smem:$0x3FB9];
	_ =	sdelay $0x3  }
0x37: {  	[smem:$0x3FB9] =	sst s10  }
0x38: {  	s10 =	sld [smem:$0x3FBA]  }
0x39: {  	_ = 	snop;
	(pc) =	sbr.ind lr, $3  }
0x3a: {  	_ = 	snop  }
0x3b: {  	_ = 	snop  }
0x3c: {  	p2 =	seq.s32 s10, $0x1;
	s10 =	sld [smem:$0x3FB9]  }
0x3d: {  	_ =	shalt  }
0x3e: {  	_ =	shalt  }
0x3f: {  	_ =	shalt  }
0x40: {  	_ =	shalt  }
0x41: {  	_ =	shalt  }
0x42: {  	_ =	shalt  }
0x43: {  	_ =	shalt  }
0x44: {  	_ =	shalt  }
0x45: {  	_ =	shalt  }
0x46: {  	_ =	shalt  }
0x47: {  	_ =	shalt  }
0x48: {  	_ =	shalt  }
0x49: {  	_ =	shalt  }
0x4a: {  	_ =	shalt  }
0x4b: {  	_ =	shalt  }
0x4c: {  	_ =	shalt  }
0x4d: {  	_ =	shalt  }
0x4e: {  	_ =	shalt  }
0x4f: {  	_ =	shalt  }
0x50: {  	_ =	shalt  }
0x51: {  	_ =	shalt  }
0x52: {  	_ =	shalt  }
0x53: {  	_ =	shalt  }
0x54: {  	_ =	shalt  }
0x55: {  	_ =	shalt  }
0x56: {  	_ =	shalt  }
0x57: {  	_ =	shalt  }
0x58: {  	_ =	shalt  }
0x59: {  	_ =	shalt  }
0x5a: {  	_ =	shalt  }
0x5b: {  	_ =	shalt  }
0x5c: {  	_ =	shalt  }
0x5d: {  	_ =	shalt  }
0x5e: {  	_ =	shalt  }
0x5f: {  	_ =	shalt  }
0x60: {  	_ =	shalt  }
0x61: {  	_ =	shalt  }
0x62: {  	_ =	shalt  }
0x63: {  	_ =	shalt  }
0x64: {  	_ =	shalt  }
0x65: {  	_ =	shalt  }
0x66: {  	_ =	shalt  }
0x67: {  	_ =	shalt  }
0x68: {  	_ =	shalt  }
0x69: {  	_ =	shalt  }
0x6a: {  	_ =	shalt  }
0x6b: {  	_ =	shalt  }
0x6c: {  	_ =	shalt  }
0x6d: {  	_ =	shalt  }
0x6e: {  	_ =	shalt  }
0x6f: {  	_ =	shalt  }
0x70: {  	_ =	shalt  }
0x71: {  	_ =	shalt  }
0x72: {  	_ =	shalt  }
0x73: {  	_ =	shalt  }
0x74: {  	_ =	shalt  }
0x75: {  	_ =	shalt  }
0x76: {  	_ =	shalt  }
0x77: {  	_ =	shalt  }
0x78: {  	_ =	shalt  }
0x79: {  	_ =	shalt  }
0x7a: {  	_ =	shalt  }
0x7b: {  	_ =	shalt  }
0x7c: {  	_ =	shalt  }
0x7d: {  	_ =	shalt  }
0x7e: {  	_ =	shalt  }
0x7f: {  	_ =	shalt  }
0x80: {  	_ =	shalt  }
0x81: {  	_ =	shalt  }
0x82: {  	_ =	shalt  }
0x83: {  	_ =	shalt  }
0x84: {  	_ =	shalt  }
0x85: {  	_ =	shalt  }
0x86: {  	_ =	shalt  }
0x87: {  	_ =	shalt  }
.Lfunc_end0:
.L_simem_size_0:
called_computation_lowered:
.L_overlay_start_0:
0x88: {  	s2 =	sld [smem:$0x3FD9]  }
0x89: {  	s3 =	sld [smem:$0x3FFE];
	_ =	sdelay $0x1  }
0x8a: {  	s1 =	srdreg.scid  }
0x8b: {  	s0 =	sand.u32 $0x1, s1  }
0x8c: {  	s17 =	sshll.u32 s0, $0xA;
	s2 =	sadd.s32 s3, s2  }
0x8d: {  	s2 =	sadd.s32 s2, s17  }
0x8e: {  	[smem:$0x3FC5] =	sst s2  }
0x8f: {  	_ = 	snop  }
0x90: {  	s2 =	sld [smem:$0x3FD0];
	(tm) =	ssettm $0x1  }
0x91: {  	s18 =	sld [smem:$0x3FFB];
	_ =	sdelay $0x3  }
0x92: {  	_ =	strace s18  }
0x93: {  	s3 =	sld [smem:$0x3FFC];
	_ =	sdelay $0x3  }
0x94: {  	_ =	strace s3  }
0x95: {  	s3 =	sld [smem:$0x3FFD];
	_ =	sdelay $0x3  }
0x96: {  	_ =	strace s3  }
0x97: {  	_ =	strace $0x8FFFFFFF  }
0x98: {  	s19 =	sld [smem:$0x3FDB];
	_ =	sdelay $0x1  }
0x99: {  	s4 =	simm.s32 $_scs_section_size  }
0x9a: {  	s5 =	simm.s32 $_size__tile_overlayer_lowered;
	s6 =	simm.s32 $_tile_overlayer_lowered  }
0x9b: {  	s22 =	simm.s32 $0x1BFF;
	s21 =	sshll.u32 s6, $0x1;
	s3 =	sadd.s32 s4, s19  }
0x9c: {  	s7 =	simm.s32 $0x0;
	s20 =	sshll.u32 s5, $0x1;
	s5 =	sadd.s32 s21, s3  }
0x9d: {  	[timem:s7], [sflag:s22] =	dma.local [hbm:s5], s20  }
0x9e: {  	_ =	swait.ge [sflag:s22], s20  }
0x9f: {  	s4 =	ssub.s32 $0x0, s20;
	[sflag:s22] =	ssyncset.done $0x0  }
0xa0: {  	[sflag:s22] =	ssyncadd.s32 s4;
	_ =	sdelay $0x1  }
0xa1: {  	s23 =	simm.s32 $0x1B8B  }
0xa2: {  	_ =	swait.ge [sflag:s23], $0x1  }
0xa3: {  	[sflag:s23] =	ssyncset.done $0x0  }
0xa4: {  	s25 =	simm.s32 $0x1B8E;
	s24 =	sld [smem:$0x3FFE];
	[sflag:s23] =	ssyncadd.s32 $0xFFFFFFFF  }
0xa5: {  	s26 =	simm.s32 $execute0_lowered;
	[smem:$0x3FD2] =	sst s25  }
0xa6: {  	s5 =	sshll.u32 s26, $0x1;
	_ =	strace $0x80000046;
	[dreg:$0x1] =	wrdreg $0xFFFFFFFF  }
0xa7: {  	s28 =	simm.s32 $_size_execute0_lowered;
	s3 =	sadd.s32 s3, s5;
	[dreg:$0x0] =	wrdreg $0x0  }
0xa8: {  	s5 =	sshll.u32 s28, $0x1;
	[dreg:$0x2] =	wrdreg s3  }
0xa9: {  	[dreg:$0x3] =	wrdreg s5  }
0xaa: {  	[dreg:$0x4] =	wrdreg $0xC0  }
0xab: {  	_ =	task [dreg:s7], $0x5FFFF  }
0xac: {  	[dreg:$0x1] =	wrdreg $0xFFFFFFFF  }
0xad: {  	[dreg:$0x0] =	wrdreg $0x60  }
0xae: {  	[dreg:$0x2] =	wrdreg s24  }
0xaf: {  	[dreg:$0x3] =	wrdreg s2  }
0xb0: {  	[dreg:$0x4] =	wrdreg $0x9  }
0xb1: {  	_ =	task.clear_ibuf [dreg:s7], $0x5FFFF;
	_ =	strace $0x90000046  }
0xb2: {  	s29 =	simm.s32 $0x9;
	_ =	strace $0x80000048  }
0xb3: {  	_ =	swait.ge [sflag:s29], $0x1  }
0xb4: {  	[sflag:s29] =	ssyncadd.s32 $0xFFFFFFFF  }
0xb5: {  	_ =	strace $0x90000048  }
0xb6: {  	_ =	sfence  }
0xb7: {  	s30 =	sld [smem:$0x0];
	_ =	sdelay $0x2  }
0xb8: {  	s31 =	sshll.u32 s1, $0xD;
	s1 =	sshrl.u32 s1, $0x2  }
0xb9: {  	s3 =	sand.u32 $0x4000, s31;
	s1 =	sadd.s32 s1, s30  }
0xba: {  	s0 =	sor.u32 s3, s0;
	s1 =	sshll.u32 s1, $0x11  }
0xbb: {  	s0 =	sor.u32 s1, s0  }
0xbc: {  	s0 =	sadd.s32 $0x8F2B, s0  }
0xbd: {  	[sflag:s0] =	ssyncadd.remote.s32 $0x1  }
0xbe: {  	_ =	sfence.sel $0xFFFF  }
0xbf: {  	[dreg:$0x0] =	wrdreg $0xFFFFFFFF;
	(pc) =	sbr.abs _section_cstart, $3  }
0xc0: {  	[dreg:$0x1] =	wrdreg $0xFFFFFFFF  }
0xc1: {  	_ =	task.clear_ibuf [dreg:s7], $0x2FFFF;
	_ =	strace $0x9FFFFFFF  }
0xc2: {  	(tm) =	ssettm $0x7FFFFFFF  }
0xc3: {  	_ =	shalt  }
tec
execute0_lowered:
.L_overlay_start_1:
0x0: {  	(tag) =	ssettag $0x1  }
0x1: {  	s0 =	rddreg [dreg:$0x0]  }
0x2: {  	s2 =	rddreg [dreg:$0x1]  }
0x3: {  	s3 =	simm.s32 $0x0;
	s1 =	srdreg.scid;
	s4 =	stileid.u32  }
0x4: {  	s31 =	simm.s32 $0x200;
	s9 =	simm.s32 $0x6200;
	s11 =	simm.s32 $0x6  }
0x5: {  	s12 =	simm.s32 $0xA200;
	s29 =	simm.s32 $0x7;
	s13 =	simm.s32 $0x8  }
0x6: {  	s14 =	simm.s32 $0xA;
	[smem:$0x7FF] =	sst s3;
	s1 =	sand.u32 $0x1, s1  }
0x7: {  	s5 =	sshll.u32 s4, $0x1;
	s4 =	sadd.s32 $0xC00, s0;
	s6 =	sadd.s32 $0x400, s0  }
0x8: {  	s16 =	sadd.s32 $0x1000, s2;
	s17 =	sadd.s32 $0x2000, s2;
	s18 =	sadd.s32 $0x3000, s2  }
0x9: {  	s19 =	sadd.s32 $0x4000, s2;
	s20 =	sadd.s32 $0x5000, s2;
	s21 =	sadd.s32 $0x6000, s2  }
0xa: {  	s22 =	sadd.s32 $0x7000, s2;
	_ =	strace $0x80000047;
	s5 =	sor.u32 s1, s5  }
0xb: {  	[dreg:$0x3] =	wrdreg s6;
	s1 =	ssub.s32 $0x2, s1;
	s7 =	sshll.u32 s5, $0x4  }
0xc: {  	s6 =	sadd.s32 $0x19C00, s0;
	s24 =	sshll.u32 s5, $0x7;
	s7 =	sadd.s32 s4, s7  }
0xd: {  	s23 =	sshrl.u32 s1, $0x1;
	s26 =	sor.u32 $0x4000, s24;
	[dreg:$0x4] =	wrdreg s7  }
0xe: {  	s15 =	sshll.u32 s5, $0xA;
	s28 =	sor.u32 $0x5000, s24;
	[dreg:$0x8] =	wrdreg s26  }
0xf: {  	s5 =	simm.s32 $0x4200;
	s30 =	sor.u32 $0x6000, s24;
	[dreg:$0x9] =	wrdreg s28  }
0x10: {  	v0 =	vlaneseq.u32;
	s0 =	ssub.s32 s1, s23;
	s1 =	sor.u32 $0x7000, s24;
	[dreg:$0xa] =	wrdreg s30  }
.Ltmp0:
0x11: {  	v1 =	vmul.u32 $0x40, v0;
	v3 =	vor.u32 $0x10, v0;
	v5 =	vor.u32 $0x20, v0;
	s8 =	sadd.s32 $0x200, s7;
	[dreg:$0xb] =	wrdreg s1;
	(pc) =	sbr.rel .LBB2_1-.Ltmp0, $4  }
0x12: {  	v7 =	vor.u32 $0x30, v0;
	v9 =	vor.u32 $0x40, v0;
	v11 =	vor.u32 $0x50, v0;
	s24 =	simm.s32 $0xC200;
	s25 =	sadd.s32 $0x400, s7;
	[dreg:$0x5] =	wrdreg s8  }
0x13: {  	v13 =	vor.u32 $0x60, v0;
	v15 =	vor.u32 $0x70, v0;
	v2 =	vor.u32 $0x400, v1;
	s23 =	simm.s32 $0x8200;
	s7 =	sadd.s32 $0x600, s7;
	[dreg:$0x6] =	wrdreg s25  }
0x14: {  	v4 =	vor.u32 $0x800, v1;
	v6 =	vor.u32 $0xC00, v1;
	v8 =	vor.u32 $0x1000, v1;
	s0 =	smax.u32 s0, $0x1;
	s1 =	simm.s32 $0x2200;
	[dreg:$0x7] =	wrdreg s7  }
0x15: {  	v10 =	vor.u32 $0x1400, v1;
	v12 =	vor.u32 $0x1800, v1;
	v14 =	vor.u32 $0x1C00, v1;
	s26 =	simm.s32 $0x9;
	[dreg:$0xc] =	wrdreg s0;
	s7 =	simm.s32 $0x0  }
.LBB2_15:
0x16: {  	_ =	swait.ge [sflag:s26], $0x400  }
0x17: {  	[sflag:s26] =	ssyncset.done $0x0  }
0x18: {  	[sflag:s26] =	ssyncadd.s32 $0xFFFFFC00  }
0x19: {  	_ =	swait.ge [sflag:s26], $0x400  }
0x1a: {  	[sflag:s26] =	ssyncset.done $0x0  }
0x1b: {  	[sflag:s26] =	ssyncadd.s32 $0xFFFFFC00  }
0x1c: {  	_ =	swait.ge [sflag:s26], $0x400  }
0x1d: {  	[sflag:s26] =	ssyncset.done $0x0  }
0x1e: {  	[sflag:s26] =	ssyncadd.s32 $0xFFFFFC00  }
0x1f: {  	_ =	swait.ge [sflag:s26], $0x400  }
0x20: {  	[sflag:s26] =	ssyncset.done $0x0  }
0x21: {  	[sflag:s26] =	ssyncadd.s32 $0xFFFFFC00  }
0x22: {  	_ =	swait.ge [sflag:s26], $0x400  }
0x23: {  	[sflag:s26] =	ssyncset.done $0x0  }
0x24: {  	[sflag:s26] =	ssyncadd.s32 $0xFFFFFC00  }
0x25: {  	_ =	swait.ge [sflag:s26], $0x400  }
0x26: {  	[sflag:s26] =	ssyncset.done $0x0  }
0x27: {  	[sflag:s26] =	ssyncadd.s32 $0xFFFFFC00  }
0x28: {  	_ =	swait.ge [sflag:s26], $0x400  }
0x29: {  	[sflag:s26] =	ssyncset.done $0x0  }
0x2a: {  	[sflag:s26] =	ssyncadd.s32 $0xFFFFFC00  }
0x2b: {  	_ =	swait.ge [sflag:s26], $0x400  }
0x2c: {  	[sflag:s26] =	ssyncset.done $0x0  }
0x2d: {  	[sflag:s26] =	ssyncadd.s32 $0xFFFFFC00  }
0x2e: {  	_ =	swait.ge [sflag:s14], $0x400  }
0x2f: {  	[sflag:s14] =	ssyncset.done $0x0  }
0x30: {  	[sflag:s14] =	ssyncadd.s32 $0xFFFFFC00  }
0x31: {  	_ =	swait.ge [sflag:s14], $0x400  }
0x32: {  	[sflag:s14] =	ssyncset.done $0x0  }
0x33: {  	[sflag:s14] =	ssyncadd.s32 $0xFFFFFC00  }
0x34: {  	_ =	swait.ge [sflag:s14], $0x400  }
0x35: {  	[sflag:s14] =	ssyncset.done $0x0  }
0x36: {  	[sflag:s14] =	ssyncadd.s32 $0xFFFFFC00  }
0x37: {  	_ =	swait.ge [sflag:s14], $0x400  }
0x38: {  	[sflag:s14] =	ssyncset.done $0x0  }
0x39: {  	[sflag:s14] =	ssyncadd.s32 $0xFFFFFC00  }
0x3a: {  	_ =	swait.ge [sflag:s14], $0x400  }
0x3b: {  	[sflag:s14] =	ssyncset.done $0x0  }
0x3c: {  	[sflag:s14] =	ssyncadd.s32 $0xFFFFFC00  }
0x3d: {  	_ =	swait.ge [sflag:s14], $0x400  }
0x3e: {  	[sflag:s14] =	ssyncset.done $0x0  }
0x3f: {  	[sflag:s14] =	ssyncadd.s32 $0xFFFFFC00  }
0x40: {  	_ =	swait.ge [sflag:s14], $0x400  }
0x41: {  	[sflag:s14] =	ssyncset.done $0x0  }
0x42: {  	[sflag:s14] =	ssyncadd.s32 $0xFFFFFC00  }
0x43: {  	_ =	swait.ge [sflag:s14], $0x400  }
0x44: {  	s7 =	rddreg [dreg:$0xd]  }
0x45: {  	s0 =	rddreg [dreg:$0xc];
	s7 =	sadd.s32 $0x1, s7  }
0x46: {  	p0 =	sne.s32 s7, s0  }
.Ltmp1:
0x47: {  	_ = 	snop;
	(pc) =	sbr.rel @!p0 .LBB2_16-.Ltmp1, $3  }
0x48: {  	_ =	sdelay $0x1  }
0x49: {  	[sflag:s14] =	ssyncset.done $0x0  }
0x4a: {  	[sflag:s14] =	ssyncadd.s32 $0xFFFFFC00  }
.LBB2_1:
0x4b: {  	[dreg:$0xd] =	wrdreg s7  }
0x4c: {  	s0 =	rddreg [dreg:$0x3];
	s7 =	simm.s32 $0xB  }
0x4d: {  	[tilespmem:s24], [sflag:$0xB] =	stream.linear.gather [hbm4b:s0+s3], $0x3200, $0x38;
	[tilespmem:$0xF400] =	vst v63  }
0x4e: {  	_ =	swait.ge [sflag:s7], $0x3200  }
0x4f: {  	[sflag:s7] =	ssyncset.done $0x0  }
0x50: {  	s8 =	rddreg [dreg:$0x4];
	[sflag:s7] =	ssyncadd.s32 $0xFFFFCE00  }
0x51: {  	[tilespmem:s3], [sflag:$0x1] =	stream.linear.gather [hbm4b:s8+s3], $0x80, $0x38;
	[tilespmem:$0xF400] =	vst v63  }
0x52: {  	s10 =	rddreg [dreg:$0x5];
	s7 =	simm.s32 $0x80  }
0x53: {  	[tilespmem:s7], [sflag:$0x2] =	stream.linear.gather [hbm4b:s10+s3], $0x80, $0x38;
	[tilespmem:$0xF400] =	vst v63  }
0x54: {  	s25 =	rddreg [dreg:$0x6];
	s8 =	simm.s32 $0x100  }
0x55: {  	[tilespmem:s8], [sflag:$0x3] =	stream.linear.gather [hbm4b:s25+s3], $0x80, $0x38;
	[tilespmem:$0xF400] =	vst v63  }
0x56: {  	s30 =	simm.s32 $0x1;
	s28 =	rddreg [dreg:$0x7];
	s10 =	simm.s32 $0x180  }
0x57: {  	[tilespmem:s10], [sflag:$0x4] =	stream.linear.gather [hbm4b:s28+s3], $0x80, $0x38;
	[tilespmem:$0xF400] =	vst v63  }
0x58: {  	_ =	swait.ge [sflag:s30], $0x80  }
0x59: {  	[sflag:s30] =	ssyncset.done $0x0  }
0x5a: {  	s25 =	simm.s32 $0x2;
	[sflag:s30] =	ssyncadd.s32 $0xFFFFFF80  }
0x5b: {  	[tilespmem:s31], [sflag:$0x5] =	stream.indirect.gather [hbm4b:s6+s7], $0x40, s3, s7, $0xb8;
	[tilespmem:$0xF400] =	vst v63  }
0x5c: {  	_ =	swait.ge [sflag:s25], $0x80  }
0x5d: {  	[sflag:s25] =	ssyncset.done $0x0  }
0x5e: {  	s28 =	simm.s32 $0x3;
	[sflag:s25] =	ssyncadd.s32 $0xFFFFFF80  }
0x5f: {  	[tilespmem:s1], [sflag:$0x6] =	stream.indirect.gather [hbm4b:s6+s7], $0x40, s7, s7, $0xb8;
	[tilespmem:$0xF400] =	vst v63  }
0x60: {  	_ =	swait.ge [sflag:s28], $0x80  }
0x61: {  	[sflag:s28] =	ssyncset.done $0x0  }
0x62: {  	s30 =	simm.s32 $0x4;
	[sflag:s28] =	ssyncadd.s32 $0xFFFFFF80  }
0x63: {  	[tilespmem:s5], [sflag:$0x7] =	stream.indirect.gather [hbm4b:s6+s7], $0x40, s8, s7, $0xb8;
	[tilespmem:$0xF400] =	vst v63  }
0x64: {  	_ =	swait.ge [sflag:s30], $0x80  }
0x65: {  	[sflag:s30] =	ssyncset.done $0x0  }
0x66: {  	[sflag:s30] =	ssyncadd.s32 $0xFFFFFF80  }
0x67: {  	[tilespmem:s9], [sflag:$0x8] =	stream.indirect.gather [hbm4b:s6+s7], $0x40, s10, s7, $0xb8;
	[tilespmem:$0xF400] =	vst v63  }
0x68: {  	s7 =	simm.s32 $0x0  }
.LBB2_2:
0x69: {  	p0 =	seq.s32 s7, $0x31  }
0x6a: {  	s8 =	simm.s32 $0x5;
	p1 =	seq.s32 @!p0 s7, $0x0  }
0x6b: {  	_ =	swait.ge [sflag:s8], $0x2000;
	p1 =	por p0, !p1  }
.Ltmp2:
0x6c: {  	s25 =	sshll.u32 @!p0 s7, $0xE;
	s0 =	rddreg [dreg:$0x8];
	(pc) =	sbr.rel @!p1 .LBB2_3-.Ltmp2, $4  }
0x6d: {  	s0 =	sadd.s32 @!p0 s0, s25  }
0x6e: {  	[sflag:s8] =	ssyncset.done $0x0;
	s0 =	sshrl.u32 @!p0 s0, $0x3  }
0x6f: {  	[sflag:s8] =	ssyncadd.s32 $0xFFFFE000;
	s8 =	simm.s32 @!p0 $0x0;
	s0 =	sadd.s32 @!p0 s4, s0  }
0x70: {  	[tilespmem:s8], [sflag:$0x1] =	stream.linear.gather @!p0 [hbm4b:s0+s8], $0x80, $0x38;
	[tilespmem:$0xF400] =	vst v63  }
0x71: {  	_ =	swait.ge [sflag:s26], $0x400  }
0x72: {  	[sflag:s26] =	ssyncset.done $0x0  }
0x73: {  	[sflag:s26] =	ssyncadd.s32 $0xFFFFFC00  }
0x74: {  	_ =	swait.ge [sflag:s26], $0x400  }
0x75: {  	[sflag:s26] =	ssyncset.done $0x0  }
0x76: {  	[sflag:s26] =	ssyncadd.s32 $0xFFFFFC00  }
0x77: {  	_ =	swait.ge [sflag:s26], $0x400  }
0x78: {  	[sflag:s26] =	ssyncset.done $0x0  }
0x79: {  	[sflag:s26] =	ssyncadd.s32 $0xFFFFFC00  }
0x7a: {  	_ =	swait.ge [sflag:s26], $0x400  }
0x7b: {  	[sflag:s26] =	ssyncset.done $0x0  }
0x7c: {  	[sflag:s26] =	ssyncadd.s32 $0xFFFFFC00  }
0x7d: {  	_ =	swait.ge [sflag:s26], $0x400  }
0x7e: {  	[sflag:s26] =	ssyncset.done $0x0  }
0x7f: {  	[sflag:s26] =	ssyncadd.s32 $0xFFFFFC00  }
0x80: {  	_ =	swait.ge [sflag:s26], $0x400  }
0x81: {  	[sflag:s26] =	ssyncset.done $0x0  }
0x82: {  	[sflag:s26] =	ssyncadd.s32 $0xFFFFFC00  }
0x83: {  	_ =	swait.ge [sflag:s26], $0x400  }
.Ltmp3:
0x84: {  	[sflag:s26] =	ssyncset.done $0x0;
	(pc) =	sbr.rel .LBB2_5-.Ltmp3, $4  }
0x85: {  	[sflag:s26] =	ssyncadd.s32 $0xFFFFFC00  }
0x86: {  	_ =	swait.ge [sflag:s26], $0x400  }
0x87: {  	[sflag:s26] =	ssyncset.done $0x0  }
0x88: {  	p1 =	por $0x0, $0x0;
	[sflag:s26] =	ssyncadd.s32 $0xFFFFFC00  }
.LBB2_3:
0x89: {  	p1 =	por @!p0 $0x1, $0x1  }
.LBB2_5:
0x8a: {  	s0 =	simm.s32 $0x0  }
0x8b: {  	v16 =	vadd.s32 s0, v0  }
0x8c: {  	s0 =	sand.u32 $0x30, s0;
	v17 =	vand.u32 $0xF, v16  }
0x8d: {  	s8 =	simm.s32 $0x1;
	v17 =	vor.u32 s0, v17  }
0x8e: {  	v18 =	vadd.s32 s8, v0;
	v16 =	vand.u32 $0x7, v16;
	v19 =	vand.u32 $0x38, v17  }
0x8f: {  	s30 =	sshll.u32 s7, $0x2;
	v20 =	vand.u32 $0xF, v18;
	v33 =	vor.u32 v16, v19  }
0x90: {  	s28 =	sshll.u32 s30, $0x6;
	v19 =	vor.u32 s0, v20;
	v16 =	vor.u32 v1, v33  }
0x91: {  	v26 =	vmov s28;
	v18 =	vand.u32 $0x7, v18;
	v20 =	vand.u32 $0x38, v19  }
0x92: {  	v34 =	vor.u32 v18, v20;
	v18 =	vor.u32 v26, v33  }
0x93: {  	v20 =	vor.u32 v1, v34;
	_ =	sdelay $0x1  }
0x94: {  	v21 =	vor.u32 v26, v34;
	v22 =	vld.idx.msk [tilespmem:v16+s31+$0x0], $0xffff;
	_ =	sdelay $0x1  }
0x95: {  	v16 =	vld.idx.msk [tilespmem:v18+s24+$0x0], $0xffff  }
0x96: {  	v37 =	vshll.u32 v17, $0x7;
	v18 =	vld.idx.msk [tilespmem:v20+s31+$0x0], $0xffff  }
0x97: {  	v20 =	vor.u32 v0, v37  }
0x98: {  	v17 =	vld.idx.msk [tilespmem:v21+s24+$0x0], $0xffff;
	v21 =	vor.u32 v2, v33;
	v22 =	vmul.f32 $8.000000000e+00, v22  }
0x99: {  	s8 =	simm.s32 $0x3;
	v38 =	vshll.u32 v19, $0x7  }
0x9a: {  	s10 =	simm.s32 $0x2;
	v23 =	vadd.s32 s8, v0;
	v19 =	vor.u32 v0, v38;
	v22 =	vadd.f32 v22, v16  }
0x9b: {  	s28 =	sand.u32 $0x30, s10;
	v25 =	vand.u32 $0xF, v23;
	v24 =	vor.u32 v2, v34;
	v18 =	vmul.f32 $8.000000000e+00, v18  }
0x9c: {  	v25 =	vor.u32 s28, v25;
	[tilespmem:v20+s23+$0x0] =	vst.idx.msk $0xffff, v22  }
0x9d: {  	v18 =	vadd.f32 v18, v17;
	v20 =	vand.u32 $0x38, v25;
	v22 =	vand.u32 $0x7, v23;
	v21 =	vld.idx.msk [tilespmem:v21+s31+$0x0], $0xffff  }
0x9e: {  	v22 =	vor.u32 v22, v20  }
0x9f: {  	[tilespmem:v19+s23+$0x0] =	vst.idx.msk $0xffff, v18;
	v18 =	vor.u32 v1, v22  }
0xa0: {  	v19 =	vld.idx.msk [tilespmem:v24+s31+$0x0], $0xffff  }
0xa1: {  	v23 =	vor.u32 v3, v37;
	v20 =	vor.u32 v26, v22  }
0xa2: {  	v24 =	vor.u32 v4, v33;
	v21 =	vmul.f32 $8.000000000e+00, v21  }
0xa3: {  	v27 =	vadd.s32 s10, v0  }
0xa4: {  	v29 =	vor.u32 v3, v38;
	v30 =	vld.idx.msk [tilespmem:v18+s31+$0x0], $0xffff;
	v18 =	vand.u32 $0xF, v27;
	v21 =	vadd.f32 v21, v16  }
0xa5: {  	v31 =	vor.u32 v4, v34;
	v19 =	vmul.f32 $8.000000000e+00, v19;
	v32 =	vor.u32 s28, v18  }
0xa6: {  	v18 =	vld.idx.msk [tilespmem:v20+s24+$0x0], $0xffff;
	v20 =	vand.u32 $0x38, v32;
	[tilespmem:v23+s23+$0x0] =	vst.idx.msk $0xffff, v21;
	v23 =	vand.u32 $0x7, v27  }
0xa7: {  	v21 =	vshll.u32 v25, $0x7;
	v19 =	vadd.f32 v19, v17;
	v24 =	vld.idx.msk [tilespmem:v24+s31+$0x0], $0xffff;
	v28 =	vor.u32 v23, v20  }
0xa8: {  	v20 =	vor.u32 v0, v21;
	v23 =	vor.u32 v1, v28  }
0xa9: {  	[tilespmem:v29+s23+$0x0] =	vst.idx.msk $0xffff, v19;
	v19 =	vor.u32 v2, v22;
	v25 =	vmul.f32 $8.000000000e+00, v30  }
0xaa: {  	v29 =	vor.u32 v26, v28;
	v27 =	vld.idx.msk [tilespmem:v31+s31+$0x0], $0xffff  }
0xab: {  	v30 =	vor.u32 v5, v37;
	v25 =	vadd.f32 v25, v18  }
0xac: {  	v31 =	vor.u32 v6, v33;
	v24 =	vmul.f32 $8.000000000e+00, v24  }
0xad: {  	[tilespmem:v20+s23+$0x0] =	vst.idx.msk $0xffff, v25;
	v23 =	vld.idx.msk [tilespmem:v23+s31+$0x0], $0xffff  }
0xae: {  	v25 =	vor.u32 v5, v38;
	v35 =	vld.idx.msk [tilespmem:v19+s31+$0x0], $0xffff;
	v24 =	vadd.f32 v24, v16  }
0xaf: {  	v36 =	vor.u32 v6, v34;
	v19 =	vld.idx.msk [tilespmem:v29+s24+$0x0], $0xffff;
	v27 =	vmul.f32 $8.000000000e+00, v27  }
0xb0: {  	v40 =	vor.u32 v7, v37;
	v20 =	vshll.u32 v32, $0x7;
	[tilespmem:v30+s23+$0x0] =	vst.idx.msk $0xffff, v24  }
0xb1: {  	s8 =	simm.s32 $0x5;
	v46 =	vor.u32 v9, v37;
	v24 =	vadd.f32 v27, v17;
	v27 =	vor.u32 v0, v20;
	v29 =	vld.idx.msk [tilespmem:v31+s31+$0x0], $0xffff  }
0xb2: {  	s10 =	simm.s32 $0x4;
	v30 =	vor.u32 v2, v28;
	v31 =	vadd.s32 s8, v0;
	v23 =	vmul.f32 $8.000000000e+00, v23  }
0xb3: {  	v54 =	vor.u32 v10, v33;
	v50 =	vor.u32 v4, v22;
	s28 =	sand.u32 $0x30, s10;
	v39 =	vand.u32 $0xF, v31;
	[tilespmem:v25+s23+$0x0] =	vst.idx.msk $0xffff, v24  }
0xb4: {  	v25 =	vor.u32 v3, v21;
	v39 =	vor.u32 s28, v39;
	v36 =	vld.idx.msk [tilespmem:v36+s31+$0x0], $0xffff;
	v23 =	vadd.f32 v23, v19  }
0xb5: {  	v35 =	vmul.f32 $8.000000000e+00, v35;
	v31 =	vand.u32 $0x7, v31;
	v24 =	vand.u32 $0x38, v39  }
0xb6: {  	v24 =	vor.u32 v31, v24;
	[tilespmem:v27+s23+$0x0] =	vst.idx.msk $0xffff, v23;
	v23 =	vmul.f32 $8.000000000e+00, v29;
	v27 =	vor.u32 v8, v33  }
0xb7: {  	v49 =	vor.u32 v12, v33;
	v31 =	vadd.f32 v35, v18;
	v29 =	vor.u32 v1, v24;
	v30 =	vld.idx.msk [tilespmem:v30+s31+$0x0], $0xffff  }
0xb8: {  	v42 =	vor.u32 v7, v38;
	v41 =	vor.u32 v26, v24;
	v23 =	vadd.f32 v23, v16  }
0xb9: {  	v48 =	vor.u32 v10, v34;
	[tilespmem:v25+s23+$0x0] =	vst.idx.msk $0xffff, v31;
	v25 =	vor.u32 v8, v34;
	v31 =	vmul.f32 $8.000000000e+00, v36  }
0xba: {  	v63 =	vor.u32 v6, v22;
	v43 =	vor.u32 v4, v28;
	v32 =	vld.idx.msk [tilespmem:v50+s31+$0x0], $0xffff;
	[tilespmem:v40+s23+$0x0] =	vst.idx.msk $0xffff, v23  }
0xbb: {  	v61 =	vor.u32 v6, v28;
	v51 =	vor.u32 v3, v20;
	v31 =	vadd.f32 v31, v17;
	v27 =	vld.idx.msk [tilespmem:v27+s31+$0x0], $0xffff  }
0xbc: {  	s0 =	simm.s32 $0x7;
	v60 =	vor.u32 v5, v20;
	v53 =	vor.u32 v2, v24;
	v52 =	vld.idx.msk [tilespmem:v29+s31+$0x0], $0xffff;
	v30 =	vmul.f32 $8.000000000e+00, v30  }
0xbd: {  	v36 =	vor.u32 v5, v21;
	v50 =	vadd.s32 s0, v0;
	v29 =	vld.idx.msk [tilespmem:v41+s24+$0x0], $0xffff;
	[tilespmem:v42+s23+$0x0] =	vst.idx.msk $0xffff, v31;
	v31 =	vadd.s32 s10, v0  }
0xbe: {  	v23 =	vshll.u32 v39, $0x7;
	v25 =	vld.idx.msk [tilespmem:v25+s31+$0x0], $0xffff;
	v44 =	vand.u32 $0xF, v31;
	v30 =	vadd.f32 v30, v19  }
0xbf: {  	v45 =	vor.u32 v0, v23;
	v32 =	vmul.f32 $8.000000000e+00, v32;
	v44 =	vor.u32 s28, v44  }
0xc0: {  	v31 =	vand.u32 $0x7, v31;
	[tilespmem:v51+s23+$0x0] =	vst.idx.msk $0xffff, v30;
	v30 =	vmul.f32 $8.000000000e+00, v27;
	v27 =	vand.u32 $0x38, v44  }
0xc1: {  	v32 =	vadd.f32 v32, v18;
	v55 =	vmul.f32 $8.000000000e+00, v52;
	v56 =	vld.idx.msk [tilespmem:v43+s31+$0x0], $0xffff;
	v27 =	vor.u32 v31, v27  }
0xc2: {  	v31 =	vor.u32 v9, v38;
	v30 =	vadd.f32 v30, v16;
	v57 =	vor.u32 v1, v27  }
0xc3: {  	v35 =	vor.u32 v5, v23;
	[tilespmem:v36+s23+$0x0] =	vst.idx.msk $0xffff, v32;
	v39 =	vadd.f32 v55, v29;
	v47 =	vmul.f32 $8.000000000e+00, v25  }
0xc4: {  	v51 =	vor.u32 v4, v24;
	v43 =	vld.idx.msk [tilespmem:v63+s31+$0x0], $0xffff;
	[tilespmem:v46+s23+$0x0] =	vst.idx.msk $0xffff, v30;
	v30 =	vor.u32 v26, v27  }
0xc5: {  	v52 =	vor.u32 v11, v37;
	[tilespmem:v45+s23+$0x0] =	vst.idx.msk $0xffff, v39;
	v59 =	vadd.f32 v47, v17;
	v58 =	vld.idx.msk [tilespmem:v54+s31+$0x0], $0xffff  }
0xc6: {  	s10 =	simm.s32 $0x6;
	v25 =	vshll.u32 v44, $0x7;
	v63 =	vor.u32 v7, v20;
	v41 =	vld.idx.msk [tilespmem:v53+s31+$0x0], $0xffff;
	v40 =	vmul.f32 $8.000000000e+00, v56  }
0xc7: {  	s28 =	sand.u32 $0x30, s10;
	v55 =	vor.u32 v0, v25;
	v53 =	vand.u32 $0xF, v50;
	[tilespmem:v31+s23+$0x0] =	vst.idx.msk $0xffff, v59;
	v62 =	vld.idx.msk [tilespmem:v57+s31+$0x0], $0xffff  }
0xc8: {  	v45 =	vor.u32 v2, v27;
	v53 =	vor.u32 s28, v53;
	v48 =	vld.idx.msk [tilespmem:v48+s31+$0x0], $0xffff;
	v40 =	vadd.f32 v40, v19  }
0xc9: {  	v47 =	vor.u32 v12, v34;
	v50 =	vand.u32 $0x7, v50;
	v57 =	vand.u32 $0x38, v53;
	v31 =	vld.idx.msk [tilespmem:v30+s24+$0x0], $0xffff  }
0xca: {  	v32 =	vor.u32 v50, v57;
	v30 =	vor.u32 v3, v23;
	[tilespmem:v60+s23+$0x0] =	vst.idx.msk $0xffff, v40;
	v39 =	vmul.f32 $8.000000000e+00, v58  }
0xcb: {  	v44 =	vor.u32 v26, v32;
	v42 =	vor.u32 v2, v32;
	v54 =	vmul.f32 $8.000000000e+00, v41;
	v46 =	vld.idx.msk [tilespmem:v61+s31+$0x0], $0xffff  }
0xcc: {  	v60 =	vor.u32 v11, v38;
	v58 =	vadd.f32 v39, v16;
	v59 =	vmul.f32 $8.000000000e+00, v62  }
0xcd: {  	v40 =	vadd.f32 v54, v29;
	v61 =	vmul.f32 $8.000000000e+00, v48;
	v62 =	vor.u32 v1, v32  }
0xce: {  	v48 =	vor.u32 v10, v28;
	[tilespmem:v52+s23+$0x0] =	vst.idx.msk $0xffff, v58;
	v39 =	vadd.f32 v59, v31  }
0xcf: {  	v54 =	vor.u32 v3, v25;
	[tilespmem:v30+s23+$0x0] =	vst.idx.msk $0xffff, v40;
	v56 =	vadd.f32 v61, v17;
	v49 =	vld.idx.msk [tilespmem:v49+s31+$0x0], $0xffff  }
0xd0: {  	v58 =	vor.u32 v8, v28;
	[tilespmem:v55+s23+$0x0] =	vst.idx.msk $0xffff, v39;
	v39 =	vld.idx.msk [tilespmem:v51+s31+$0x0], $0xffff;
	v57 =	vmul.f32 $8.000000000e+00, v46  }
0xd1: {  	v30 =	vshll.u32 v53, $0x7;
	v52 =	vor.u32 v8, v22;
	v59 =	vmul.f32 $8.000000000e+00, v43;
	[tilespmem:v60+s23+$0x0] =	vst.idx.msk $0xffff, v56;
	v45 =	vld.idx.msk [tilespmem:v45+s31+$0x0], $0xffff  }
0xd2: {  	v53 =	vor.u32 v14, v34;
	v51 =	vor.u32 v7, v21;
	v60 =	vld.idx.msk [tilespmem:v47+s31+$0x0], $0xffff;
	v41 =	vadd.f32 v57, v19  }
0xd3: {  	v34 =	vor.u32 v15, v38;
	v36 =	vor.u32 v5, v30;
	v55 =	vor.u32 v0, v30;
	v61 =	vld.idx.msk [tilespmem:v62+s31+$0x0], $0xffff  }
0xd4: {  	v56 =	vor.u32 v4, v27;
	v62 =	vadd.f32 v59, v18;
	[tilespmem:v63+s23+$0x0] =	vst.idx.msk $0xffff, v41  }
0xd5: {  	v41 =	vor.u32 v14, v33;
	v33 =	vld.idx.msk [tilespmem:v44+s24+$0x0], $0xffff;
	v63 =	vor.u32 v13, v37;
	v49 =	vmul.f32 $8.000000000e+00, v49  }
0xd6: {  	v47 =	vor.u32 v13, v38;
	v59 =	vadd.s32 s10, v0;
	v37 =	vor.u32 v15, v37;
	v46 =	vld.idx.msk [tilespmem:v58+s31+$0x0], $0xffff  }
0xd7: {  	v39 =	vmul.f32 $8.000000000e+00, v39;
	[tilespmem:v51+s23+$0x0] =	vst.idx.msk $0xffff, v62;
	v45 =	vmul.f32 $8.000000000e+00, v45;
	v57 =	vadd.f32 v49, v16  }
0xd8: {  	v58 =	vmul.f32 $8.000000000e+00, v60;
	v43 =	vld.idx.msk [tilespmem:v52+s31+$0x0], $0xffff;
	v38 =	vmul.f32 $8.000000000e+00, v61;
	v60 =	vand.u32 $0xF, v59  }
0xd9: {  	v52 =	vor.u32 v9, v20;
	v49 =	vor.u32 v10, v22;
	v45 =	vadd.f32 v45, v31  }
0xda: {  	v44 =	vadd.f32 v39, v29;
	v61 =	vor.u32 s28, v60;
	v39 =	vadd.f32 v58, v17;
	[tilespmem:v63+s23+$0x0] =	vst.idx.msk $0xffff, v57  }
0xdb: {  	v60 =	vand.u32 $0x7, v59;
	v62 =	vadd.f32 v38, v33;
	[tilespmem:v54+s23+$0x0] =	vst.idx.msk $0xffff, v45;
	v63 =	vmul.f32 $8.000000000e+00, v46;
	v46 =	vld.idx.msk [tilespmem:v41+s31+$0x0], $0xffff  }
0xdc: {  	v51 =	vand.u32 $0x38, v61;
	v57 =	vor.u32 v9, v21;
	v38 =	vshll.u32 v61, $0x7;
	[tilespmem:v47+s23+$0x0] =	vst.idx.msk $0xffff, v39;
	v56 =	vld.idx.msk [tilespmem:v56+s31+$0x0], $0xffff  }
0xdd: {  	v41 =	vor.u32 v60, v51;
	v45 =	vor.u32 v12, v28;
	[tilespmem:v55+s23+$0x0] =	vst.idx.msk $0xffff, v62;
	v62 =	vmul.f32 $8.000000000e+00, v43  }
0xde: {  	v55 =	vor.u32 v1, v41;
	v50 =	vor.u32 v2, v41;
	v61 =	vadd.f32 v63, v19  }
0xdf: {  	v54 =	vor.u32 v26, v41;
	v43 =	vor.u32 v11, v21;
	v51 =	vld.idx.msk [tilespmem:v42+s31+$0x0], $0xffff;
	v63 =	vadd.f32 v62, v18  }
0xe0: {  	v39 =	vld.idx.msk [tilespmem:v53+s31+$0x0], $0xffff;
	v53 =	vor.u32 v6, v27;
	v42 =	vor.u32 v12, v22;
	[tilespmem:v52+s23+$0x0] =	vst.idx.msk $0xffff, v61  }
0xe1: {  	s0 =	simm.s32 $0x8;
	v52 =	vor.u32 v5, v25;
	v48 =	vld.idx.msk [tilespmem:v48+s31+$0x0], $0xffff;
	v40 =	vmul.f32 $8.000000000e+00, v46;
	[tilespmem:v57+s23+$0x0] =	vst.idx.msk $0xffff, v63;
	v56 =	vmul.f32 $8.000000000e+00, v56  }
.LBB2_6:
0xe2: {  	s10 =	sadd.s32 $0x1, s0;
	v57 =	vor.u32 v4, v32;
	v58 =	vor.u32 v6, v24;
	v59 =	vor.u32 v11, v20  }
0xe3: {  	p2 =	slt.u32 s0, $0x3E;
	v55 =	vld.idx.msk [tilespmem:v55+s31+$0x0], $0xffff;
	v46 =	vmovc v27;
	v27 =	vmovc v41;
	v47 =	vmov v20;
	v20 =	vmov v25;
	v25 =	vmov v38;
	s8 =	smov.u32 s0;
	s0 =	sadd.s32 $0x2, s0  }
0xe4: {  	v41 =	vmul.f32 $8.000000000e+00, v51;
	v38 =	vadd.s32 s10, v0;
	v51 =	vadd.f32 v56, v31;
	v49 =	vld.idx.msk [tilespmem:v49+s31+$0x0], $0xffff  }
0xe5: {  	v60 =	vor.u32 v3, v30;
	s28 =	sand.u32 $0x30, s8;
	v39 =	vmul.f32 $8.000000000e+00, v39;
	v56 =	vand.u32 $0xF, v38;
	v54 =	vld.idx.msk [tilespmem:v54+s24+$0x0], $0xffff  }
0xe6: {  	v61 =	vor.u32 v0, v25;
	v48 =	vmul.f32 $8.000000000e+00, v48;
	v56 =	vor.u32 s28, v56;
	[tilespmem:v52+s23+$0x0] =	vst.idx.msk $0xffff, v51  }
0xe7: {  	v40 =	vadd.f32 v40, v16;
	v16 =	vmovc v19;
	v19 =	vmovc v31;
	v38 =	vand.u32 $0x7, v38;
	v51 =	vand.u32 $0x38, v56;
	v52 =	vld.idx.msk [tilespmem:v53+s31+$0x0], $0xffff  }
0xe8: {  	v31 =	vadd.f32 v48, v16;
	v38 =	vor.u32 v38, v51;
	v51 =	vshll.u32 v56, $0x7;
	[tilespmem:v35+s23+$0x0] =	vst.idx.msk $0xffff, v44  }
0xe9: {  	v53 =	vmul.f32 $8.000000000e+00, v55;
	v35 =	vmovc v36;
	v44 =	vor.u32 v26, v38;
	v48 =	vor.u32 v1, v38;
	v55 =	vld.idx.msk [tilespmem:v58+s31+$0x0], $0xffff  }
0xea: {  	v41 =	vadd.f32 v41, v33;
	v39 =	vadd.f32 v39, v17;
	v49 =	vmul.f32 $8.000000000e+00, v49;
	[tilespmem:v59+s23+$0x0] =	vst.idx.msk $0xffff, v31  }
0xeb: {  	v36 =	vor.u32 v5, v51;
	v53 =	vadd.f32 v53, v54;
	v45 =	vld.idx.msk [tilespmem:v45+s31+$0x0], $0xffff;
	[tilespmem:v37+s23+$0x0] =	vst.idx.msk $0xffff, v40  }
0xec: {  	v37 =	vor.u32 v7, v20;
	v40 =	vadd.f32 v49, v18;
	v31 =	vmov v54;
	[tilespmem:v60+s23+$0x0] =	vst.idx.msk $0xffff, v41  }
0xed: {  	v17 =	vmov v18;
	v49 =	vmul.f32 $8.000000000e+00, v52;
	v52 =	vor.u32 v8, v46;
	[tilespmem:v61+s23+$0x0] =	vst.idx.msk $0xffff, v53;
	v41 =	vld.idx.msk [tilespmem:v57+s31+$0x0], $0xffff  }
0xee: {  	v54 =	vor.u32 v8, v24;
	v53 =	vor.u32 v7, v23;
	v50 =	vld.idx.msk [tilespmem:v50+s31+$0x0], $0xffff;
	[tilespmem:v43+s23+$0x0] =	vst.idx.msk $0xffff, v40  }
0xef: {  	v18 =	vmov v29;
	v40 =	vadd.f32 v49, v19;
	v43 =	vmul.f32 $8.000000000e+00, v55;
	v42 =	vld.idx.msk [tilespmem:v42+s31+$0x0], $0xffff;
	[tilespmem:v34+s23+$0x0] =	vst.idx.msk $0xffff, v39  }
0xf0: {  	v39 =	vor.u32 v13, v21;
	v34 =	vor.u32 v15, v21;
	v29 =	vld.idx.msk [tilespmem:v48+s31+$0x0], $0xffff;
	v48 =	vor.u32 v14, v22  }
0xf1: {  	v28 =	vor.u32 v14, v28;
	v21 =	vadd.f32 v43, v18;
	v56 =	vld.idx.msk [tilespmem:v44+s24+$0x0], $0xffff;
	[tilespmem:v37+s23+$0x0] =	vst.idx.msk $0xffff, v40  }
0xf2: {  	v49 =	vor.u32 v13, v47;
	v43 =	vor.u32 v10, v46;
	v37 =	vor.u32 v2, v38;
	v40 =	vld.idx.msk [tilespmem:v52+s31+$0x0], $0xffff  }
0xf3: {  	v55 =	vmul.f32 $8.000000000e+00, v45;
	v22 =	vmovc v24;
	v52 =	vor.u32 v3, v25;
	v41 =	vmul.f32 $8.000000000e+00, v41;
	[tilespmem:v53+s23+$0x0] =	vst.idx.msk $0xffff, v21  }
0xf4: {  	v45 =	vor.u32 v0, v51;
	v24 =	vmovc v32;
	v50 =	vmul.f32 $8.000000000e+00, v50;
	v53 =	vor.u32 v4, v27;
	v54 =	vld.idx.msk [tilespmem:v54+s31+$0x0], $0xffff  }
0xf5: {  	v32 =	vmovc v38;
	v44 =	vadd.f32 v41, v33;
	v41 =	vadd.f32 v55, v16;
	v42 =	vmul.f32 $8.000000000e+00, v42;
	v21 =	vmovc v23  }
0xf6: {  	v38 =	vadd.s32 s8, v0;
	v23 =	vmovc v30;
	v30 =	vmovc v51;
	v29 =	vmul.f32 $8.000000000e+00, v29;
	v50 =	vadd.f32 v50, v31  }
0xf7: {  	v57 =	vor.u32 v9, v20;
	v51 =	vand.u32 $0xF, v38;
	[tilespmem:v49+s23+$0x0] =	vst.idx.msk $0xffff, v41;
	v41 =	vadd.f32 v42, v17  }
0xf8: {  	v42 =	vor.u32 s28, v51;
	v59 =	vadd.f32 v29, v56;
	v40 =	vmul.f32 $8.000000000e+00, v40;
	[tilespmem:v52+s23+$0x0] =	vst.idx.msk $0xffff, v50;
	v28 =	vld.idx.msk [tilespmem:v28+s31+$0x0], $0xffff  }
0xf9: {  	v38 =	vand.u32 $0x7, v38;
	v58 =	vor.u32 v9, v21;
	v49 =	vand.u32 $0x38, v42;
	v53 =	vld.idx.msk [tilespmem:v53+s31+$0x0], $0xffff;
	[tilespmem:v39+s23+$0x0] =	vst.idx.msk $0xffff, v41  }
0xfa: {  	v41 =	vor.u32 v38, v49;
	v38 =	vshll.u32 v42, $0x7;
	v39 =	vadd.f32 v40, v19;
	[tilespmem:v45+s23+$0x0] =	vst.idx.msk $0xffff, v59  }
.Ltmp4:
0xfb: {  	v40 =	vmul.f32 $8.000000000e+00, v54;
	v29 =	vmovc v33;
	v55 =	vor.u32 v1, v41;
	v50 =	vor.u32 v2, v41;
	v51 =	vld.idx.msk [tilespmem:v37+s31+$0x0], $0xffff;
	(pc) =	sbr.rel @p2 .LBB2_6-.Ltmp4, $4  }
0xfc: {  	v49 =	vor.u32 v10, v22;
	v37 =	vor.u32 v15, v47;
	[tilespmem:v57+s23+$0x0] =	vst.idx.msk $0xffff, v39;
	v39 =	vld.idx.msk [tilespmem:v48+s31+$0x0], $0xffff  }
0xfd: {  	v42 =	vor.u32 v12, v22;
	v54 =	vor.u32 v26, v41;
	v47 =	vadd.f32 v40, v18;
	v48 =	vld.idx.msk [tilespmem:v43+s31+$0x0], $0xffff  }
0xfe: {  	v52 =	vor.u32 v5, v25;
	v33 =	vmovc v56;
	v43 =	vor.u32 v11, v21;
	v40 =	vmul.f32 $8.000000000e+00, v28;
	v28 =	vmovc v46  }
0xff: {  	v56 =	vmul.f32 $8.000000000e+00, v53;
	v53 =	vor.u32 v6, v27;
	v45 =	vor.u32 v12, v28;
	[tilespmem:v58+s23+$0x0] =	vst.idx.msk $0xffff, v47  }
0x100: {  	_ =	sdelay $0x3  }
0x101: {  	v46 =	vld.idx.msk [tilespmem:v55+s31+$0x0], $0xffff;
	_ =	sdelay $0x1  }
0x102: {  	v26 =	vld.idx.msk [tilespmem:v54+s24+$0x0], $0xffff;
	_ =	sdelay $0x1  }
0x103: {  	v47 =	vor.u32 v0, v38  }
0x104: {  	v46 =	vmul.f32 $8.000000000e+00, v46;
	_ =	sdelay $0x1  }
0x105: {  	v46 =	vadd.f32 v46, v26;
	_ =	sdelay $0x1  }
0x106: {  	[tilespmem:v47+s23+$0x0] =	vst.idx.msk $0xffff, v46  }
0x107: {  	v46 =	vld.idx.msk [tilespmem:v50+s31+$0x0], $0xffff;
	_ =	sdelay $0x3  }
0x108: {  	v58 =	vor.u32 v3, v38  }
0x109: {  	v59 =	vor.u32 v3, v30;
	v60 =	vor.u32 v4, v41;
	v46 =	vmul.f32 $8.000000000e+00, v46  }
0x10a: {  	v61 =	vor.u32 v4, v32;
	v51 =	vmul.f32 $8.000000000e+00, v51  }
0x10b: {  	v46 =	vadd.f32 v46, v26  }
0x10c: {  	v51 =	vadd.f32 v51, v33  }
0x10d: {  	[tilespmem:v58+s23+$0x0] =	vst.idx.msk $0xffff, v46  }
0x10e: {  	[tilespmem:v59+s23+$0x0] =	vst.idx.msk $0xffff, v51;
	v46 =	vld.idx.msk [tilespmem:v60+s31+$0x0], $0xffff  }
0x10f: {  	v62 =	vld.idx.msk [tilespmem:v61+s31+$0x0], $0xffff  }
0x110: {  	v57 =	vor.u32 v6, v24  }
0x111: {  	v63 =	vadd.f32 v56, v31  }
0x112: {  	v58 =	vor.u32 v5, v38  }
0x113: {  	[tilespmem:v52+s23+$0x0] =	vst.idx.msk $0xffff, v63;
	v59 =	vor.u32 v6, v41;
	v46 =	vmul.f32 $8.000000000e+00, v46  }
0x114: {  	[tilespmem:v35+s23+$0x0] =	vst.idx.msk $0xffff, v44;
	v52 =	vld.idx.msk [tilespmem:v53+s31+$0x0], $0xffff;
	v47 =	vmul.f32 $8.000000000e+00, v62;
	v60 =	vor.u32 v6, v32  }
0x115: {  	v44 =	vld.idx.msk [tilespmem:v57+s31+$0x0], $0xffff;
	v46 =	vadd.f32 v46, v26  }
0x116: {  	v61 =	vadd.f32 v47, v33  }
0x117: {  	[tilespmem:v58+s23+$0x0] =	vst.idx.msk $0xffff, v46  }
0x118: {  	v62 =	vor.u32 v7, v25;
	[tilespmem:v36+s23+$0x0] =	vst.idx.msk $0xffff, v61;
	v63 =	vld.idx.msk [tilespmem:v59+s31+$0x0], $0xffff  }
0x119: {  	v57 =	vor.u32 v8, v27;
	v56 =	vmul.f32 $8.000000000e+00, v52;
	v50 =	vld.idx.msk [tilespmem:v60+s31+$0x0], $0xffff  }
0x11a: {  	v44 =	vmul.f32 $8.000000000e+00, v44;
	v58 =	vor.u32 v7, v23  }
0x11b: {  	v35 =	vadd.f32 v56, v31;
	v59 =	vor.u32 v8, v24  }
0x11c: {  	v44 =	vadd.f32 v44, v29;
	v60 =	vor.u32 v7, v38  }
0x11d: {  	[tilespmem:v62+s23+$0x0] =	vst.idx.msk $0xffff, v35;
	v62 =	vor.u32 v8, v41;
	v61 =	vmul.f32 $8.000000000e+00, v63;
	v63 =	vor.u32 v7, v30  }
0x11e: {  	v36 =	vld.idx.msk [tilespmem:v57+s31+$0x0], $0xffff;
	v57 =	vor.u32 v8, v32;
	v50 =	vmul.f32 $8.000000000e+00, v50  }
0x11f: {  	[tilespmem:v58+s23+$0x0] =	vst.idx.msk $0xffff, v44;
	v35 =	vadd.f32 v61, v26  }
0x120: {  	v58 =	vadd.f32 v50, v33;
	v59 =	vld.idx.msk [tilespmem:v59+s31+$0x0], $0xffff  }
0x121: {  	[tilespmem:v60+s23+$0x0] =	vst.idx.msk $0xffff, v35  }
0x122: {  	v35 =	vld.idx.msk [tilespmem:v62+s31+$0x0], $0xffff;
	[tilespmem:v63+s23+$0x0] =	vst.idx.msk $0xffff, v58  }
0x123: {  	v60 =	vor.u32 v9, v25;
	v61 =	vld.idx.msk [tilespmem:v57+s31+$0x0], $0xffff  }
0x124: {  	v47 =	vor.u32 v10, v27;
	v36 =	vmul.f32 $8.000000000e+00, v36;
	v62 =	vor.u32 v9, v23  }
0x125: {  	v50 =	vmul.f32 $8.000000000e+00, v59;
	v63 =	vor.u32 v10, v24  }
0x126: {  	v54 =	vor.u32 v10, v41;
	v36 =	vadd.f32 v36, v31;
	v57 =	vor.u32 v9, v38  }
0x127: {  	v55 =	vor.u32 v9, v30;
	v58 =	vadd.f32 v50, v29;
	v35 =	vmul.f32 $8.000000000e+00, v35  }
0x128: {  	v49 =	vld.idx.msk [tilespmem:v49+s31+$0x0], $0xffff;
	[tilespmem:v60+s23+$0x0] =	vst.idx.msk $0xffff, v36;
	v60 =	vor.u32 v10, v32;
	v59 =	vmul.f32 $8.000000000e+00, v61  }
0x129: {  	v47 =	vld.idx.msk [tilespmem:v47+s31+$0x0], $0xffff;
	[tilespmem:v62+s23+$0x0] =	vst.idx.msk $0xffff, v58;
	v61 =	vor.u32 v11, v20;
	v35 =	vadd.f32 v35, v26  }
0x12a: {  	v48 =	vmul.f32 $8.000000000e+00, v48;
	v63 =	vld.idx.msk [tilespmem:v63+s31+$0x0], $0xffff;
	v62 =	vadd.f32 v59, v33  }
0x12b: {  	[tilespmem:v57+s23+$0x0] =	vst.idx.msk $0xffff, v35  }
0x12c: {  	v56 =	vadd.f32 v48, v19;
	v58 =	vld.idx.msk [tilespmem:v54+s31+$0x0], $0xffff;
	[tilespmem:v55+s23+$0x0] =	vst.idx.msk $0xffff, v62  }
0x12d: {  	v59 =	vor.u32 v11, v25;
	v57 =	vmul.f32 $8.000000000e+00, v49;
	v46 =	vld.idx.msk [tilespmem:v60+s31+$0x0], $0xffff  }
0x12e: {  	v51 =	vor.u32 v11, v23;
	v47 =	vmul.f32 $8.000000000e+00, v47;
	[tilespmem:v61+s23+$0x0] =	vst.idx.msk $0xffff, v56;
	v61 =	vor.u32 v12, v27  }
0x12f: {  	v44 =	vor.u32 v11, v38;
	v60 =	vadd.f32 v57, v18;
	v63 =	vmul.f32 $8.000000000e+00, v63  }
0x130: {  	v50 =	vor.u32 v12, v24;
	v56 =	vor.u32 v12, v41;
	v45 =	vld.idx.msk [tilespmem:v45+s31+$0x0], $0xffff;
	v62 =	vadd.f32 v47, v31  }
0x131: {  	v47 =	vor.u32 v11, v30;
	[tilespmem:v43+s23+$0x0] =	vst.idx.msk $0xffff, v60;
	v57 =	vadd.f32 v63, v29;
	v49 =	vmul.f32 $8.000000000e+00, v58  }
0x132: {  	v42 =	vld.idx.msk [tilespmem:v42+s31+$0x0], $0xffff;
	[tilespmem:v59+s23+$0x0] =	vst.idx.msk $0xffff, v62;
	v58 =	vor.u32 v12, v32;
	v59 =	vmul.f32 $8.000000000e+00, v46  }
0x133: {  	v60 =	vld.idx.msk [tilespmem:v61+s31+$0x0], $0xffff;
	v61 =	vadd.f32 v49, v26  }
0x134: {  	v28 =	vor.u32 v14, v28;
	[tilespmem:v51+s23+$0x0] =	vst.idx.msk $0xffff, v57;
	v62 =	vadd.f32 v59, v33  }
0x135: {  	v22 =	vor.u32 v14, v22;
	v24 =	vor.u32 v14, v24;
	v53 =	vld.idx.msk [tilespmem:v50+s31+$0x0], $0xffff;
	[tilespmem:v44+s23+$0x0] =	vst.idx.msk $0xffff, v61  }
0x136: {  	v63 =	vor.u32 v13, v20;
	v45 =	vmul.f32 $8.000000000e+00, v45;
	v44 =	vld.idx.msk [tilespmem:v56+s31+$0x0], $0xffff;
	[tilespmem:v47+s23+$0x0] =	vst.idx.msk $0xffff, v62  }
0x137: {  	v54 =	vor.u32 v13, v21;
	v55 =	vor.u32 v13, v25;
	v27 =	vor.u32 v14, v27;
	v36 =	vld.idx.msk [tilespmem:v58+s31+$0x0], $0xffff  }
0x138: {  	v59 =	vor.u32 v13, v38;
	v42 =	vmul.f32 $8.000000000e+00, v42;
	v45 =	vadd.f32 v45, v19  }
0x139: {  	v61 =	vor.u32 v14, v41;
	v56 =	vor.u32 v13, v23;
	v46 =	vmul.f32 $8.000000000e+00, v60  }
0x13a: {  	v42 =	vadd.f32 v42, v18;
	v58 =	vmul.f32 $8.000000000e+00, v53;
	v60 =	vor.u32 v13, v30  }
0x13b: {  	[tilespmem:v63+s23+$0x0] =	vst.idx.msk $0xffff, v45;
	v63 =	vor.u32 v14, v32;
	v57 =	vadd.f32 v46, v31;
	v44 =	vmul.f32 $8.000000000e+00, v44  }
0x13c: {  	v28 =	vld.idx.msk [tilespmem:v28+s31+$0x0], $0xffff;
	[tilespmem:v54+s23+$0x0] =	vst.idx.msk $0xffff, v42;
	v62 =	vadd.f32 v58, v29;
	v36 =	vmul.f32 $8.000000000e+00, v36  }
0x13d: {  	v22 =	vld.idx.msk [tilespmem:v22+s31+$0x0], $0xffff;
	[tilespmem:v55+s23+$0x0] =	vst.idx.msk $0xffff, v57;
	v45 =	vadd.f32 v44, v26  }
0x13e: {  	[tilespmem:v56+s23+$0x0] =	vst.idx.msk $0xffff, v62;
	v27 =	vld.idx.msk [tilespmem:v27+s31+$0x0], $0xffff;
	v47 =	vadd.f32 v36, v33  }
0x13f: {  	v24 =	vld.idx.msk [tilespmem:v24+s31+$0x0], $0xffff;
	[tilespmem:v59+s23+$0x0] =	vst.idx.msk $0xffff, v45  }
0x140: {  	v48 =	vmul.f32 $8.000000000e+00, v39;
	v20 =	vor.u32 v15, v20;
	v50 =	vld.idx.msk [tilespmem:v61+s31+$0x0], $0xffff;
	[tilespmem:v60+s23+$0x0] =	vst.idx.msk $0xffff, v47  }
0x141: {  	v16 =	vadd.f32 v40, v16;
	v21 =	vor.u32 v15, v21;
	v28 =	vmul.f32 $8.000000000e+00, v28;
	v32 =	vld.idx.msk [tilespmem:v63+s31+$0x0], $0xffff  }
0x142: {  	v17 =	vadd.f32 v48, v17;
	v25 =	vor.u32 v15, v25;
	v22 =	vmul.f32 $8.000000000e+00, v22  }
0x143: {  	[tilespmem:v37+s23+$0x0] =	vst.idx.msk $0xffff, v16;
	v16 =	vadd.f32 v28, v19;
	v19 =	vor.u32 v15, v23;
	v23 =	vmul.f32 $8.000000000e+00, v27  }
0x144: {  	[tilespmem:v34+s23+$0x0] =	vst.idx.msk $0xffff, v17;
	v17 =	vadd.f32 v22, v18;
	v18 =	vmul.f32 $8.000000000e+00, v24;
	v22 =	vor.u32 v15, v38  }
0x145: {  	[tilespmem:v20+s23+$0x0] =	vst.idx.msk $0xffff, v16;
	v20 =	vor.u32 v15, v30;
	v16 =	vadd.f32 v23, v31;
	v23 =	vmul.f32 $8.000000000e+00, v50  }
0x146: {  	[tilespmem:v21+s23+$0x0] =	vst.idx.msk $0xffff, v17;
	v17 =	vadd.f32 v18, v29;
	v18 =	vmul.f32 $8.000000000e+00, v32  }
0x147: {  	s0 =	sshll.u32 s7, $0x14;
	[tilespmem:v25+s23+$0x0] =	vst.idx.msk $0xffff, v16;
	v16 =	vadd.f32 v23, v26  }
0x148: {  	s0 =	sor.u32 s15, s0;
	[tilespmem:v19+s23+$0x0] =	vst.idx.msk $0xffff, v17;
	v17 =	vadd.f32 v18, v33  }
0x149: {  	s0 =	sshrl.u32 s0, $0x3;
	[tilespmem:v22+s23+$0x0] =	vst.idx.msk $0xffff, v16  }
0x14a: {  	s8 =	sadd.s32 s2, s0;
	[tilespmem:v20+s23+$0x0] =	vst.idx.msk $0xffff, v17  }
0x14b: {  	[hbm4b:s8+s3] =	stream.linear.scatter [tilespmem:s23], [sflag:$0x9], $0x400, $0x38;
	[tilespmem:$0xF400] =	vst v63  }
0x14c: {  	s10 =	simm.s32 $0x8600;
	s8 =	sadd.s32 s0, s16  }
0x14d: {  	[hbm4b:s8+s3] =	stream.linear.scatter [tilespmem:s10], [sflag:$0x9], $0x400, $0x38;
	[tilespmem:$0xF400] =	vst v63  }
0x14e: {  	s8 =	sadd.s32 s0, s17;
	s10 =	simm.s32 $0x8A00  }
0x14f: {  	[hbm4b:s8+s3] =	stream.linear.scatter [tilespmem:s10], [sflag:$0x9], $0x400, $0x38;
	[tilespmem:$0xF400] =	vst v63  }
0x150: {  	s8 =	sadd.s32 s0, s18;
	s10 =	simm.s32 $0x8E00  }
0x151: {  	[hbm4b:s8+s3] =	stream.linear.scatter [tilespmem:s10], [sflag:$0x9], $0x400, $0x38;
	[tilespmem:$0xF400] =	vst v63  }
0x152: {  	s8 =	sadd.s32 s0, s19;
	s10 =	simm.s32 $0x9200  }
0x153: {  	[hbm4b:s8+s3] =	stream.linear.scatter [tilespmem:s10], [sflag:$0x9], $0x400, $0x38;
	[tilespmem:$0xF400] =	vst v63  }
0x154: {  	s8 =	sadd.s32 s0, s20;
	s10 =	simm.s32 $0x9600  }
0x155: {  	[hbm4b:s8+s3] =	stream.linear.scatter [tilespmem:s10], [sflag:$0x9], $0x400, $0x38;
	[tilespmem:$0xF400] =	vst v63  }
0x156: {  	s8 =	sadd.s32 s0, s21;
	s10 =	simm.s32 $0x9A00  }
0x157: {  	[hbm4b:s8+s3] =	stream.linear.scatter [tilespmem:s10], [sflag:$0x9], $0x400, $0x38;
	[tilespmem:$0xF400] =	vst v63  }
0x158: {  	s0 =	sadd.s32 s0, s22;
	s10 =	simm.s32 $0x9E00  }
0x159: {  	[hbm4b:s0+s3] =	stream.linear.scatter [tilespmem:s10], [sflag:$0x9], $0x400, $0x38;
	[tilespmem:$0xF400] =	vst v63  }
0x15a: {  	s0 =	simm.s32 @!p0 $0x1  }
0x15b: {  	_ =	swait.ge @!p0 [sflag:s0], $0x80  }
0x15c: {  	s8 =	simm.s32 @!p0 $0x0;
	[sflag:s0] =	ssyncset.done @!p0 $0x0  }
0x15d: {  	s10 =	simm.s32 @!p0 $0x200;
	[sflag:s0] =	ssyncadd.s32 @!p0 $0xFFFFFF80;
	s0 =	simm.s32 @!p0 $0x80  }
0x15e: {  	[tilespmem:s10], [sflag:$0x5] =	stream.indirect.gather @!p0 [hbm4b:s6+s0], $0x40, s8, s0, $0xb8;
	[tilespmem:$0xF400] =	vst v63  }
0x15f: {  	_ =	swait.ge [sflag:s11], $0x2000  }
0x160: {  	s10 =	rddreg [dreg:$0x9]  }
0x161: {  	s10 =	sadd.s32 @!p0 s10, s25  }
0x162: {  	[sflag:s11] =	ssyncset.done $0x0;
	s10 =	sshrl.u32 @!p0 s10, $0x3  }
0x163: {  	[sflag:s11] =	ssyncadd.s32 $0xFFFFE000;
	s10 =	sadd.s32 @!p0 s4, s10  }
0x164: {  	[tilespmem:s0], [sflag:$0x2] =	stream.linear.gather @!p0 [hbm4b:s10+s8], $0x80, $0x38;
	[tilespmem:$0xF400] =	vst v63  }
0x165: {  	s8 =	simm.s32 @!p1 $0xA  }
0x166: {  	_ =	swait.ge @!p1 [sflag:s8], $0x400  }
0x167: {  	[sflag:s8] =	ssyncset.done @!p1 $0x0  }
0x168: {  	[sflag:s8] =	ssyncadd.s32 @!p1 $0xFFFFFC00  }
0x169: {  	_ =	swait.ge @!p1 [sflag:s8], $0x400  }
0x16a: {  	[sflag:s8] =	ssyncset.done @!p1 $0x0  }
0x16b: {  	[sflag:s8] =	ssyncadd.s32 @!p1 $0xFFFFFC00  }
0x16c: {  	_ =	swait.ge @!p1 [sflag:s8], $0x400  }
0x16d: {  	[sflag:s8] =	ssyncset.done @!p1 $0x0  }
0x16e: {  	[sflag:s8] =	ssyncadd.s32 @!p1 $0xFFFFFC00  }
0x16f: {  	_ =	swait.ge @!p1 [sflag:s8], $0x400  }
0x170: {  	[sflag:s8] =	ssyncset.done @!p1 $0x0  }
0x171: {  	[sflag:s8] =	ssyncadd.s32 @!p1 $0xFFFFFC00  }
0x172: {  	_ =	swait.ge @!p1 [sflag:s8], $0x400  }
0x173: {  	s0 =	simm.s32 $0x0;
	[sflag:s8] =	ssyncset.done @!p1 $0x0  }
0x174: {  	s10 =	simm.s32 $0x1;
	v16 =	vadd.s32 s0, v0;
	[sflag:s8] =	ssyncadd.s32 @!p1 $0xFFFFFC00  }
0x175: {  	v17 =	vadd.s32 s10, v0;
	s0 =	sand.u32 $0x30, s0;
	v18 =	vand.u32 $0xF, v16;
	_ =	swait.ge @!p1 [sflag:s8], $0x400  }
0x176: {  	v19 =	vand.u32 $0xF, v17;
	v18 =	vor.u32 s0, v18;
	[sflag:s8] =	ssyncset.done @!p1 $0x0  }
0x177: {  	v16 =	vand.u32 $0x7, v16;
	v19 =	vor.u32 s0, v19;
	v20 =	vand.u32 $0x38, v18;
	[sflag:s8] =	ssyncadd.s32 @!p1 $0xFFFFFC00  }
0x178: {  	v17 =	vand.u32 $0x7, v17;
	s0 =	sor.u32 $0x1, s30;
	v21 =	vand.u32 $0x38, v19;
	v38 =	vor.u32 v16, v20;
	_ =	swait.ge @!p1 [sflag:s8], $0x400  }
0x179: {  	s10 =	sshll.u32 s0, $0x6;
	v33 =	vor.u32 v17, v21;
	v16 =	vor.u32 v1, v38;
	[sflag:s8] =	ssyncset.done @!p1 $0x0  }
0x17a: {  	v26 =	vmov s10;
	v17 =	vor.u32 v1, v33;
	[sflag:s8] =	ssyncadd.s32 @!p1 $0xFFFFFC00  }
0x17b: {  	v20 =	vor.u32 v26, v38;
	_ =	swait.ge @!p1 [sflag:s8], $0x400  }
0x17c: {  	[sflag:s8] =	ssyncset.done @!p1 $0x0  }
0x17d: {  	v21 =	vor.u32 v26, v33;
	[sflag:s8] =	ssyncadd.s32 @!p1 $0xFFFFFC00  }
0x17e: {  	v22 =	vld.idx.msk [tilespmem:v16+s1+$0x0], $0xffff  }
0x17f: {  	v23 =	vld.idx.msk [tilespmem:v17+s1+$0x0], $0xffff  }
0x180: {  	v16 =	vld.idx.msk [tilespmem:v20+s24+$0x0], $0xffff  }
0x181: {  	v37 =	vshll.u32 v18, $0x7  }
0x182: {  	v18 =	vor.u32 v0, v37;
	v17 =	vld.idx.msk [tilespmem:v21+s24+$0x0], $0xffff  }
0x183: {  	v34 =	vshll.u32 v19, $0x7;
	v19 =	vor.u32 v2, v38;
	v20 =	vmul.f32 $8.000000000e+00, v22  }
0x184: {  	s8 =	simm.s32 $0x3;
	v21 =	vor.u32 v2, v33;
	v22 =	vor.u32 v0, v34  }
0x185: {  	s10 =	simm.s32 $0x2;
	v24 =	vadd.s32 s8, v0;
	v23 =	vmul.f32 $8.000000000e+00, v23;
	v20 =	vadd.f32 v20, v16  }
0x186: {  	s8 =	sand.u32 $0x30, s10;
	v25 =	vand.u32 $0xF, v24  }
0x187: {  	v25 =	vor.u32 s8, v25;
	v23 =	vadd.f32 v23, v17;
	[tilespmem:v18+s12+$0x0] =	vst.idx.msk $0xffff, v20  }
0x188: {  	v18 =	vand.u32 $0x38, v25;
	v20 =	vand.u32 $0x7, v24;
	v19 =	vld.idx.msk [tilespmem:v19+s1+$0x0], $0xffff  }
0x189: {  	[tilespmem:v22+s12+$0x0] =	vst.idx.msk $0xffff, v23;
	v22 =	vor.u32 v20, v18  }
0x18a: {  	v18 =	vld.idx.msk [tilespmem:v21+s1+$0x0], $0xffff;
	v20 =	vor.u32 v1, v22;
	_ =	sdelay $0x1  }
0x18b: {  	v23 =	vor.u32 v3, v37;
	v21 =	vor.u32 v26, v22  }
0x18c: {  	v24 =	vor.u32 v4, v38;
	v19 =	vmul.f32 $8.000000000e+00, v19  }
0x18d: {  	v28 =	vor.u32 v3, v34;
	v27 =	vor.u32 v4, v33;
	v29 =	vadd.s32 s10, v0  }
0x18e: {  	v18 =	vmul.f32 $8.000000000e+00, v18;
	v30 =	vld.idx.msk [tilespmem:v20+s1+$0x0], $0xffff;
	v20 =	vand.u32 $0xF, v29;
	v19 =	vadd.f32 v19, v16  }
0x18f: {  	v31 =	vor.u32 s8, v20  }
0x190: {  	v51 =	vadd.f32 v18, v17;
	v18 =	vld.idx.msk [tilespmem:v21+s24+$0x0], $0xffff;
	v21 =	vand.u32 $0x7, v29;
	[tilespmem:v23+s12+$0x0] =	vst.idx.msk $0xffff, v19;
	v19 =	vand.u32 $0x38, v31  }
0x191: {  	v20 =	vshll.u32 v25, $0x7;
	v23 =	vld.idx.msk [tilespmem:v24+s1+$0x0], $0xffff;
	v29 =	vor.u32 v21, v19  }
0x192: {  	[tilespmem:v28+s12+$0x0] =	vst.idx.msk $0xffff, v51;
	v19 =	vor.u32 v0, v20;
	v21 =	vor.u32 v1, v29  }
0x193: {  	v25 =	vor.u32 v2, v22;
	v24 =	vld.idx.msk [tilespmem:v27+s1+$0x0], $0xffff;
	v27 =	vmul.f32 $8.000000000e+00, v30  }
0x194: {  	v28 =	vor.u32 v26, v29  }
0x195: {  	v30 =	vor.u32 v5, v37;
	v27 =	vadd.f32 v27, v18  }
0x196: {  	v52 =	vor.u32 v6, v38;
	v23 =	vmul.f32 $8.000000000e+00, v23  }
0x197: {  	[tilespmem:v19+s12+$0x0] =	vst.idx.msk $0xffff, v27;
	v27 =	vld.idx.msk [tilespmem:v21+s1+$0x0], $0xffff  }
0x198: {  	v53 =	vor.u32 v5, v34;
	v21 =	vmul.f32 $8.000000000e+00, v24;
	v24 =	vld.idx.msk [tilespmem:v25+s1+$0x0], $0xffff;
	v23 =	vadd.f32 v23, v16  }
0x199: {  	s8 =	simm.s32 $0x5;
	v25 =	vor.u32 v6, v33;
	v19 =	vld.idx.msk [tilespmem:v28+s24+$0x0], $0xffff  }
0x19a: {  	s10 =	simm.s32 $0x4;
	v28 =	vadd.f32 v21, v17;
	v21 =	vshll.u32 v31, $0x7;
	v31 =	vadd.s32 s8, v0;
	[tilespmem:v30+s12+$0x0] =	vst.idx.msk $0xffff, v23  }
0x19b: {  	v55 =	vor.u32 v4, v22;
	s8 =	sand.u32 $0x30, s10;
	v30 =	vand.u32 $0xF, v31;
	v54 =	vor.u32 v0, v21;
	v32 =	vld.idx.msk [tilespmem:v52+s1+$0x0], $0xffff  }
0x19c: {  	v56 =	vor.u32 v3, v20;
	v30 =	vor.u32 s8, v30;
	v27 =	vmul.f32 $8.000000000e+00, v27  }
0x19d: {  	v23 =	vor.u32 v2, v29;
	v31 =	vand.u32 $0x7, v31;
	[tilespmem:v53+s12+$0x0] =	vst.idx.msk $0xffff, v28;
	v57 =	vand.u32 $0x38, v30  }
0x19e: {  	v28 =	vmul.f32 $8.000000000e+00, v24;
	v25 =	vld.idx.msk [tilespmem:v25+s1+$0x0], $0xffff;
	v24 =	vor.u32 v31, v57;
	v27 =	vadd.f32 v27, v19  }
0x19f: {  	v58 =	vor.u32 v7, v37;
	v61 =	vor.u32 v7, v34;
	v31 =	vor.u32 v1, v24  }
0x1a0: {  	v59 =	vor.u32 v8, v38;
	v28 =	vadd.f32 v28, v18;
	[tilespmem:v54+s12+$0x0] =	vst.idx.msk $0xffff, v27;
	v27 =	vmul.f32 $8.000000000e+00, v32  }
0x1a1: {  	v62 =	vor.u32 v8, v33;
	v47 =	vor.u32 v12, v33;
	v60 =	vor.u32 v26, v24  }
0x1a2: {  	v48 =	vadd.s32 s10, v0;
	[tilespmem:v56+s12+$0x0] =	vst.idx.msk $0xffff, v28;
	v23 =	vld.idx.msk [tilespmem:v23+s1+$0x0], $0xffff;
	v27 =	vadd.f32 v27, v16  }
0x1a3: {  	v35 =	vand.u32 $0x7, v48;
	v45 =	vor.u32 v5, v20;
	v39 =	vld.idx.msk [tilespmem:v55+s1+$0x0], $0xffff;
	v25 =	vmul.f32 $8.000000000e+00, v25  }
0x1a4: {  	v51 =	vor.u32 v10, v38;
	v50 =	vor.u32 v4, v29;
	v31 =	vld.idx.msk [tilespmem:v31+s1+$0x0], $0xffff;
	[tilespmem:v58+s12+$0x0] =	vst.idx.msk $0xffff, v27  }
0x1a5: {  	v63 =	vor.u32 v3, v21;
	v52 =	vand.u32 $0xF, v48;
	v25 =	vadd.f32 v25, v17;
	v27 =	vld.idx.msk [tilespmem:v59+s1+$0x0], $0xffff  }
0x1a6: {  	v53 =	vor.u32 v9, v37;
	v41 =	vor.u32 s8, v52;
	v57 =	vor.u32 v9, v34;
	v28 =	vld.idx.msk [tilespmem:v60+s24+$0x0], $0xffff  }
0x1a7: {  	v44 =	vor.u32 v4, v24;
	[tilespmem:v61+s12+$0x0] =	vst.idx.msk $0xffff, v25;
	v49 =	vmul.f32 $8.000000000e+00, v23;
	v23 =	vshll.u32 v30, $0x7  }
0x1a8: {  	v61 =	vor.u32 v5, v21;
	v30 =	vor.u32 v2, v24;
	v40 =	vld.idx.msk [tilespmem:v62+s1+$0x0], $0xffff;
	v25 =	vor.u32 v0, v23  }
0x1a9: {  	v55 =	vmul.f32 $8.000000000e+00, v39;
	v36 =	vadd.f32 v49, v19;
	v31 =	vmul.f32 $8.000000000e+00, v31  }
0x1aa: {  	s10 =	simm.s32 $0x7;
	v62 =	vor.u32 v6, v29;
	v49 =	vor.u32 v6, v22;
	v54 =	vmul.f32 $8.000000000e+00, v27  }
0x1ab: {  	[tilespmem:v63+s12+$0x0] =	vst.idx.msk $0xffff, v36;
	v27 =	vand.u32 $0x38, v41;
	v31 =	vadd.f32 v31, v28;
	v63 =	vadd.s32 s10, v0  }
0x1ac: {  	v36 =	vadd.f32 v55, v18;
	v56 =	vld.idx.msk [tilespmem:v50+s1+$0x0], $0xffff;
	v27 =	vor.u32 v35, v27;
	v42 =	vand.u32 $0x7, v63  }
0x1ad: {  	v32 =	vadd.f32 v54, v16;
	v58 =	vor.u32 v1, v27;
	[tilespmem:v25+s12+$0x0] =	vst.idx.msk $0xffff, v31;
	v25 =	vmul.f32 $8.000000000e+00, v40  }
0x1ae: {  	v31 =	vor.u32 v10, v33;
	v59 =	vor.u32 v26, v27;
	[tilespmem:v45+s12+$0x0] =	vst.idx.msk $0xffff, v36;
	v30 =	vld.idx.msk [tilespmem:v30+s1+$0x0], $0xffff  }
0x1af: {  	v40 =	vor.u32 v2, v27;
	v36 =	vor.u32 v5, v23;
	v55 =	vld.idx.msk [tilespmem:v49+s1+$0x0], $0xffff;
	[tilespmem:v53+s12+$0x0] =	vst.idx.msk $0xffff, v32  }
0x1b0: {  	v49 =	vor.u32 v10, v22;
	v60 =	vadd.f32 v25, v17;
	v25 =	vshll.u32 v41, $0x7;
	v43 =	vld.idx.msk [tilespmem:v51+s1+$0x0], $0xffff  }
0x1b1: {  	v41 =	vor.u32 v12, v38;
	v38 =	vor.u32 v14, v38;
	v39 =	vmul.f32 $8.000000000e+00, v56  }
0x1b2: {  	s10 =	simm.s32 $0x6;
	v51 =	vor.u32 v11, v37;
	v54 =	vor.u32 v3, v25;
	[tilespmem:v57+s12+$0x0] =	vst.idx.msk $0xffff, v60;
	v35 =	vld.idx.msk [tilespmem:v58+s1+$0x0], $0xffff  }
0x1b3: {  	s8 =	sand.u32 $0x30, s10;
	v57 =	vand.u32 $0xF, v63;
	v60 =	vor.u32 v0, v25;
	v50 =	vld.idx.msk [tilespmem:v31+s1+$0x0], $0xffff;
	v39 =	vadd.f32 v39, v19  }
0x1b4: {  	v31 =	vld.idx.msk [tilespmem:v59+s24+$0x0], $0xffff;
	v58 =	vor.u32 v3, v23;
	v53 =	vor.u32 s8, v57;
	v30 =	vmul.f32 $8.000000000e+00, v30  }
0x1b5: {  	v63 =	vor.u32 v11, v34;
	[tilespmem:v61+s12+$0x0] =	vst.idx.msk $0xffff, v39;
	v59 =	vmul.f32 $8.000000000e+00, v43;
	v61 =	vand.u32 $0x38, v53  }
0x1b6: {  	v30 =	vadd.f32 v30, v28;
	v46 =	vld.idx.msk [tilespmem:v62+s1+$0x0], $0xffff;
	v32 =	vor.u32 v42, v61;
	v61 =	vor.u32 v7, v20  }
0x1b7: {  	v42 =	vmul.f32 $8.000000000e+00, v55;
	v55 =	vor.u32 v4, v27;
	v35 =	vmul.f32 $8.000000000e+00, v35  }
0x1b8: {  	v62 =	vadd.f32 v59, v16;
	v43 =	vor.u32 v26, v32;
	v56 =	vmul.f32 $8.000000000e+00, v50  }
0x1b9: {  	v52 =	vadd.s32 s10, v0;
	v57 =	vor.u32 v1, v32;
	[tilespmem:v58+s12+$0x0] =	vst.idx.msk $0xffff, v30;
	v35 =	vadd.f32 v35, v31  }
0x1ba: {  	v58 =	vor.u32 v7, v21;
	v39 =	vld.idx.msk [tilespmem:v44+s1+$0x0], $0xffff;
	[tilespmem:v51+s12+$0x0] =	vst.idx.msk $0xffff, v62;
	v50 =	vadd.f32 v56, v17  }
0x1bb: {  	v30 =	vshll.u32 v53, $0x7;
	v41 =	vld.idx.msk [tilespmem:v41+s1+$0x0], $0xffff;
	[tilespmem:v60+s12+$0x0] =	vst.idx.msk $0xffff, v35;
	v59 =	vmul.f32 $8.000000000e+00, v46;
	v60 =	vor.u32 v8, v29  }
0x1bc: {  	v53 =	vor.u32 v14, v33;
	v42 =	vadd.f32 v42, v18;
	[tilespmem:v63+s12+$0x0] =	vst.idx.msk $0xffff, v50;
	v40 =	vld.idx.msk [tilespmem:v40+s1+$0x0], $0xffff  }
0x1bd: {  	v62 =	vor.u32 v8, v22;
	v56 =	vor.u32 v10, v29;
	v47 =	vld.idx.msk [tilespmem:v47+s1+$0x0], $0xffff;
	v44 =	vadd.f32 v59, v19  }
0x1be: {  	v35 =	vor.u32 v5, v30;
	v50 =	vor.u32 v13, v34;
	[tilespmem:v61+s12+$0x0] =	vst.idx.msk $0xffff, v42;
	v48 =	vld.idx.msk [tilespmem:v57+s1+$0x0], $0xffff  }
0x1bf: {  	v34 =	vor.u32 v15, v34;
	v63 =	vor.u32 v13, v37;
	v33 =	vld.idx.msk [tilespmem:v43+s24+$0x0], $0xffff;
	[tilespmem:v58+s12+$0x0] =	vst.idx.msk $0xffff, v44  }
0x1c0: {  	v42 =	vor.u32 v0, v30;
	v37 =	vor.u32 v15, v37;
	v41 =	vmul.f32 $8.000000000e+00, v41;
	v46 =	vld.idx.msk [tilespmem:v60+s1+$0x0], $0xffff  }
0x1c1: {  	v43 =	vor.u32 v2, v32;
	v57 =	vor.u32 v9, v21;
	v40 =	vmul.f32 $8.000000000e+00, v40  }
0x1c2: {  	v39 =	vmul.f32 $8.000000000e+00, v39;
	v45 =	vld.idx.msk [tilespmem:v62+s1+$0x0], $0xffff;
	v41 =	vadd.f32 v41, v16;
	v47 =	vmul.f32 $8.000000000e+00, v47  }
0x1c3: {  	v59 =	vor.u32 v9, v20;
	v60 =	vmul.f32 $8.000000000e+00, v48;
	v40 =	vadd.f32 v40, v31  }
0x1c4: {  	v61 =	vand.u32 $0xF, v52;
	v44 =	vadd.f32 v39, v28;
	[tilespmem:v63+s12+$0x0] =	vst.idx.msk $0xffff, v41;
	v62 =	vadd.f32 v47, v17  }
0x1c5: {  	v63 =	vor.u32 s8, v61;
	v39 =	vadd.f32 v60, v33;
	[tilespmem:v54+s12+$0x0] =	vst.idx.msk $0xffff, v40;
	v54 =	vmul.f32 $8.000000000e+00, v46;
	v46 =	vld.idx.msk [tilespmem:v38+s1+$0x0], $0xffff  }
0x1c6: {  	v61 =	vand.u32 $0x7, v52;
	v52 =	vor.u32 v5, v25;
	v60 =	vand.u32 $0x38, v63;
	[tilespmem:v50+s12+$0x0] =	vst.idx.msk $0xffff, v62;
	v58 =	vld.idx.msk [tilespmem:v55+s1+$0x0], $0xffff  }
0x1c7: {  	v41 =	vor.u32 v61, v60;
	v38 =	vshll.u32 v63, $0x7;
	[tilespmem:v42+s12+$0x0] =	vst.idx.msk $0xffff, v39;
	v62 =	vmul.f32 $8.000000000e+00, v45  }
0x1c8: {  	v42 =	vor.u32 v12, v22;
	v55 =	vor.u32 v1, v41;
	v40 =	vadd.f32 v54, v19  }
0x1c9: {  	v45 =	vor.u32 v12, v29;
	v50 =	vor.u32 v2, v41;
	v51 =	vld.idx.msk [tilespmem:v43+s1+$0x0], $0xffff;
	v63 =	vadd.f32 v62, v18  }
0x1ca: {  	v39 =	vld.idx.msk [tilespmem:v53+s1+$0x0], $0xffff;
	v43 =	vor.u32 v11, v20;
	v54 =	vor.u32 v26, v41;
	[tilespmem:v57+s12+$0x0] =	vst.idx.msk $0xffff, v40  }
0x1cb: {  	s28 =	simm.s32 $0x8;
	v53 =	vor.u32 v6, v27;
	[tilespmem:v59+s12+$0x0] =	vst.idx.msk $0xffff, v63;
	v48 =	vld.idx.msk [tilespmem:v56+s1+$0x0], $0xffff;
	v40 =	vmul.f32 $8.000000000e+00, v46;
	v56 =	vmul.f32 $8.000000000e+00, v58  }
.LBB2_8:
0x1cc: {  	s8 =	sadd.s32 $0x1, s28;
	v57 =	vor.u32 v4, v32;
	v58 =	vor.u32 v6, v24;
	v59 =	vor.u32 v11, v21  }
0x1cd: {  	p1 =	slt.u32 s28, $0x3E;
	v55 =	vld.idx.msk [tilespmem:v55+s1+$0x0], $0xffff;
	v46 =	vmovc v27;
	v27 =	vmovc v41;
	v47 =	vmov v21;
	v21 =	vmov v25;
	v25 =	vmov v38;
	s10 =	smov.u32 s28;
	s28 =	sadd.s32 $0x2, s28  }
0x1ce: {  	v41 =	vmul.f32 $8.000000000e+00, v51;
	v38 =	vadd.s32 s8, v0;
	v51 =	vadd.f32 v56, v31;
	v49 =	vld.idx.msk [tilespmem:v49+s1+$0x0], $0xffff  }
0x1cf: {  	v60 =	vor.u32 v3, v30;
	s8 =	sand.u32 $0x30, s10;
	v39 =	vmul.f32 $8.000000000e+00, v39;
	v56 =	vand.u32 $0xF, v38;
	v54 =	vld.idx.msk [tilespmem:v54+s24+$0x0], $0xffff  }
0x1d0: {  	v61 =	vor.u32 v0, v25;
	v48 =	vmul.f32 $8.000000000e+00, v48;
	v56 =	vor.u32 s8, v56;
	[tilespmem:v52+s12+$0x0] =	vst.idx.msk $0xffff, v51  }
0x1d1: {  	v40 =	vadd.f32 v40, v16;
	v16 =	vmovc v19;
	v19 =	vmovc v31;
	v38 =	vand.u32 $0x7, v38;
	v51 =	vand.u32 $0x38, v56;
	v52 =	vld.idx.msk [tilespmem:v53+s1+$0x0], $0xffff  }
0x1d2: {  	v31 =	vadd.f32 v48, v16;
	v38 =	vor.u32 v38, v51;
	v51 =	vshll.u32 v56, $0x7;
	[tilespmem:v36+s12+$0x0] =	vst.idx.msk $0xffff, v44  }
0x1d3: {  	v53 =	vmul.f32 $8.000000000e+00, v55;
	v36 =	vmovc v35;
	v44 =	vor.u32 v26, v38;
	v48 =	vor.u32 v1, v38;
	v55 =	vld.idx.msk [tilespmem:v58+s1+$0x0], $0xffff  }
0x1d4: {  	v41 =	vadd.f32 v41, v33;
	v39 =	vadd.f32 v39, v17;
	v49 =	vmul.f32 $8.000000000e+00, v49;
	[tilespmem:v59+s12+$0x0] =	vst.idx.msk $0xffff, v31  }
0x1d5: {  	v35 =	vor.u32 v5, v51;
	v53 =	vadd.f32 v53, v54;
	v45 =	vld.idx.msk [tilespmem:v45+s1+$0x0], $0xffff;
	[tilespmem:v37+s12+$0x0] =	vst.idx.msk $0xffff, v40  }
0x1d6: {  	v37 =	vor.u32 v7, v21;
	v40 =	vadd.f32 v49, v18;
	v31 =	vmov v54;
	[tilespmem:v60+s12+$0x0] =	vst.idx.msk $0xffff, v41  }
0x1d7: {  	v17 =	vmov v18;
	v49 =	vmul.f32 $8.000000000e+00, v52;
	v52 =	vor.u32 v8, v46;
	[tilespmem:v61+s12+$0x0] =	vst.idx.msk $0xffff, v53;
	v41 =	vld.idx.msk [tilespmem:v57+s1+$0x0], $0xffff  }
0x1d8: {  	v54 =	vor.u32 v8, v24;
	v53 =	vor.u32 v7, v23;
	v50 =	vld.idx.msk [tilespmem:v50+s1+$0x0], $0xffff;
	[tilespmem:v43+s12+$0x0] =	vst.idx.msk $0xffff, v40  }
0x1d9: {  	v18 =	vmov v28;
	v40 =	vadd.f32 v49, v19;
	v43 =	vmul.f32 $8.000000000e+00, v55;
	v42 =	vld.idx.msk [tilespmem:v42+s1+$0x0], $0xffff;
	[tilespmem:v34+s12+$0x0] =	vst.idx.msk $0xffff, v39  }
0x1da: {  	v39 =	vor.u32 v13, v20;
	v34 =	vor.u32 v15, v20;
	v28 =	vld.idx.msk [tilespmem:v48+s1+$0x0], $0xffff;
	v48 =	vor.u32 v14, v22  }
0x1db: {  	v29 =	vor.u32 v14, v29;
	v20 =	vadd.f32 v43, v18;
	v56 =	vld.idx.msk [tilespmem:v44+s24+$0x0], $0xffff;
	[tilespmem:v37+s12+$0x0] =	vst.idx.msk $0xffff, v40  }
0x1dc: {  	v49 =	vor.u32 v13, v47;
	v43 =	vor.u32 v10, v46;
	v37 =	vor.u32 v2, v38;
	v40 =	vld.idx.msk [tilespmem:v52+s1+$0x0], $0xffff  }
0x1dd: {  	v55 =	vmul.f32 $8.000000000e+00, v45;
	v22 =	vmovc v24;
	v52 =	vor.u32 v3, v25;
	v41 =	vmul.f32 $8.000000000e+00, v41;
	[tilespmem:v53+s12+$0x0] =	vst.idx.msk $0xffff, v20  }
0x1de: {  	v45 =	vor.u32 v0, v51;
	v24 =	vmovc v32;
	v50 =	vmul.f32 $8.000000000e+00, v50;
	v53 =	vor.u32 v4, v27;
	v54 =	vld.idx.msk [tilespmem:v54+s1+$0x0], $0xffff  }
0x1df: {  	v32 =	vmovc v38;
	v44 =	vadd.f32 v41, v33;
	v41 =	vadd.f32 v55, v16;
	v42 =	vmul.f32 $8.000000000e+00, v42;
	v20 =	vmovc v23  }
0x1e0: {  	v38 =	vadd.s32 s10, v0;
	v23 =	vmovc v30;
	v30 =	vmovc v51;
	v28 =	vmul.f32 $8.000000000e+00, v28;
	v50 =	vadd.f32 v50, v31  }
0x1e1: {  	v57 =	vor.u32 v9, v21;
	v51 =	vand.u32 $0xF, v38;
	[tilespmem:v49+s12+$0x0] =	vst.idx.msk $0xffff, v41;
	v41 =	vadd.f32 v42, v17  }
0x1e2: {  	v42 =	vor.u32 s8, v51;
	v59 =	vadd.f32 v28, v56;
	v40 =	vmul.f32 $8.000000000e+00, v40;
	[tilespmem:v52+s12+$0x0] =	vst.idx.msk $0xffff, v50;
	v29 =	vld.idx.msk [tilespmem:v29+s1+$0x0], $0xffff  }
0x1e3: {  	v38 =	vand.u32 $0x7, v38;
	v58 =	vor.u32 v9, v20;
	v49 =	vand.u32 $0x38, v42;
	v53 =	vld.idx.msk [tilespmem:v53+s1+$0x0], $0xffff;
	[tilespmem:v39+s12+$0x0] =	vst.idx.msk $0xffff, v41  }
0x1e4: {  	v41 =	vor.u32 v38, v49;
	v38 =	vshll.u32 v42, $0x7;
	v39 =	vadd.f32 v40, v19;
	[tilespmem:v45+s12+$0x0] =	vst.idx.msk $0xffff, v59  }
.Ltmp5:
0x1e5: {  	v40 =	vmul.f32 $8.000000000e+00, v54;
	v28 =	vmovc v33;
	v55 =	vor.u32 v1, v41;
	v50 =	vor.u32 v2, v41;
	v51 =	vld.idx.msk [tilespmem:v37+s1+$0x0], $0xffff;
	(pc) =	sbr.rel @p1 .LBB2_8-.Ltmp5, $4  }
0x1e6: {  	v49 =	vor.u32 v10, v22;
	v37 =	vor.u32 v15, v47;
	[tilespmem:v57+s12+$0x0] =	vst.idx.msk $0xffff, v39;
	v39 =	vld.idx.msk [tilespmem:v48+s1+$0x0], $0xffff  }
0x1e7: {  	v42 =	vor.u32 v12, v22;
	v54 =	vor.u32 v26, v41;
	v47 =	vadd.f32 v40, v18;
	v48 =	vld.idx.msk [tilespmem:v43+s1+$0x0], $0xffff  }
0x1e8: {  	v52 =	vor.u32 v5, v25;
	v33 =	vmovc v56;
	v43 =	vor.u32 v11, v20;
	v40 =	vmul.f32 $8.000000000e+00, v29;
	v29 =	vmovc v46  }
0x1e9: {  	v56 =	vmul.f32 $8.000000000e+00, v53;
	v53 =	vor.u32 v6, v27;
	v45 =	vor.u32 v12, v29;
	[tilespmem:v58+s12+$0x0] =	vst.idx.msk $0xffff, v47  }
0x1ea: {  	_ =	sdelay $0x3  }
0x1eb: {  	v46 =	vld.idx.msk [tilespmem:v55+s1+$0x0], $0xffff;
	_ =	sdelay $0x1  }
0x1ec: {  	v26 =	vld.idx.msk [tilespmem:v54+s24+$0x0], $0xffff;
	_ =	sdelay $0x1  }
0x1ed: {  	v47 =	vor.u32 v0, v38  }
0x1ee: {  	v46 =	vmul.f32 $8.000000000e+00, v46;
	_ =	sdelay $0x1  }
0x1ef: {  	v46 =	vadd.f32 v46, v26;
	_ =	sdelay $0x1  }
0x1f0: {  	[tilespmem:v47+s12+$0x0] =	vst.idx.msk $0xffff, v46  }
0x1f1: {  	v46 =	vld.idx.msk [tilespmem:v50+s1+$0x0], $0xffff;
	_ =	sdelay $0x3  }
0x1f2: {  	v58 =	vor.u32 v3, v38  }
0x1f3: {  	v59 =	vor.u32 v3, v30;
	v60 =	vor.u32 v4, v41;
	v46 =	vmul.f32 $8.000000000e+00, v46  }
0x1f4: {  	v61 =	vor.u32 v4, v32;
	v51 =	vmul.f32 $8.000000000e+00, v51  }
0x1f5: {  	v46 =	vadd.f32 v46, v26  }
0x1f6: {  	v51 =	vadd.f32 v51, v33  }
0x1f7: {  	[tilespmem:v58+s12+$0x0] =	vst.idx.msk $0xffff, v46  }
0x1f8: {  	[tilespmem:v59+s12+$0x0] =	vst.idx.msk $0xffff, v51;
	v46 =	vld.idx.msk [tilespmem:v60+s1+$0x0], $0xffff  }
0x1f9: {  	v62 =	vld.idx.msk [tilespmem:v61+s1+$0x0], $0xffff  }
0x1fa: {  	v57 =	vor.u32 v6, v24  }
0x1fb: {  	v63 =	vadd.f32 v56, v31  }
0x1fc: {  	v58 =	vor.u32 v5, v38  }
0x1fd: {  	[tilespmem:v52+s12+$0x0] =	vst.idx.msk $0xffff, v63;
	v59 =	vor.u32 v6, v41;
	v46 =	vmul.f32 $8.000000000e+00, v46  }
0x1fe: {  	[tilespmem:v36+s12+$0x0] =	vst.idx.msk $0xffff, v44;
	v52 =	vld.idx.msk [tilespmem:v53+s1+$0x0], $0xffff;
	v47 =	vmul.f32 $8.000000000e+00, v62;
	v60 =	vor.u32 v6, v32  }
0x1ff: {  	v44 =	vld.idx.msk [tilespmem:v57+s1+$0x0], $0xffff;
	v46 =	vadd.f32 v46, v26  }
0x200: {  	v61 =	vadd.f32 v47, v33  }
0x201: {  	[tilespmem:v58+s12+$0x0] =	vst.idx.msk $0xffff, v46  }
0x202: {  	v62 =	vor.u32 v7, v25;
	[tilespmem:v35+s12+$0x0] =	vst.idx.msk $0xffff, v61;
	v63 =	vld.idx.msk [tilespmem:v59+s1+$0x0], $0xffff  }
0x203: {  	v57 =	vor.u32 v8, v27;
	v56 =	vmul.f32 $8.000000000e+00, v52;
	v50 =	vld.idx.msk [tilespmem:v60+s1+$0x0], $0xffff  }
0x204: {  	v44 =	vmul.f32 $8.000000000e+00, v44;
	v58 =	vor.u32 v7, v23  }
0x205: {  	v35 =	vadd.f32 v56, v31;
	v59 =	vor.u32 v8, v24  }
0x206: {  	v44 =	vadd.f32 v44, v28;
	v60 =	vor.u32 v7, v38  }
0x207: {  	[tilespmem:v62+s12+$0x0] =	vst.idx.msk $0xffff, v35;
	v62 =	vor.u32 v8, v41;
	v61 =	vmul.f32 $8.000000000e+00, v63;
	v63 =	vor.u32 v7, v30  }
0x208: {  	v36 =	vld.idx.msk [tilespmem:v57+s1+$0x0], $0xffff;
	v57 =	vor.u32 v8, v32;
	v50 =	vmul.f32 $8.000000000e+00, v50  }
0x209: {  	[tilespmem:v58+s12+$0x0] =	vst.idx.msk $0xffff, v44;
	v35 =	vadd.f32 v61, v26  }
0x20a: {  	v58 =	vadd.f32 v50, v33;
	v59 =	vld.idx.msk [tilespmem:v59+s1+$0x0], $0xffff  }
0x20b: {  	[tilespmem:v60+s12+$0x0] =	vst.idx.msk $0xffff, v35  }
0x20c: {  	v35 =	vld.idx.msk [tilespmem:v62+s1+$0x0], $0xffff;
	[tilespmem:v63+s12+$0x0] =	vst.idx.msk $0xffff, v58  }
0x20d: {  	v60 =	vor.u32 v9, v25;
	v61 =	vld.idx.msk [tilespmem:v57+s1+$0x0], $0xffff  }
0x20e: {  	v47 =	vor.u32 v10, v27;
	v36 =	vmul.f32 $8.000000000e+00, v36;
	v62 =	vor.u32 v9, v23  }
0x20f: {  	v50 =	vmul.f32 $8.000000000e+00, v59;
	v63 =	vor.u32 v10, v24  }
0x210: {  	v54 =	vor.u32 v10, v41;
	v36 =	vadd.f32 v36, v31;
	v57 =	vor.u32 v9, v38  }
0x211: {  	v55 =	vor.u32 v9, v30;
	v58 =	vadd.f32 v50, v28;
	v35 =	vmul.f32 $8.000000000e+00, v35  }
0x212: {  	v49 =	vld.idx.msk [tilespmem:v49+s1+$0x0], $0xffff;
	[tilespmem:v60+s12+$0x0] =	vst.idx.msk $0xffff, v36;
	v60 =	vor.u32 v10, v32;
	v59 =	vmul.f32 $8.000000000e+00, v61  }
0x213: {  	v47 =	vld.idx.msk [tilespmem:v47+s1+$0x0], $0xffff;
	[tilespmem:v62+s12+$0x0] =	vst.idx.msk $0xffff, v58;
	v61 =	vor.u32 v11, v21;
	v35 =	vadd.f32 v35, v26  }
0x214: {  	v48 =	vmul.f32 $8.000000000e+00, v48;
	v63 =	vld.idx.msk [tilespmem:v63+s1+$0x0], $0xffff;
	v62 =	vadd.f32 v59, v33  }
0x215: {  	[tilespmem:v57+s12+$0x0] =	vst.idx.msk $0xffff, v35  }
0x216: {  	v56 =	vadd.f32 v48, v19;
	v58 =	vld.idx.msk [tilespmem:v54+s1+$0x0], $0xffff;
	[tilespmem:v55+s12+$0x0] =	vst.idx.msk $0xffff, v62  }
0x217: {  	v59 =	vor.u32 v11, v25;
	v57 =	vmul.f32 $8.000000000e+00, v49;
	v46 =	vld.idx.msk [tilespmem:v60+s1+$0x0], $0xffff  }
0x218: {  	v51 =	vor.u32 v11, v23;
	v47 =	vmul.f32 $8.000000000e+00, v47;
	[tilespmem:v61+s12+$0x0] =	vst.idx.msk $0xffff, v56;
	v61 =	vor.u32 v12, v27  }
0x219: {  	v44 =	vor.u32 v11, v38;
	v60 =	vadd.f32 v57, v18;
	v63 =	vmul.f32 $8.000000000e+00, v63  }
0x21a: {  	v50 =	vor.u32 v12, v24;
	v56 =	vor.u32 v12, v41;
	v45 =	vld.idx.msk [tilespmem:v45+s1+$0x0], $0xffff;
	v62 =	vadd.f32 v47, v31  }
0x21b: {  	v47 =	vor.u32 v11, v30;
	[tilespmem:v43+s12+$0x0] =	vst.idx.msk $0xffff, v60;
	v57 =	vadd.f32 v63, v28;
	v49 =	vmul.f32 $8.000000000e+00, v58  }
0x21c: {  	v42 =	vld.idx.msk [tilespmem:v42+s1+$0x0], $0xffff;
	[tilespmem:v59+s12+$0x0] =	vst.idx.msk $0xffff, v62;
	v58 =	vor.u32 v12, v32;
	v59 =	vmul.f32 $8.000000000e+00, v46  }
0x21d: {  	v60 =	vld.idx.msk [tilespmem:v61+s1+$0x0], $0xffff;
	v61 =	vadd.f32 v49, v26  }
0x21e: {  	v29 =	vor.u32 v14, v29;
	[tilespmem:v51+s12+$0x0] =	vst.idx.msk $0xffff, v57;
	v62 =	vadd.f32 v59, v33  }
0x21f: {  	v22 =	vor.u32 v14, v22;
	v24 =	vor.u32 v14, v24;
	v53 =	vld.idx.msk [tilespmem:v50+s1+$0x0], $0xffff;
	[tilespmem:v44+s12+$0x0] =	vst.idx.msk $0xffff, v61  }
0x220: {  	v63 =	vor.u32 v13, v21;
	v45 =	vmul.f32 $8.000000000e+00, v45;
	v44 =	vld.idx.msk [tilespmem:v56+s1+$0x0], $0xffff;
	[tilespmem:v47+s12+$0x0] =	vst.idx.msk $0xffff, v62  }
0x221: {  	v54 =	vor.u32 v13, v20;
	v55 =	vor.u32 v13, v25;
	v27 =	vor.u32 v14, v27;
	v36 =	vld.idx.msk [tilespmem:v58+s1+$0x0], $0xffff  }
0x222: {  	v59 =	vor.u32 v13, v38;
	v42 =	vmul.f32 $8.000000000e+00, v42;
	v45 =	vadd.f32 v45, v19  }
0x223: {  	v61 =	vor.u32 v14, v41;
	v56 =	vor.u32 v13, v23;
	v46 =	vmul.f32 $8.000000000e+00, v60  }
0x224: {  	v42 =	vadd.f32 v42, v18;
	v58 =	vmul.f32 $8.000000000e+00, v53;
	v60 =	vor.u32 v13, v30  }
0x225: {  	[tilespmem:v63+s12+$0x0] =	vst.idx.msk $0xffff, v45;
	v63 =	vor.u32 v14, v32;
	v57 =	vadd.f32 v46, v31;
	v44 =	vmul.f32 $8.000000000e+00, v44  }
0x226: {  	v29 =	vld.idx.msk [tilespmem:v29+s1+$0x0], $0xffff;
	[tilespmem:v54+s12+$0x0] =	vst.idx.msk $0xffff, v42;
	v62 =	vadd.f32 v58, v28;
	v36 =	vmul.f32 $8.000000000e+00, v36  }
0x227: {  	v22 =	vld.idx.msk [tilespmem:v22+s1+$0x0], $0xffff;
	[tilespmem:v55+s12+$0x0] =	vst.idx.msk $0xffff, v57;
	v45 =	vadd.f32 v44, v26  }
0x228: {  	[tilespmem:v56+s12+$0x0] =	vst.idx.msk $0xffff, v62;
	v27 =	vld.idx.msk [tilespmem:v27+s1+$0x0], $0xffff;
	v47 =	vadd.f32 v36, v33  }
0x229: {  	v24 =	vld.idx.msk [tilespmem:v24+s1+$0x0], $0xffff;
	[tilespmem:v59+s12+$0x0] =	vst.idx.msk $0xffff, v45  }
0x22a: {  	v48 =	vmul.f32 $8.000000000e+00, v39;
	v21 =	vor.u32 v15, v21;
	v50 =	vld.idx.msk [tilespmem:v61+s1+$0x0], $0xffff;
	[tilespmem:v60+s12+$0x0] =	vst.idx.msk $0xffff, v47  }
0x22b: {  	v16 =	vadd.f32 v40, v16;
	v20 =	vor.u32 v15, v20;
	v29 =	vmul.f32 $8.000000000e+00, v29;
	v32 =	vld.idx.msk [tilespmem:v63+s1+$0x0], $0xffff  }
0x22c: {  	v17 =	vadd.f32 v48, v17;
	v25 =	vor.u32 v15, v25;
	v22 =	vmul.f32 $8.000000000e+00, v22  }
0x22d: {  	[tilespmem:v37+s12+$0x0] =	vst.idx.msk $0xffff, v16;
	v16 =	vadd.f32 v29, v19;
	v19 =	vor.u32 v15, v23;
	v23 =	vmul.f32 $8.000000000e+00, v27  }
0x22e: {  	[tilespmem:v34+s12+$0x0] =	vst.idx.msk $0xffff, v17;
	v17 =	vadd.f32 v22, v18;
	v18 =	vmul.f32 $8.000000000e+00, v24;
	v22 =	vor.u32 v15, v38  }
0x22f: {  	[tilespmem:v21+s12+$0x0] =	vst.idx.msk $0xffff, v16;
	v21 =	vor.u32 v15, v30;
	v16 =	vadd.f32 v23, v31;
	v23 =	vmul.f32 $8.000000000e+00, v50  }
0x230: {  	[tilespmem:v20+s12+$0x0] =	vst.idx.msk $0xffff, v17;
	v17 =	vadd.f32 v18, v28;
	v18 =	vmul.f32 $8.000000000e+00, v32  }
0x231: {  	s0 =	sshll.u32 s0, $0x12;
	[tilespmem:v25+s12+$0x0] =	vst.idx.msk $0xffff, v16;
	v16 =	vadd.f32 v23, v26  }
0x232: {  	s0 =	sor.u32 s15, s0;
	[tilespmem:v19+s12+$0x0] =	vst.idx.msk $0xffff, v17;
	v17 =	vadd.f32 v18, v33  }
0x233: {  	s0 =	sshrl.u32 s0, $0x3;
	[tilespmem:v22+s12+$0x0] =	vst.idx.msk $0xffff, v16  }
0x234: {  	s8 =	sadd.s32 s2, s0;
	[tilespmem:v21+s12+$0x0] =	vst.idx.msk $0xffff, v17  }
0x235: {  	[hbm4b:s8+s3] =	stream.linear.scatter [tilespmem:s12], [sflag:$0xA], $0x400, $0x38;
	[tilespmem:$0xF400] =	vst v63  }
0x236: {  	s10 =	simm.s32 $0xA600;
	s8 =	sadd.s32 s0, s16  }
0x237: {  	[hbm4b:s8+s3] =	stream.linear.scatter [tilespmem:s10], [sflag:$0xA], $0x400, $0x38;
	[tilespmem:$0xF400] =	vst v63  }
0x238: {  	s8 =	sadd.s32 s0, s17;
	s10 =	simm.s32 $0xAA00  }
0x239: {  	[hbm4b:s8+s3] =	stream.linear.scatter [tilespmem:s10], [sflag:$0xA], $0x400, $0x38;
	[tilespmem:$0xF400] =	vst v63  }
0x23a: {  	s8 =	sadd.s32 s0, s18;
	s10 =	simm.s32 $0xAE00  }
0x23b: {  	[hbm4b:s8+s3] =	stream.linear.scatter [tilespmem:s10], [sflag:$0xA], $0x400, $0x38;
	[tilespmem:$0xF400] =	vst v63  }
0x23c: {  	s8 =	sadd.s32 s0, s19;
	s10 =	simm.s32 $0xB200  }
0x23d: {  	[hbm4b:s8+s3] =	stream.linear.scatter [tilespmem:s10], [sflag:$0xA], $0x400, $0x38;
	[tilespmem:$0xF400] =	vst v63  }
0x23e: {  	s8 =	sadd.s32 s0, s20;
	s10 =	simm.s32 $0xB600  }
0x23f: {  	[hbm4b:s8+s3] =	stream.linear.scatter [tilespmem:s10], [sflag:$0xA], $0x400, $0x38;
	[tilespmem:$0xF400] =	vst v63  }
0x240: {  	s8 =	sadd.s32 s0, s21;
	s10 =	simm.s32 $0xBA00  }
0x241: {  	[hbm4b:s8+s3] =	stream.linear.scatter [tilespmem:s10], [sflag:$0xA], $0x400, $0x38;
	[tilespmem:$0xF400] =	vst v63  }
0x242: {  	s0 =	sadd.s32 s0, s22;
	s10 =	simm.s32 $0xBE00  }
0x243: {  	[hbm4b:s0+s3] =	stream.linear.scatter [tilespmem:s10], [sflag:$0xA], $0x400, $0x38;
	[tilespmem:$0xF400] =	vst v63  }
0x244: {  	s0 =	simm.s32 @!p0 $0x2  }
0x245: {  	_ =	swait.ge @!p0 [sflag:s0], $0x80  }
0x246: {  	[sflag:s0] =	ssyncset.done @!p0 $0x0  }
0x247: {  	s8 =	simm.s32 @!p0 $0x2200;
	[sflag:s0] =	ssyncadd.s32 @!p0 $0xFFFFFF80;
	s0 =	simm.s32 @!p0 $0x80  }
0x248: {  	[tilespmem:s8], [sflag:$0x6] =	stream.indirect.gather @!p0 [hbm4b:s6+s0], $0x40, s0, s0, $0xb8;
	[tilespmem:$0xF400] =	vst v63  }
0x249: {  	_ =	swait.ge [sflag:s29], $0x2000  }
0x24a: {  	s0 =	rddreg [dreg:$0xa]  }
0x24b: {  	s0 =	sadd.s32 @!p0 s0, s25  }
0x24c: {  	s10 =	simm.s32 @!p0 $0x100;
	[sflag:s29] =	ssyncset.done $0x0;
	s0 =	sshrl.u32 @!p0 s0, $0x3  }
0x24d: {  	s8 =	simm.s32 @!p0 $0x0;
	[sflag:s29] =	ssyncadd.s32 $0xFFFFE000;
	s0 =	sadd.s32 @!p0 s4, s0  }
0x24e: {  	[tilespmem:s10], [sflag:$0x3] =	stream.linear.gather @!p0 [hbm4b:s0+s8], $0x80, $0x38;
	[tilespmem:$0xF400] =	vst v63  }
0x24f: {  	_ =	swait.ge [sflag:s26], $0x400  }
0x250: {  	[sflag:s26] =	ssyncset.done $0x0  }
0x251: {  	[sflag:s26] =	ssyncadd.s32 $0xFFFFFC00  }
0x252: {  	_ =	swait.ge [sflag:s26], $0x400  }
0x253: {  	[sflag:s26] =	ssyncset.done $0x0  }
0x254: {  	[sflag:s26] =	ssyncadd.s32 $0xFFFFFC00  }
0x255: {  	_ =	swait.ge [sflag:s26], $0x400  }
0x256: {  	[sflag:s26] =	ssyncset.done $0x0  }
0x257: {  	[sflag:s26] =	ssyncadd.s32 $0xFFFFFC00  }
0x258: {  	_ =	swait.ge [sflag:s26], $0x400  }
0x259: {  	[sflag:s26] =	ssyncset.done $0x0  }
0x25a: {  	[sflag:s26] =	ssyncadd.s32 $0xFFFFFC00  }
0x25b: {  	_ =	swait.ge [sflag:s26], $0x400  }
0x25c: {  	s0 =	simm.s32 $0x0;
	[sflag:s26] =	ssyncset.done $0x0  }
0x25d: {  	s10 =	simm.s32 $0x1;
	v16 =	vadd.s32 s0, v0;
	[sflag:s26] =	ssyncadd.s32 $0xFFFFFC00  }
0x25e: {  	v17 =	vadd.s32 s10, v0;
	s0 =	sand.u32 $0x30, s0;
	v18 =	vand.u32 $0xF, v16;
	_ =	swait.ge [sflag:s26], $0x400  }
0x25f: {  	v19 =	vand.u32 $0xF, v17;
	v18 =	vor.u32 s0, v18;
	[sflag:s26] =	ssyncset.done $0x0  }
0x260: {  	v16 =	vand.u32 $0x7, v16;
	v19 =	vor.u32 s0, v19;
	v20 =	vand.u32 $0x38, v18;
	[sflag:s26] =	ssyncadd.s32 $0xFFFFFC00  }
0x261: {  	v17 =	vand.u32 $0x7, v17;
	s0 =	sor.u32 $0x2, s30;
	v21 =	vand.u32 $0x38, v19;
	v38 =	vor.u32 v16, v20;
	_ =	swait.ge [sflag:s26], $0x400  }
0x262: {  	s10 =	sshll.u32 s0, $0x6;
	v33 =	vor.u32 v17, v21;
	v16 =	vor.u32 v1, v38;
	[sflag:s26] =	ssyncset.done $0x0  }
0x263: {  	v26 =	vmov s10;
	v17 =	vor.u32 v1, v33;
	[sflag:s26] =	ssyncadd.s32 $0xFFFFFC00  }
0x264: {  	v20 =	vor.u32 v26, v38;
	_ =	swait.ge [sflag:s26], $0x400  }
0x265: {  	[sflag:s26] =	ssyncset.done $0x0  }
0x266: {  	v21 =	vor.u32 v26, v33;
	[sflag:s26] =	ssyncadd.s32 $0xFFFFFC00  }
0x267: {  	v22 =	vld.idx.msk [tilespmem:v16+s5+$0x0], $0xffff  }
0x268: {  	v23 =	vld.idx.msk [tilespmem:v17+s5+$0x0], $0xffff  }
0x269: {  	v16 =	vld.idx.msk [tilespmem:v20+s24+$0x0], $0xffff  }
0x26a: {  	v37 =	vshll.u32 v18, $0x7  }
0x26b: {  	v18 =	vor.u32 v0, v37;
	v17 =	vld.idx.msk [tilespmem:v21+s24+$0x0], $0xffff  }
0x26c: {  	s8 =	simm.s32 $0x3;
	v34 =	vshll.u32 v19, $0x7;
	v19 =	vor.u32 v2, v38;
	v20 =	vmul.f32 $8.000000000e+00, v22  }
0x26d: {  	v24 =	vadd.s32 s8, v0;
	v22 =	vor.u32 v0, v34  }
0x26e: {  	s10 =	simm.s32 $0x2;
	v21 =	vor.u32 v2, v33;
	v23 =	vmul.f32 $8.000000000e+00, v23;
	v20 =	vadd.f32 v20, v16  }
0x26f: {  	v25 =	vand.u32 $0xF, v24;
	s8 =	sand.u32 $0x30, s10  }
0x270: {  	v25 =	vor.u32 s8, v25;
	v23 =	vadd.f32 v23, v17;
	[tilespmem:v18+s23+$0x0] =	vst.idx.msk $0xffff, v20  }
0x271: {  	v18 =	vand.u32 $0x38, v25;
	v20 =	vand.u32 $0x7, v24;
	v19 =	vld.idx.msk [tilespmem:v19+s5+$0x0], $0xffff  }
0x272: {  	[tilespmem:v22+s23+$0x0] =	vst.idx.msk $0xffff, v23;
	v22 =	vor.u32 v20, v18  }
0x273: {  	v18 =	vld.idx.msk [tilespmem:v21+s5+$0x0], $0xffff;
	v20 =	vor.u32 v1, v22;
	_ =	sdelay $0x1  }
0x274: {  	v23 =	vor.u32 v3, v37;
	v21 =	vor.u32 v26, v22  }
0x275: {  	v24 =	vor.u32 v4, v38;
	v19 =	vmul.f32 $8.000000000e+00, v19  }
0x276: {  	v28 =	vor.u32 v3, v34;
	v27 =	vor.u32 v4, v33;
	v29 =	vadd.s32 s10, v0  }
0x277: {  	v18 =	vmul.f32 $8.000000000e+00, v18;
	v30 =	vld.idx.msk [tilespmem:v20+s5+$0x0], $0xffff;
	v20 =	vand.u32 $0xF, v29;
	v19 =	vadd.f32 v19, v16  }
0x278: {  	v31 =	vor.u32 s8, v20  }
0x279: {  	v51 =	vadd.f32 v18, v17;
	v18 =	vld.idx.msk [tilespmem:v21+s24+$0x0], $0xffff;
	v21 =	vand.u32 $0x7, v29;
	[tilespmem:v23+s23+$0x0] =	vst.idx.msk $0xffff, v19;
	v19 =	vand.u32 $0x38, v31  }
0x27a: {  	v20 =	vshll.u32 v25, $0x7;
	v23 =	vld.idx.msk [tilespmem:v24+s5+$0x0], $0xffff;
	v29 =	vor.u32 v21, v19  }
0x27b: {  	[tilespmem:v28+s23+$0x0] =	vst.idx.msk $0xffff, v51;
	v19 =	vor.u32 v0, v20;
	v21 =	vor.u32 v1, v29  }
0x27c: {  	v25 =	vor.u32 v2, v22;
	v24 =	vld.idx.msk [tilespmem:v27+s5+$0x0], $0xffff;
	v27 =	vmul.f32 $8.000000000e+00, v30  }
0x27d: {  	v28 =	vor.u32 v26, v29  }
0x27e: {  	v30 =	vor.u32 v5, v37;
	v27 =	vadd.f32 v27, v18  }
0x27f: {  	v52 =	vor.u32 v6, v38;
	v23 =	vmul.f32 $8.000000000e+00, v23  }
0x280: {  	[tilespmem:v19+s23+$0x0] =	vst.idx.msk $0xffff, v27;
	v27 =	vld.idx.msk [tilespmem:v21+s5+$0x0], $0xffff  }
0x281: {  	v53 =	vor.u32 v5, v34;
	v21 =	vmul.f32 $8.000000000e+00, v24;
	v24 =	vld.idx.msk [tilespmem:v25+s5+$0x0], $0xffff;
	v23 =	vadd.f32 v23, v16  }
0x282: {  	s8 =	simm.s32 $0x5;
	v25 =	vor.u32 v6, v33;
	v19 =	vld.idx.msk [tilespmem:v28+s24+$0x0], $0xffff  }
0x283: {  	s10 =	simm.s32 $0x4;
	v28 =	vadd.f32 v21, v17;
	v21 =	vshll.u32 v31, $0x7;
	v31 =	vadd.s32 s8, v0;
	[tilespmem:v30+s23+$0x0] =	vst.idx.msk $0xffff, v23  }
0x284: {  	v55 =	vor.u32 v4, v22;
	s8 =	sand.u32 $0x30, s10;
	v30 =	vand.u32 $0xF, v31;
	v54 =	vor.u32 v0, v21;
	v32 =	vld.idx.msk [tilespmem:v52+s5+$0x0], $0xffff  }
0x285: {  	v56 =	vor.u32 v3, v20;
	v30 =	vor.u32 s8, v30;
	v27 =	vmul.f32 $8.000000000e+00, v27  }
0x286: {  	v23 =	vor.u32 v2, v29;
	v31 =	vand.u32 $0x7, v31;
	[tilespmem:v53+s23+$0x0] =	vst.idx.msk $0xffff, v28;
	v57 =	vand.u32 $0x38, v30  }
0x287: {  	v28 =	vmul.f32 $8.000000000e+00, v24;
	v25 =	vld.idx.msk [tilespmem:v25+s5+$0x0], $0xffff;
	v24 =	vor.u32 v31, v57;
	v27 =	vadd.f32 v27, v19  }
0x288: {  	v58 =	vor.u32 v7, v37;
	v61 =	vor.u32 v7, v34;
	v31 =	vor.u32 v1, v24  }
0x289: {  	v59 =	vor.u32 v8, v38;
	v28 =	vadd.f32 v28, v18;
	[tilespmem:v54+s23+$0x0] =	vst.idx.msk $0xffff, v27;
	v27 =	vmul.f32 $8.000000000e+00, v32  }
0x28a: {  	v62 =	vor.u32 v8, v33;
	v47 =	vor.u32 v12, v33;
	v60 =	vor.u32 v26, v24  }
0x28b: {  	v48 =	vadd.s32 s10, v0;
	[tilespmem:v56+s23+$0x0] =	vst.idx.msk $0xffff, v28;
	v23 =	vld.idx.msk [tilespmem:v23+s5+$0x0], $0xffff;
	v27 =	vadd.f32 v27, v16  }
0x28c: {  	v35 =	vand.u32 $0x7, v48;
	v45 =	vor.u32 v5, v20;
	v39 =	vld.idx.msk [tilespmem:v55+s5+$0x0], $0xffff;
	v25 =	vmul.f32 $8.000000000e+00, v25  }
0x28d: {  	v51 =	vor.u32 v10, v38;
	v50 =	vor.u32 v4, v29;
	v31 =	vld.idx.msk [tilespmem:v31+s5+$0x0], $0xffff;
	[tilespmem:v58+s23+$0x0] =	vst.idx.msk $0xffff, v27  }
0x28e: {  	v63 =	vor.u32 v3, v21;
	v52 =	vand.u32 $0xF, v48;
	v25 =	vadd.f32 v25, v17;
	v27 =	vld.idx.msk [tilespmem:v59+s5+$0x0], $0xffff  }
0x28f: {  	v53 =	vor.u32 v9, v37;
	v41 =	vor.u32 s8, v52;
	v57 =	vor.u32 v9, v34;
	v28 =	vld.idx.msk [tilespmem:v60+s24+$0x0], $0xffff  }
0x290: {  	v44 =	vor.u32 v4, v24;
	[tilespmem:v61+s23+$0x0] =	vst.idx.msk $0xffff, v25;
	v49 =	vmul.f32 $8.000000000e+00, v23;
	v23 =	vshll.u32 v30, $0x7  }
0x291: {  	v61 =	vor.u32 v5, v21;
	v30 =	vor.u32 v2, v24;
	v40 =	vld.idx.msk [tilespmem:v62+s5+$0x0], $0xffff;
	v25 =	vor.u32 v0, v23  }
0x292: {  	v55 =	vmul.f32 $8.000000000e+00, v39;
	v36 =	vadd.f32 v49, v19;
	v31 =	vmul.f32 $8.000000000e+00, v31  }
0x293: {  	s10 =	simm.s32 $0x7;
	v62 =	vor.u32 v6, v29;
	v49 =	vor.u32 v6, v22;
	v54 =	vmul.f32 $8.000000000e+00, v27  }
0x294: {  	[tilespmem:v63+s23+$0x0] =	vst.idx.msk $0xffff, v36;
	v27 =	vand.u32 $0x38, v41;
	v31 =	vadd.f32 v31, v28;
	v63 =	vadd.s32 s10, v0  }
0x295: {  	v36 =	vadd.f32 v55, v18;
	v56 =	vld.idx.msk [tilespmem:v50+s5+$0x0], $0xffff;
	v27 =	vor.u32 v35, v27;
	v42 =	vand.u32 $0x7, v63  }
0x296: {  	v32 =	vadd.f32 v54, v16;
	v58 =	vor.u32 v1, v27;
	[tilespmem:v25+s23+$0x0] =	vst.idx.msk $0xffff, v31;
	v25 =	vmul.f32 $8.000000000e+00, v40  }
0x297: {  	v31 =	vor.u32 v10, v33;
	v59 =	vor.u32 v26, v27;
	[tilespmem:v45+s23+$0x0] =	vst.idx.msk $0xffff, v36;
	v30 =	vld.idx.msk [tilespmem:v30+s5+$0x0], $0xffff  }
0x298: {  	v40 =	vor.u32 v2, v27;
	v36 =	vor.u32 v5, v23;
	v55 =	vld.idx.msk [tilespmem:v49+s5+$0x0], $0xffff;
	[tilespmem:v53+s23+$0x0] =	vst.idx.msk $0xffff, v32  }
0x299: {  	v49 =	vor.u32 v10, v22;
	v60 =	vadd.f32 v25, v17;
	v25 =	vshll.u32 v41, $0x7;
	v43 =	vld.idx.msk [tilespmem:v51+s5+$0x0], $0xffff  }
0x29a: {  	v41 =	vor.u32 v12, v38;
	v38 =	vor.u32 v14, v38;
	v39 =	vmul.f32 $8.000000000e+00, v56  }
0x29b: {  	s10 =	simm.s32 $0x6;
	v51 =	vor.u32 v11, v37;
	v54 =	vor.u32 v3, v25;
	[tilespmem:v57+s23+$0x0] =	vst.idx.msk $0xffff, v60;
	v35 =	vld.idx.msk [tilespmem:v58+s5+$0x0], $0xffff  }
0x29c: {  	s8 =	sand.u32 $0x30, s10;
	v57 =	vand.u32 $0xF, v63;
	v60 =	vor.u32 v0, v25;
	v50 =	vld.idx.msk [tilespmem:v31+s5+$0x0], $0xffff;
	v39 =	vadd.f32 v39, v19  }
0x29d: {  	v31 =	vld.idx.msk [tilespmem:v59+s24+$0x0], $0xffff;
	v58 =	vor.u32 v3, v23;
	v53 =	vor.u32 s8, v57;
	v30 =	vmul.f32 $8.000000000e+00, v30  }
0x29e: {  	v63 =	vor.u32 v11, v34;
	[tilespmem:v61+s23+$0x0] =	vst.idx.msk $0xffff, v39;
	v59 =	vmul.f32 $8.000000000e+00, v43;
	v61 =	vand.u32 $0x38, v53  }
0x29f: {  	v30 =	vadd.f32 v30, v28;
	v46 =	vld.idx.msk [tilespmem:v62+s5+$0x0], $0xffff;
	v32 =	vor.u32 v42, v61;
	v61 =	vor.u32 v7, v20  }
0x2a0: {  	v42 =	vmul.f32 $8.000000000e+00, v55;
	v55 =	vor.u32 v4, v27;
	v35 =	vmul.f32 $8.000000000e+00, v35  }
0x2a1: {  	v62 =	vadd.f32 v59, v16;
	v43 =	vor.u32 v26, v32;
	v56 =	vmul.f32 $8.000000000e+00, v50  }
0x2a2: {  	v52 =	vadd.s32 s10, v0;
	v57 =	vor.u32 v1, v32;
	[tilespmem:v58+s23+$0x0] =	vst.idx.msk $0xffff, v30;
	v35 =	vadd.f32 v35, v31  }
0x2a3: {  	v58 =	vor.u32 v7, v21;
	v39 =	vld.idx.msk [tilespmem:v44+s5+$0x0], $0xffff;
	[tilespmem:v51+s23+$0x0] =	vst.idx.msk $0xffff, v62;
	v50 =	vadd.f32 v56, v17  }
0x2a4: {  	v30 =	vshll.u32 v53, $0x7;
	v41 =	vld.idx.msk [tilespmem:v41+s5+$0x0], $0xffff;
	[tilespmem:v60+s23+$0x0] =	vst.idx.msk $0xffff, v35;
	v59 =	vmul.f32 $8.000000000e+00, v46;
	v60 =	vor.u32 v8, v29  }
0x2a5: {  	v53 =	vor.u32 v14, v33;
	v42 =	vadd.f32 v42, v18;
	[tilespmem:v63+s23+$0x0] =	vst.idx.msk $0xffff, v50;
	v40 =	vld.idx.msk [tilespmem:v40+s5+$0x0], $0xffff  }
0x2a6: {  	v62 =	vor.u32 v8, v22;
	v56 =	vor.u32 v10, v29;
	v47 =	vld.idx.msk [tilespmem:v47+s5+$0x0], $0xffff;
	v44 =	vadd.f32 v59, v19  }
0x2a7: {  	v35 =	vor.u32 v5, v30;
	v50 =	vor.u32 v13, v34;
	[tilespmem:v61+s23+$0x0] =	vst.idx.msk $0xffff, v42;
	v48 =	vld.idx.msk [tilespmem:v57+s5+$0x0], $0xffff  }
0x2a8: {  	v34 =	vor.u32 v15, v34;
	v63 =	vor.u32 v13, v37;
	v33 =	vld.idx.msk [tilespmem:v43+s24+$0x0], $0xffff;
	[tilespmem:v58+s23+$0x0] =	vst.idx.msk $0xffff, v44  }
0x2a9: {  	v42 =	vor.u32 v0, v30;
	v37 =	vor.u32 v15, v37;
	v41 =	vmul.f32 $8.000000000e+00, v41;
	v46 =	vld.idx.msk [tilespmem:v60+s5+$0x0], $0xffff  }
0x2aa: {  	v43 =	vor.u32 v2, v32;
	v57 =	vor.u32 v9, v21;
	v40 =	vmul.f32 $8.000000000e+00, v40  }
0x2ab: {  	v39 =	vmul.f32 $8.000000000e+00, v39;
	v45 =	vld.idx.msk [tilespmem:v62+s5+$0x0], $0xffff;
	v41 =	vadd.f32 v41, v16;
	v47 =	vmul.f32 $8.000000000e+00, v47  }
0x2ac: {  	v59 =	vor.u32 v9, v20;
	v60 =	vmul.f32 $8.000000000e+00, v48;
	v40 =	vadd.f32 v40, v31  }
0x2ad: {  	v61 =	vand.u32 $0xF, v52;
	v44 =	vadd.f32 v39, v28;
	[tilespmem:v63+s23+$0x0] =	vst.idx.msk $0xffff, v41;
	v62 =	vadd.f32 v47, v17  }
0x2ae: {  	v63 =	vor.u32 s8, v61;
	v39 =	vadd.f32 v60, v33;
	[tilespmem:v54+s23+$0x0] =	vst.idx.msk $0xffff, v40;
	v54 =	vmul.f32 $8.000000000e+00, v46;
	v46 =	vld.idx.msk [tilespmem:v38+s5+$0x0], $0xffff  }
0x2af: {  	v61 =	vand.u32 $0x7, v52;
	v52 =	vor.u32 v5, v25;
	v60 =	vand.u32 $0x38, v63;
	[tilespmem:v50+s23+$0x0] =	vst.idx.msk $0xffff, v62;
	v58 =	vld.idx.msk [tilespmem:v55+s5+$0x0], $0xffff  }
0x2b0: {  	v41 =	vor.u32 v61, v60;
	v38 =	vshll.u32 v63, $0x7;
	[tilespmem:v42+s23+$0x0] =	vst.idx.msk $0xffff, v39;
	v62 =	vmul.f32 $8.000000000e+00, v45  }
0x2b1: {  	v42 =	vor.u32 v12, v22;
	v55 =	vor.u32 v1, v41;
	v40 =	vadd.f32 v54, v19  }
0x2b2: {  	v45 =	vor.u32 v12, v29;
	v50 =	vor.u32 v2, v41;
	v51 =	vld.idx.msk [tilespmem:v43+s5+$0x0], $0xffff;
	v63 =	vadd.f32 v62, v18  }
0x2b3: {  	v39 =	vld.idx.msk [tilespmem:v53+s5+$0x0], $0xffff;
	v43 =	vor.u32 v11, v20;
	v54 =	vor.u32 v26, v41;
	[tilespmem:v57+s23+$0x0] =	vst.idx.msk $0xffff, v40  }
0x2b4: {  	s28 =	simm.s32 $0x8;
	v53 =	vor.u32 v6, v27;
	[tilespmem:v59+s23+$0x0] =	vst.idx.msk $0xffff, v63;
	v48 =	vld.idx.msk [tilespmem:v56+s5+$0x0], $0xffff;
	v40 =	vmul.f32 $8.000000000e+00, v46;
	v56 =	vmul.f32 $8.000000000e+00, v58  }
.LBB2_10:
0x2b5: {  	s8 =	sadd.s32 $0x1, s28;
	v57 =	vor.u32 v4, v32;
	v58 =	vor.u32 v6, v24;
	v59 =	vor.u32 v11, v21  }
0x2b6: {  	p1 =	slt.u32 s28, $0x3E;
	v55 =	vld.idx.msk [tilespmem:v55+s5+$0x0], $0xffff;
	v46 =	vmovc v27;
	v27 =	vmovc v41;
	v47 =	vmov v21;
	v21 =	vmov v25;
	v25 =	vmov v38;
	s10 =	smov.u32 s28;
	s28 =	sadd.s32 $0x2, s28  }
0x2b7: {  	v41 =	vmul.f32 $8.000000000e+00, v51;
	v38 =	vadd.s32 s8, v0;
	v51 =	vadd.f32 v56, v31;
	v49 =	vld.idx.msk [tilespmem:v49+s5+$0x0], $0xffff  }
0x2b8: {  	v60 =	vor.u32 v3, v30;
	s8 =	sand.u32 $0x30, s10;
	v39 =	vmul.f32 $8.000000000e+00, v39;
	v56 =	vand.u32 $0xF, v38;
	v54 =	vld.idx.msk [tilespmem:v54+s24+$0x0], $0xffff  }
0x2b9: {  	v61 =	vor.u32 v0, v25;
	v48 =	vmul.f32 $8.000000000e+00, v48;
	v56 =	vor.u32 s8, v56;
	[tilespmem:v52+s23+$0x0] =	vst.idx.msk $0xffff, v51  }
0x2ba: {  	v40 =	vadd.f32 v40, v16;
	v16 =	vmovc v19;
	v19 =	vmovc v31;
	v38 =	vand.u32 $0x7, v38;
	v51 =	vand.u32 $0x38, v56;
	v52 =	vld.idx.msk [tilespmem:v53+s5+$0x0], $0xffff  }
0x2bb: {  	v31 =	vadd.f32 v48, v16;
	v38 =	vor.u32 v38, v51;
	v51 =	vshll.u32 v56, $0x7;
	[tilespmem:v36+s23+$0x0] =	vst.idx.msk $0xffff, v44  }
0x2bc: {  	v53 =	vmul.f32 $8.000000000e+00, v55;
	v36 =	vmovc v35;
	v44 =	vor.u32 v26, v38;
	v48 =	vor.u32 v1, v38;
	v55 =	vld.idx.msk [tilespmem:v58+s5+$0x0], $0xffff  }
0x2bd: {  	v41 =	vadd.f32 v41, v33;
	v39 =	vadd.f32 v39, v17;
	v49 =	vmul.f32 $8.000000000e+00, v49;
	[tilespmem:v59+s23+$0x0] =	vst.idx.msk $0xffff, v31  }
0x2be: {  	v35 =	vor.u32 v5, v51;
	v53 =	vadd.f32 v53, v54;
	v45 =	vld.idx.msk [tilespmem:v45+s5+$0x0], $0xffff;
	[tilespmem:v37+s23+$0x0] =	vst.idx.msk $0xffff, v40  }
0x2bf: {  	v37 =	vor.u32 v7, v21;
	v40 =	vadd.f32 v49, v18;
	v31 =	vmov v54;
	[tilespmem:v60+s23+$0x0] =	vst.idx.msk $0xffff, v41  }
0x2c0: {  	v17 =	vmov v18;
	v49 =	vmul.f32 $8.000000000e+00, v52;
	v52 =	vor.u32 v8, v46;
	[tilespmem:v61+s23+$0x0] =	vst.idx.msk $0xffff, v53;
	v41 =	vld.idx.msk [tilespmem:v57+s5+$0x0], $0xffff  }
0x2c1: {  	v54 =	vor.u32 v8, v24;
	v53 =	vor.u32 v7, v23;
	v50 =	vld.idx.msk [tilespmem:v50+s5+$0x0], $0xffff;
	[tilespmem:v43+s23+$0x0] =	vst.idx.msk $0xffff, v40  }
0x2c2: {  	v18 =	vmov v28;
	v40 =	vadd.f32 v49, v19;
	v43 =	vmul.f32 $8.000000000e+00, v55;
	v42 =	vld.idx.msk [tilespmem:v42+s5+$0x0], $0xffff;
	[tilespmem:v34+s23+$0x0] =	vst.idx.msk $0xffff, v39  }
0x2c3: {  	v39 =	vor.u32 v13, v20;
	v34 =	vor.u32 v15, v20;
	v28 =	vld.idx.msk [tilespmem:v48+s5+$0x0], $0xffff;
	v48 =	vor.u32 v14, v22  }
0x2c4: {  	v29 =	vor.u32 v14, v29;
	v20 =	vadd.f32 v43, v18;
	v56 =	vld.idx.msk [tilespmem:v44+s24+$0x0], $0xffff;
	[tilespmem:v37+s23+$0x0] =	vst.idx.msk $0xffff, v40  }
0x2c5: {  	v49 =	vor.u32 v13, v47;
	v43 =	vor.u32 v10, v46;
	v37 =	vor.u32 v2, v38;
	v40 =	vld.idx.msk [tilespmem:v52+s5+$0x0], $0xffff  }
0x2c6: {  	v55 =	vmul.f32 $8.000000000e+00, v45;
	v22 =	vmovc v24;
	v52 =	vor.u32 v3, v25;
	v41 =	vmul.f32 $8.000000000e+00, v41;
	[tilespmem:v53+s23+$0x0] =	vst.idx.msk $0xffff, v20  }
0x2c7: {  	v45 =	vor.u32 v0, v51;
	v24 =	vmovc v32;
	v50 =	vmul.f32 $8.000000000e+00, v50;
	v53 =	vor.u32 v4, v27;
	v54 =	vld.idx.msk [tilespmem:v54+s5+$0x0], $0xffff  }
0x2c8: {  	v32 =	vmovc v38;
	v44 =	vadd.f32 v41, v33;
	v41 =	vadd.f32 v55, v16;
	v42 =	vmul.f32 $8.000000000e+00, v42;
	v20 =	vmovc v23  }
0x2c9: {  	v38 =	vadd.s32 s10, v0;
	v23 =	vmovc v30;
	v30 =	vmovc v51;
	v28 =	vmul.f32 $8.000000000e+00, v28;
	v50 =	vadd.f32 v50, v31  }
0x2ca: {  	v57 =	vor.u32 v9, v21;
	v51 =	vand.u32 $0xF, v38;
	[tilespmem:v49+s23+$0x0] =	vst.idx.msk $0xffff, v41;
	v41 =	vadd.f32 v42, v17  }
0x2cb: {  	v42 =	vor.u32 s8, v51;
	v59 =	vadd.f32 v28, v56;
	v40 =	vmul.f32 $8.000000000e+00, v40;
	[tilespmem:v52+s23+$0x0] =	vst.idx.msk $0xffff, v50;
	v29 =	vld.idx.msk [tilespmem:v29+s5+$0x0], $0xffff  }
0x2cc: {  	v38 =	vand.u32 $0x7, v38;
	v58 =	vor.u32 v9, v20;
	v49 =	vand.u32 $0x38, v42;
	v53 =	vld.idx.msk [tilespmem:v53+s5+$0x0], $0xffff;
	[tilespmem:v39+s23+$0x0] =	vst.idx.msk $0xffff, v41  }
0x2cd: {  	v41 =	vor.u32 v38, v49;
	v38 =	vshll.u32 v42, $0x7;
	v39 =	vadd.f32 v40, v19;
	[tilespmem:v45+s23+$0x0] =	vst.idx.msk $0xffff, v59  }
.Ltmp6:
0x2ce: {  	v40 =	vmul.f32 $8.000000000e+00, v54;
	v28 =	vmovc v33;
	v55 =	vor.u32 v1, v41;
	v50 =	vor.u32 v2, v41;
	v51 =	vld.idx.msk [tilespmem:v37+s5+$0x0], $0xffff;
	(pc) =	sbr.rel @p1 .LBB2_10-.Ltmp6, $4  }
0x2cf: {  	v49 =	vor.u32 v10, v22;
	v37 =	vor.u32 v15, v47;
	[tilespmem:v57+s23+$0x0] =	vst.idx.msk $0xffff, v39;
	v39 =	vld.idx.msk [tilespmem:v48+s5+$0x0], $0xffff  }
0x2d0: {  	v42 =	vor.u32 v12, v22;
	v54 =	vor.u32 v26, v41;
	v47 =	vadd.f32 v40, v18;
	v48 =	vld.idx.msk [tilespmem:v43+s5+$0x0], $0xffff  }
0x2d1: {  	v52 =	vor.u32 v5, v25;
	v33 =	vmovc v56;
	v43 =	vor.u32 v11, v20;
	v40 =	vmul.f32 $8.000000000e+00, v29;
	v29 =	vmovc v46  }
0x2d2: {  	v56 =	vmul.f32 $8.000000000e+00, v53;
	v53 =	vor.u32 v6, v27;
	v45 =	vor.u32 v12, v29;
	[tilespmem:v58+s23+$0x0] =	vst.idx.msk $0xffff, v47  }
0x2d3: {  	_ =	sdelay $0x3  }
0x2d4: {  	v46 =	vld.idx.msk [tilespmem:v55+s5+$0x0], $0xffff;
	_ =	sdelay $0x1  }
0x2d5: {  	v26 =	vld.idx.msk [tilespmem:v54+s24+$0x0], $0xffff;
	_ =	sdelay $0x1  }
0x2d6: {  	v47 =	vor.u32 v0, v38  }
0x2d7: {  	v46 =	vmul.f32 $8.000000000e+00, v46;
	_ =	sdelay $0x1  }
0x2d8: {  	v46 =	vadd.f32 v46, v26;
	_ =	sdelay $0x1  }
0x2d9: {  	[tilespmem:v47+s23+$0x0] =	vst.idx.msk $0xffff, v46  }
0x2da: {  	v46 =	vld.idx.msk [tilespmem:v50+s5+$0x0], $0xffff;
	_ =	sdelay $0x3  }
0x2db: {  	v58 =	vor.u32 v3, v38  }
0x2dc: {  	v59 =	vor.u32 v3, v30;
	v60 =	vor.u32 v4, v41;
	v46 =	vmul.f32 $8.000000000e+00, v46  }
0x2dd: {  	v61 =	vor.u32 v4, v32;
	v51 =	vmul.f32 $8.000000000e+00, v51  }
0x2de: {  	v46 =	vadd.f32 v46, v26  }
0x2df: {  	v51 =	vadd.f32 v51, v33  }
0x2e0: {  	[tilespmem:v58+s23+$0x0] =	vst.idx.msk $0xffff, v46  }
0x2e1: {  	[tilespmem:v59+s23+$0x0] =	vst.idx.msk $0xffff, v51;
	v46 =	vld.idx.msk [tilespmem:v60+s5+$0x0], $0xffff  }
0x2e2: {  	v62 =	vld.idx.msk [tilespmem:v61+s5+$0x0], $0xffff  }
0x2e3: {  	v57 =	vor.u32 v6, v24  }
0x2e4: {  	v63 =	vadd.f32 v56, v31  }
0x2e5: {  	v58 =	vor.u32 v5, v38  }
0x2e6: {  	[tilespmem:v52+s23+$0x0] =	vst.idx.msk $0xffff, v63;
	v59 =	vor.u32 v6, v41;
	v46 =	vmul.f32 $8.000000000e+00, v46  }
0x2e7: {  	[tilespmem:v36+s23+$0x0] =	vst.idx.msk $0xffff, v44;
	v52 =	vld.idx.msk [tilespmem:v53+s5+$0x0], $0xffff;
	v47 =	vmul.f32 $8.000000000e+00, v62;
	v60 =	vor.u32 v6, v32  }
0x2e8: {  	v44 =	vld.idx.msk [tilespmem:v57+s5+$0x0], $0xffff;
	v46 =	vadd.f32 v46, v26  }
0x2e9: {  	v61 =	vadd.f32 v47, v33  }
0x2ea: {  	[tilespmem:v58+s23+$0x0] =	vst.idx.msk $0xffff, v46  }
0x2eb: {  	v62 =	vor.u32 v7, v25;
	[tilespmem:v35+s23+$0x0] =	vst.idx.msk $0xffff, v61;
	v63 =	vld.idx.msk [tilespmem:v59+s5+$0x0], $0xffff  }
0x2ec: {  	v57 =	vor.u32 v8, v27;
	v56 =	vmul.f32 $8.000000000e+00, v52;
	v50 =	vld.idx.msk [tilespmem:v60+s5+$0x0], $0xffff  }
0x2ed: {  	v44 =	vmul.f32 $8.000000000e+00, v44;
	v58 =	vor.u32 v7, v23  }
0x2ee: {  	v35 =	vadd.f32 v56, v31;
	v59 =	vor.u32 v8, v24  }
0x2ef: {  	v44 =	vadd.f32 v44, v28;
	v60 =	vor.u32 v7, v38  }
0x2f0: {  	[tilespmem:v62+s23+$0x0] =	vst.idx.msk $0xffff, v35;
	v62 =	vor.u32 v8, v41;
	v61 =	vmul.f32 $8.000000000e+00, v63;
	v63 =	vor.u32 v7, v30  }
0x2f1: {  	v36 =	vld.idx.msk [tilespmem:v57+s5+$0x0], $0xffff;
	v57 =	vor.u32 v8, v32;
	v50 =	vmul.f32 $8.000000000e+00, v50  }
0x2f2: {  	[tilespmem:v58+s23+$0x0] =	vst.idx.msk $0xffff, v44;
	v35 =	vadd.f32 v61, v26  }
0x2f3: {  	v58 =	vadd.f32 v50, v33;
	v59 =	vld.idx.msk [tilespmem:v59+s5+$0x0], $0xffff  }
0x2f4: {  	[tilespmem:v60+s23+$0x0] =	vst.idx.msk $0xffff, v35  }
0x2f5: {  	v35 =	vld.idx.msk [tilespmem:v62+s5+$0x0], $0xffff;
	[tilespmem:v63+s23+$0x0] =	vst.idx.msk $0xffff, v58  }
0x2f6: {  	v60 =	vor.u32 v9, v25;
	v61 =	vld.idx.msk [tilespmem:v57+s5+$0x0], $0xffff  }
0x2f7: {  	v47 =	vor.u32 v10, v27;
	v36 =	vmul.f32 $8.000000000e+00, v36;
	v62 =	vor.u32 v9, v23  }
0x2f8: {  	v50 =	vmul.f32 $8.000000000e+00, v59;
	v63 =	vor.u32 v10, v24  }
0x2f9: {  	v54 =	vor.u32 v10, v41;
	v36 =	vadd.f32 v36, v31;
	v57 =	vor.u32 v9, v38  }
0x2fa: {  	v55 =	vor.u32 v9, v30;
	v58 =	vadd.f32 v50, v28;
	v35 =	vmul.f32 $8.000000000e+00, v35  }
0x2fb: {  	v49 =	vld.idx.msk [tilespmem:v49+s5+$0x0], $0xffff;
	[tilespmem:v60+s23+$0x0] =	vst.idx.msk $0xffff, v36;
	v60 =	vor.u32 v10, v32;
	v59 =	vmul.f32 $8.000000000e+00, v61  }
0x2fc: {  	v47 =	vld.idx.msk [tilespmem:v47+s5+$0x0], $0xffff;
	[tilespmem:v62+s23+$0x0] =	vst.idx.msk $0xffff, v58;
	v61 =	vor.u32 v11, v21;
	v35 =	vadd.f32 v35, v26  }
0x2fd: {  	v48 =	vmul.f32 $8.000000000e+00, v48;
	v63 =	vld.idx.msk [tilespmem:v63+s5+$0x0], $0xffff;
	v62 =	vadd.f32 v59, v33  }
0x2fe: {  	[tilespmem:v57+s23+$0x0] =	vst.idx.msk $0xffff, v35  }
0x2ff: {  	v56 =	vadd.f32 v48, v19;
	v58 =	vld.idx.msk [tilespmem:v54+s5+$0x0], $0xffff;
	[tilespmem:v55+s23+$0x0] =	vst.idx.msk $0xffff, v62  }
0x300: {  	v59 =	vor.u32 v11, v25;
	v57 =	vmul.f32 $8.000000000e+00, v49;
	v46 =	vld.idx.msk [tilespmem:v60+s5+$0x0], $0xffff  }
0x301: {  	v51 =	vor.u32 v11, v23;
	v47 =	vmul.f32 $8.000000000e+00, v47;
	[tilespmem:v61+s23+$0x0] =	vst.idx.msk $0xffff, v56;
	v61 =	vor.u32 v12, v27  }
0x302: {  	v44 =	vor.u32 v11, v38;
	v60 =	vadd.f32 v57, v18;
	v63 =	vmul.f32 $8.000000000e+00, v63  }
0x303: {  	v50 =	vor.u32 v12, v24;
	v56 =	vor.u32 v12, v41;
	v45 =	vld.idx.msk [tilespmem:v45+s5+$0x0], $0xffff;
	v62 =	vadd.f32 v47, v31  }
0x304: {  	v47 =	vor.u32 v11, v30;
	[tilespmem:v43+s23+$0x0] =	vst.idx.msk $0xffff, v60;
	v57 =	vadd.f32 v63, v28;
	v49 =	vmul.f32 $8.000000000e+00, v58  }
0x305: {  	v42 =	vld.idx.msk [tilespmem:v42+s5+$0x0], $0xffff;
	[tilespmem:v59+s23+$0x0] =	vst.idx.msk $0xffff, v62;
	v58 =	vor.u32 v12, v32;
	v59 =	vmul.f32 $8.000000000e+00, v46  }
0x306: {  	v60 =	vld.idx.msk [tilespmem:v61+s5+$0x0], $0xffff;
	v61 =	vadd.f32 v49, v26  }
0x307: {  	v29 =	vor.u32 v14, v29;
	[tilespmem:v51+s23+$0x0] =	vst.idx.msk $0xffff, v57;
	v62 =	vadd.f32 v59, v33  }
0x308: {  	v22 =	vor.u32 v14, v22;
	v24 =	vor.u32 v14, v24;
	v53 =	vld.idx.msk [tilespmem:v50+s5+$0x0], $0xffff;
	[tilespmem:v44+s23+$0x0] =	vst.idx.msk $0xffff, v61  }
0x309: {  	v63 =	vor.u32 v13, v21;
	v45 =	vmul.f32 $8.000000000e+00, v45;
	v44 =	vld.idx.msk [tilespmem:v56+s5+$0x0], $0xffff;
	[tilespmem:v47+s23+$0x0] =	vst.idx.msk $0xffff, v62  }
0x30a: {  	v54 =	vor.u32 v13, v20;
	v55 =	vor.u32 v13, v25;
	v27 =	vor.u32 v14, v27;
	v36 =	vld.idx.msk [tilespmem:v58+s5+$0x0], $0xffff  }
0x30b: {  	v59 =	vor.u32 v13, v38;
	v42 =	vmul.f32 $8.000000000e+00, v42;
	v45 =	vadd.f32 v45, v19  }
0x30c: {  	v61 =	vor.u32 v14, v41;
	v56 =	vor.u32 v13, v23;
	v46 =	vmul.f32 $8.000000000e+00, v60  }
0x30d: {  	v42 =	vadd.f32 v42, v18;
	v58 =	vmul.f32 $8.000000000e+00, v53;
	v60 =	vor.u32 v13, v30  }
0x30e: {  	[tilespmem:v63+s23+$0x0] =	vst.idx.msk $0xffff, v45;
	v63 =	vor.u32 v14, v32;
	v57 =	vadd.f32 v46, v31;
	v44 =	vmul.f32 $8.000000000e+00, v44  }
0x30f: {  	v29 =	vld.idx.msk [tilespmem:v29+s5+$0x0], $0xffff;
	[tilespmem:v54+s23+$0x0] =	vst.idx.msk $0xffff, v42;
	v62 =	vadd.f32 v58, v28;
	v36 =	vmul.f32 $8.000000000e+00, v36  }
0x310: {  	v22 =	vld.idx.msk [tilespmem:v22+s5+$0x0], $0xffff;
	[tilespmem:v55+s23+$0x0] =	vst.idx.msk $0xffff, v57;
	v45 =	vadd.f32 v44, v26  }
0x311: {  	[tilespmem:v56+s23+$0x0] =	vst.idx.msk $0xffff, v62;
	v27 =	vld.idx.msk [tilespmem:v27+s5+$0x0], $0xffff;
	v47 =	vadd.f32 v36, v33  }
0x312: {  	v24 =	vld.idx.msk [tilespmem:v24+s5+$0x0], $0xffff;
	[tilespmem:v59+s23+$0x0] =	vst.idx.msk $0xffff, v45  }
0x313: {  	v48 =	vmul.f32 $8.000000000e+00, v39;
	v21 =	vor.u32 v15, v21;
	v50 =	vld.idx.msk [tilespmem:v61+s5+$0x0], $0xffff;
	[tilespmem:v60+s23+$0x0] =	vst.idx.msk $0xffff, v47  }
0x314: {  	v16 =	vadd.f32 v40, v16;
	v20 =	vor.u32 v15, v20;
	v29 =	vmul.f32 $8.000000000e+00, v29;
	v32 =	vld.idx.msk [tilespmem:v63+s5+$0x0], $0xffff  }
0x315: {  	v17 =	vadd.f32 v48, v17;
	v25 =	vor.u32 v15, v25;
	v22 =	vmul.f32 $8.000000000e+00, v22  }
0x316: {  	[tilespmem:v37+s23+$0x0] =	vst.idx.msk $0xffff, v16;
	v16 =	vadd.f32 v29, v19;
	v19 =	vor.u32 v15, v23;
	v23 =	vmul.f32 $8.000000000e+00, v27  }
0x317: {  	[tilespmem:v34+s23+$0x0] =	vst.idx.msk $0xffff, v17;
	v17 =	vadd.f32 v22, v18;
	v18 =	vmul.f32 $8.000000000e+00, v24;
	v22 =	vor.u32 v15, v38  }
0x318: {  	[tilespmem:v21+s23+$0x0] =	vst.idx.msk $0xffff, v16;
	v21 =	vor.u32 v15, v30;
	v16 =	vadd.f32 v23, v31;
	v23 =	vmul.f32 $8.000000000e+00, v50  }
0x319: {  	[tilespmem:v20+s23+$0x0] =	vst.idx.msk $0xffff, v17;
	v17 =	vadd.f32 v18, v28;
	v18 =	vmul.f32 $8.000000000e+00, v32  }
0x31a: {  	s0 =	sshll.u32 s0, $0x12;
	[tilespmem:v25+s23+$0x0] =	vst.idx.msk $0xffff, v16;
	v16 =	vadd.f32 v23, v26  }
0x31b: {  	s0 =	sor.u32 s15, s0;
	[tilespmem:v19+s23+$0x0] =	vst.idx.msk $0xffff, v17;
	v17 =	vadd.f32 v18, v33  }
0x31c: {  	s0 =	sshrl.u32 s0, $0x3;
	[tilespmem:v22+s23+$0x0] =	vst.idx.msk $0xffff, v16  }
0x31d: {  	s8 =	sadd.s32 s2, s0;
	[tilespmem:v21+s23+$0x0] =	vst.idx.msk $0xffff, v17  }
0x31e: {  	[hbm4b:s8+s3] =	stream.linear.scatter [tilespmem:s23], [sflag:$0x9], $0x400, $0x38;
	[tilespmem:$0xF400] =	vst v63  }
0x31f: {  	s10 =	simm.s32 $0x8600;
	s28 =	sadd.s32 s0, s16  }
0x320: {  	[hbm4b:s28+s3] =	stream.linear.scatter [tilespmem:s10], [sflag:$0x9], $0x400, $0x38;
	[tilespmem:$0xF400] =	vst v63  }
0x321: {  	s10 =	sadd.s32 s0, s17;
	s28 =	simm.s32 $0x8A00  }
0x322: {  	[hbm4b:s10+s3] =	stream.linear.scatter [tilespmem:s28], [sflag:$0x9], $0x400, $0x38;
	[tilespmem:$0xF400] =	vst v63  }
0x323: {  	s10 =	sadd.s32 s0, s18;
	s28 =	simm.s32 $0x8E00  }
0x324: {  	[hbm4b:s10+s3] =	stream.linear.scatter [tilespmem:s28], [sflag:$0x9], $0x400, $0x38;
	[tilespmem:$0xF400] =	vst v63  }
0x325: {  	s10 =	sadd.s32 s0, s19;
	s28 =	simm.s32 $0x9200  }
0x326: {  	[hbm4b:s10+s3] =	stream.linear.scatter [tilespmem:s28], [sflag:$0x9], $0x400, $0x38;
	[tilespmem:$0xF400] =	vst v63  }
0x327: {  	s10 =	sadd.s32 s0, s20;
	s28 =	simm.s32 $0x9600  }
0x328: {  	[hbm4b:s10+s3] =	stream.linear.scatter [tilespmem:s28], [sflag:$0x9], $0x400, $0x38;
	[tilespmem:$0xF400] =	vst v63  }
0x329: {  	s10 =	sadd.s32 s0, s21;
	s28 =	simm.s32 $0x9A00  }
0x32a: {  	[hbm4b:s10+s3] =	stream.linear.scatter [tilespmem:s28], [sflag:$0x9], $0x400, $0x38;
	[tilespmem:$0xF400] =	vst v63  }
0x32b: {  	s0 =	sadd.s32 s0, s22;
	s10 =	simm.s32 $0x9E00  }
0x32c: {  	[hbm4b:s0+s3] =	stream.linear.scatter [tilespmem:s10], [sflag:$0x9], $0x400, $0x38;
	[tilespmem:$0xF400] =	vst v63  }
0x32d: {  	s0 =	simm.s32 @!p0 $0x3  }
0x32e: {  	_ =	swait.ge @!p0 [sflag:s0], $0x80  }
0x32f: {  	s8 =	simm.s32 @!p0 $0x100;
	[sflag:s0] =	ssyncset.done @!p0 $0x0  }
0x330: {  	s10 =	simm.s32 @!p0 $0x4200;
	[sflag:s0] =	ssyncadd.s32 @!p0 $0xFFFFFF80;
	s0 =	simm.s32 @!p0 $0x80  }
0x331: {  	[tilespmem:s10], [sflag:$0x7] =	stream.indirect.gather @!p0 [hbm4b:s6+s0], $0x40, s8, s0, $0xb8;
	[tilespmem:$0xF400] =	vst v63  }
0x332: {  	_ =	swait.ge [sflag:s13], $0x2000  }
0x333: {  	s0 =	rddreg [dreg:$0xb]  }
0x334: {  	s0 =	sadd.s32 @!p0 s0, s25  }
0x335: {  	s8 =	simm.s32 @!p0 $0x0;
	[sflag:s13] =	ssyncset.done $0x0;
	s0 =	sshrl.u32 @!p0 s0, $0x3  }
0x336: {  	s10 =	simm.s32 @!p0 $0x180;
	[sflag:s13] =	ssyncadd.s32 $0xFFFFE000;
	s0 =	sadd.s32 @!p0 s4, s0  }
0x337: {  	[tilespmem:s10], [sflag:$0x4] =	stream.linear.gather @!p0 [hbm4b:s0+s8], $0x80, $0x38;
	[tilespmem:$0xF400] =	vst v63  }
0x338: {  	_ =	swait.ge [sflag:s14], $0x400  }
0x339: {  	[sflag:s14] =	ssyncset.done $0x0  }
0x33a: {  	[sflag:s14] =	ssyncadd.s32 $0xFFFFFC00  }
0x33b: {  	_ =	swait.ge [sflag:s14], $0x400  }
0x33c: {  	[sflag:s14] =	ssyncset.done $0x0  }
0x33d: {  	[sflag:s14] =	ssyncadd.s32 $0xFFFFFC00  }
0x33e: {  	_ =	swait.ge [sflag:s14], $0x400  }
0x33f: {  	[sflag:s14] =	ssyncset.done $0x0  }
0x340: {  	[sflag:s14] =	ssyncadd.s32 $0xFFFFFC00  }
0x341: {  	_ =	swait.ge [sflag:s14], $0x400  }
0x342: {  	[sflag:s14] =	ssyncset.done $0x0  }
0x343: {  	[sflag:s14] =	ssyncadd.s32 $0xFFFFFC00  }
0x344: {  	_ =	swait.ge [sflag:s14], $0x400  }
0x345: {  	s28 =	simm.s32 $0x0;
	[sflag:s14] =	ssyncset.done $0x0  }
0x346: {  	v16 =	vadd.s32 s28, v0;
	s10 =	simm.s32 $0x1;
	[sflag:s14] =	ssyncadd.s32 $0xFFFFFC00  }
0x347: {  	v18 =	vand.u32 $0xF, v16;
	s0 =	sand.u32 $0x30, s28;
	v17 =	vadd.s32 s10, v0;
	_ =	swait.ge [sflag:s14], $0x400  }
0x348: {  	v18 =	vor.u32 s0, v18;
	v19 =	vand.u32 $0xF, v17;
	[sflag:s14] =	ssyncset.done $0x0  }
0x349: {  	v16 =	vand.u32 $0x7, v16;
	v20 =	vand.u32 $0x38, v18;
	v19 =	vor.u32 s0, v19;
	[sflag:s14] =	ssyncadd.s32 $0xFFFFFC00  }
0x34a: {  	v17 =	vand.u32 $0x7, v17;
	s0 =	sor.u32 $0x3, s30;
	v38 =	vor.u32 v16, v20;
	v21 =	vand.u32 $0x38, v19;
	_ =	swait.ge [sflag:s14], $0x400  }
0x34b: {  	s25 =	sshll.u32 s0, $0x6;
	v16 =	vor.u32 v1, v38;
	v33 =	vor.u32 v17, v21;
	[sflag:s14] =	ssyncset.done $0x0  }
0x34c: {  	v26 =	vmov s25;
	v17 =	vor.u32 v1, v33;
	[sflag:s14] =	ssyncadd.s32 $0xFFFFFC00  }
0x34d: {  	v20 =	vor.u32 v26, v38;
	_ =	swait.ge [sflag:s14], $0x400  }
0x34e: {  	[sflag:s14] =	ssyncset.done $0x0  }
0x34f: {  	v21 =	vor.u32 v26, v33;
	[sflag:s14] =	ssyncadd.s32 $0xFFFFFC00  }
0x350: {  	v22 =	vld.idx.msk [tilespmem:v16+s9+$0x0], $0xffff  }
0x351: {  	v23 =	vld.idx.msk [tilespmem:v17+s9+$0x0], $0xffff  }
0x352: {  	v16 =	vld.idx.msk [tilespmem:v20+s24+$0x0], $0xffff  }
0x353: {  	v37 =	vshll.u32 v18, $0x7  }
0x354: {  	v18 =	vor.u32 v0, v37;
	v17 =	vld.idx.msk [tilespmem:v21+s24+$0x0], $0xffff  }
0x355: {  	s28 =	simm.s32 $0x3;
	v34 =	vshll.u32 v19, $0x7;
	v19 =	vor.u32 v2, v38;
	v20 =	vmul.f32 $8.000000000e+00, v22  }
0x356: {  	v24 =	vadd.s32 s28, v0;
	v22 =	vor.u32 v0, v34  }
0x357: {  	s30 =	simm.s32 $0x2;
	v21 =	vor.u32 v2, v33;
	v23 =	vmul.f32 $8.000000000e+00, v23;
	v20 =	vadd.f32 v20, v16  }
0x358: {  	v25 =	vand.u32 $0xF, v24;
	s25 =	sand.u32 $0x30, s30  }
0x359: {  	v25 =	vor.u32 s25, v25;
	v23 =	vadd.f32 v23, v17;
	[tilespmem:v18+s12+$0x0] =	vst.idx.msk $0xffff, v20  }
0x35a: {  	v18 =	vand.u32 $0x38, v25;
	v20 =	vand.u32 $0x7, v24;
	v19 =	vld.idx.msk [tilespmem:v19+s9+$0x0], $0xffff  }
0x35b: {  	[tilespmem:v22+s12+$0x0] =	vst.idx.msk $0xffff, v23;
	v22 =	vor.u32 v20, v18  }
0x35c: {  	v18 =	vld.idx.msk [tilespmem:v21+s9+$0x0], $0xffff;
	v20 =	vor.u32 v1, v22;
	_ =	sdelay $0x1  }
0x35d: {  	v23 =	vor.u32 v3, v37;
	v21 =	vor.u32 v26, v22  }
0x35e: {  	v24 =	vor.u32 v4, v38;
	v19 =	vmul.f32 $8.000000000e+00, v19  }
0x35f: {  	v29 =	vadd.s32 s30, v0;
	v28 =	vor.u32 v3, v34;
	v27 =	vor.u32 v4, v33  }
0x360: {  	v18 =	vmul.f32 $8.000000000e+00, v18;
	v30 =	vld.idx.msk [tilespmem:v20+s9+$0x0], $0xffff;
	v20 =	vand.u32 $0xF, v29;
	v19 =	vadd.f32 v19, v16  }
0x361: {  	v31 =	vor.u32 s25, v20  }
0x362: {  	v51 =	vadd.f32 v18, v17;
	v18 =	vld.idx.msk [tilespmem:v21+s24+$0x0], $0xffff;
	v21 =	vand.u32 $0x7, v29;
	[tilespmem:v23+s12+$0x0] =	vst.idx.msk $0xffff, v19;
	v19 =	vand.u32 $0x38, v31  }
0x363: {  	v20 =	vshll.u32 v25, $0x7;
	v23 =	vld.idx.msk [tilespmem:v24+s9+$0x0], $0xffff;
	v29 =	vor.u32 v21, v19  }
0x364: {  	[tilespmem:v28+s12+$0x0] =	vst.idx.msk $0xffff, v51;
	v19 =	vor.u32 v0, v20;
	v21 =	vor.u32 v1, v29  }
0x365: {  	v25 =	vor.u32 v2, v22;
	v24 =	vld.idx.msk [tilespmem:v27+s9+$0x0], $0xffff;
	v27 =	vmul.f32 $8.000000000e+00, v30  }
0x366: {  	v28 =	vor.u32 v26, v29  }
0x367: {  	v30 =	vor.u32 v5, v37;
	v27 =	vadd.f32 v27, v18  }
0x368: {  	v52 =	vor.u32 v6, v38;
	v23 =	vmul.f32 $8.000000000e+00, v23  }
0x369: {  	[tilespmem:v19+s12+$0x0] =	vst.idx.msk $0xffff, v27;
	v27 =	vld.idx.msk [tilespmem:v21+s9+$0x0], $0xffff  }
0x36a: {  	v53 =	vor.u32 v5, v34;
	v21 =	vmul.f32 $8.000000000e+00, v24;
	v24 =	vld.idx.msk [tilespmem:v25+s9+$0x0], $0xffff;
	v23 =	vadd.f32 v23, v16  }
0x36b: {  	s28 =	simm.s32 $0x5;
	v25 =	vor.u32 v6, v33;
	v19 =	vld.idx.msk [tilespmem:v28+s24+$0x0], $0xffff  }
0x36c: {  	s30 =	simm.s32 $0x4;
	v28 =	vadd.f32 v21, v17;
	v21 =	vshll.u32 v31, $0x7;
	v31 =	vadd.s32 s28, v0;
	[tilespmem:v30+s12+$0x0] =	vst.idx.msk $0xffff, v23  }
0x36d: {  	v55 =	vor.u32 v4, v22;
	s25 =	sand.u32 $0x30, s30;
	v30 =	vand.u32 $0xF, v31;
	v54 =	vor.u32 v0, v21;
	v32 =	vld.idx.msk [tilespmem:v52+s9+$0x0], $0xffff  }
0x36e: {  	v56 =	vor.u32 v3, v20;
	v30 =	vor.u32 s25, v30;
	v27 =	vmul.f32 $8.000000000e+00, v27  }
0x36f: {  	v23 =	vor.u32 v2, v29;
	v31 =	vand.u32 $0x7, v31;
	[tilespmem:v53+s12+$0x0] =	vst.idx.msk $0xffff, v28;
	v57 =	vand.u32 $0x38, v30  }
0x370: {  	v28 =	vmul.f32 $8.000000000e+00, v24;
	v25 =	vld.idx.msk [tilespmem:v25+s9+$0x0], $0xffff;
	v24 =	vor.u32 v31, v57;
	v27 =	vadd.f32 v27, v19  }
0x371: {  	v58 =	vor.u32 v7, v37;
	v59 =	vor.u32 v8, v38;
	v31 =	vor.u32 v1, v24  }
0x372: {  	v61 =	vor.u32 v7, v34;
	v28 =	vadd.f32 v28, v18;
	[tilespmem:v54+s12+$0x0] =	vst.idx.msk $0xffff, v27;
	v27 =	vmul.f32 $8.000000000e+00, v32  }
0x373: {  	v62 =	vor.u32 v8, v33;
	v48 =	vadd.s32 s30, v0;
	v60 =	vor.u32 v26, v24  }
0x374: {  	v47 =	vor.u32 v12, v33;
	[tilespmem:v56+s12+$0x0] =	vst.idx.msk $0xffff, v28;
	v23 =	vld.idx.msk [tilespmem:v23+s9+$0x0], $0xffff;
	v27 =	vadd.f32 v27, v16  }
0x375: {  	v35 =	vand.u32 $0x7, v48;
	v45 =	vor.u32 v5, v20;
	v39 =	vld.idx.msk [tilespmem:v55+s9+$0x0], $0xffff;
	v25 =	vmul.f32 $8.000000000e+00, v25  }
0x376: {  	v51 =	vor.u32 v10, v38;
	v50 =	vor.u32 v4, v29;
	v31 =	vld.idx.msk [tilespmem:v31+s9+$0x0], $0xffff;
	[tilespmem:v58+s12+$0x0] =	vst.idx.msk $0xffff, v27  }
0x377: {  	v63 =	vor.u32 v3, v21;
	v52 =	vand.u32 $0xF, v48;
	v25 =	vadd.f32 v25, v17;
	v27 =	vld.idx.msk [tilespmem:v59+s9+$0x0], $0xffff  }
0x378: {  	v53 =	vor.u32 v9, v37;
	v41 =	vor.u32 s25, v52;
	v57 =	vor.u32 v9, v34;
	v28 =	vld.idx.msk [tilespmem:v60+s24+$0x0], $0xffff  }
0x379: {  	v44 =	vor.u32 v4, v24;
	[tilespmem:v61+s12+$0x0] =	vst.idx.msk $0xffff, v25;
	v49 =	vmul.f32 $8.000000000e+00, v23;
	v23 =	vshll.u32 v30, $0x7  }
0x37a: {  	v61 =	vor.u32 v5, v21;
	v30 =	vor.u32 v2, v24;
	v40 =	vld.idx.msk [tilespmem:v62+s9+$0x0], $0xffff;
	v25 =	vor.u32 v0, v23  }
0x37b: {  	v55 =	vmul.f32 $8.000000000e+00, v39;
	v36 =	vadd.f32 v49, v19;
	v31 =	vmul.f32 $8.000000000e+00, v31  }
0x37c: {  	s28 =	simm.s32 $0x7;
	v62 =	vor.u32 v6, v29;
	v49 =	vor.u32 v6, v22;
	v54 =	vmul.f32 $8.000000000e+00, v27  }
0x37d: {  	[tilespmem:v63+s12+$0x0] =	vst.idx.msk $0xffff, v36;
	v27 =	vand.u32 $0x38, v41;
	v31 =	vadd.f32 v31, v28;
	v63 =	vadd.s32 s28, v0  }
0x37e: {  	v36 =	vadd.f32 v55, v18;
	v56 =	vld.idx.msk [tilespmem:v50+s9+$0x0], $0xffff;
	v27 =	vor.u32 v35, v27;
	v42 =	vand.u32 $0x7, v63  }
0x37f: {  	v32 =	vadd.f32 v54, v16;
	v58 =	vor.u32 v1, v27;
	[tilespmem:v25+s12+$0x0] =	vst.idx.msk $0xffff, v31;
	v25 =	vmul.f32 $8.000000000e+00, v40  }
0x380: {  	v31 =	vor.u32 v10, v33;
	v59 =	vor.u32 v26, v27;
	[tilespmem:v45+s12+$0x0] =	vst.idx.msk $0xffff, v36;
	v30 =	vld.idx.msk [tilespmem:v30+s9+$0x0], $0xffff  }
0x381: {  	v40 =	vor.u32 v2, v27;
	v36 =	vor.u32 v5, v23;
	v55 =	vld.idx.msk [tilespmem:v49+s9+$0x0], $0xffff;
	[tilespmem:v53+s12+$0x0] =	vst.idx.msk $0xffff, v32  }
0x382: {  	v49 =	vor.u32 v10, v22;
	v60 =	vadd.f32 v25, v17;
	v25 =	vshll.u32 v41, $0x7;
	v43 =	vld.idx.msk [tilespmem:v51+s9+$0x0], $0xffff  }
0x383: {  	v41 =	vor.u32 v12, v38;
	v38 =	vor.u32 v14, v38;
	v39 =	vmul.f32 $8.000000000e+00, v56  }
0x384: {  	s30 =	simm.s32 $0x6;
	v51 =	vor.u32 v11, v37;
	v54 =	vor.u32 v3, v25;
	[tilespmem:v57+s12+$0x0] =	vst.idx.msk $0xffff, v60;
	v35 =	vld.idx.msk [tilespmem:v58+s9+$0x0], $0xffff  }
0x385: {  	s8 =	sand.u32 $0x30, s30;
	v57 =	vand.u32 $0xF, v63;
	v60 =	vor.u32 v0, v25;
	v50 =	vld.idx.msk [tilespmem:v31+s9+$0x0], $0xffff;
	v39 =	vadd.f32 v39, v19  }
0x386: {  	v31 =	vld.idx.msk [tilespmem:v59+s24+$0x0], $0xffff;
	v58 =	vor.u32 v3, v23;
	v53 =	vor.u32 s8, v57;
	v30 =	vmul.f32 $8.000000000e+00, v30  }
0x387: {  	v63 =	vor.u32 v11, v34;
	[tilespmem:v61+s12+$0x0] =	vst.idx.msk $0xffff, v39;
	v59 =	vmul.f32 $8.000000000e+00, v43;
	v61 =	vand.u32 $0x38, v53  }
0x388: {  	v30 =	vadd.f32 v30, v28;
	v46 =	vld.idx.msk [tilespmem:v62+s9+$0x0], $0xffff;
	v32 =	vor.u32 v42, v61;
	v61 =	vor.u32 v7, v20  }
0x389: {  	v42 =	vmul.f32 $8.000000000e+00, v55;
	v55 =	vor.u32 v4, v27;
	v35 =	vmul.f32 $8.000000000e+00, v35  }
0x38a: {  	v62 =	vadd.f32 v59, v16;
	v43 =	vor.u32 v26, v32;
	v56 =	vmul.f32 $8.000000000e+00, v50  }
0x38b: {  	v52 =	vadd.s32 s30, v0;
	v57 =	vor.u32 v1, v32;
	[tilespmem:v58+s12+$0x0] =	vst.idx.msk $0xffff, v30;
	v35 =	vadd.f32 v35, v31  }
0x38c: {  	v58 =	vor.u32 v7, v21;
	v39 =	vld.idx.msk [tilespmem:v44+s9+$0x0], $0xffff;
	[tilespmem:v51+s12+$0x0] =	vst.idx.msk $0xffff, v62;
	v50 =	vadd.f32 v56, v17  }
0x38d: {  	v30 =	vshll.u32 v53, $0x7;
	v41 =	vld.idx.msk [tilespmem:v41+s9+$0x0], $0xffff;
	[tilespmem:v60+s12+$0x0] =	vst.idx.msk $0xffff, v35;
	v59 =	vmul.f32 $8.000000000e+00, v46;
	v60 =	vor.u32 v8, v29  }
0x38e: {  	v53 =	vor.u32 v14, v33;
	v42 =	vadd.f32 v42, v18;
	[tilespmem:v63+s12+$0x0] =	vst.idx.msk $0xffff, v50;
	v40 =	vld.idx.msk [tilespmem:v40+s9+$0x0], $0xffff  }
0x38f: {  	v62 =	vor.u32 v8, v22;
	v56 =	vor.u32 v10, v29;
	v47 =	vld.idx.msk [tilespmem:v47+s9+$0x0], $0xffff;
	v44 =	vadd.f32 v59, v19  }
0x390: {  	v35 =	vor.u32 v5, v30;
	v50 =	vor.u32 v13, v34;
	[tilespmem:v61+s12+$0x0] =	vst.idx.msk $0xffff, v42;
	v48 =	vld.idx.msk [tilespmem:v57+s9+$0x0], $0xffff  }
0x391: {  	v34 =	vor.u32 v15, v34;
	v63 =	vor.u32 v13, v37;
	v33 =	vld.idx.msk [tilespmem:v43+s24+$0x0], $0xffff;
	[tilespmem:v58+s12+$0x0] =	vst.idx.msk $0xffff, v44  }
0x392: {  	v42 =	vor.u32 v0, v30;
	v37 =	vor.u32 v15, v37;
	v41 =	vmul.f32 $8.000000000e+00, v41;
	v46 =	vld.idx.msk [tilespmem:v60+s9+$0x0], $0xffff  }
0x393: {  	v43 =	vor.u32 v2, v32;
	v57 =	vor.u32 v9, v21;
	v40 =	vmul.f32 $8.000000000e+00, v40  }
0x394: {  	v39 =	vmul.f32 $8.000000000e+00, v39;
	v45 =	vld.idx.msk [tilespmem:v62+s9+$0x0], $0xffff;
	v41 =	vadd.f32 v41, v16;
	v47 =	vmul.f32 $8.000000000e+00, v47  }
0x395: {  	v59 =	vor.u32 v9, v20;
	v60 =	vmul.f32 $8.000000000e+00, v48;
	v40 =	vadd.f32 v40, v31  }
0x396: {  	v61 =	vand.u32 $0xF, v52;
	v44 =	vadd.f32 v39, v28;
	[tilespmem:v63+s12+$0x0] =	vst.idx.msk $0xffff, v41;
	v62 =	vadd.f32 v47, v17  }
0x397: {  	v63 =	vor.u32 s8, v61;
	v39 =	vadd.f32 v60, v33;
	[tilespmem:v54+s12+$0x0] =	vst.idx.msk $0xffff, v40;
	v54 =	vmul.f32 $8.000000000e+00, v46;
	v46 =	vld.idx.msk [tilespmem:v38+s9+$0x0], $0xffff  }
0x398: {  	v61 =	vand.u32 $0x7, v52;
	v52 =	vor.u32 v5, v25;
	v60 =	vand.u32 $0x38, v63;
	[tilespmem:v50+s12+$0x0] =	vst.idx.msk $0xffff, v62;
	v58 =	vld.idx.msk [tilespmem:v55+s9+$0x0], $0xffff  }
0x399: {  	v41 =	vor.u32 v61, v60;
	v38 =	vshll.u32 v63, $0x7;
	[tilespmem:v42+s12+$0x0] =	vst.idx.msk $0xffff, v39;
	v62 =	vmul.f32 $8.000000000e+00, v45  }
0x39a: {  	v42 =	vor.u32 v12, v22;
	v55 =	vor.u32 v1, v41;
	v40 =	vadd.f32 v54, v19  }
0x39b: {  	v45 =	vor.u32 v12, v29;
	v50 =	vor.u32 v2, v41;
	v51 =	vld.idx.msk [tilespmem:v43+s9+$0x0], $0xffff;
	v63 =	vadd.f32 v62, v18  }
0x39c: {  	v39 =	vld.idx.msk [tilespmem:v53+s9+$0x0], $0xffff;
	v43 =	vor.u32 v11, v20;
	v54 =	vor.u32 v26, v41;
	[tilespmem:v57+s12+$0x0] =	vst.idx.msk $0xffff, v40  }
0x39d: {  	s25 =	simm.s32 $0x8;
	v53 =	vor.u32 v6, v27;
	[tilespmem:v59+s12+$0x0] =	vst.idx.msk $0xffff, v63;
	v48 =	vld.idx.msk [tilespmem:v56+s9+$0x0], $0xffff;
	v40 =	vmul.f32 $8.000000000e+00, v46;
	v56 =	vmul.f32 $8.000000000e+00, v58  }
.LBB2_12:
0x39e: {  	s8 =	sadd.s32 $0x1, s25;
	v57 =	vor.u32 v4, v32;
	v58 =	vor.u32 v6, v24;
	v59 =	vor.u32 v11, v21  }
0x39f: {  	p1 =	slt.u32 s25, $0x3E;
	v55 =	vld.idx.msk [tilespmem:v55+s9+$0x0], $0xffff;
	v46 =	vmovc v27;
	v27 =	vmovc v41;
	v47 =	vmov v21;
	v21 =	vmov v25;
	v25 =	vmov v38;
	s10 =	smov.u32 s25;
	s25 =	sadd.s32 $0x2, s25  }
0x3a0: {  	v41 =	vmul.f32 $8.000000000e+00, v51;
	v38 =	vadd.s32 s8, v0;
	v51 =	vadd.f32 v56, v31;
	v49 =	vld.idx.msk [tilespmem:v49+s9+$0x0], $0xffff  }
0x3a1: {  	v60 =	vor.u32 v3, v30;
	s8 =	sand.u32 $0x30, s10;
	v39 =	vmul.f32 $8.000000000e+00, v39;
	v56 =	vand.u32 $0xF, v38;
	v54 =	vld.idx.msk [tilespmem:v54+s24+$0x0], $0xffff  }
0x3a2: {  	v61 =	vor.u32 v0, v25;
	v48 =	vmul.f32 $8.000000000e+00, v48;
	v56 =	vor.u32 s8, v56;
	[tilespmem:v52+s12+$0x0] =	vst.idx.msk $0xffff, v51  }
0x3a3: {  	v40 =	vadd.f32 v40, v16;
	v16 =	vmovc v19;
	v19 =	vmovc v31;
	v38 =	vand.u32 $0x7, v38;
	v51 =	vand.u32 $0x38, v56;
	v52 =	vld.idx.msk [tilespmem:v53+s9+$0x0], $0xffff  }
0x3a4: {  	v31 =	vadd.f32 v48, v16;
	v38 =	vor.u32 v38, v51;
	v51 =	vshll.u32 v56, $0x7;
	[tilespmem:v36+s12+$0x0] =	vst.idx.msk $0xffff, v44  }
0x3a5: {  	v53 =	vmul.f32 $8.000000000e+00, v55;
	v36 =	vmovc v35;
	v44 =	vor.u32 v26, v38;
	v48 =	vor.u32 v1, v38;
	v55 =	vld.idx.msk [tilespmem:v58+s9+$0x0], $0xffff  }
0x3a6: {  	v41 =	vadd.f32 v41, v33;
	v39 =	vadd.f32 v39, v17;
	v49 =	vmul.f32 $8.000000000e+00, v49;
	[tilespmem:v59+s12+$0x0] =	vst.idx.msk $0xffff, v31  }
0x3a7: {  	v35 =	vor.u32 v5, v51;
	v53 =	vadd.f32 v53, v54;
	v45 =	vld.idx.msk [tilespmem:v45+s9+$0x0], $0xffff;
	[tilespmem:v37+s12+$0x0] =	vst.idx.msk $0xffff, v40  }
0x3a8: {  	v37 =	vor.u32 v7, v21;
	v40 =	vadd.f32 v49, v18;
	v31 =	vmov v54;
	[tilespmem:v60+s12+$0x0] =	vst.idx.msk $0xffff, v41  }
0x3a9: {  	v17 =	vmov v18;
	v49 =	vmul.f32 $8.000000000e+00, v52;
	v52 =	vor.u32 v8, v46;
	[tilespmem:v61+s12+$0x0] =	vst.idx.msk $0xffff, v53;
	v41 =	vld.idx.msk [tilespmem:v57+s9+$0x0], $0xffff  }
0x3aa: {  	v54 =	vor.u32 v8, v24;
	v53 =	vor.u32 v7, v23;
	v50 =	vld.idx.msk [tilespmem:v50+s9+$0x0], $0xffff;
	[tilespmem:v43+s12+$0x0] =	vst.idx.msk $0xffff, v40  }
0x3ab: {  	v18 =	vmov v28;
	v40 =	vadd.f32 v49, v19;
	v43 =	vmul.f32 $8.000000000e+00, v55;
	v42 =	vld.idx.msk [tilespmem:v42+s9+$0x0], $0xffff;
	[tilespmem:v34+s12+$0x0] =	vst.idx.msk $0xffff, v39  }
0x3ac: {  	v39 =	vor.u32 v13, v20;
	v34 =	vor.u32 v15, v20;
	v28 =	vld.idx.msk [tilespmem:v48+s9+$0x0], $0xffff;
	v48 =	vor.u32 v14, v22  }
0x3ad: {  	v29 =	vor.u32 v14, v29;
	v20 =	vadd.f32 v43, v18;
	v56 =	vld.idx.msk [tilespmem:v44+s24+$0x0], $0xffff;
	[tilespmem:v37+s12+$0x0] =	vst.idx.msk $0xffff, v40  }
0x3ae: {  	v49 =	vor.u32 v13, v47;
	v43 =	vor.u32 v10, v46;
	v37 =	vor.u32 v2, v38;
	v40 =	vld.idx.msk [tilespmem:v52+s9+$0x0], $0xffff  }
0x3af: {  	v55 =	vmul.f32 $8.000000000e+00, v45;
	v22 =	vmovc v24;
	v52 =	vor.u32 v3, v25;
	v41 =	vmul.f32 $8.000000000e+00, v41;
	[tilespmem:v53+s12+$0x0] =	vst.idx.msk $0xffff, v20  }
0x3b0: {  	v45 =	vor.u32 v0, v51;
	v24 =	vmovc v32;
	v50 =	vmul.f32 $8.000000000e+00, v50;
	v53 =	vor.u32 v4, v27;
	v54 =	vld.idx.msk [tilespmem:v54+s9+$0x0], $0xffff  }
0x3b1: {  	v32 =	vmovc v38;
	v44 =	vadd.f32 v41, v33;
	v41 =	vadd.f32 v55, v16;
	v42 =	vmul.f32 $8.000000000e+00, v42;
	v20 =	vmovc v23  }
0x3b2: {  	v38 =	vadd.s32 s10, v0;
	v23 =	vmovc v30;
	v30 =	vmovc v51;
	v28 =	vmul.f32 $8.000000000e+00, v28;
	v50 =	vadd.f32 v50, v31  }
0x3b3: {  	v57 =	vor.u32 v9, v21;
	v51 =	vand.u32 $0xF, v38;
	[tilespmem:v49+s12+$0x0] =	vst.idx.msk $0xffff, v41;
	v41 =	vadd.f32 v42, v17  }
0x3b4: {  	v42 =	vor.u32 s8, v51;
	v59 =	vadd.f32 v28, v56;
	v40 =	vmul.f32 $8.000000000e+00, v40;
	[tilespmem:v52+s12+$0x0] =	vst.idx.msk $0xffff, v50;
	v29 =	vld.idx.msk [tilespmem:v29+s9+$0x0], $0xffff  }
0x3b5: {  	v38 =	vand.u32 $0x7, v38;
	v58 =	vor.u32 v9, v20;
	v49 =	vand.u32 $0x38, v42;
	v53 =	vld.idx.msk [tilespmem:v53+s9+$0x0], $0xffff;
	[tilespmem:v39+s12+$0x0] =	vst.idx.msk $0xffff, v41  }
0x3b6: {  	v41 =	vor.u32 v38, v49;
	v38 =	vshll.u32 v42, $0x7;
	v39 =	vadd.f32 v40, v19;
	[tilespmem:v45+s12+$0x0] =	vst.idx.msk $0xffff, v59  }
.Ltmp7:
0x3b7: {  	v40 =	vmul.f32 $8.000000000e+00, v54;
	v28 =	vmovc v33;
	v55 =	vor.u32 v1, v41;
	v50 =	vor.u32 v2, v41;
	v51 =	vld.idx.msk [tilespmem:v37+s9+$0x0], $0xffff;
	(pc) =	sbr.rel @p1 .LBB2_12-.Ltmp7, $4  }
0x3b8: {  	v49 =	vor.u32 v10, v22;
	v37 =	vor.u32 v15, v47;
	[tilespmem:v57+s12+$0x0] =	vst.idx.msk $0xffff, v39;
	v39 =	vld.idx.msk [tilespmem:v48+s9+$0x0], $0xffff  }
0x3b9: {  	v42 =	vor.u32 v12, v22;
	v54 =	vor.u32 v26, v41;
	v47 =	vadd.f32 v40, v18;
	v48 =	vld.idx.msk [tilespmem:v43+s9+$0x0], $0xffff  }
0x3ba: {  	v52 =	vor.u32 v5, v25;
	v33 =	vmovc v56;
	v43 =	vor.u32 v11, v20;
	v40 =	vmul.f32 $8.000000000e+00, v29;
	v29 =	vmovc v46  }
0x3bb: {  	v56 =	vmul.f32 $8.000000000e+00, v53;
	v53 =	vor.u32 v6, v27;
	v45 =	vor.u32 v12, v29;
	[tilespmem:v58+s12+$0x0] =	vst.idx.msk $0xffff, v47  }
0x3bc: {  	_ =	sdelay $0x3  }
0x3bd: {  	v46 =	vld.idx.msk [tilespmem:v55+s9+$0x0], $0xffff;
	_ =	sdelay $0x1  }
0x3be: {  	v26 =	vld.idx.msk [tilespmem:v54+s24+$0x0], $0xffff;
	_ =	sdelay $0x1  }
0x3bf: {  	v47 =	vor.u32 v0, v38  }
0x3c0: {  	v46 =	vmul.f32 $8.000000000e+00, v46;
	_ =	sdelay $0x1  }
0x3c1: {  	v46 =	vadd.f32 v46, v26;
	_ =	sdelay $0x1  }
0x3c2: {  	[tilespmem:v47+s12+$0x0] =	vst.idx.msk $0xffff, v46  }
0x3c3: {  	v46 =	vld.idx.msk [tilespmem:v50+s9+$0x0], $0xffff;
	_ =	sdelay $0x3  }
0x3c4: {  	v58 =	vor.u32 v3, v38  }
0x3c5: {  	v59 =	vor.u32 v3, v30;
	v60 =	vor.u32 v4, v41;
	v46 =	vmul.f32 $8.000000000e+00, v46  }
0x3c6: {  	v61 =	vor.u32 v4, v32;
	v51 =	vmul.f32 $8.000000000e+00, v51  }
0x3c7: {  	v46 =	vadd.f32 v46, v26  }
0x3c8: {  	v51 =	vadd.f32 v51, v33  }
0x3c9: {  	[tilespmem:v58+s12+$0x0] =	vst.idx.msk $0xffff, v46  }
0x3ca: {  	[tilespmem:v59+s12+$0x0] =	vst.idx.msk $0xffff, v51;
	v46 =	vld.idx.msk [tilespmem:v60+s9+$0x0], $0xffff  }
0x3cb: {  	v62 =	vld.idx.msk [tilespmem:v61+s9+$0x0], $0xffff;
	_ =	sdelay $0x1  }
0x3cc: {  	v63 =	vadd.f32 v56, v31  }
0x3cd: {  	v57 =	vor.u32 v6, v24;
	v58 =	vor.u32 v5, v38  }
0x3ce: {  	[tilespmem:v52+s12+$0x0] =	vst.idx.msk $0xffff, v63;
	v59 =	vor.u32 v6, v41;
	v46 =	vmul.f32 $8.000000000e+00, v46  }
0x3cf: {  	v52 =	vld.idx.msk [tilespmem:v53+s9+$0x0], $0xffff;
	v47 =	vmul.f32 $8.000000000e+00, v62;
	v60 =	vor.u32 v6, v32  }
0x3d0: {  	v46 =	vadd.f32 v46, v26  }
0x3d1: {  	[tilespmem:v36+s12+$0x0] =	vst.idx.msk $0xffff, v44;
	v61 =	vadd.f32 v47, v33  }
0x3d2: {  	v44 =	vld.idx.msk [tilespmem:v57+s9+$0x0], $0xffff;
	[tilespmem:v58+s12+$0x0] =	vst.idx.msk $0xffff, v46  }
0x3d3: {  	v62 =	vor.u32 v7, v25;
	[tilespmem:v35+s12+$0x0] =	vst.idx.msk $0xffff, v61;
	v63 =	vld.idx.msk [tilespmem:v59+s9+$0x0], $0xffff  }
0x3d4: {  	v57 =	vor.u32 v8, v27;
	v56 =	vmul.f32 $8.000000000e+00, v52;
	v50 =	vld.idx.msk [tilespmem:v60+s9+$0x0], $0xffff;
	_ =	sdelay $0x1  }
0x3d5: {  	v35 =	vadd.f32 v56, v31;
	v58 =	vor.u32 v7, v23  }
0x3d6: {  	v44 =	vmul.f32 $8.000000000e+00, v44;
	v60 =	vor.u32 v7, v38;
	v59 =	vor.u32 v8, v24  }
0x3d7: {  	[tilespmem:v62+s12+$0x0] =	vst.idx.msk $0xffff, v35;
	v62 =	vor.u32 v8, v41;
	v61 =	vmul.f32 $8.000000000e+00, v63;
	v63 =	vor.u32 v7, v30  }
0x3d8: {  	v44 =	vadd.f32 v44, v28;
	v36 =	vld.idx.msk [tilespmem:v57+s9+$0x0], $0xffff;
	v57 =	vor.u32 v8, v32;
	v50 =	vmul.f32 $8.000000000e+00, v50  }
0x3d9: {  	v35 =	vadd.f32 v61, v26  }
0x3da: {  	[tilespmem:v58+s12+$0x0] =	vst.idx.msk $0xffff, v44;
	v58 =	vadd.f32 v50, v33  }
0x3db: {  	v59 =	vld.idx.msk [tilespmem:v59+s9+$0x0], $0xffff;
	[tilespmem:v60+s12+$0x0] =	vst.idx.msk $0xffff, v35  }
0x3dc: {  	v35 =	vld.idx.msk [tilespmem:v62+s9+$0x0], $0xffff;
	[tilespmem:v63+s12+$0x0] =	vst.idx.msk $0xffff, v58  }
0x3dd: {  	v60 =	vor.u32 v9, v25;
	v61 =	vld.idx.msk [tilespmem:v57+s9+$0x0], $0xffff  }
0x3de: {  	v47 =	vor.u32 v10, v27;
	v36 =	vmul.f32 $8.000000000e+00, v36  }
0x3df: {  	v49 =	vld.idx.msk [tilespmem:v49+s9+$0x0], $0xffff;
	v53 =	vor.u32 v9, v38;
	v62 =	vor.u32 v9, v23  }
0x3e0: {  	v36 =	vadd.f32 v36, v31;
	v50 =	vmul.f32 $8.000000000e+00, v59;
	v63 =	vor.u32 v10, v24  }
0x3e1: {  	v55 =	vor.u32 v9, v30;
	v57 =	vor.u32 v10, v41;
	v35 =	vmul.f32 $8.000000000e+00, v35  }
0x3e2: {  	v58 =	vadd.f32 v50, v28;
	[tilespmem:v60+s12+$0x0] =	vst.idx.msk $0xffff, v36;
	v60 =	vor.u32 v10, v32;
	v59 =	vmul.f32 $8.000000000e+00, v61  }
0x3e3: {  	v47 =	vld.idx.msk [tilespmem:v47+s9+$0x0], $0xffff;
	v35 =	vadd.f32 v35, v26  }
0x3e4: {  	v56 =	vmul.f32 $8.000000000e+00, v49;
	[tilespmem:v62+s12+$0x0] =	vst.idx.msk $0xffff, v58;
	v61 =	vor.u32 v11, v21;
	v62 =	vadd.f32 v59, v33  }
0x3e5: {  	v48 =	vmul.f32 $8.000000000e+00, v48;
	v63 =	vld.idx.msk [tilespmem:v63+s9+$0x0], $0xffff;
	[tilespmem:v53+s12+$0x0] =	vst.idx.msk $0xffff, v35  }
0x3e6: {  	v59 =	vadd.f32 v56, v18;
	v57 =	vld.idx.msk [tilespmem:v57+s9+$0x0], $0xffff;
	[tilespmem:v55+s12+$0x0] =	vst.idx.msk $0xffff, v62  }
0x3e7: {  	v58 =	vor.u32 v11, v25;
	v53 =	vadd.f32 v48, v19;
	v46 =	vld.idx.msk [tilespmem:v60+s9+$0x0], $0xffff  }
0x3e8: {  	v47 =	vmul.f32 $8.000000000e+00, v47;
	[tilespmem:v43+s12+$0x0] =	vst.idx.msk $0xffff, v59;
	v60 =	vor.u32 v12, v27  }
0x3e9: {  	v44 =	vor.u32 v11, v38;
	[tilespmem:v61+s12+$0x0] =	vst.idx.msk $0xffff, v53;
	v61 =	vor.u32 v11, v23  }
0x3ea: {  	v50 =	vor.u32 v12, v24;
	v63 =	vmul.f32 $8.000000000e+00, v63;
	v42 =	vld.idx.msk [tilespmem:v42+s9+$0x0], $0xffff;
	v62 =	vadd.f32 v47, v31  }
0x3eb: {  	v52 =	vor.u32 v12, v41;
	v45 =	vld.idx.msk [tilespmem:v45+s9+$0x0], $0xffff;
	v47 =	vor.u32 v11, v30;
	v49 =	vmul.f32 $8.000000000e+00, v57  }
0x3ec: {  	v56 =	vadd.f32 v63, v28;
	[tilespmem:v58+s12+$0x0] =	vst.idx.msk $0xffff, v62;
	v57 =	vor.u32 v12, v32;
	v58 =	vmul.f32 $8.000000000e+00, v46  }
0x3ed: {  	v59 =	vld.idx.msk [tilespmem:v60+s9+$0x0], $0xffff;
	v60 =	vadd.f32 v49, v26  }
0x3ee: {  	[tilespmem:v61+s12+$0x0] =	vst.idx.msk $0xffff, v56;
	v61 =	vadd.f32 v58, v33  }
0x3ef: {  	v29 =	vor.u32 v14, v29;
	v53 =	vor.u32 v13, v20;
	v63 =	vld.idx.msk [tilespmem:v50+s9+$0x0], $0xffff;
	[tilespmem:v44+s12+$0x0] =	vst.idx.msk $0xffff, v60  }
0x3f0: {  	v62 =	vor.u32 v13, v21;
	v42 =	vmul.f32 $8.000000000e+00, v42;
	v44 =	vld.idx.msk [tilespmem:v52+s9+$0x0], $0xffff;
	[tilespmem:v47+s12+$0x0] =	vst.idx.msk $0xffff, v61  }
0x3f1: {  	v22 =	vor.u32 v14, v22;
	v54 =	vor.u32 v13, v25;
	v45 =	vmul.f32 $8.000000000e+00, v45;
	v36 =	vld.idx.msk [tilespmem:v57+s9+$0x0], $0xffff  }
0x3f2: {  	v55 =	vor.u32 v13, v23;
	v56 =	vor.u32 v14, v24;
	v42 =	vadd.f32 v42, v18  }
0x3f3: {  	v45 =	vadd.f32 v45, v19;
	v46 =	vmul.f32 $8.000000000e+00, v59;
	v57 =	vor.u32 v14, v27  }
0x3f4: {  	v60 =	vor.u32 v13, v38;
	v61 =	vor.u32 v13, v30;
	[tilespmem:v53+s12+$0x0] =	vst.idx.msk $0xffff, v42;
	v59 =	vmul.f32 $8.000000000e+00, v63  }
0x3f5: {  	[tilespmem:v62+s12+$0x0] =	vst.idx.msk $0xffff, v45;
	v62 =	vor.u32 v14, v41;
	v58 =	vadd.f32 v46, v31;
	v44 =	vmul.f32 $8.000000000e+00, v44  }
0x3f6: {  	v45 =	vor.u32 v14, v32;
	v29 =	vld.idx.msk [tilespmem:v29+s9+$0x0], $0xffff;
	v63 =	vadd.f32 v59, v28;
	v36 =	vmul.f32 $8.000000000e+00, v36  }
0x3f7: {  	v22 =	vld.idx.msk [tilespmem:v22+s9+$0x0], $0xffff;
	[tilespmem:v54+s12+$0x0] =	vst.idx.msk $0xffff, v58;
	v50 =	vadd.f32 v44, v26  }
0x3f8: {  	v27 =	vld.idx.msk [tilespmem:v57+s9+$0x0], $0xffff;
	[tilespmem:v55+s12+$0x0] =	vst.idx.msk $0xffff, v63;
	v51 =	vadd.f32 v36, v33  }
0x3f9: {  	v24 =	vld.idx.msk [tilespmem:v56+s9+$0x0], $0xffff;
	[tilespmem:v60+s12+$0x0] =	vst.idx.msk $0xffff, v50  }
0x3fa: {  	v52 =	vmul.f32 $8.000000000e+00, v39;
	v53 =	vor.u32 v15, v21;
	v54 =	vld.idx.msk [tilespmem:v62+s9+$0x0], $0xffff;
	[tilespmem:v61+s12+$0x0] =	vst.idx.msk $0xffff, v51  }
0x3fb: {  	v16 =	vadd.f32 v40, v16;
	v55 =	vor.u32 v15, v20;
	v29 =	vmul.f32 $8.000000000e+00, v29;
	v32 =	vld.idx.msk [tilespmem:v45+s9+$0x0], $0xffff  }
0x3fc: {  	v17 =	vadd.f32 v52, v17;
	v22 =	vmul.f32 $8.000000000e+00, v22;
	v56 =	vor.u32 v15, v25  }
0x3fd: {  	[tilespmem:v37+s12+$0x0] =	vst.idx.msk $0xffff, v16;
	v57 =	vor.u32 v15, v23;
	v16 =	vadd.f32 v29, v19;
	v58 =	vmul.f32 $8.000000000e+00, v27  }
0x3fe: {  	[tilespmem:v34+s12+$0x0] =	vst.idx.msk $0xffff, v17;
	v17 =	vadd.f32 v22, v18;
	v60 =	vor.u32 v15, v38;
	v59 =	vmul.f32 $8.000000000e+00, v24  }
0x3ff: {  	v61 =	vor.u32 v15, v30;
	[tilespmem:v53+s12+$0x0] =	vst.idx.msk $0xffff, v16;
	v16 =	vadd.f32 v58, v31;
	v62 =	vmul.f32 $8.000000000e+00, v54  }
0x400: {  	[tilespmem:v55+s12+$0x0] =	vst.idx.msk $0xffff, v17;
	v17 =	vadd.f32 v59, v28;
	v63 =	vmul.f32 $8.000000000e+00, v32  }
0x401: {  	s0 =	sshll.u32 s0, $0x12;
	[tilespmem:v56+s12+$0x0] =	vst.idx.msk $0xffff, v16;
	v16 =	vadd.f32 v62, v26  }
0x402: {  	s0 =	sor.u32 s15, s0;
	[tilespmem:v57+s12+$0x0] =	vst.idx.msk $0xffff, v17;
	v17 =	vadd.f32 v63, v33  }
0x403: {  	s0 =	sshrl.u32 s0, $0x3;
	[tilespmem:v60+s12+$0x0] =	vst.idx.msk $0xffff, v16  }
0x404: {  	s8 =	sadd.s32 s2, s0;
	[tilespmem:v61+s12+$0x0] =	vst.idx.msk $0xffff, v17  }
0x405: {  	[hbm4b:s8+s3] =	stream.linear.scatter [tilespmem:s12], [sflag:$0xA], $0x400, $0x38;
	[tilespmem:$0xF400] =	vst v63  }
0x406: {  	s10 =	simm.s32 $0xA600;
	s30 =	sadd.s32 s0, s16  }
0x407: {  	[hbm4b:s30+s3] =	stream.linear.scatter [tilespmem:s10], [sflag:$0xA], $0x400, $0x38;
	[tilespmem:$0xF400] =	vst v63  }
0x408: {  	s25 =	simm.s32 $0xAA00;
	s10 =	sadd.s32 s0, s17  }
0x409: {  	[hbm4b:s10+s3] =	stream.linear.scatter [tilespmem:s25], [sflag:$0xA], $0x400, $0x38;
	[tilespmem:$0xF400] =	vst v63  }
0x40a: {  	s28 =	sadd.s32 s0, s18;
	s30 =	simm.s32 $0xAE00  }
0x40b: {  	[hbm4b:s28+s3] =	stream.linear.scatter [tilespmem:s30], [sflag:$0xA], $0x400, $0x38;
	[tilespmem:$0xF400] =	vst v63  }
0x40c: {  	s10 =	sadd.s32 s0, s19;
	s25 =	simm.s32 $0xB200  }
0x40d: {  	[hbm4b:s10+s3] =	stream.linear.scatter [tilespmem:s25], [sflag:$0xA], $0x400, $0x38;
	[tilespmem:$0xF400] =	vst v63  }
0x40e: {  	s28 =	sadd.s32 s0, s20;
	s30 =	simm.s32 $0xB600  }
0x40f: {  	[hbm4b:s28+s3] =	stream.linear.scatter [tilespmem:s30], [sflag:$0xA], $0x400, $0x38;
	[tilespmem:$0xF400] =	vst v63  }
.Ltmp8:
0x410: {  	_ = 	snop;
	(pc) =	sbr.rel @p0 .LBB2_15-.Ltmp8, $4  }
0x411: {  	s25 =	sadd.s32 s0, s21;
	s28 =	simm.s32 $0xBA00  }
0x412: {  	[hbm4b:s25+s3] =	stream.linear.scatter [tilespmem:s28], [sflag:$0xA], $0x400, $0x38;
	[tilespmem:$0xF400] =	vst v63  }
0x413: {  	s0 =	sadd.s32 s0, s22;
	s30 =	simm.s32 $0xBE00  }
0x414: {  	[hbm4b:s0+s3] =	stream.linear.scatter [tilespmem:s30], [sflag:$0xA], $0x400, $0x38;
	[tilespmem:$0xF400] =	vst v63  }
.Ltmp9:
0x415: {  	s0 =	simm.s32 $0x4;
	(pc) =	sbr.rel .LBB2_2-.Ltmp9, $4  }
0x416: {  	_ =	swait.ge [sflag:s0], $0x80  }
0x417: {  	s30 =	simm.s32 $0x80;
	[sflag:s0] =	ssyncset.done $0x0  }
0x418: {  	s8 =	simm.s32 $0x180;
	s7 =	sadd.s32 $0x1, s7;
	[sflag:s0] =	ssyncadd.s32 $0xFFFFFF80  }
0x419: {  	[tilespmem:s9], [sflag:$0x8] =	stream.indirect.gather [hbm4b:s6+s30], $0x40, s8, s30, $0xb8;
	[tilespmem:$0xF400] =	vst v63  }
.LBB2_16:
0x41a: {  	_ =	sfence.sel $0x180000  }
0x41b: {  	[bflag:$0x0] =	sbarrier.arrive $0xFFFF  }
0x41c: {  	_ =	strace $0x90000047  }
0x41d: {  	s0 =	stileid.u32;
	[bflag:$0x2] =	sbarrier.arrive $0xFFFF  }
0x41e: {  	p0 =	sne.s32 s0, $0x0;
	s0 =	rddreg [dreg:$0x2]  }
0x41f: {  	s0 =	sadd.s32 @!p0 $0x100000, s0  }
0x420: {  	[sflag:s0] =	ssyncadd.tile.s32 @!p0 $0x1;
	_ =	shalt  }
.Lfunc_end2:
_tile_overlayer_lowered:
.L_overlay_start_2:
0x421: {  	(tag) =	ssettag $0x2  }
0x422: {  	s0 =	rddreg [dreg:$0x0];
	s2 =	stileid.u32  }
0x423: {  	s1 =	rddreg [dreg:$0x1];
	p0 =	sne.s32 s2, $0x0  }
0x424: {  	s3 =	rddreg [dreg:$0x2];
	[bflag:$0x3] =	sbarrier.arrive $0xFFFF;
	s2 =	simm.s32 @!p0 $0x1C0B  }
0x425: {  	[timem:s3], [sflag:s2] =	dma.local @!p0 [hbm:s0], s1  }
0x426: {  	s0 =	simm.s32 @!p0 $0xB  }
0x427: {  	_ =	swait.ge @!p0 [sflag:s0], s1  }
0x428: {  	s1 =	ssub.s32 @!p0 $0x0, s1;
	[sflag:s0] =	ssyncset.done @!p0 $0x0  }
0x429: {  	[sflag:s0] =	ssyncadd.s32 @!p0 s1  }
0x42a: {  	[bflag:$0x3] =	sbarrier.arrive $0xFFFF  }
0x42b: {  	_ =	shalt  }

</sc_bundles>
